<compile_context>
chip_gen: v7x
topology: tpu7x:2x2x1
jax: 0.10.2.dev20260603
libtpu: 0.0.44.dev20260713+nightly
codegen_flags: <defaults>
</compile_context>

<pallas_src>
import functools

import jax
import jax.numpy as jnp
from jax import lax
from jax.experimental import pallas as pl
from jax.experimental.pallas import tpu as pltpu
from jax.experimental.pallas import tpu_sc as plsc

_NC, _NS = 2, 16
_NW = _NC * _NS
_CH = 128
_G = 256
_NT = 1000
_UT = 80
_ET = 512


def _mesh():
    return plsc.VectorSubcoreMesh(
        core_axis_name="c", subcore_axis_name="s", num_cores=_NC, num_subcores=_NS
    )


def _make_dist_kernel(n, e_pad):
    per_tile = e_pad // _NW
    n_chunks = per_tile // _CH

    @functools.partial(
        pl.kernel,
        out_type=jax.ShapeDtypeStruct((e_pad,), jnp.float32),
        mesh=_mesh(),
        scratch_types=[
            pltpu.VMEM((n,), jnp.float32),
            pltpu.VMEM((n,), jnp.float32),
            pltpu.VMEM((n,), jnp.float32),
            pltpu.VMEM((_CH,), jnp.int32),
            pltpu.VMEM((_CH,), jnp.int32),
            pltpu.VMEM((_CH,), jnp.float32),
        ],
        compiler_params=pltpu.CompilerParams(needs_layout_passes=False),
    )
    def dist_kernel(px_hbm, py_hbm, pz_hbm, row_hbm, col_hbm, sq_hbm,
                    px, py, pz, ir, ic, ob):
        cid = lax.axis_index("c")
        sid = lax.axis_index("s")
        wid = cid * _NS + sid
        pltpu.sync_copy(px_hbm, px)
        pltpu.sync_copy(py_hbm, py)
        pltpu.sync_copy(pz_hbm, pz)
        base0 = wid * per_tile

        def chunk(t, carry):
            base = base0 + t * _CH
            pltpu.sync_copy(row_hbm.at[pl.ds(base, _CH)], ir)
            pltpu.sync_copy(col_hbm.at[pl.ds(base, _CH)], ic)
            for g in range(_CH // 16):
                sl = pl.ds(g * 16, 16)
                rv = ir[sl]
                cv = ic[sl]
                dx = plsc.load_gather(px, [rv]) - plsc.load_gather(px, [cv])
                dy = plsc.load_gather(py, [rv]) - plsc.load_gather(py, [cv])
                dz = plsc.load_gather(pz, [rv]) - plsc.load_gather(pz, [cv])
                ob[sl] = dx * dx + dy * dy + dz * dz
            pltpu.sync_copy(ob, sq_hbm.at[pl.ds(base, _CH)])
            return carry

        lax.fori_loop(0, n_chunks, chunk, 0)

    return dist_kernel


def _make_edge_agg_kernel(n_pad, e_pad, h):
    per_tile = e_pad // _NW
    n_chunks = per_tile // _CH
    rows_per_sub = n_pad // _NS
    zr = 128
    assert rows_per_sub % zr == 0

    @functools.partial(
        pl.kernel,
        out_type=jax.ShapeDtypeStruct((_NC * n_pad, h), jnp.float32),
        mesh=_mesh(),
        scratch_types=[
            pltpu.VMEM((_CH,), jnp.int32),
            pltpu.VMEM((_CH,), jnp.int32),
            pltpu.VMEM((_CH, h), jnp.float32),
            pltpu.VMEM((_CH, h), jnp.float32),
            pltpu.VMEM_SHARED((n_pad, h), jnp.float32),
            pltpu.SemaphoreType.DMA,
        ],
        compiler_params=pltpu.CompilerParams(needs_layout_passes=False),
    )
    def edge_kernel(m_hbm, row_hbm, col_hbm, hc_hbm, agg_hbm,
                    ir, ic, hg, mb, aggsh, sem):
        cid = lax.axis_index("c")
        sid = lax.axis_index("s")
        wid = cid * _NS + sid

        def zrow(i, carry):
            for j in range(h // 16):
                mb[i, pl.ds(j * 16, 16)] = jnp.zeros((16,), jnp.float32)
            return carry

        lax.fori_loop(0, zr, zrow, 0)
        for k in range(rows_per_sub // zr):
            pltpu.sync_copy(mb, aggsh.at[pl.ds(sid * rows_per_sub + k * zr, zr)])
        plsc.subcore_barrier()

        base0 = wid * per_tile

        def chunk(t, carry):
            base = base0 + t * _CH
            pltpu.sync_copy(row_hbm.at[pl.ds(base, _CH)], ir)
            pltpu.sync_copy(col_hbm.at[pl.ds(base, _CH)], ic)
            pltpu.async_copy(hc_hbm.at[ir], hg, sem).wait()
            pltpu.sync_copy(m_hbm.at[pl.ds(base, _CH)], mb)

            def mulrow(i, c2):
                for j in range(h // 16):
                    sl = pl.ds(j * 16, 16)
                    mb[i, sl] = mb[i, sl] * hg[i, sl]
                return c2

            lax.fori_loop(0, _CH, mulrow, 0)
            pltpu.sync_copy(mb, aggsh.at[ic], add=True)
            return carry

        lax.fori_loop(0, n_chunks, chunk, 0)
        plsc.subcore_barrier()
        pltpu.sync_copy(
            aggsh.at[pl.ds(sid * rows_per_sub, rows_per_sub)],
            agg_hbm.at[pl.ds(cid * n_pad + sid * rows_per_sub, rows_per_sub)],
        )

    return edge_kernel


def _embed_body(x_ref, wae_ref, bae_ref, wc_ref, bc_ref, h_ref, hc_ref):
    h = jnp.dot(x_ref[...], wae_ref[...], preferred_element_type=jnp.float32)
    h = h + bae_ref[...][None, :]
    h_ref[...] = h
    hc_ref[...] = (
        jnp.dot(h, wc_ref[...], preferred_element_type=jnp.float32)
        + bc_ref[...][None, :]
    )


def _embed_call(x, wae, bae, wc0, bc0, n, f, h):
    return pl.pallas_call(
        _embed_body,
        grid=(n // _NT,),
        in_specs=[
            pl.BlockSpec((_NT, f), lambda i: (i, 0)),
            pl.BlockSpec((f, h), lambda i: (0, 0)),
            pl.BlockSpec((h,), lambda i: (0,)),
            pl.BlockSpec((h, h), lambda i: (0, 0)),
            pl.BlockSpec((h,), lambda i: (0,)),
        ],
        out_specs=[
            pl.BlockSpec((_NT, h), lambda i: (i, 0)),
            pl.BlockSpec((_NT, h), lambda i: (i, 0)),
        ],
        out_shape=[
            jax.ShapeDtypeStruct((n, h), jnp.float32),
            jax.ShapeDtypeStruct((n, h), jnp.float32),
        ],
    )(x, wae, bae, wc0, bc0)


def _msg_body(n_valid, sq_ref, wd1_ref, bd1_ref, wd2_ref, wm1_ref, bm1_ref,
              bd2_ref, wm2_ref, bm2_ref, m_ref, a_scr, c_scr):
    i = pl.program_id(0)

    @pl.when(i == 0)
    def _():
        a_scr[...] = jnp.dot(
            wd2_ref[...], wm1_ref[...], preferred_element_type=jnp.float32
        )
        c_scr[...] = (
            jnp.dot(
                bd2_ref[...][None, :], wm1_ref[...],
                preferred_element_type=jnp.float32,
            )
            + bm1_ref[...][None, :]
        )

    dist = jnp.sqrt(sq_ref[...])
    t = jax.nn.softplus(dist * wd1_ref[...] + bd1_ref[...][None, :])
    u = jax.nn.softplus(
        jnp.dot(t, a_scr[...], preferred_element_type=jnp.float32) + c_scr[...]
    )
    m = (
        jnp.dot(u, wm2_ref[...], preferred_element_type=jnp.float32)
        + bm2_ref[...][None, :]
    )
    m_ref[...] = jnp.where(i < n_valid, m, jnp.zeros_like(m))


def _msg_call(sq2, wd1, bd1, wd2, wm1_l, bm1_l, bd2, wm2_l, bm2_l, e, e_pad, h):
    n_valid = e // _ET
    assert e % _ET == 0 and e_pad % _ET == 0
    return pl.pallas_call(
        functools.partial(_msg_body, n_valid),
        grid=(e_pad // _ET,),
        in_specs=[
            pl.BlockSpec((_ET, 1), lambda i: (i, 0)),
            pl.BlockSpec((1, h), lambda i: (0, 0)),
            pl.BlockSpec((h,), lambda i: (0,)),
            pl.BlockSpec((h, h), lambda i: (0, 0)),
            pl.BlockSpec((h, h), lambda i: (0, 0)),
            pl.BlockSpec((h,), lambda i: (0,)),
            pl.BlockSpec((h,), lambda i: (0,)),
            pl.BlockSpec((h, h), lambda i: (0, 0)),
            pl.BlockSpec((h,), lambda i: (0,)),
        ],
        out_specs=pl.BlockSpec((_ET, h), lambda i: (i, 0)),
        out_shape=jax.ShapeDtypeStruct((e_pad, h), jnp.float32),
        scratch_shapes=[
            pltpu.VMEM((h, h), jnp.float32),
            pltpu.VMEM((1, h), jnp.float32),
        ],
    )(sq2, wd1, bd1, wd2, wm1_l, bm1_l, bd2, wm2_l, bm2_l)


def _upd_body(h_ref, a0_ref, a1_ref, wl_ref, bl_ref, wc_ref, bc_ref,
              hn_ref, hc_ref):
    agg = a0_ref[...] + a1_ref[...]
    hn = jax.nn.softplus(
        h_ref[...]
        + jnp.dot(agg, wl_ref[...], preferred_element_type=jnp.float32)
        + bl_ref[...][None, :]
    )
    hn_ref[...] = hn
    hc_ref[...] = (
        jnp.dot(hn, wc_ref[...], preferred_element_type=jnp.float32)
        + bc_ref[...][None, :]
    )


def _upd_call(hcur, aggp, wl_l, bl_l, wc_next, bc_next, n, n_pad, h):
    nb = n // _UT
    off = n_pad // _UT
    return pl.pallas_call(
        _upd_body,
        grid=(nb,),
        in_specs=[
            pl.BlockSpec((_UT, h), lambda i: (i, 0)),
            pl.BlockSpec((_UT, h), lambda i: (i, 0)),
            pl.BlockSpec((_UT, h), lambda i, off=off: (i + off, 0)),
            pl.BlockSpec((h, h), lambda i: (0, 0)),
            pl.BlockSpec((h,), lambda i: (0,)),
            pl.BlockSpec((h, h), lambda i: (0, 0)),
            pl.BlockSpec((h,), lambda i: (0,)),
        ],
        out_specs=[
            pl.BlockSpec((_UT, h), lambda i: (i, 0)),
            pl.BlockSpec((_UT, h), lambda i: (i, 0)),
        ],
        out_shape=[
            jax.ShapeDtypeStruct((n, h), jnp.float32),
            jax.ShapeDtypeStruct((n, h), jnp.float32),
        ],
    )(hcur, aggp, aggp, wl_l, bl_l, wc_next, bc_next)


def _upd_last_body(h_ref, a0_ref, a1_ref, wl_ref, bl_ref, hn_ref):
    agg = a0_ref[...] + a1_ref[...]
    hn_ref[...] = jax.nn.softplus(
        h_ref[...]
        + jnp.dot(agg, wl_ref[...], preferred_element_type=jnp.float32)
        + bl_ref[...][None, :]
    )


def _upd_last_call(hcur, aggp, wl_l, bl_l, n, n_pad, h):
    nb = n // _UT
    off = n_pad // _UT
    return pl.pallas_call(
        _upd_last_body,
        grid=(nb,),
        in_specs=[
            pl.BlockSpec((_UT, h), lambda i: (i, 0)),
            pl.BlockSpec((_UT, h), lambda i: (i, 0)),
            pl.BlockSpec((_UT, h), lambda i, off=off: (i + off, 0)),
            pl.BlockSpec((h, h), lambda i: (0, 0)),
            pl.BlockSpec((h,), lambda i: (0,)),
        ],
        out_specs=pl.BlockSpec((_UT, h), lambda i: (i, 0)),
        out_shape=jax.ShapeDtypeStruct((n, h), jnp.float32),
    )(hcur, aggp, aggp, wl_l, bl_l)


def _pool_body(h_ref, b_ref, wf1_ref, bf1_ref, wf2_ref, bf2_ref, out_ref, acc):
    i = pl.program_id(0)
    nb = pl.num_programs(0)
    onehot = (
        b_ref[...] == lax.broadcasted_iota(jnp.int32, (1, _G), 1)
    ).astype(jnp.float32)
    part = lax.dot_general(
        onehot, h_ref[...], (((0,), (0,)), ((), ())),
        preferred_element_type=jnp.float32,
    )
    prev = jnp.where(i == 0, jnp.zeros_like(part), acc[...])
    acc[...] = prev + part

    @pl.when(i == nb - 1)
    def _():
        hid = jax.nn.softplus(
            jnp.dot(acc[...], wf1_ref[...], preferred_element_type=jnp.float32)
            + bf1_ref[...][None, :]
        )
        out_ref[...] = (
            jnp.dot(hid, wf2_ref[...], preferred_element_type=jnp.float32)
            + bf2_ref[...][None, :]
        )


def _pool_call(hcur, batch2, wf1, bf1, wf2, bf2, n, h):
    h2 = h // 2
    return pl.pallas_call(
        _pool_body,
        grid=(n // _NT,),
        in_specs=[
            pl.BlockSpec((_NT, h), lambda i: (i, 0)),
            pl.BlockSpec((_NT, 1), lambda i: (i, 0)),
            pl.BlockSpec((h, h2), lambda i: (0, 0)),
            pl.BlockSpec((h2,), lambda i: (0,)),
            pl.BlockSpec((h2, 1), lambda i: (0, 0)),
            pl.BlockSpec((1,), lambda i: (0,)),
        ],
        out_specs=pl.BlockSpec((_G, 1), lambda i: (0, 0)),
        out_shape=jax.ShapeDtypeStruct((_G, 1), jnp.float32),
        scratch_shapes=[pltpu.VMEM((_G, h), jnp.float32)],
    )(hcur, batch2, wf1, bf1, wf2, bf2)


def kernel(x, edge_index, batch, pos, W_ae, b_ae, Wd1, bd1, Wd2, bd2,
           Wm1, bm1, Wm2, bm2, Wc, bc, Wl, bl, Wf1, bf1, Wf2, bf2):
    n, f = x.shape
    h = W_ae.shape[1]
    num_layers = Wm1.shape[0]
    e = edge_index.shape[1]

    quantum = _NW * _CH
    e_pad = ((e + quantum - 1) // quantum) * quantum
    pad = e_pad - e
    row = edge_index[0]
    col = edge_index[1]
    rowp = jnp.concatenate([row, jnp.zeros((pad,), jnp.int32)])
    colp = jnp.concatenate([col, jnp.zeros((pad,), jnp.int32)])
    px = jnp.asarray(pos[:, 0])
    py = jnp.asarray(pos[:, 1])
    pz = jnp.asarray(pos[:, 2])
    batch2 = batch[:, None]

    n_quantum = _NS * 128
    n_pad = ((n + n_quantum - 1) // n_quantum) * n_quantum

    sq = _make_dist_kernel(n, e_pad)(px, py, pz, rowp, colp)
    sq2 = sq[:, None]

    edge_agg = _make_edge_agg_kernel(n_pad, e_pad, h)

    hcur, hc = _embed_call(x, W_ae, b_ae, Wc[0], bc[0], n, f, h)
    for l in range(num_layers):
        m = _msg_call(sq2, Wd1, bd1, Wd2, Wm1[l], bm1[l], bd2, Wm2[l], bm2[l],
                      e, e_pad, h)
        aggp = edge_agg(m, rowp, colp, hc)
        if l < num_layers - 1:
            hcur, hc = _upd_call(hcur, aggp, Wl[l], bl[l], Wc[l + 1], bc[l + 1],
                                 n, n_pad, h)
        else:
            hcur = _upd_last_call(hcur, aggp, Wl[l], bl[l], n, n_pad, h)
    return _pool_call(hcur, batch2, Wf1, bf1, Wf2, bf2, n, h)

# --- scband reference (transcript-rebuilt; emitter-appended) ---
"""Pipeline reference for scband-sch-net-model-16329465660182 (READ-ONLY COPY).

The authoritative reference and input builder live on the scoring server;
editing this copy changes nothing except your own understanding.
"""

import jax, jax.numpy as jnp
import numpy as np

N = 10000
E = 320000
F = 128
H = 128
L = 4
G = 256


def setup_inputs(seed: int = 0) -> dict:
    key = jax.random.key(seed)

    def nk(i):
        return jax.random.fold_in(key, i)

    s = 0.05
    inp = {}
    inp["x"] = jax.random.normal(nk(0), (N, F), dtype=jnp.float32)
    inp["edge_index"] = jax.random.randint(nk(1), (2, E), 0, N, dtype=jnp.int32)
    inp["batch"] = jnp.sort(jax.random.randint(nk(2), (N,), 0, G, dtype=jnp.int32))
    inp["pos"] = jax.random.normal(nk(3), (N, 3), dtype=jnp.float32)
    inp["W_ae"] = jax.random.normal(nk(4), (F, H), dtype=jnp.float32) * s
    inp["b_ae"] = jnp.zeros((H,), dtype=jnp.float32)
    inp["Wd1"] = jax.random.normal(nk(5), (1, H), dtype=jnp.float32) * s
    inp["bd1"] = jnp.zeros((H,), dtype=jnp.float32)
    inp["Wd2"] = jax.random.normal(nk(6), (H, H), dtype=jnp.float32) * s
    inp["bd2"] = jnp.zeros((H,), dtype=jnp.float32)
    inp["Wm1"] = jax.random.normal(nk(7), (L, H, H), dtype=jnp.float32) * s
    inp["bm1"] = jnp.zeros((L, H), dtype=jnp.float32)
    inp["Wm2"] = jax.random.normal(nk(8), (L, H, H), dtype=jnp.float32) * s
    inp["bm2"] = jnp.zeros((L, H), dtype=jnp.float32)
    inp["Wc"] = jax.random.normal(nk(9), (L, H, H), dtype=jnp.float32) * s
    inp["bc"] = jnp.zeros((L, H), dtype=jnp.float32)
    inp["Wl"] = jax.random.normal(nk(10), (L, H, H), dtype=jnp.float32) * s
    inp["bl"] = jnp.zeros((L, H), dtype=jnp.float32)
    inp["Wf1"] = jax.random.normal(nk(11), (H, H // 2), dtype=jnp.float32) * s
    inp["bf1"] = jnp.zeros((H // 2,), dtype=jnp.float32)
    inp["Wf2"] = jax.random.normal(nk(12), (H // 2, 1), dtype=jnp.float32) * s
    inp["bf2"] = jnp.zeros((1,), dtype=jnp.float32)
    return inp


def reference(x, edge_index, batch, pos, W_ae, b_ae, Wd1, bd1, Wd2, bd2, Wm1, bm1, Wm2, bm2, Wc, bc, Wl, bl, Wf1, bf1, Wf2, bf2):
    sp = jax.nn.softplus
    # atom_embedding
    h = x @ W_ae + b_ae
    row = edge_index[0]
    col = edge_index[1]
    # distance expansion
    dist = jnp.linalg.norm(pos[row] - pos[col], axis=1, keepdims=True)
    edge_attr = sp(dist @ Wd1 + bd1) @ Wd2 + bd2
    # interaction layers
    for l in range(L):
        edge_feat = (sp(edge_attr @ Wm1[l] + bm1[l]) @ Wm2[l] + bm2[l]) * (h[row] @ Wc[l] + bc[l])
        agg = jax.ops.segment_sum(edge_feat, col, num_segments=N)
        h = sp(h + agg @ Wl[l] + bl[l])
    # global add pool
    pooled = jax.ops.segment_sum(h, batch, num_segments=G)
    # fc head (dropout is identity in eval mode)
    hid = sp(pooled @ Wf1 + bf1)
    out = hid @ Wf2 + bf2
    return out

if __name__ == "__main__":
    import jax
    _d = setup_inputs()
    print(jax.jit(kernel)(*tuple(_d.values())))

</pallas_src>

<mosaic_0001>
#map = affine_map<(d0, d1) -> (0)>
module attributes {stable_mosaic.version = 14 : i64} {
  func.func @dist_kernel(%arg0: i32, %arg1: i32, %arg2: memref<10000xf32, #tpu.memory_space<hbm>>, %arg3: memref<10000xf32, #tpu.memory_space<hbm>>, %arg4: memref<10000xf32, #tpu.memory_space<hbm>>, %arg5: memref<323584xi32, #tpu.memory_space<hbm>>, %arg6: memref<323584xi32, #tpu.memory_space<hbm>>, %arg7: memref<323584xf32, #tpu.memory_space<hbm>>, %arg8: memref<10000xf32, #tpu.memory_space<vmem>>, %arg9: memref<10000xf32, #tpu.memory_space<vmem>>, %arg10: memref<10000xf32, #tpu.memory_space<vmem>>, %arg11: memref<128xi32, #tpu.memory_space<vmem>>, %arg12: memref<128xi32, #tpu.memory_space<vmem>>, %arg13: memref<128xf32, #tpu.memory_space<vmem>>) attributes {dimension_semantics = [#tpu.dimension_semantics<core_parallel>, #tpu.dimension_semantics<subcore_parallel>], iteration_bounds = array<i64: 2, 16>, scalar_prefetch = 0 : i64, scratch_operands = 6 : i64, tpu.core_type = #tpu.core_type<sc_vector_subcore>, window_params = [{transform_indices = #map}, {transform_indices = #map}, {transform_indices = #map}, {transform_indices = #map}, {transform_indices = #map}, {transform_indices = #map}]} {
    %mul3A = arith.constant 16 : i32
    %mul3A_0 = arith.muli %arg0, %mul3A : i32
    %add3A = arith.addi %mul3A_0, %arg1 : i32
    "tpu.region"() ({
      %run_scoped3A = tpu.sem_alloc : memref<!tpu.dma_semaphore, #tpu.memory_space<semaphore_mem>>
      tpu.enqueue_dma source(%arg2 : memref<10000xf32, #tpu.memory_space<hbm>>) target(%arg8 : memref<10000xf32, #tpu.memory_space<vmem>>) target_semaphore(%run_scoped3A : memref<!tpu.dma_semaphore, #tpu.memory_space<semaphore_mem>>)
      tpu.wait_dma2 semaphore(%run_scoped3A : memref<!tpu.dma_semaphore, #tpu.memory_space<semaphore_mem>>) src(%arg2 : memref<10000xf32, #tpu.memory_space<hbm>>) dst(%arg8 : memref<10000xf32, #tpu.memory_space<vmem>>)
      tpu.yield
    }) : () -> ()
    "tpu.region"() ({
      %run_scoped3A = tpu.sem_alloc : memref<!tpu.dma_semaphore, #tpu.memory_space<semaphore_mem>>
      tpu.enqueue_dma source(%arg3 : memref<10000xf32, #tpu.memory_space<hbm>>) target(%arg9 : memref<10000xf32, #tpu.memory_space<vmem>>) target_semaphore(%run_scoped3A : memref<!tpu.dma_semaphore, #tpu.memory_space<semaphore_mem>>)
      tpu.wait_dma2 semaphore(%run_scoped3A : memref<!tpu.dma_semaphore, #tpu.memory_space<semaphore_mem>>) src(%arg3 : memref<10000xf32, #tpu.memory_space<hbm>>) dst(%arg9 : memref<10000xf32, #tpu.memory_space<vmem>>)
      tpu.yield
    }) : () -> ()
    "tpu.region"() ({
      %run_scoped3A = tpu.sem_alloc : memref<!tpu.dma_semaphore, #tpu.memory_space<semaphore_mem>>
      tpu.enqueue_dma source(%arg4 : memref<10000xf32, #tpu.memory_space<hbm>>) target(%arg10 : memref<10000xf32, #tpu.memory_space<vmem>>) target_semaphore(%run_scoped3A : memref<!tpu.dma_semaphore, #tpu.memory_space<semaphore_mem>>)
      tpu.wait_dma2 semaphore(%run_scoped3A : memref<!tpu.dma_semaphore, #tpu.memory_space<semaphore_mem>>) src(%arg4 : memref<10000xf32, #tpu.memory_space<hbm>>) dst(%arg10 : memref<10000xf32, #tpu.memory_space<vmem>>)
      tpu.yield
    }) : () -> ()
    %mul3A_1 = arith.constant 10112 : i32
    %mul3A_2 = arith.muli %add3A, %mul3A_1 : i32
    %scan3A = arith.constant 0 : i32
    %scan3A_3 = arith.constant 0 : i32
    %scan3A_4 = arith.constant 79 : i32
    %scan3A_5 = arith.addi %scan3A_3, %scan3A_4 : i32
    %scan3A_6 = arith.constant 1 : i32
    scf.for %scan3A_8 = %scan3A_3 to %scan3A_5 step %scan3A_6  : i32 {
      %mul3A_9 = arith.constant 128 : i32
      %mul3A_10 = arith.muli %scan3A_8, %mul3A_9 : i32
      %add3A_11 = arith.addi %mul3A_2, %mul3A_10 : i32
      "tpu.region"() ({
        %run_scoped3A = tpu.sem_alloc : memref<!tpu.dma_semaphore, #tpu.memory_space<semaphore_mem>>
        %dma_start3A = tpu.memref_slice %arg5[%add3A_11] : memref<323584xi32, #tpu.memory_space<hbm>> -> memref<128xi32, #tpu.memory_space<hbm>>
        %dma_start3A_168 = tpu.memref_slice %arg5[%add3A_11] : memref<323584xi32, #tpu.memory_space<hbm>> -> memref<128xi32, #tpu.memory_space<hbm>>
        tpu.enqueue_dma source(%dma_start3A_168 : memref<128xi32, #tpu.memory_space<hbm>>) target(%arg11 : memref<128xi32, #tpu.memory_space<vmem>>) target_semaphore(%run_scoped3A : memref<!tpu.dma_semaphore, #tpu.memory_space<semaphore_mem>>)
        %dma_wait3A = tpu.memref_slice %arg5[%add3A_11] : memref<323584xi32, #tpu.memory_space<hbm>> -> memref<128xi32, #tpu.memory_space<hbm>>
        %dma_wait3A_169 = tpu.memref_slice %arg5[%add3A_11] : memref<323584xi32, #tpu.memory_space<hbm>> -> memref<128xi32, #tpu.memory_space<hbm>>
        tpu.wait_dma2 semaphore(%run_scoped3A : memref<!tpu.dma_semaphore, #tpu.memory_space<semaphore_mem>>) src(%dma_wait3A_169 : memref<128xi32, #tpu.memory_space<hbm>>) dst(%arg11 : memref<128xi32, #tpu.memory_space<vmem>>)
        tpu.yield
      }) : () -> ()
      "tpu.region"() ({
        %run_scoped3A = tpu.sem_alloc : memref<!tpu.dma_semaphore, #tpu.memory_space<semaphore_mem>>
        %dma_start3A = tpu.memref_slice %arg6[%add3A_11] : memref<323584xi32, #tpu.memory_space<hbm>> -> memref<128xi32, #tpu.memory_space<hbm>>
        %dma_start3A_168 = tpu.memref_slice %arg6[%add3A_11] : memref<323584xi32, #tpu.memory_space<hbm>> -> memref<128xi32, #tpu.memory_space<hbm>>
        tpu.enqueue_dma source(%dma_start3A_168 : memref<128xi32, #tpu.memory_space<hbm>>) target(%arg12 : memref<128xi32, #tpu.memory_space<vmem>>) target_semaphore(%run_scoped3A : memref<!tpu.dma_semaphore, #tpu.memory_space<semaphore_mem>>)
        %dma_wait3A = tpu.memref_slice %arg6[%add3A_11] : memref<323584xi32, #tpu.memory_space<hbm>> -> memref<128xi32, #tpu.memory_space<hbm>>
        %dma_wait3A_169 = tpu.memref_slice %arg6[%add3A_11] : memref<323584xi32, #tpu.memory_space<hbm>> -> memref<128xi32, #tpu.memory_space<hbm>>
        tpu.wait_dma2 semaphore(%run_scoped3A : memref<!tpu.dma_semaphore, #tpu.memory_space<semaphore_mem>>) src(%dma_wait3A_169 : memref<128xi32, #tpu.memory_space<hbm>>) dst(%arg12 : memref<128xi32, #tpu.memory_space<vmem>>)
        tpu.yield
      }) : () -> ()
      %get3A = arith.constant 0 : index
      %get3A_12 = tpu.vector_load %arg11[%get3A] {strides = array<i32>} : memref<128xi32, #tpu.memory_space<vmem>>, vector<16xi32>,
      %get3A_13 = arith.constant 0 : index
      %get3A_14 = tpu.vector_load %arg12[%get3A_13] {strides = array<i32>} : memref<128xi32, #tpu.memory_space<vmem>>, vector<16xi32>,
      %gather3A = tpu.vector_load_idx %arg8[%get3A_12] : memref<10000xf32, #tpu.memory_space<vmem>>[vector<16xi32>], vector<16xf32>,
      %gather3A_15 = tpu.vector_load_idx %arg8[%get3A_14] : memref<10000xf32, #tpu.memory_space<vmem>>[vector<16xi32>], vector<16xf32>,
      %sub3A = arith.subf %gather3A, %gather3A_15 : vector<16xf32>
      %gather3A_16 = tpu.vector_load_idx %arg9[%get3A_12] : memref<10000xf32, #tpu.memory_space<vmem>>[vector<16xi32>], vector<16xf32>,
      %gather3A_17 = tpu.vector_load_idx %arg9[%get3A_14] : memref<10000xf32, #tpu.memory_space<vmem>>[vector<16xi32>], vector<16xf32>,
      %sub3A_18 = arith.subf %gather3A_16, %gather3A_17 : vector<16xf32>
      %gather3A_19 = tpu.vector_load_idx %arg10[%get3A_12] : memref<10000xf32, #tpu.memory_space<vmem>>[vector<16xi32>], vector<16xf32>,
      %gather3A_20 = tpu.vector_load_idx %arg10[%get3A_14] : memref<10000xf32, #tpu.memory_space<vmem>>[vector<16xi32>], vector<16xf32>,
      %sub3A_21 = arith.subf %gather3A_19, %gather3A_20 : vector<16xf32>
      %mul3A_22 = arith.mulf %sub3A, %sub3A : vector<16xf32>
      %mul3A_23 = arith.mulf %sub3A_18, %sub3A_18 : vector<16xf32>
      %add3A_24 = arith.addf %mul3A_22, %mul3A_23 : vector<16xf32>
      %mul3A_25 = arith.mulf %sub3A_21, %sub3A_21 : vector<16xf32>
      %add3A_26 = arith.addf %add3A_24, %mul3A_25 : vector<16xf32>
      %swap3A = arith.constant 0 : index
      %swap3A_27 = tpu.vector_load %arg13[%swap3A] {strides = array<i32>} : memref<128xf32, #tpu.memory_space<vmem>>, vector<16xf32>,
      tpu.vector_store %arg13[%swap3A], %add3A_26 {strides = array<i32>} : memref<128xf32, #tpu.memory_space<vmem>>, vector<16xf32>,
      %get3A_28 = arith.constant 16 : index
      %get3A_29 = tpu.vector_load %arg11[%get3A_28] {strides = array<i32>} : memref<128xi32, #tpu.memory_space<vmem>>, vector<16xi32>,
      %get3A_30 = arith.constant 16 : index
      %get3A_31 = tpu.vector_load %arg12[%get3A_30] {strides = array<i32>} : memref<128xi32, #tpu.memory_space<vmem>>, vector<16xi32>,
      %gather3A_32 = tpu.vector_load_idx %arg8[%get3A_29] : memref<10000xf32, #tpu.memory_space<vmem>>[vector<16xi32>], vector<16xf32>,
      %gather3A_33 = tpu.vector_load_idx %arg8[%get3A_31] : memref<10000xf32, #tpu.memory_space<vmem>>[vector<16xi32>], vector<16xf32>,
      %sub3A_34 = arith.subf %gather3A_32, %gather3A_33 : vector<16xf32>
      %gather3A_35 = tpu.vector_load_idx %arg9[%get3A_29] : memref<10000xf32, #tpu.memory_space<vmem>>[vector<16xi32>], vector<16xf32>,
      %gather3A_36 = tpu.vector_load_idx %arg9[%get3A_31] : memref<10000xf32, #tpu.memory_space<vmem>>[vector<16xi32>], vector<16xf32>,
      %sub3A_37 = arith.subf %gather3A_35, %gather3A_36 : vector<16xf32>
      %gather3A_38 = tpu.vector_load_idx %arg10[%get3A_29] : memref<10000xf32, #tpu.memory_space<vmem>>[vector<16xi32>], vector<16xf32>,
      %gather3A_39 = tpu.vector_load_idx %arg10[%get3A_31] : memref<10000xf32, #tpu.memory_space<vmem>>[vector<16xi32>], vector<16xf32>,
      %sub3A_40 = arith.subf %gather3A_38, %gather3A_39 : vector<16xf32>
      %mul3A_41 = arith.mulf %sub3A_34, %sub3A_34 : vector<16xf32>
      %mul3A_42 = arith.mulf %sub3A_37, %sub3A_37 : vector<16xf32>
      %add3A_43 = arith.addf %mul3A_41, %mul3A_42 : vector<16xf32>
      %mul3A_44 = arith.mulf %sub3A_40, %sub3A_40 : vector<16xf32>
      %add3A_45 = arith.addf %add3A_43, %mul3A_44 : vector<16xf32>
      %swap3A_46 = arith.constant 16 : index
      %swap3A_47 = tpu.vector_load %arg13[%swap3A_46] {strides = array<i32>} : memref<128xf32, #tpu.memory_space<vmem>>, vector<16xf32>,
      tpu.vector_store %arg13[%swap3A_46], %add3A_45 {strides = array<i32>} : memref<128xf32, #tpu.memory_space<vmem>>, vector<16xf32>,
      %get3A_48 = arith.constant 32 : index
      %get3A_49 = tpu.vector_load %arg11[%get3A_48] {strides = array<i32>} : memref<128xi32, #tpu.memory_space<vmem>>, vector<16xi32>,
      %get3A_50 = arith.constant 32 : index
      %get3A_51 = tpu.vector_load %arg12[%get3A_50] {strides = array<i32>} : memref<128xi32, #tpu.memory_space<vmem>>, vector<16xi32>,
      %gather3A_52 = tpu.vector_load_idx %arg8[%get3A_49] : memref<10000xf32, #tpu.memory_space<vmem>>[vector<16xi32>], vector<16xf32>,
      %gather3A_53 = tpu.vector_load_idx %arg8[%get3A_51] : memref<10000xf32, #tpu.memory_space<vmem>>[vector<16xi32>], vector<16xf32>,
      %sub3A_54 = arith.subf %gather3A_52, %gather3A_53 : vector<16xf32>
      %gather3A_55 = tpu.vector_load_idx %arg9[%get3A_49] : memref<10000xf32, #tpu.memory_space<vmem>>[vector<16xi32>], vector<16xf32>,
      %gather3A_56 = tpu.vector_load_idx %arg9[%get3A_51] : memref<10000xf32, #tpu.memory_space<vmem>>[vector<16xi32>], vector<16xf32>,
      %sub3A_57 = arith.subf %gather3A_55, %gather3A_56 : vector<16xf32>
      %gather3A_58 = tpu.vector_load_idx %arg10[%get3A_49] : memref<10000xf32, #tpu.memory_space<vmem>>[vector<16xi32>], vector<16xf32>,
      %gather3A_59 = tpu.vector_load_idx %arg10[%get3A_51] : memref<10000xf32, #tpu.memory_space<vmem>>[vector<16xi32>], vector<16xf32>,
      %sub3A_60 = arith.subf %gather3A_58, %gather3A_59 : vector<16xf32>
      %mul3A_61 = arith.mulf %sub3A_54, %sub3A_54 : vector<16xf32>
      %mul3A_62 = arith.mulf %sub3A_57, %sub3A_57 : vector<16xf32>
      %add3A_63 = arith.addf %mul3A_61, %mul3A_62 : vector<16xf32>
      %mul3A_64 = arith.mulf %sub3A_60, %sub3A_60 : vector<16xf32>
      %add3A_65 = arith.addf %add3A_63, %mul3A_64 : vector<16xf32>
      %swap3A_66 = arith.constant 32 : index
      %swap3A_67 = tpu.vector_load %arg13[%swap3A_66] {strides = array<i32>} : memref<128xf32, #tpu.memory_space<vmem>>, vector<16xf32>,
      tpu.vector_store %arg13[%swap3A_66], %add3A_65 {strides = array<i32>} : memref<128xf32, #tpu.memory_space<vmem>>, vector<16xf32>,
      %get3A_68 = arith.constant 48 : index
      %get3A_69 = tpu.vector_load %arg11[%get3A_68] {strides = array<i32>} : memref<128xi32, #tpu.memory_space<vmem>>, vector<16xi32>,
      %get3A_70 = arith.constant 48 : index
      %get3A_71 = tpu.vector_load %arg12[%get3A_70] {strides = array<i32>} : memref<128xi32, #tpu.memory_space<vmem>>, vector<16xi32>,
      %gather3A_72 = tpu.vector_load_idx %arg8[%get3A_69] : memref<10000xf32, #tpu.memory_space<vmem>>[vector<16xi32>], vector<16xf32>,
      %gather3A_73 = tpu.vector_load_idx %arg8[%get3A_71] : memref<10000xf32, #tpu.memory_space<vmem>>[vector<16xi32>], vector<16xf32>,
      %sub3A_74 = arith.subf %gather3A_72, %gather3A_73 : vector<16xf32>
      %gather3A_75 = tpu.vector_load_idx %arg9[%get3A_69] : memref<10000xf32, #tpu.memory_space<vmem>>[vector<16xi32>], vector<16xf32>,
      %gather3A_76 = tpu.vector_load_idx %arg9[%get3A_71] : memref<10000xf32, #tpu.memory_space<vmem>>[vector<16xi32>], vector<16xf32>,
      %sub3A_77 = arith.subf %gather3A_75, %gather3A_76 : vector<16xf32>
      %gather3A_78 = tpu.vector_load_idx %arg10[%get3A_69] : memref<10000xf32, #tpu.memory_space<vmem>>[vector<16xi32>], vector<16xf32>,
      %gather3A_79 = tpu.vector_load_idx %arg10[%get3A_71] : memref<10000xf32, #tpu.memory_space<vmem>>[vector<16xi32>], vector<16xf32>,
      %sub3A_80 = arith.subf %gather3A_78, %gather3A_79 : vector<16xf32>
      %mul3A_81 = arith.mulf %sub3A_74, %sub3A_74 : vector<16xf32>
      %mul3A_82 = arith.mulf %sub3A_77, %sub3A_77 : vector<16xf32>
      %add3A_83 = arith.addf %mul3A_81, %mul3A_82 : vector<16xf32>
      %mul3A_84 = arith.mulf %sub3A_80, %sub3A_80 : vector<16xf32>
      %add3A_85 = arith.addf %add3A_83, %mul3A_84 : vector<16xf32>
      %swap3A_86 = arith.constant 48 : index
      %swap3A_87 = tpu.vector_load %arg13[%swap3A_86] {strides = array<i32>} : memref<128xf32, #tpu.memory_space<vmem>>, vector<16xf32>,
      tpu.vector_store %arg13[%swap3A_86], %add3A_85 {strides = array<i32>} : memref<128xf32, #tpu.memory_space<vmem>>, vector<16xf32>,
      %get3A_88 = arith.constant 64 : index
      %get3A_89 = tpu.vector_load %arg11[%get3A_88] {strides = array<i32>} : memref<128xi32, #tpu.memory_space<vmem>>, vector<16xi32>,
      %get3A_90 = arith.constant 64 : index
      %get3A_91 = tpu.vector_load %arg12[%get3A_90] {strides = array<i32>} : memref<128xi32, #tpu.memory_space<vmem>>, vector<16xi32>,
      %gather3A_92 = tpu.vector_load_idx %arg8[%get3A_89] : memref<10000xf32, #tpu.memory_space<vmem>>[vector<16xi32>], vector<16xf32>,
      %gather3A_93 = tpu.vector_load_idx %arg8[%get3A_91] : memref<10000xf32, #tpu.memory_space<vmem>>[vector<16xi32>], vector<16xf32>,
      %sub3A_94 = arith.subf %gather3A_92, %gather3A_93 : vector<16xf32>
      %gather3A_95 = tpu.vector_load_idx %arg9[%get3A_89] : memref<10000xf32, #tpu.memory_space<vmem>>[vector<16xi32>], vector<16xf32>,
      %gather3A_96 = tpu.vector_load_idx %arg9[%get3A_91] : memref<10000xf32, #tpu.memory_space<vmem>>[vector<16xi32>], vector<16xf32>,
      %sub3A_97 = arith.subf %gather3A_95, %gather3A_96 : vector<16xf32>
      %gather3A_98 = tpu.vector_load_idx %arg10[%get3A_89] : memref<10000xf32, #tpu.memory_space<vmem>>[vector<16xi32>], vector<16xf32>,
      %gather3A_99 = tpu.vector_load_idx %arg10[%get3A_91] : memref<10000xf32, #tpu.memory_space<vmem>>[vector<16xi32>], vector<16xf32>,
      %sub3A_100 = arith.subf %gather3A_98, %gather3A_99 : vector<16xf32>
      %mul3A_101 = arith.mulf %sub3A_94, %sub3A_94 : vector<16xf32>
      %mul3A_102 = arith.mulf %sub3A_97, %sub3A_97 : vector<16xf32>
      %add3A_103 = arith.addf %mul3A_101, %mul3A_102 : vector<16xf32>
      %mul3A_104 = arith.mulf %sub3A_100, %sub3A_100 : vector<16xf32>
      %add3A_105 = arith.addf %add3A_103, %mul3A_104 : vector<16xf32>
      %swap3A_106 = arith.constant 64 : index
      %swap3A_107 = tpu.vector_load %arg13[%swap3A_106] {strides = array<i32>} : memref<128xf32, #tpu.memory_space<vmem>>, vector<16xf32>,
      tpu.vector_store %arg13[%swap3A_106], %add3A_105 {strides = array<i32>} : memref<128xf32, #tpu.memory_space<vmem>>, vector<16xf32>,
      %get3A_108 = arith.constant 80 : index
      %get3A_109 = tpu.vector_load %arg11[%get3A_108] {strides = array<i32>} : memref<128xi32, #tpu.memory_space<vmem>>, vector<16xi32>,
      %get3A_110 = arith.constant 80 : index
      %get3A_111 = tpu.vector_load %arg12[%get3A_110] {strides = array<i32>} : memref<128xi32, #tpu.memory_space<vmem>>, vector<16xi32>,
      %gather3A_112 = tpu.vector_load_idx %arg8[%get3A_109] : memref<10000xf32, #tpu.memory_space<vmem>>[vector<16xi32>], vector<16xf32>,
      %gather3A_113 = tpu.vector_load_idx %arg8[%get3A_111] : memref<10000xf32, #tpu.memory_space<vmem>>[vector<16xi32>], vector<16xf32>,
      %sub3A_114 = arith.subf %gather3A_112, %gather3A_113 : vector<16xf32>
      %gather3A_115 = tpu.vector_load_idx %arg9[%get3A_109] : memref<10000xf32, #tpu.memory_space<vmem>>[vector<16xi32>], vector<16xf32>,
      %gather3A_116 = tpu.vector_load_idx %arg9[%get3A_111] : memref<10000xf32, #tpu.memory_space<vmem>>[vector<16xi32>], vector<16xf32>,
      %sub3A_117 = arith.subf %gather3A_115, %gather3A_116 : vector<16xf32>
      %gather3A_118 = tpu.vector_load_idx %arg10[%get3A_109] : memref<10000xf32, #tpu.memory_space<vmem>>[vector<16xi32>], vector<16xf32>,
      %gather3A_119 = tpu.vector_load_idx %arg10[%get3A_111] : memref<10000xf32, #tpu.memory_space<vmem>>[vector<16xi32>], vector<16xf32>,
      %sub3A_120 = arith.subf %gather3A_118, %gather3A_119 : vector<16xf32>
      %mul3A_121 = arith.mulf %sub3A_114, %sub3A_114 : vector<16xf32>
      %mul3A_122 = arith.mulf %sub3A_117, %sub3A_117 : vector<16xf32>
      %add3A_123 = arith.addf %mul3A_121, %mul3A_122 : vector<16xf32>
      %mul3A_124 = arith.mulf %sub3A_120, %sub3A_120 : vector<16xf32>
      %add3A_125 = arith.addf %add3A_123, %mul3A_124 : vector<16xf32>
      %swap3A_126 = arith.constant 80 : index
      %swap3A_127 = tpu.vector_load %arg13[%swap3A_126] {strides = array<i32>} : memref<128xf32, #tpu.memory_space<vmem>>, vector<16xf32>,
      tpu.vector_store %arg13[%swap3A_126], %add3A_125 {strides = array<i32>} : memref<128xf32, #tpu.memory_space<vmem>>, vector<16xf32>,
      %get3A_128 = arith.constant 96 : index
      %get3A_129 = tpu.vector_load %arg11[%get3A_128] {strides = array<i32>} : memref<128xi32, #tpu.memory_space<vmem>>, vector<16xi32>,
      %get3A_130 = arith.constant 96 : index
      %get3A_131 = tpu.vector_load %arg12[%get3A_130] {strides = array<i32>} : memref<128xi32, #tpu.memory_space<vmem>>, vector<16xi32>,
      %gather3A_132 = tpu.vector_load_idx %arg8[%get3A_129] : memref<10000xf32, #tpu.memory_space<vmem>>[vector<16xi32>], vector<16xf32>,
      %gather3A_133 = tpu.vector_load_idx %arg8[%get3A_131] : memref<10000xf32, #tpu.memory_space<vmem>>[vector<16xi32>], vector<16xf32>,
      %sub3A_134 = arith.subf %gather3A_132, %gather3A_133 : vector<16xf32>
      %gather3A_135 = tpu.vector_load_idx %arg9[%get3A_129] : memref<10000xf32, #tpu.memory_space<vmem>>[vector<16xi32>], vector<16xf32>,
      %gather3A_136 = tpu.vector_load_idx %arg9[%get3A_131] : memref<10000xf32, #tpu.memory_space<vmem>>[vector<16xi32>], vector<16xf32>,
      %sub3A_137 = arith.subf %gather3A_135, %gather3A_136 : vector<16xf32>
      %gather3A_138 = tpu.vector_load_idx %arg10[%get3A_129] : memref<10000xf32, #tpu.memory_space<vmem>>[vector<16xi32>], vector<16xf32>,
      %gather3A_139 = tpu.vector_load_idx %arg10[%get3A_131] : memref<10000xf32, #tpu.memory_space<vmem>>[vector<16xi32>], vector<16xf32>,
      %sub3A_140 = arith.subf %gather3A_138, %gather3A_139 : vector<16xf32>
      %mul3A_141 = arith.mulf %sub3A_134, %sub3A_134 : vector<16xf32>
      %mul3A_142 = arith.mulf %sub3A_137, %sub3A_137 : vector<16xf32>
      %add3A_143 = arith.addf %mul3A_141, %mul3A_142 : vector<16xf32>
      %mul3A_144 = arith.mulf %sub3A_140, %sub3A_140 : vector<16xf32>
      %add3A_145 = arith.addf %add3A_143, %mul3A_144 : vector<16xf32>
      %swap3A_146 = arith.constant 96 : index
      %swap3A_147 = tpu.vector_load %arg13[%swap3A_146] {strides = array<i32>} : memref<128xf32, #tpu.memory_space<vmem>>, vector<16xf32>,
      tpu.vector_store %arg13[%swap3A_146], %add3A_145 {strides = array<i32>} : memref<128xf32, #tpu.memory_space<vmem>>, vector<16xf32>,
      %get3A_148 = arith.constant 112 : index
      %get3A_149 = tpu.vector_load %arg11[%get3A_148] {strides = array<i32>} : memref<128xi32, #tpu.memory_space<vmem>>, vector<16xi32>,
      %get3A_150 = arith.constant 112 : index
      %get3A_151 = tpu.vector_load %arg12[%get3A_150] {strides = array<i32>} : memref<128xi32, #tpu.memory_space<vmem>>, vector<16xi32>,
      %gather3A_152 = tpu.vector_load_idx %arg8[%get3A_149] : memref<10000xf32, #tpu.memory_space<vmem>>[vector<16xi32>], vector<16xf32>,
      %gather3A_153 = tpu.vector_load_idx %arg8[%get3A_151] : memref<10000xf32, #tpu.memory_space<vmem>>[vector<16xi32>], vector<16xf32>,
      %sub3A_154 = arith.subf %gather3A_152, %gather3A_153 : vector<16xf32>
      %gather3A_155 = tpu.vector_load_idx %arg9[%get3A_149] : memref<10000xf32, #tpu.memory_space<vmem>>[vector<16xi32>], vector<16xf32>,
      %gather3A_156 = tpu.vector_load_idx %arg9[%get3A_151] : memref<10000xf32, #tpu.memory_space<vmem>>[vector<16xi32>], vector<16xf32>,
      %sub3A_157 = arith.subf %gather3A_155, %gather3A_156 : vector<16xf32>
      %gather3A_158 = tpu.vector_load_idx %arg10[%get3A_149] : memref<10000xf32, #tpu.memory_space<vmem>>[vector<16xi32>], vector<16xf32>,
      %gather3A_159 = tpu.vector_load_idx %arg10[%get3A_151] : memref<10000xf32, #tpu.memory_space<vmem>>[vector<16xi32>], vector<16xf32>,
      %sub3A_160 = arith.subf %gather3A_158, %gather3A_159 : vector<16xf32>
      %mul3A_161 = arith.mulf %sub3A_154, %sub3A_154 : vector<16xf32>
      %mul3A_162 = arith.mulf %sub3A_157, %sub3A_157 : vector<16xf32>
      %add3A_163 = arith.addf %mul3A_161, %mul3A_162 : vector<16xf32>
      %mul3A_164 = arith.mulf %sub3A_160, %sub3A_160 : vector<16xf32>
      %add3A_165 = arith.addf %add3A_163, %mul3A_164 : vector<16xf32>
      %swap3A_166 = arith.constant 112 : index
      %swap3A_167 = tpu.vector_load %arg13[%swap3A_166] {strides = array<i32>} : memref<128xf32, #tpu.memory_space<vmem>>, vector<16xf32>,
      tpu.vector_store %arg13[%swap3A_166], %add3A_165 {strides = array<i32>} : memref<128xf32, #tpu.memory_space<vmem>>, vector<16xf32>,
      "tpu.region"() ({
        %run_scoped3A = tpu.sem_alloc : memref<!tpu.dma_semaphore, #tpu.memory_space<semaphore_mem>>
        %dma_start3A = tpu.memref_slice %arg7[%add3A_11] : memref<323584xf32, #tpu.memory_space<hbm>> -> memref<128xf32, #tpu.memory_space<hbm>>
        %dma_start3A_168 = tpu.memref_slice %arg7[%add3A_11] : memref<323584xf32, #tpu.memory_space<hbm>> -> memref<128xf32, #tpu.memory_space<hbm>>
        tpu.enqueue_dma source(%arg13 : memref<128xf32, #tpu.memory_space<vmem>>) target(%dma_start3A_168 : memref<128xf32, #tpu.memory_space<hbm>>) target_semaphore(%run_scoped3A : memref<!tpu.dma_semaphore, #tpu.memory_space<semaphore_mem>>)
        %dma_wait3A = tpu.memref_slice %arg7[%add3A_11] : memref<323584xf32, #tpu.memory_space<hbm>> -> memref<128xf32, #tpu.memory_space<hbm>>
        %dma_wait3A_169 = tpu.memref_slice %arg7[%add3A_11] : memref<323584xf32, #tpu.memory_space<hbm>> -> memref<128xf32, #tpu.memory_space<hbm>>
        tpu.wait_dma2 semaphore(%run_scoped3A : memref<!tpu.dma_semaphore, #tpu.memory_space<semaphore_mem>>) src(%arg13 : memref<128xf32, #tpu.memory_space<vmem>>) dst(%dma_wait3A_169 : memref<128xf32, #tpu.memory_space<hbm>>)
        tpu.yield
      }) : () -> ()
    }
    %scan3A_7 = arith.constant 79 : i32
    return
  }
}

#map = affine_map<(d0, d1) -> (0, 0)>
#map1 = affine_map<(d0, d1) -> (0)>
module attributes {stable_mosaic.version = 14 : i64} {
  func.func @edge_kernel(%arg0: i32, %arg1: i32, %arg2: memref<323584x128xf32, #tpu.memory_space<hbm>>, %arg3: memref<323584xi32, #tpu.memory_space<hbm>>, %arg4: memref<323584xi32, #tpu.memory_space<hbm>>, %arg5: memref<10000x128xf32, #tpu.memory_space<hbm>>, %arg6: memref<20480x128xf32, #tpu.memory_space<hbm>>, %arg7: memref<128xi32, #tpu.memory_space<vmem>>, %arg8: memref<128xi32, #tpu.memory_space<vmem>>, %arg9: memref<128x128xf32, #tpu.memory_space<vmem>>, %arg10: memref<128x128xf32, #tpu.memory_space<vmem>>, %arg11: memref<10240x128xf32, #tpu.memory_space<vmem_shared>>, %arg12: memref<!tpu.dma_semaphore, #tpu.memory_space<semaphore_mem>>) attributes {dimension_semantics = [#tpu.dimension_semantics<core_parallel>, #tpu.dimension_semantics<subcore_parallel>], iteration_bounds = array<i64: 2, 16>, scalar_prefetch = 0 : i64, scratch_operands = 6 : i64, tpu.core_type = #tpu.core_type<sc_vector_subcore>, window_params = [{transform_indices = #map}, {transform_indices = #map1}, {transform_indices = #map1}, {transform_indices = #map}, {transform_indices = #map}]} {
    %mul3A = arith.constant 16 : i32
    %mul3A_0 = arith.muli %arg0, %mul3A : i32
    %add3A = arith.addi %mul3A_0, %arg1 : i32
    %scan3A = arith.constant 0 : i32
    %scan3A_1 = arith.constant 0 : i32
    %scan3A_2 = arith.constant 128 : i32
    %scan3A_3 = arith.addi %scan3A_1, %scan3A_2 : i32
    %scan3A_4 = arith.constant 1 : i32
    scf.for %scan3A_42 = %scan3A_1 to %scan3A_3 step %scan3A_4  : i32 {
      %broadcast_in_dim3A = arith.constant 0.000000e+00 : f32
      %broadcast_in_dim3A_43 = vector.broadcast %broadcast_in_dim3A : f32 to vector<16xf32>
      %swap3A = arith.index_cast %scan3A_42 : i32 to index
      %swap3A_44 = arith.constant 0 : index
      %swap3A_45 = tpu.vector_load %arg10[%swap3A, %swap3A_44] {strides = array<i32>} : memref<128x128xf32, #tpu.memory_space<vmem>>, vector<16xf32>,
      tpu.vector_store %arg10[%swap3A, %swap3A_44], %broadcast_in_dim3A_43 {strides = array<i32>} : memref<128x128xf32, #tpu.memory_space<vmem>>, vector<16xf32>,
      %broadcast_in_dim3A_46 = arith.constant 0.000000e+00 : f32
      %broadcast_in_dim3A_47 = vector.broadcast %broadcast_in_dim3A_46 : f32 to vector<16xf32>
      %swap3A_48 = arith.index_cast %scan3A_42 : i32 to index
      %swap3A_49 = arith.constant 16 : index
      %swap3A_50 = tpu.vector_load %arg10[%swap3A_48, %swap3A_49] {strides = array<i32>} : memref<128x128xf32, #tpu.memory_space<vmem>>, vector<16xf32>,
      tpu.vector_store %arg10[%swap3A_48, %swap3A_49], %broadcast_in_dim3A_47 {strides = array<i32>} : memref<128x128xf32, #tpu.memory_space<vmem>>, vector<16xf32>,
      %broadcast_in_dim3A_51 = arith.constant 0.000000e+00 : f32
      %broadcast_in_dim3A_52 = vector.broadcast %broadcast_in_dim3A_51 : f32 to vector<16xf32>
      %swap3A_53 = arith.index_cast %scan3A_42 : i32 to index
      %swap3A_54 = arith.constant 32 : index
      %swap3A_55 = tpu.vector_load %arg10[%swap3A_53, %swap3A_54] {strides = array<i32>} : memref<128x128xf32, #tpu.memory_space<vmem>>, vector<16xf32>,
      tpu.vector_store %arg10[%swap3A_53, %swap3A_54], %broadcast_in_dim3A_52 {strides = array<i32>} : memref<128x128xf32, #tpu.memory_space<vmem>>, vector<16xf32>,
      %broadcast_in_dim3A_56 = arith.constant 0.000000e+00 : f32
      %broadcast_in_dim3A_57 = vector.broadcast %broadcast_in_dim3A_56 : f32 to vector<16xf32>
      %swap3A_58 = arith.index_cast %scan3A_42 : i32 to index
      %swap3A_59 = arith.constant 48 : index
      %swap3A_60 = tpu.vector_load %arg10[%swap3A_58, %swap3A_59] {strides = array<i32>} : memref<128x128xf32, #tpu.memory_space<vmem>>, vector<16xf32>,
      tpu.vector_store %arg10[%swap3A_58, %swap3A_59], %broadcast_in_dim3A_57 {strides = array<i32>} : memref<128x128xf32, #tpu.memory_space<vmem>>, vector<16xf32>,
      %broadcast_in_dim3A_61 = arith.constant 0.000000e+00 : f32
      %broadcast_in_dim3A_62 = vector.broadcast %broadcast_in_dim3A_61 : f32 to vector<16xf32>
      %swap3A_63 = arith.index_cast %scan3A_42 : i32 to index
      %swap3A_64 = arith.constant 64 : index
      %swap3A_65 = tpu.vector_load %arg10[%swap3A_63, %swap3A_64] {strides = array<i32>} : memref<128x128xf32, #tpu.memory_space<vmem>>, vector<16xf32>,
      tpu.vector_store %arg10[%swap3A_63, %swap3A_64], %broadcast_in_dim3A_62 {strides = array<i32>} : memref<128x128xf32, #tpu.memory_space<vmem>>, vector<16xf32>,
      %broadcast_in_dim3A_66 = arith.constant 0.000000e+00 : f32
      %broadcast_in_dim3A_67 = vector.broadcast %broadcast_in_dim3A_66 : f32 to vector<16xf32>
      %swap3A_68 = arith.index_cast %scan3A_42 : i32 to index
      %swap3A_69 = arith.constant 80 : index
      %swap3A_70 = tpu.vector_load %arg10[%swap3A_68, %swap3A_69] {strides = array<i32>} : memref<128x128xf32, #tpu.memory_space<vmem>>, vector<16xf32>,
      tpu.vector_store %arg10[%swap3A_68, %swap3A_69], %broadcast_in_dim3A_67 {strides = array<i32>} : memref<128x128xf32, #tpu.memory_space<vmem>>, vector<16xf32>,
      %broadcast_in_dim3A_71 = arith.constant 0.000000e+00 : f32
      %broadcast_in_dim3A_72 = vector.broadcast %broadcast_in_dim3A_71 : f32 to vector<16xf32>
      %swap3A_73 = arith.index_cast %scan3A_42 : i32 to index
      %swap3A_74 = arith.constant 96 : index
      %swap3A_75 = tpu.vector_load %arg10[%swap3A_73, %swap3A_74] {strides = array<i32>} : memref<128x128xf32, #tpu.memory_space<vmem>>, vector<16xf32>,
      tpu.vector_store %arg10[%swap3A_73, %swap3A_74], %broadcast_in_dim3A_72 {strides = array<i32>} : memref<128x128xf32, #tpu.memory_space<vmem>>, vector<16xf32>,
      %broadcast_in_dim3A_76 = arith.constant 0.000000e+00 : f32
      %broadcast_in_dim3A_77 = vector.broadcast %broadcast_in_dim3A_76 : f32 to vector<16xf32>
      %swap3A_78 = arith.index_cast %scan3A_42 : i32 to index
      %swap3A_79 = arith.constant 112 : index
      %swap3A_80 = tpu.vector_load %arg10[%swap3A_78, %swap3A_79] {strides = array<i32>} : memref<128x128xf32, #tpu.memory_space<vmem>>, vector<16xf32>,
      tpu.vector_store %arg10[%swap3A_78, %swap3A_79], %broadcast_in_dim3A_77 {strides = array<i32>} : memref<128x128xf32, #tpu.memory_space<vmem>>, vector<16xf32>,
    }
    %scan3A_5 = arith.constant 128 : i32
    %mul3A_6 = arith.constant 640 : i32
    %mul3A_7 = arith.muli %arg1, %mul3A_6 : i32
    %add3A_8 = arith.constant 0 : i32
    %add3A_9 = arith.addi %mul3A_7, %add3A_8 : i32
    "tpu.region"() ({
      %run_scoped3A = tpu.sem_alloc : memref<!tpu.dma_semaphore, #tpu.memory_space<semaphore_mem>>
      %dma_start3A = arith.constant 0 : i32
      %dma_start3A_42 = tpu.memref_slice %arg11[%add3A_9, %dma_start3A] : memref<10240x128xf32, #tpu.memory_space<vmem_shared>> -> memref<128x128xf32, #tpu.memory_space<vmem_shared>>
      %dma_start3A_43 = arith.constant 0 : i32
      %dma_start3A_44 = tpu.memref_slice %arg11[%add3A_9, %dma_start3A_43] : memref<10240x128xf32, #tpu.memory_space<vmem_shared>> -> memref<128x128xf32, #tpu.memory_space<vmem_shared>>
      tpu.enqueue_dma source(%arg10 : memref<128x128xf32, #tpu.memory_space<vmem>>) target(%dma_start3A_44 : memref<128x128xf32, #tpu.memory_space<vmem_shared>>) target_semaphore(%run_scoped3A : memref<!tpu.dma_semaphore, #tpu.memory_space<semaphore_mem>>)
      %dma_wait3A = arith.constant 0 : i32
      %dma_wait3A_45 = tpu.memref_slice %arg11[%add3A_9, %dma_wait3A] : memref<10240x128xf32, #tpu.memory_space<vmem_shared>> -> memref<128x128xf32, #tpu.memory_space<vmem_shared>>
      %dma_wait3A_46 = arith.constant 0 : i32
      %dma_wait3A_47 = tpu.memref_slice %arg11[%add3A_9, %dma_wait3A_46] : memref<10240x128xf32, #tpu.memory_space<vmem_shared>> -> memref<128x128xf32, #tpu.memory_space<vmem_shared>>
      tpu.wait_dma2 semaphore(%run_scoped3A : memref<!tpu.dma_semaphore, #tpu.memory_space<semaphore_mem>>) src(%arg10 : memref<128x128xf32, #tpu.memory_space<vmem>>) dst(%dma_wait3A_47 : memref<128x128xf32, #tpu.memory_space<vmem_shared>>)
      tpu.yield
    }) : () -> ()
    %mul3A_10 = arith.constant 640 : i32
    %mul3A_11 = arith.muli %arg1, %mul3A_10 : i32
    %add3A_12 = arith.constant 128 : i32
    %add3A_13 = arith.addi %mul3A_11, %add3A_12 : i32
    "tpu.region"() ({
      %run_scoped3A = tpu.sem_alloc : memref<!tpu.dma_semaphore, #tpu.memory_space<semaphore_mem>>
      %dma_start3A = arith.constant 0 : i32
      %dma_start3A_42 = tpu.memref_slice %arg11[%add3A_13, %dma_start3A] : memref<10240x128xf32, #tpu.memory_space<vmem_shared>> -> memref<128x128xf32, #tpu.memory_space<vmem_shared>>
      %dma_start3A_43 = arith.constant 0 : i32
      %dma_start3A_44 = tpu.memref_slice %arg11[%add3A_13, %dma_start3A_43] : memref<10240x128xf32, #tpu.memory_space<vmem_shared>> -> memref<128x128xf32, #tpu.memory_space<vmem_shared>>
      tpu.enqueue_dma source(%arg10 : memref<128x128xf32, #tpu.memory_space<vmem>>) target(%dma_start3A_44 : memref<128x128xf32, #tpu.memory_space<vmem_shared>>) target_semaphore(%run_scoped3A : memref<!tpu.dma_semaphore, #tpu.memory_space<semaphore_mem>>)
      %dma_wait3A = arith.constant 0 : i32
      %dma_wait3A_45 = tpu.memref_slice %arg11[%add3A_13, %dma_wait3A] : memref<10240x128xf32, #tpu.memory_space<vmem_shared>> -> memref<128x128xf32, #tpu.memory_space<vmem_shared>>
      %dma_wait3A_46 = arith.constant 0 : i32
      %dma_wait3A_47 = tpu.memref_slice %arg11[%add3A_13, %dma_wait3A_46] : memref<10240x128xf32, #tpu.memory_space<vmem_shared>> -> memref<128x128xf32, #tpu.memory_space<vmem_shared>>
      tpu.wait_dma2 semaphore(%run_scoped3A : memref<!tpu.dma_semaphore, #tpu.memory_space<semaphore_mem>>) src(%arg10 : memref<128x128xf32, #tpu.memory_space<vmem>>) dst(%dma_wait3A_47 : memref<128x128xf32, #tpu.memory_space<vmem_shared>>)
      tpu.yield
    }) : () -> ()
    %mul3A_14 = arith.constant 640 : i32
    %mul3A_15 = arith.muli %arg1, %mul3A_14 : i32
    %add3A_16 = arith.constant 256 : i32
    %add3A_17 = arith.addi %mul3A_15, %add3A_16 : i32
    "tpu.region"() ({
      %run_scoped3A = tpu.sem_alloc : memref<!tpu.dma_semaphore, #tpu.memory_space<semaphore_mem>>
      %dma_start3A = arith.constant 0 : i32
      %dma_start3A_42 = tpu.memref_slice %arg11[%add3A_17, %dma_start3A] : memref<10240x128xf32, #tpu.memory_space<vmem_shared>> -> memref<128x128xf32, #tpu.memory_space<vmem_shared>>
      %dma_start3A_43 = arith.constant 0 : i32
      %dma_start3A_44 = tpu.memref_slice %arg11[%add3A_17, %dma_start3A_43] : memref<10240x128xf32, #tpu.memory_space<vmem_shared>> -> memref<128x128xf32, #tpu.memory_space<vmem_shared>>
      tpu.enqueue_dma source(%arg10 : memref<128x128xf32, #tpu.memory_space<vmem>>) target(%dma_start3A_44 : memref<128x128xf32, #tpu.memory_space<vmem_shared>>) target_semaphore(%run_scoped3A : memref<!tpu.dma_semaphore, #tpu.memory_space<semaphore_mem>>)
      %dma_wait3A = arith.constant 0 : i32
      %dma_wait3A_45 = tpu.memref_slice %arg11[%add3A_17, %dma_wait3A] : memref<10240x128xf32, #tpu.memory_space<vmem_shared>> -> memref<128x128xf32, #tpu.memory_space<vmem_shared>>
      %dma_wait3A_46 = arith.constant 0 : i32
      %dma_wait3A_47 = tpu.memref_slice %arg11[%add3A_17, %dma_wait3A_46] : memref<10240x128xf32, #tpu.memory_space<vmem_shared>> -> memref<128x128xf32, #tpu.memory_space<vmem_shared>>
      tpu.wait_dma2 semaphore(%run_scoped3A : memref<!tpu.dma_semaphore, #tpu.memory_space<semaphore_mem>>) src(%arg10 : memref<128x128xf32, #tpu.memory_space<vmem>>) dst(%dma_wait3A_47 : memref<128x128xf32, #tpu.memory_space<vmem_shared>>)
      tpu.yield
    }) : () -> ()
    %mul3A_18 = arith.constant 640 : i32
    %mul3A_19 = arith.muli %arg1, %mul3A_18 : i32
    %add3A_20 = arith.constant 384 : i32
    %add3A_21 = arith.addi %mul3A_19, %add3A_20 : i32
    "tpu.region"() ({
      %run_scoped3A = tpu.sem_alloc : memref<!tpu.dma_semaphore, #tpu.memory_space<semaphore_mem>>
      %dma_start3A = arith.constant 0 : i32
      %dma_start3A_42 = tpu.memref_slice %arg11[%add3A_21, %dma_start3A] : memref<10240x128xf32, #tpu.memory_space<vmem_shared>> -> memref<128x128xf32, #tpu.memory_space<vmem_shared>>
      %dma_start3A_43 = arith.constant 0 : i32
      %dma_start3A_44 = tpu.memref_slice %arg11[%add3A_21, %dma_start3A_43] : memref<10240x128xf32, #tpu.memory_space<vmem_shared>> -> memref<128x128xf32, #tpu.memory_space<vmem_shared>>
      tpu.enqueue_dma source(%arg10 : memref<128x128xf32, #tpu.memory_space<vmem>>) target(%dma_start3A_44 : memref<128x128xf32, #tpu.memory_space<vmem_shared>>) target_semaphore(%run_scoped3A : memref<!tpu.dma_semaphore, #tpu.memory_space<semaphore_mem>>)
      %dma_wait3A = arith.constant 0 : i32
      %dma_wait3A_45 = tpu.memref_slice %arg11[%add3A_21, %dma_wait3A] : memref<10240x128xf32, #tpu.memory_space<vmem_shared>> -> memref<128x128xf32, #tpu.memory_space<vmem_shared>>
      %dma_wait3A_46 = arith.constant 0 : i32
      %dma_wait3A_47 = tpu.memref_slice %arg11[%add3A_21, %dma_wait3A_46] : memref<10240x128xf32, #tpu.memory_space<vmem_shared>> -> memref<128x128xf32, #tpu.memory_space<vmem_shared>>
      tpu.wait_dma2 semaphore(%run_scoped3A : memref<!tpu.dma_semaphore, #tpu.memory_space<semaphore_mem>>) src(%arg10 : memref<128x128xf32, #tpu.memory_space<vmem>>) dst(%dma_wait3A_47 : memref<128x128xf32, #tpu.memory_space<vmem_shared>>)
      tpu.yield
    }) : () -> ()
    %mul3A_22 = arith.constant 640 : i32
    %mul3A_23 = arith.muli %arg1, %mul3A_22 : i32
    %add3A_24 = arith.constant 512 : i32
    %add3A_25 = arith.addi %mul3A_23, %add3A_24 : i32
    "tpu.region"() ({
      %run_scoped3A = tpu.sem_alloc : memref<!tpu.dma_semaphore, #tpu.memory_space<semaphore_mem>>
      %dma_start3A = arith.constant 0 : i32
      %dma_start3A_42 = tpu.memref_slice %arg11[%add3A_25, %dma_start3A] : memref<10240x128xf32, #tpu.memory_space<vmem_shared>> -> memref<128x128xf32, #tpu.memory_space<vmem_shared>>
      %dma_start3A_43 = arith.constant 0 : i32
      %dma_start3A_44 = tpu.memref_slice %arg11[%add3A_25, %dma_start3A_43] : memref<10240x128xf32, #tpu.memory_space<vmem_shared>> -> memref<128x128xf32, #tpu.memory_space<vmem_shared>>
      tpu.enqueue_dma source(%arg10 : memref<128x128xf32, #tpu.memory_space<vmem>>) target(%dma_start3A_44 : memref<128x128xf32, #tpu.memory_space<vmem_shared>>) target_semaphore(%run_scoped3A : memref<!tpu.dma_semaphore, #tpu.memory_space<semaphore_mem>>)
      %dma_wait3A = arith.constant 0 : i32
      %dma_wait3A_45 = tpu.memref_slice %arg11[%add3A_25, %dma_wait3A] : memref<10240x128xf32, #tpu.memory_space<vmem_shared>> -> memref<128x128xf32, #tpu.memory_space<vmem_shared>>
      %dma_wait3A_46 = arith.constant 0 : i32
      %dma_wait3A_47 = tpu.memref_slice %arg11[%add3A_25, %dma_wait3A_46] : memref<10240x128xf32, #tpu.memory_space<vmem_shared>> -> memref<128x128xf32, #tpu.memory_space<vmem_shared>>
      tpu.wait_dma2 semaphore(%run_scoped3A : memref<!tpu.dma_semaphore, #tpu.memory_space<semaphore_mem>>) src(%arg10 : memref<128x128xf32, #tpu.memory_space<vmem>>) dst(%dma_wait3A_47 : memref<128x128xf32, #tpu.memory_space<vmem_shared>>)
      tpu.yield
    }) : () -> ()
    %barrier3A = arith.constant 0 : index
    tpu.barrier barrier_id(%barrier3A)
    %mul3A_26 = arith.constant 10112 : i32
    %mul3A_27 = arith.muli %add3A, %mul3A_26 : i32
    %scan3A_28 = arith.constant 0 : i32
    %scan3A_29 = arith.constant 0 : i32
    %scan3A_30 = arith.constant 79 : i32
    %scan3A_31 = arith.addi %scan3A_29, %scan3A_30 : i32
    %scan3A_32 = arith.constant 1 : i32
    scf.for %scan3A_42 = %scan3A_29 to %scan3A_31 step %scan3A_32  : i32 {
      %mul3A_43 = arith.constant 128 : i32
      %mul3A_44 = arith.muli %scan3A_42, %mul3A_43 : i32
      %add3A_45 = arith.addi %mul3A_27, %mul3A_44 : i32
      "tpu.region"() ({
        %run_scoped3A = tpu.sem_alloc : memref<!tpu.dma_semaphore, #tpu.memory_space<semaphore_mem>>
        %dma_start3A_56 = tpu.memref_slice %arg3[%add3A_45] : memref<323584xi32, #tpu.memory_space<hbm>> -> memref<128xi32, #tpu.memory_space<hbm>>
        %dma_start3A_57 = tpu.memref_slice %arg3[%add3A_45] : memref<323584xi32, #tpu.memory_space<hbm>> -> memref<128xi32, #tpu.memory_space<hbm>>
        tpu.enqueue_dma source(%dma_start3A_57 : memref<128xi32, #tpu.memory_space<hbm>>) target(%arg7 : memref<128xi32, #tpu.memory_space<vmem>>) target_semaphore(%run_scoped3A : memref<!tpu.dma_semaphore, #tpu.memory_space<semaphore_mem>>)
        %dma_wait3A_58 = tpu.memref_slice %arg3[%add3A_45] : memref<323584xi32, #tpu.memory_space<hbm>> -> memref<128xi32, #tpu.memory_space<hbm>>
        %dma_wait3A_59 = tpu.memref_slice %arg3[%add3A_45] : memref<323584xi32, #tpu.memory_space<hbm>> -> memref<128xi32, #tpu.memory_space<hbm>>
        tpu.wait_dma2 semaphore(%run_scoped3A : memref<!tpu.dma_semaphore, #tpu.memory_space<semaphore_mem>>) src(%dma_wait3A_59 : memref<128xi32, #tpu.memory_space<hbm>>) dst(%arg7 : memref<128xi32, #tpu.memory_space<vmem>>)
        tpu.yield
      }) : () -> ()
      "tpu.region"() ({
        %run_scoped3A = tpu.sem_alloc : memref<!tpu.dma_semaphore, #tpu.memory_space<semaphore_mem>>
        %dma_start3A_56 = tpu.memref_slice %arg4[%add3A_45] : memref<323584xi32, #tpu.memory_space<hbm>> -> memref<128xi32, #tpu.memory_space<hbm>>
        %dma_start3A_57 = tpu.memref_slice %arg4[%add3A_45] : memref<323584xi32, #tpu.memory_space<hbm>> -> memref<128xi32, #tpu.memory_space<hbm>>
        tpu.enqueue_dma source(%dma_start3A_57 : memref<128xi32, #tpu.memory_space<hbm>>) target(%arg8 : memref<128xi32, #tpu.memory_space<vmem>>) target_semaphore(%run_scoped3A : memref<!tpu.dma_semaphore, #tpu.memory_space<semaphore_mem>>)
        %dma_wait3A_58 = tpu.memref_slice %arg4[%add3A_45] : memref<323584xi32, #tpu.memory_space<hbm>> -> memref<128xi32, #tpu.memory_space<hbm>>
        %dma_wait3A_59 = tpu.memref_slice %arg4[%add3A_45] : memref<323584xi32, #tpu.memory_space<hbm>> -> memref<128xi32, #tpu.memory_space<hbm>>
        tpu.wait_dma2 semaphore(%run_scoped3A : memref<!tpu.dma_semaphore, #tpu.memory_space<semaphore_mem>>) src(%dma_wait3A_59 : memref<128xi32, #tpu.memory_space<hbm>>) dst(%arg8 : memref<128xi32, #tpu.memory_space<vmem>>)
        tpu.yield
      }) : () -> ()
      %dma_start3A = arith.constant 0 : i32
      %dma_start3A_46 = arith.constant 0 : i32
      %dma_start3A_47 = tpu.memref_slice %arg5[%dma_start3A, %dma_start3A_46] : memref<10000x128xf32, #tpu.memory_space<hbm>> -> memref<10000x128xf32, #tpu.memory_space<hbm>>
      tpu.enqueue_indirect_dma source(%dma_start3A_47 : memref<10000x128xf32, #tpu.memory_space<hbm>>) target(%arg9 : memref<128x128xf32, #tpu.memory_space<vmem>>) offsets(%arg7 : memref<128xi32, #tpu.memory_space<vmem>>) semaphore(%arg12 : memref<!tpu.dma_semaphore, #tpu.memory_space<semaphore_mem>>)
      %dma_wait3A = arith.constant 0 : i32
      %dma_wait3A_48 = arith.constant 0 : i32
      %dma_wait3A_49 = tpu.memref_slice %arg5[%dma_wait3A, %dma_wait3A_48] : memref<10000x128xf32, #tpu.memory_space<hbm>> -> memref<10000x128xf32, #tpu.memory_space<hbm>>
      tpu.wait_indirect_dma semaphore(%arg12 : memref<!tpu.dma_semaphore, #tpu.memory_space<semaphore_mem>>) src(%dma_wait3A_49 : memref<10000x128xf32, #tpu.memory_space<hbm>>) dst(%arg9 : memref<128x128xf32, #tpu.memory_space<vmem>>)
      "tpu.region"() ({
        %run_scoped3A = tpu.sem_alloc : memref<!tpu.dma_semaphore, #tpu.memory_space<semaphore_mem>>
        %dma_start3A_56 = arith.constant 0 : i32
        %dma_start3A_57 = tpu.memref_slice %arg2[%add3A_45, %dma_start3A_56] : memref<323584x128xf32, #tpu.memory_space<hbm>> -> memref<128x128xf32, #tpu.memory_space<hbm>>
        %dma_start3A_58 = arith.constant 0 : i32
        %dma_start3A_59 = tpu.memref_slice %arg2[%add3A_45, %dma_start3A_58] : memref<323584x128xf32, #tpu.memory_space<hbm>> -> memref<128x128xf32, #tpu.memory_space<hbm>>
        tpu.enqueue_dma source(%dma_start3A_59 : memref<128x128xf32, #tpu.memory_space<hbm>>) target(%arg10 : memref<128x128xf32, #tpu.memory_space<vmem>>) target_semaphore(%run_scoped3A : memref<!tpu.dma_semaphore, #tpu.memory_space<semaphore_mem>>)
        %dma_wait3A_60 = arith.constant 0 : i32
        %dma_wait3A_61 = tpu.memref_slice %arg2[%add3A_45, %dma_wait3A_60] : memref<323584x128xf32, #tpu.memory_space<hbm>> -> memref<128x128xf32, #tpu.memory_space<hbm>>
        %dma_wait3A_62 = arith.constant 0 : i32
        %dma_wait3A_63 = tpu.memref_slice %arg2[%add3A_45, %dma_wait3A_62] : memref<323584x128xf32, #tpu.memory_space<hbm>> -> memref<128x128xf32, #tpu.memory_space<hbm>>
        tpu.wait_dma2 semaphore(%run_scoped3A : memref<!tpu.dma_semaphore, #tpu.memory_space<semaphore_mem>>) src(%dma_wait3A_63 : memref<128x128xf32, #tpu.memory_space<hbm>>) dst(%arg10 : memref<128x128xf32, #tpu.memory_space<vmem>>)
        tpu.yield
      }) : () -> ()
      %scan3A_50 = arith.constant 0 : i32
      %scan3A_51 = arith.constant 0 : i32
      %scan3A_52 = arith.constant 128 : i32
      %scan3A_53 = arith.addi %scan3A_51, %scan3A_52 : i32
      %scan3A_54 = arith.constant 1 : i32
      scf.for %scan3A_56 = %scan3A_51 to %scan3A_53 step %scan3A_54  : i32 {
        %get3A = arith.index_cast %scan3A_56 : i32 to index
        %get3A_57 = arith.constant 0 : index
        %get3A_58 = tpu.vector_load %arg10[%get3A, %get3A_57] {strides = array<i32>} : memref<128x128xf32, #tpu.memory_space<vmem>>, vector<16xf32>,
        %get3A_59 = arith.index_cast %scan3A_56 : i32 to index
        %get3A_60 = arith.constant 0 : index
        %get3A_61 = tpu.vector_load %arg9[%get3A_59, %get3A_60] {strides = array<i32>} : memref<128x128xf32, #tpu.memory_space<vmem>>, vector<16xf32>,
        %mul3A_62 = arith.mulf %get3A_58, %get3A_61 : vector<16xf32>
        %swap3A = arith.index_cast %scan3A_56 : i32 to index
        %swap3A_63 = arith.constant 0 : index
        %swap3A_64 = tpu.vector_load %arg10[%swap3A, %swap3A_63] {strides = array<i32>} : memref<128x128xf32, #tpu.memory_space<vmem>>, vector<16xf32>,
        tpu.vector_store %arg10[%swap3A, %swap3A_63], %mul3A_62 {strides = array<i32>} : memref<128x128xf32, #tpu.memory_space<vmem>>, vector<16xf32>,
        %get3A_65 = arith.index_cast %scan3A_56 : i32 to index
        %get3A_66 = arith.constant 16 : index
        %get3A_67 = tpu.vector_load %arg10[%get3A_65, %get3A_66] {strides = array<i32>} : memref<128x128xf32, #tpu.memory_space<vmem>>, vector<16xf32>,
        %get3A_68 = arith.index_cast %scan3A_56 : i32 to index
        %get3A_69 = arith.constant 16 : index
        %get3A_70 = tpu.vector_load %arg9[%get3A_68, %get3A_69] {strides = array<i32>} : memref<128x128xf32, #tpu.memory_space<vmem>>, vector<16xf32>,
        %mul3A_71 = arith.mulf %get3A_67, %get3A_70 : vector<16xf32>
        %swap3A_72 = arith.index_cast %scan3A_56 : i32 to index
        %swap3A_73 = arith.constant 16 : index
        %swap3A_74 = tpu.vector_load %arg10[%swap3A_72, %swap3A_73] {strides = array<i32>} : memref<128x128xf32, #tpu.memory_space<vmem>>, vector<16xf32>,
        tpu.vector_store %arg10[%swap3A_72, %swap3A_73], %mul3A_71 {strides = array<i32>} : memref<128x128xf32, #tpu.memory_space<vmem>>, vector<16xf32>,
        %get3A_75 = arith.index_cast %scan3A_56 : i32 to index
        %get3A_76 = arith.constant 32 : index
        %get3A_77 = tpu.vector_load %arg10[%get3A_75, %get3A_76] {strides = array<i32>} : memref<128x128xf32, #tpu.memory_space<vmem>>, vector<16xf32>,
        %get3A_78 = arith.index_cast %scan3A_56 : i32 to index
        %get3A_79 = arith.constant 32 : index
        %get3A_80 = tpu.vector_load %arg9[%get3A_78, %get3A_79] {strides = array<i32>} : memref<128x128xf32, #tpu.memory_space<vmem>>, vector<16xf32>,
        %mul3A_81 = arith.mulf %get3A_77, %get3A_80 : vector<16xf32>
        %swap3A_82 = arith.index_cast %scan3A_56 : i32 to index
        %swap3A_83 = arith.constant 32 : index
        %swap3A_84 = tpu.vector_load %arg10[%swap3A_82, %swap3A_83] {strides = array<i32>} : memref<128x128xf32, #tpu.memory_space<vmem>>, vector<16xf32>,
        tpu.vector_store %arg10[%swap3A_82, %swap3A_83], %mul3A_81 {strides = array<i32>} : memref<128x128xf32, #tpu.memory_space<vmem>>, vector<16xf32>,
        %get3A_85 = arith.index_cast %scan3A_56 : i32 to index
        %get3A_86 = arith.constant 48 : index
        %get3A_87 = tpu.vector_load %arg10[%get3A_85, %get3A_86] {strides = array<i32>} : memref<128x128xf32, #tpu.memory_space<vmem>>, vector<16xf32>,
        %get3A_88 = arith.index_cast %scan3A_56 : i32 to index
        %get3A_89 = arith.constant 48 : index
        %get3A_90 = tpu.vector_load %arg9[%get3A_88, %get3A_89] {strides = array<i32>} : memref<128x128xf32, #tpu.memory_space<vmem>>, vector<16xf32>,
        %mul3A_91 = arith.mulf %get3A_87, %get3A_90 : vector<16xf32>
        %swap3A_92 = arith.index_cast %scan3A_56 : i32 to index
        %swap3A_93 = arith.constant 48 : index
        %swap3A_94 = tpu.vector_load %arg10[%swap3A_92, %swap3A_93] {strides = array<i32>} : memref<128x128xf32, #tpu.memory_space<vmem>>, vector<16xf32>,
        tpu.vector_store %arg10[%swap3A_92, %swap3A_93], %mul3A_91 {strides = array<i32>} : memref<128x128xf32, #tpu.memory_space<vmem>>, vector<16xf32>,
        %get3A_95 = arith.index_cast %scan3A_56 : i32 to index
        %get3A_96 = arith.constant 64 : index
        %get3A_97 = tpu.vector_load %arg10[%get3A_95, %get3A_96] {strides = array<i32>} : memref<128x128xf32, #tpu.memory_space<vmem>>, vector<16xf32>,
        %get3A_98 = arith.index_cast %scan3A_56 : i32 to index
        %get3A_99 = arith.constant 64 : index
        %get3A_100 = tpu.vector_load %arg9[%get3A_98, %get3A_99] {strides = array<i32>} : memref<128x128xf32, #tpu.memory_space<vmem>>, vector<16xf32>,
        %mul3A_101 = arith.mulf %get3A_97, %get3A_100 : vector<16xf32>
        %swap3A_102 = arith.index_cast %scan3A_56 : i32 to index
        %swap3A_103 = arith.constant 64 : index
        %swap3A_104 = tpu.vector_load %arg10[%swap3A_102, %swap3A_103] {strides = array<i32>} : memref<128x128xf32, #tpu.memory_space<vmem>>, vector<16xf32>,
        tpu.vector_store %arg10[%swap3A_102, %swap3A_103], %mul3A_101 {strides = array<i32>} : memref<128x128xf32, #tpu.memory_space<vmem>>, vector<16xf32>,
        %get3A_105 = arith.index_cast %scan3A_56 : i32 to index
        %get3A_106 = arith.constant 80 : index
        %get3A_107 = tpu.vector_load %arg10[%get3A_105, %get3A_106] {strides = array<i32>} : memref<128x128xf32, #tpu.memory_space<vmem>>, vector<16xf32>,
        %get3A_108 = arith.index_cast %scan3A_56 : i32 to index
        %get3A_109 = arith.constant 80 : index
        %get3A_110 = tpu.vector_load %arg9[%get3A_108, %get3A_109] {strides = array<i32>} : memref<128x128xf32, #tpu.memory_space<vmem>>, vector<16xf32>,
        %mul3A_111 = arith.mulf %get3A_107, %get3A_110 : vector<16xf32>
        %swap3A_112 = arith.index_cast %scan3A_56 : i32 to index
        %swap3A_113 = arith.constant 80 : index
        %swap3A_114 = tpu.vector_load %arg10[%swap3A_112, %swap3A_113] {strides = array<i32>} : memref<128x128xf32, #tpu.memory_space<vmem>>, vector<16xf32>,
        tpu.vector_store %arg10[%swap3A_112, %swap3A_113], %mul3A_111 {strides = array<i32>} : memref<128x128xf32, #tpu.memory_space<vmem>>, vector<16xf32>,
        %get3A_115 = arith.index_cast %scan3A_56 : i32 to index
        %get3A_116 = arith.constant 96 : index
        %get3A_117 = tpu.vector_load %arg10[%get3A_115, %get3A_116] {strides = array<i32>} : memref<128x128xf32, #tpu.memory_space<vmem>>, vector<16xf32>,
        %get3A_118 = arith.index_cast %scan3A_56 : i32 to index
        %get3A_119 = arith.constant 96 : index
        %get3A_120 = tpu.vector_load %arg9[%get3A_118, %get3A_119] {strides = array<i32>} : memref<128x128xf32, #tpu.memory_space<vmem>>, vector<16xf32>,
        %mul3A_121 = arith.mulf %get3A_117, %get3A_120 : vector<16xf32>
        %swap3A_122 = arith.index_cast %scan3A_56 : i32 to index
        %swap3A_123 = arith.constant 96 : index
        %swap3A_124 = tpu.vector_load %arg10[%swap3A_122, %swap3A_123] {strides = array<i32>} : memref<128x128xf32, #tpu.memory_space<vmem>>, vector<16xf32>,
        tpu.vector_store %arg10[%swap3A_122, %swap3A_123], %mul3A_121 {strides = array<i32>} : memref<128x128xf32, #tpu.memory_space<vmem>>, vector<16xf32>,
        %get3A_125 = arith.index_cast %scan3A_56 : i32 to index
        %get3A_126 = arith.constant 112 : index
        %get3A_127 = tpu.vector_load %arg10[%get3A_125, %get3A_126] {strides = array<i32>} : memref<128x128xf32, #tpu.memory_space<vmem>>, vector<16xf32>,
        %get3A_128 = arith.index_cast %scan3A_56 : i32 to index
        %get3A_129 = arith.constant 112 : index
        %get3A_130 = tpu.vector_load %arg9[%get3A_128, %get3A_129] {strides = array<i32>} : memref<128x128xf32, #tpu.memory_space<vmem>>, vector<16xf32>,
        %mul3A_131 = arith.mulf %get3A_127, %get3A_130 : vector<16xf32>
        %swap3A_132 = arith.index_cast %scan3A_56 : i32 to index
        %swap3A_133 = arith.constant 112 : index
        %swap3A_134 = tpu.vector_load %arg10[%swap3A_132, %swap3A_133] {strides = array<i32>} : memref<128x128xf32, #tpu.memory_space<vmem>>, vector<16xf32>,
        tpu.vector_store %arg10[%swap3A_132, %swap3A_133], %mul3A_131 {strides = array<i32>} : memref<128x128xf32, #tpu.memory_space<vmem>>, vector<16xf32>,
      }
      %scan3A_55 = arith.constant 128 : i32
      "tpu.region"() ({
        %run_scoped3A = tpu.sem_alloc : memref<!tpu.dma_semaphore, #tpu.memory_space<semaphore_mem>>
        %dma_start3A_56 = arith.constant 0 : i32
        %dma_start3A_57 = arith.constant 0 : i32
        %dma_start3A_58 = tpu.memref_slice %arg11[%dma_start3A_56, %dma_start3A_57] : memref<10240x128xf32, #tpu.memory_space<vmem_shared>> -> memref<10240x128xf32, #tpu.memory_space<vmem_shared>>
        tpu.enqueue_indirect_dma source(%arg10 : memref<128x128xf32, #tpu.memory_space<vmem>>) target(%dma_start3A_58 : memref<10240x128xf32, #tpu.memory_space<vmem_shared>>) offsets(%arg8 : memref<128xi32, #tpu.memory_space<vmem>>) semaphore(%run_scoped3A : memref<!tpu.dma_semaphore, #tpu.memory_space<semaphore_mem>>) {add = true}
        %dma_wait3A_59 = arith.constant 0 : i32
        %dma_wait3A_60 = arith.constant 0 : i32
        %dma_wait3A_61 = tpu.memref_slice %arg11[%dma_wait3A_59, %dma_wait3A_60] : memref<10240x128xf32, #tpu.memory_space<vmem_shared>> -> memref<10240x128xf32, #tpu.memory_space<vmem_shared>>
        tpu.wait_indirect_dma semaphore(%run_scoped3A : memref<!tpu.dma_semaphore, #tpu.memory_space<semaphore_mem>>) src(%arg10 : memref<128x128xf32, #tpu.memory_space<vmem>>) dst(%dma_wait3A_61 : memref<10240x128xf32, #tpu.memory_space<vmem_shared>>)
        tpu.yield
      }) : () -> ()
    }
    %scan3A_33 = arith.constant 79 : i32
    %barrier3A_34 = arith.constant 0 : index
    tpu.barrier barrier_id(%barrier3A_34)
    %mul3A_35 = arith.constant 640 : i32
    %mul3A_36 = arith.muli %arg1, %mul3A_35 : i32
    %mul3A_37 = arith.constant 10240 : i32
    %mul3A_38 = arith.muli %arg0, %mul3A_37 : i32
    %mul3A_39 = arith.constant 640 : i32
    %mul3A_40 = arith.muli %arg1, %mul3A_39 : i32
    %add3A_41 = arith.addi %mul3A_38, %mul3A_40 : i32
    "tpu.region"() ({
      %run_scoped3A = tpu.sem_alloc : memref<!tpu.dma_semaphore, #tpu.memory_space<semaphore_mem>>
      %dma_start3A = arith.constant 0 : i32
      %dma_start3A_42 = tpu.memref_slice %arg6[%add3A_41, %dma_start3A] : memref<20480x128xf32, #tpu.memory_space<hbm>> -> memref<640x128xf32, #tpu.memory_space<hbm>>
      %dma_start3A_43 = arith.constant 0 : i32
      %dma_start3A_44 = tpu.memref_slice %arg11[%mul3A_36, %dma_start3A_43] : memref<10240x128xf32, #tpu.memory_space<vmem_shared>> -> memref<640x128xf32, #tpu.memory_space<vmem_shared>>
      tpu.enqueue_dma source(%dma_start3A_44 : memref<640x128xf32, #tpu.memory_space<vmem_shared>>) target(%dma_start3A_42 : memref<640x128xf32, #tpu.memory_space<hbm>>) target_semaphore(%run_scoped3A : memref<!tpu.dma_semaphore, #tpu.memory_space<semaphore_mem>>)
      %dma_wait3A = arith.constant 0 : i32
      %dma_wait3A_45 = tpu.memref_slice %arg6[%add3A_41, %dma_wait3A] : memref<20480x128xf32, #tpu.memory_space<hbm>> -> memref<640x128xf32, #tpu.memory_space<hbm>>
      %dma_wait3A_46 = arith.constant 0 : i32
      %dma_wait3A_47 = tpu.memref_slice %arg11[%mul3A_36, %dma_wait3A_46] : memref<10240x128xf32, #tpu.memory_space<vmem_shared>> -> memref<640x128xf32, #tpu.memory_space<vmem_shared>>
      tpu.wait_dma2 semaphore(%run_scoped3A : memref<!tpu.dma_semaphore, #tpu.memory_space<semaphore_mem>>) src(%dma_wait3A_47 : memref<640x128xf32, #tpu.memory_space<vmem_shared>>) dst(%dma_wait3A_45 : memref<640x128xf32, #tpu.memory_space<hbm>>)
      tpu.yield
    }) : () -> ()
    return
  }
}

#map = affine_map<(d0, d1) -> (0, 0)>
#map1 = affine_map<(d0, d1) -> (0)>
module attributes {stable_mosaic.version = 14 : i64} {
  func.func @edge_kernel(%arg0: i32, %arg1: i32, %arg2: memref<323584x128xf32, #tpu.memory_space<hbm>>, %arg3: memref<323584xi32, #tpu.memory_space<hbm>>, %arg4: memref<323584xi32, #tpu.memory_space<hbm>>, %arg5: memref<10000x128xf32, #tpu.memory_space<hbm>>, %arg6: memref<20480x128xf32, #tpu.memory_space<hbm>>, %arg7: memref<128xi32, #tpu.memory_space<vmem>>, %arg8: memref<128xi32, #tpu.memory_space<vmem>>, %arg9: memref<128x128xf32, #tpu.memory_space<vmem>>, %arg10: memref<128x128xf32, #tpu.memory_space<vmem>>, %arg11: memref<10240x128xf32, #tpu.memory_space<vmem_shared>>, %arg12: memref<!tpu.dma_semaphore, #tpu.memory_space<semaphore_mem>>) attributes {dimension_semantics = [#tpu.dimension_semantics<core_parallel>, #tpu.dimension_semantics<subcore_parallel>], iteration_bounds = array<i64: 2, 16>, scalar_prefetch = 0 : i64, scratch_operands = 6 : i64, tpu.core_type = #tpu.core_type<sc_vector_subcore>, window_params = [{transform_indices = #map}, {transform_indices = #map1}, {transform_indices = #map1}, {transform_indices = #map}, {transform_indices = #map}]} {
    %mul3A = arith.constant 16 : i32
    %mul3A_0 = arith.muli %arg0, %mul3A : i32
    %add3A = arith.addi %mul3A_0, %arg1 : i32
    %scan3A = arith.constant 0 : i32
    %scan3A_1 = arith.constant 0 : i32
    %scan3A_2 = arith.constant 128 : i32
    %scan3A_3 = arith.addi %scan3A_1, %scan3A_2 : i32
    %scan3A_4 = arith.constant 1 : i32
    scf.for %scan3A_42 = %scan3A_1 to %scan3A_3 step %scan3A_4  : i32 {
      %broadcast_in_dim3A = arith.constant 0.000000e+00 : f32
      %broadcast_in_dim3A_43 = vector.broadcast %broadcast_in_dim3A : f32 to vector<16xf32>
      %swap3A = arith.index_cast %scan3A_42 : i32 to index
      %swap3A_44 = arith.constant 0 : index
      %swap3A_45 = tpu.vector_load %arg10[%swap3A, %swap3A_44] {strides = array<i32>} : memref<128x128xf32, #tpu.memory_space<vmem>>, vector<16xf32>,
      tpu.vector_store %arg10[%swap3A, %swap3A_44], %broadcast_in_dim3A_43 {strides = array<i32>} : memref<128x128xf32, #tpu.memory_space<vmem>>, vector<16xf32>,
      %broadcast_in_dim3A_46 = arith.constant 0.000000e+00 : f32
      %broadcast_in_dim3A_47 = vector.broadcast %broadcast_in_dim3A_46 : f32 to vector<16xf32>
      %swap3A_48 = arith.index_cast %scan3A_42 : i32 to index
      %swap3A_49 = arith.constant 16 : index
      %swap3A_50 = tpu.vector_load %arg10[%swap3A_48, %swap3A_49] {strides = array<i32>} : memref<128x128xf32, #tpu.memory_space<vmem>>, vector<16xf32>,
      tpu.vector_store %arg10[%swap3A_48, %swap3A_49], %broadcast_in_dim3A_47 {strides = array<i32>} : memref<128x128xf32, #tpu.memory_space<vmem>>, vector<16xf32>,
      %broadcast_in_dim3A_51 = arith.constant 0.000000e+00 : f32
      %broadcast_in_dim3A_52 = vector.broadcast %broadcast_in_dim3A_51 : f32 to vector<16xf32>
      %swap3A_53 = arith.index_cast %scan3A_42 : i32 to index
      %swap3A_54 = arith.constant 32 : index
      %swap3A_55 = tpu.vector_load %arg10[%swap3A_53, %swap3A_54] {strides = array<i32>} : memref<128x128xf32, #tpu.memory_space<vmem>>, vector<16xf32>,
      tpu.vector_store %arg10[%swap3A_53, %swap3A_54], %broadcast_in_dim3A_52 {strides = array<i32>} : memref<128x128xf32, #tpu.memory_space<vmem>>, vector<16xf32>,
      %broadcast_in_dim3A_56 = arith.constant 0.000000e+00 : f32
      %broadcast_in_dim3A_57 = vector.broadcast %broadcast_in_dim3A_56 : f32 to vector<16xf32>
      %swap3A_58 = arith.index_cast %scan3A_42 : i32 to index
      %swap3A_59 = arith.constant 48 : index
      %swap3A_60 = tpu.vector_load %arg10[%swap3A_58, %swap3A_59] {strides = array<i32>} : memref<128x128xf32, #tpu.memory_space<vmem>>, vector<16xf32>,
      tpu.vector_store %arg10[%swap3A_58, %swap3A_59], %broadcast_in_dim3A_57 {strides = array<i32>} : memref<128x128xf32, #tpu.memory_space<vmem>>, vector<16xf32>,
      %broadcast_in_dim3A_61 = arith.constant 0.000000e+00 : f32
      %broadcast_in_dim3A_62 = vector.broadcast %broadcast_in_dim3A_61 : f32 to vector<16xf32>
      %swap3A_63 = arith.index_cast %scan3A_42 : i32 to index
      %swap3A_64 = arith.constant 64 : index
      %swap3A_65 = tpu.vector_load %arg10[%swap3A_63, %swap3A_64] {strides = array<i32>} : memref<128x128xf32, #tpu.memory_space<vmem>>, vector<16xf32>,
      tpu.vector_store %arg10[%swap3A_63, %swap3A_64], %broadcast_in_dim3A_62 {strides = array<i32>} : memref<128x128xf32, #tpu.memory_space<vmem>>, vector<16xf32>,
      %broadcast_in_dim3A_66 = arith.constant 0.000000e+00 : f32
      %broadcast_in_dim3A_67 = vector.broadcast %broadcast_in_dim3A_66 : f32 to vector<16xf32>
      %swap3A_68 = arith.index_cast %scan3A_42 : i32 to index
      %swap3A_69 = arith.constant 80 : index
      %swap3A_70 = tpu.vector_load %arg10[%swap3A_68, %swap3A_69] {strides = array<i32>} : memref<128x128xf32, #tpu.memory_space<vmem>>, vector<16xf32>,
      tpu.vector_store %arg10[%swap3A_68, %swap3A_69], %broadcast_in_dim3A_67 {strides = array<i32>} : memref<128x128xf32, #tpu.memory_space<vmem>>, vector<16xf32>,
      %broadcast_in_dim3A_71 = arith.constant 0.000000e+00 : f32
      %broadcast_in_dim3A_72 = vector.broadcast %broadcast_in_dim3A_71 : f32 to vector<16xf32>
      %swap3A_73 = arith.index_cast %scan3A_42 : i32 to index
      %swap3A_74 = arith.constant 96 : index
      %swap3A_75 = tpu.vector_load %arg10[%swap3A_73, %swap3A_74] {strides = array<i32>} : memref<128x128xf32, #tpu.memory_space<vmem>>, vector<16xf32>,
      tpu.vector_store %arg10[%swap3A_73, %swap3A_74], %broadcast_in_dim3A_72 {strides = array<i32>} : memref<128x128xf32, #tpu.memory_space<vmem>>, vector<16xf32>,
      %broadcast_in_dim3A_76 = arith.constant 0.000000e+00 : f32
      %broadcast_in_dim3A_77 = vector.broadcast %broadcast_in_dim3A_76 : f32 to vector<16xf32>
      %swap3A_78 = arith.index_cast %scan3A_42 : i32 to index
      %swap3A_79 = arith.constant 112 : index
      %swap3A_80 = tpu.vector_load %arg10[%swap3A_78, %swap3A_79] {strides = array<i32>} : memref<128x128xf32, #tpu.memory_space<vmem>>, vector<16xf32>,
      tpu.vector_store %arg10[%swap3A_78, %swap3A_79], %broadcast_in_dim3A_77 {strides = array<i32>} : memref<128x128xf32, #tpu.memory_space<vmem>>, vector<16xf32>,
    }
    %scan3A_5 = arith.constant 128 : i32
    %mul3A_6 = arith.constant 640 : i32
    %mul3A_7 = arith.muli %arg1, %mul3A_6 : i32
    %add3A_8 = arith.constant 0 : i32
    %add3A_9 = arith.addi %mul3A_7, %add3A_8 : i32
    "tpu.region"() ({
      %run_scoped3A = tpu.sem_alloc : memref<!tpu.dma_semaphore, #tpu.memory_space<semaphore_mem>>
      %dma_start3A = arith.constant 0 : i32
      %dma_start3A_42 = tpu.memref_slice %arg11[%add3A_9, %dma_start3A] : memref<10240x128xf32, #tpu.memory_space<vmem_shared>> -> memref<128x128xf32, #tpu.memory_space<vmem_shared>>
      %dma_start3A_43 = arith.constant 0 : i32
      %dma_start3A_44 = tpu.memref_slice %arg11[%add3A_9, %dma_start3A_43] : memref<10240x128xf32, #tpu.memory_space<vmem_shared>> -> memref<128x128xf32, #tpu.memory_space<vmem_shared>>
      tpu.enqueue_dma source(%arg10 : memref<128x128xf32, #tpu.memory_space<vmem>>) target(%dma_start3A_44 : memref<128x128xf32, #tpu.memory_space<vmem_shared>>) target_semaphore(%run_scoped3A : memref<!tpu.dma_semaphore, #tpu.memory_space<semaphore_mem>>)
      %dma_wait3A = arith.constant 0 : i32
      %dma_wait3A_45 = tpu.memref_slice %arg11[%add3A_9, %dma_wait3A] : memref<10240x128xf32, #tpu.memory_space<vmem_shared>> -> memref<128x128xf32, #tpu.memory_space<vmem_shared>>
      %dma_wait3A_46 = arith.constant 0 : i32
      %dma_wait3A_47 = tpu.memref_slice %arg11[%add3A_9, %dma_wait3A_46] : memref<10240x128xf32, #tpu.memory_space<vmem_shared>> -> memref<128x128xf32, #tpu.memory_space<vmem_shared>>
      tpu.wait_dma2 semaphore(%run_scoped3A : memref<!tpu.dma_semaphore, #tpu.memory_space<semaphore_mem>>) src(%arg10 : memref<128x128xf32, #tpu.memory_space<vmem>>) dst(%dma_wait3A_47 : memref<128x128xf32, #tpu.memory_space<vmem_shared>>)
      tpu.yield
    }) : () -> ()
    %mul3A_10 = arith.constant 640 : i32
    %mul3A_11 = arith.muli %arg1, %mul3A_10 : i32
    %add3A_12 = arith.constant 128 : i32
    %add3A_13 = arith.addi %mul3A_11, %add3A_12 : i32
    "tpu.region"() ({
      %run_scoped3A = tpu.sem_alloc : memref<!tpu.dma_semaphore, #tpu.memory_space<semaphore_mem>>
      %dma_start3A = arith.constant 0 : i32
      %dma_start3A_42 = tpu.memref_slice %arg11[%add3A_13, %dma_start3A] : memref<10240x128xf32, #tpu.memory_space<vmem_shared>> -> memref<128x128xf32, #tpu.memory_space<vmem_shared>>
      %dma_start3A_43 = arith.constant 0 : i32
      %dma_start3A_44 = tpu.memref_slice %arg11[%add3A_13, %dma_start3A_43] : memref<10240x128xf32, #tpu.memory_space<vmem_shared>> -> memref<128x128xf32, #tpu.memory_space<vmem_shared>>
      tpu.enqueue_dma source(%arg10 : memref<128x128xf32, #tpu.memory_space<vmem>>) target(%dma_start3A_44 : memref<128x128xf32, #tpu.memory_space<vmem_shared>>) target_semaphore(%run_scoped3A : memref<!tpu.dma_semaphore, #tpu.memory_space<semaphore_mem>>)
      %dma_wait3A = arith.constant 0 : i32
      %dma_wait3A_45 = tpu.memref_slice %arg11[%add3A_13, %dma_wait3A] : memref<10240x128xf32, #tpu.memory_space<vmem_shared>> -> memref<128x128xf32, #tpu.memory_space<vmem_shared>>
      %dma_wait3A_46 = arith.constant 0 : i32
      %dma_wait3A_47 = tpu.memref_slice %arg11[%add3A_13, %dma_wait3A_46] : memref<10240x128xf32, #tpu.memory_space<vmem_shared>> -> memref<128x128xf32, #tpu.memory_space<vmem_shared>>
      tpu.wait_dma2 semaphore(%run_scoped3A : memref<!tpu.dma_semaphore, #tpu.memory_space<semaphore_mem>>) src(%arg10 : memref<128x128xf32, #tpu.memory_space<vmem>>) dst(%dma_wait3A_47 : memref<128x128xf32, #tpu.memory_space<vmem_shared>>)
      tpu.yield
    }) : () -> ()
    %mul3A_14 = arith.constant 640 : i32
    %mul3A_15 = arith.muli %arg1, %mul3A_14 : i32
    %add3A_16 = arith.constant 256 : i32
    %add3A_17 = arith.addi %mul3A_15, %add3A_16 : i32
    "tpu.region"() ({
      %run_scoped3A = tpu.sem_alloc : memref<!tpu.dma_semaphore, #tpu.memory_space<semaphore_mem>>
      %dma_start3A = arith.constant 0 : i32
      %dma_start3A_42 = tpu.memref_slice %arg11[%add3A_17, %dma_start3A] : memref<10240x128xf32, #tpu.memory_space<vmem_shared>> -> memref<128x128xf32, #tpu.memory_space<vmem_shared>>
      %dma_start3A_43 = arith.constant 0 : i32
      %dma_start3A_44 = tpu.memref_slice %arg11[%add3A_17, %dma_start3A_43] : memref<10240x128xf32, #tpu.memory_space<vmem_shared>> -> memref<128x128xf32, #tpu.memory_space<vmem_shared>>
      tpu.enqueue_dma source(%arg10 : memref<128x128xf32, #tpu.memory_space<vmem>>) target(%dma_start3A_44 : memref<128x128xf32, #tpu.memory_space<vmem_shared>>) target_semaphore(%run_scoped3A : memref<!tpu.dma_semaphore, #tpu.memory_space<semaphore_mem>>)
      %dma_wait3A = arith.constant 0 : i32
      %dma_wait3A_45 = tpu.memref_slice %arg11[%add3A_17, %dma_wait3A] : memref<10240x128xf32, #tpu.memory_space<vmem_shared>> -> memref<128x128xf32, #tpu.memory_space<vmem_shared>>
      %dma_wait3A_46 = arith.constant 0 : i32
      %dma_wait3A_47 = tpu.memref_slice %arg11[%add3A_17, %dma_wait3A_46] : memref<10240x128xf32, #tpu.memory_space<vmem_shared>> -> memref<128x128xf32, #tpu.memory_space<vmem_shared>>
      tpu.wait_dma2 semaphore(%run_scoped3A : memref<!tpu.dma_semaphore, #tpu.memory_space<semaphore_mem>>) src(%arg10 : memref<128x128xf32, #tpu.memory_space<vmem>>) dst(%dma_wait3A_47 : memref<128x128xf32, #tpu.memory_space<vmem_shared>>)
      tpu.yield
    }) : () -> ()
    %mul3A_18 = arith.constant 640 : i32
    %mul3A_19 = arith.muli %arg1, %mul3A_18 : i32
    %add3A_20 = arith.constant 384 : i32
    %add3A_21 = arith.addi %mul3A_19, %add3A_20 : i32
    "tpu.region"() ({
      %run_scoped3A = tpu.sem_alloc : memref<!tpu.dma_semaphore, #tpu.memory_space<semaphore_mem>>
      %dma_start3A = arith.constant 0 : i32
      %dma_start3A_42 = tpu.memref_slice %arg11[%add3A_21, %dma_start3A] : memref<10240x128xf32, #tpu.memory_space<vmem_shared>> -> memref<128x128xf32, #tpu.memory_space<vmem_shared>>
      %dma_start3A_43 = arith.constant 0 : i32
      %dma_start3A_44 = tpu.memref_slice %arg11[%add3A_21, %dma_start3A_43] : memref<10240x128xf32, #tpu.memory_space<vmem_shared>> -> memref<128x128xf32, #tpu.memory_space<vmem_shared>>
      tpu.enqueue_dma source(%arg10 : memref<128x128xf32, #tpu.memory_space<vmem>>) target(%dma_start3A_44 : memref<128x128xf32, #tpu.memory_space<vmem_shared>>) target_semaphore(%run_scoped3A : memref<!tpu.dma_semaphore, #tpu.memory_space<semaphore_mem>>)
      %dma_wait3A = arith.constant 0 : i32
      %dma_wait3A_45 = tpu.memref_slice %arg11[%add3A_21, %dma_wait3A] : memref<10240x128xf32, #tpu.memory_space<vmem_shared>> -> memref<128x128xf32, #tpu.memory_space<vmem_shared>>
      %dma_wait3A_46 = arith.constant 0 : i32
      %dma_wait3A_47 = tpu.memref_slice %arg11[%add3A_21, %dma_wait3A_46] : memref<10240x128xf32, #tpu.memory_space<vmem_shared>> -> memref<128x128xf32, #tpu.memory_space<vmem_shared>>
      tpu.wait_dma2 semaphore(%run_scoped3A : memref<!tpu.dma_semaphore, #tpu.memory_space<semaphore_mem>>) src(%arg10 : memref<128x128xf32, #tpu.memory_space<vmem>>) dst(%dma_wait3A_47 : memref<128x128xf32, #tpu.memory_space<vmem_shared>>)
      tpu.yield
    }) : () -> ()
    %mul3A_22 = arith.constant 640 : i32
    %mul3A_23 = arith.muli %arg1, %mul3A_22 : i32
    %add3A_24 = arith.constant 512 : i32
    %add3A_25 = arith.addi %mul3A_23, %add3A_24 : i32
    "tpu.region"() ({
      %run_scoped3A = tpu.sem_alloc : memref<!tpu.dma_semaphore, #tpu.memory_space<semaphore_mem>>
      %dma_start3A = arith.constant 0 : i32
      %dma_start3A_42 = tpu.memref_slice %arg11[%add3A_25, %dma_start3A] : memref<10240x128xf32, #tpu.memory_space<vmem_shared>> -> memref<128x128xf32, #tpu.memory_space<vmem_shared>>
      %dma_start3A_43 = arith.constant 0 : i32
      %dma_start3A_44 = tpu.memref_slice %arg11[%add3A_25, %dma_start3A_43] : memref<10240x128xf32, #tpu.memory_space<vmem_shared>> -> memref<128x128xf32, #tpu.memory_space<vmem_shared>>
      tpu.enqueue_dma source(%arg10 : memref<128x128xf32, #tpu.memory_space<vmem>>) target(%dma_start3A_44 : memref<128x128xf32, #tpu.memory_space<vmem_shared>>) target_semaphore(%run_scoped3A : memref<!tpu.dma_semaphore, #tpu.memory_space<semaphore_mem>>)
      %dma_wait3A = arith.constant 0 : i32
      %dma_wait3A_45 = tpu.memref_slice %arg11[%add3A_25, %dma_wait3A] : memref<10240x128xf32, #tpu.memory_space<vmem_shared>> -> memref<128x128xf32, #tpu.memory_space<vmem_shared>>
      %dma_wait3A_46 = arith.constant 0 : i32
      %dma_wait3A_47 = tpu.memref_slice %arg11[%add3A_25, %dma_wait3A_46] : memref<10240x128xf32, #tpu.memory_space<vmem_shared>> -> memref<128x128xf32, #tpu.memory_space<vmem_shared>>
      tpu.wait_dma2 semaphore(%run_scoped3A : memref<!tpu.dma_semaphore, #tpu.memory_space<semaphore_mem>>) src(%arg10 : memref<128x128xf32, #tpu.memory_space<vmem>>) dst(%dma_wait3A_47 : memref<128x128xf32, #tpu.memory_space<vmem_shared>>)
      tpu.yield
    }) : () -> ()
    %barrier3A = arith.constant 0 : index
    tpu.barrier barrier_id(%barrier3A)
    %mul3A_26 = arith.constant 10112 : i32
    %mul3A_27 = arith.muli %add3A, %mul3A_26 : i32
    %scan3A_28 = arith.constant 0 : i32
    %scan3A_29 = arith.constant 0 : i32
    %scan3A_30 = arith.constant 79 : i32
    %scan3A_31 = arith.addi %scan3A_29, %scan3A_30 : i32
    %scan3A_32 = arith.constant 1 : i32
    scf.for %scan3A_42 = %scan3A_29 to %scan3A_31 step %scan3A_32  : i32 {
      %mul3A_43 = arith.constant 128 : i32
      %mul3A_44 = arith.muli %scan3A_42, %mul3A_43 : i32
      %add3A_45 = arith.addi %mul3A_27, %mul3A_44 : i32
      "tpu.region"() ({
        %run_scoped3A = tpu.sem_alloc : memref<!tpu.dma_semaphore, #tpu.memory_space<semaphore_mem>>
        %dma_start3A_56 = tpu.memref_slice %arg3[%add3A_45] : memref<323584xi32, #tpu.memory_space<hbm>> -> memref<128xi32, #tpu.memory_space<hbm>>
        %dma_start3A_57 = tpu.memref_slice %arg3[%add3A_45] : memref<323584xi32, #tpu.memory_space<hbm>> -> memref<128xi32, #tpu.memory_space<hbm>>
        tpu.enqueue_dma source(%dma_start3A_57 : memref<128xi32, #tpu.memory_space<hbm>>) target(%arg7 : memref<128xi32, #tpu.memory_space<vmem>>) target_semaphore(%run_scoped3A : memref<!tpu.dma_semaphore, #tpu.memory_space<semaphore_mem>>)
        %dma_wait3A_58 = tpu.memref_slice %arg3[%add3A_45] : memref<323584xi32, #tpu.memory_space<hbm>> -> memref<128xi32, #tpu.memory_space<hbm>>
        %dma_wait3A_59 = tpu.memref_slice %arg3[%add3A_45] : memref<323584xi32, #tpu.memory_space<hbm>> -> memref<128xi32, #tpu.memory_space<hbm>>
        tpu.wait_dma2 semaphore(%run_scoped3A : memref<!tpu.dma_semaphore, #tpu.memory_space<semaphore_mem>>) src(%dma_wait3A_59 : memref<128xi32, #tpu.memory_space<hbm>>) dst(%arg7 : memref<128xi32, #tpu.memory_space<vmem>>)
        tpu.yield
      }) : () -> ()
      "tpu.region"() ({
        %run_scoped3A = tpu.sem_alloc : memref<!tpu.dma_semaphore, #tpu.memory_space<semaphore_mem>>
        %dma_start3A_56 = tpu.memref_slice %arg4[%add3A_45] : memref<323584xi32, #tpu.memory_space<hbm>> -> memref<128xi32, #tpu.memory_space<hbm>>
        %dma_start3A_57 = tpu.memref_slice %arg4[%add3A_45] : memref<323584xi32, #tpu.memory_space<hbm>> -> memref<128xi32, #tpu.memory_space<hbm>>
        tpu.enqueue_dma source(%dma_start3A_57 : memref<128xi32, #tpu.memory_space<hbm>>) target(%arg8 : memref<128xi32, #tpu.memory_space<vmem>>) target_semaphore(%run_scoped3A : memref<!tpu.dma_semaphore, #tpu.memory_space<semaphore_mem>>)
        %dma_wait3A_58 = tpu.memref_slice %arg4[%add3A_45] : memref<323584xi32, #tpu.memory_space<hbm>> -> memref<128xi32, #tpu.memory_space<hbm>>
        %dma_wait3A_59 = tpu.memref_slice %arg4[%add3A_45] : memref<323584xi32, #tpu.memory_space<hbm>> -> memref<128xi32, #tpu.memory_space<hbm>>
        tpu.wait_dma2 semaphore(%run_scoped3A : memref<!tpu.dma_semaphore, #tpu.memory_space<semaphore_mem>>) src(%dma_wait3A_59 : memref<128xi32, #tpu.memory_space<hbm>>) dst(%arg8 : memref<128xi32, #tpu.memory_space<vmem>>)
        tpu.yield
      }) : () -> ()
      %dma_start3A = arith.constant 0 : i32
      %dma_start3A_46 = arith.constant 0 : i32
      %dma_start3A_47 = tpu.memref_slice %arg5[%dma_start3A, %dma_start3A_46] : memref<10000x128xf32, #tpu.memory_space<hbm>> -> memref<10000x128xf32, #tpu.memory_space<hbm>>
      tpu.enqueue_indirect_dma source(%dma_start3A_47 : memref<10000x128xf32, #tpu.memory_space<hbm>>) target(%arg9 : memref<128x128xf32, #tpu.memory_space<vmem>>) offsets(%arg7 : memref<128xi32, #tpu.memory_space<vmem>>) semaphore(%arg12 : memref<!tpu.dma_semaphore, #tpu.memory_space<semaphore_mem>>)
      %dma_wait3A = arith.constant 0 : i32
      %dma_wait3A_48 = arith.constant 0 : i32
      %dma_wait3A_49 = tpu.memref_slice %arg5[%dma_wait3A, %dma_wait3A_48] : memref<10000x128xf32, #tpu.memory_space<hbm>> -> memref<10000x128xf32, #tpu.memory_space<hbm>>
      tpu.wait_indirect_dma semaphore(%arg12 : memref<!tpu.dma_semaphore, #tpu.memory_space<semaphore_mem>>) src(%dma_wait3A_49 : memref<10000x128xf32, #tpu.memory_space<hbm>>) dst(%arg9 : memref<128x128xf32, #tpu.memory_space<vmem>>)
      "tpu.region"() ({
        %run_scoped3A = tpu.sem_alloc : memref<!tpu.dma_semaphore, #tpu.memory_space<semaphore_mem>>
        %dma_start3A_56 = arith.constant 0 : i32
        %dma_start3A_57 = tpu.memref_slice %arg2[%add3A_45, %dma_start3A_56] : memref<323584x128xf32, #tpu.memory_space<hbm>> -> memref<128x128xf32, #tpu.memory_space<hbm>>
        %dma_start3A_58 = arith.constant 0 : i32
        %dma_start3A_59 = tpu.memref_slice %arg2[%add3A_45, %dma_start3A_58] : memref<323584x128xf32, #tpu.memory_space<hbm>> -> memref<128x128xf32, #tpu.memory_space<hbm>>
        tpu.enqueue_dma source(%dma_start3A_59 : memref<128x128xf32, #tpu.memory_space<hbm>>) target(%arg10 : memref<128x128xf32, #tpu.memory_space<vmem>>) target_semaphore(%run_scoped3A : memref<!tpu.dma_semaphore, #tpu.memory_space<semaphore_mem>>)
        %dma_wait3A_60 = arith.constant 0 : i32
        %dma_wait3A_61 = tpu.memref_slice %arg2[%add3A_45, %dma_wait3A_60] : memref<323584x128xf32, #tpu.memory_space<hbm>> -> memref<128x128xf32, #tpu.memory_space<hbm>>
        %dma_wait3A_62 = arith.constant 0 : i32
        %dma_wait3A_63 = tpu.memref_slice %arg2[%add3A_45, %dma_wait3A_62] : memref<323584x128xf32, #tpu.memory_space<hbm>> -> memref<128x128xf32, #tpu.memory_space<hbm>>
        tpu.wait_dma2 semaphore(%run_scoped3A : memref<!tpu.dma_semaphore, #tpu.memory_space<semaphore_mem>>) src(%dma_wait3A_63 : memref<128x128xf32, #tpu.memory_space<hbm>>) dst(%arg10 : memref<128x128xf32, #tpu.memory_space<vmem>>)
        tpu.yield
      }) : () -> ()
      %scan3A_50 = arith.constant 0 : i32
      %scan3A_51 = arith.constant 0 : i32
      %scan3A_52 = arith.constant 128 : i32
      %scan3A_53 = arith.addi %scan3A_51, %scan3A_52 : i32
      %scan3A_54 = arith.constant 1 : i32
      scf.for %scan3A_56 = %scan3A_51 to %scan3A_53 step %scan3A_54  : i32 {
        %get3A = arith.index_cast %scan3A_56 : i32 to index
        %get3A_57 = arith.constant 0 : index
        %get3A_58 = tpu.vector_load %arg10[%get3A, %get3A_57] {strides = array<i32>} : memref<128x128xf32, #tpu.memory_space<vmem>>, vector<16xf32>,
        %get3A_59 = arith.index_cast %scan3A_56 : i32 to index
        %get3A_60 = arith.constant 0 : index
        %get3A_61 = tpu.vector_load %arg9[%get3A_59, %get3A_60] {strides = array<i32>} : memref<128x128xf32, #tpu.memory_space<vmem>>, vector<16xf32>,
        %mul3A_62 = arith.mulf %get3A_58, %get3A_61 : vector<16xf32>
        %swap3A = arith.index_cast %scan3A_56 : i32 to index
        %swap3A_63 = arith.constant 0 : index
        %swap3A_64 = tpu.vector_load %arg10[%swap3A, %swap3A_63] {strides = array<i32>} : memref<128x128xf32, #tpu.memory_space<vmem>>, vector<16xf32>,
        tpu.vector_store %arg10[%swap3A, %swap3A_63], %mul3A_62 {strides = array<i32>} : memref<128x128xf32, #tpu.memory_space<vmem>>, vector<16xf32>,
        %get3A_65 = arith.index_cast %scan3A_56 : i32 to index
        %get3A_66 = arith.constant 16 : index
        %get3A_67 = tpu.vector_load %arg10[%get3A_65, %get3A_66] {strides = array<i32>} : memref<128x128xf32, #tpu.memory_space<vmem>>, vector<16xf32>,
        %get3A_68 = arith.index_cast %scan3A_56 : i32 to index
        %get3A_69 = arith.constant 16 : index
        %get3A_70 = tpu.vector_load %arg9[%get3A_68, %get3A_69] {strides = array<i32>} : memref<128x128xf32, #tpu.memory_space<vmem>>, vector<16xf32>,
        %mul3A_71 = arith.mulf %get3A_67, %get3A_70 : vector<16xf32>
        %swap3A_72 = arith.index_cast %scan3A_56 : i32 to index
        %swap3A_73 = arith.constant 16 : index
        %swap3A_74 = tpu.vector_load %arg10[%swap3A_72, %swap3A_73] {strides = array<i32>} : memref<128x128xf32, #tpu.memory_space<vmem>>, vector<16xf32>,
        tpu.vector_store %arg10[%swap3A_72, %swap3A_73], %mul3A_71 {strides = array<i32>} : memref<128x128xf32, #tpu.memory_space<vmem>>, vector<16xf32>,
        %get3A_75 = arith.index_cast %scan3A_56 : i32 to index
        %get3A_76 = arith.constant 32 : index
        %get3A_77 = tpu.vector_load %arg10[%get3A_75, %get3A_76] {strides = array<i32>} : memref<128x128xf32, #tpu.memory_space<vmem>>, vector<16xf32>,
        %get3A_78 = arith.index_cast %scan3A_56 : i32 to index
        %get3A_79 = arith.constant 32 : index
        %get3A_80 = tpu.vector_load %arg9[%get3A_78, %get3A_79] {strides = array<i32>} : memref<128x128xf32, #tpu.memory_space<vmem>>, vector<16xf32>,
        %mul3A_81 = arith.mulf %get3A_77, %get3A_80 : vector<16xf32>
        %swap3A_82 = arith.index_cast %scan3A_56 : i32 to index
        %swap3A_83 = arith.constant 32 : index
        %swap3A_84 = tpu.vector_load %arg10[%swap3A_82, %swap3A_83] {strides = array<i32>} : memref<128x128xf32, #tpu.memory_space<vmem>>, vector<16xf32>,
        tpu.vector_store %arg10[%swap3A_82, %swap3A_83], %mul3A_81 {strides = array<i32>} : memref<128x128xf32, #tpu.memory_space<vmem>>, vector<16xf32>,
        %get3A_85 = arith.index_cast %scan3A_56 : i32 to index
        %get3A_86 = arith.constant 48 : index
        %get3A_87 = tpu.vector_load %arg10[%get3A_85, %get3A_86] {strides = array<i32>} : memref<128x128xf32, #tpu.memory_space<vmem>>, vector<16xf32>,
        %get3A_88 = arith.index_cast %scan3A_56 : i32 to index
        %get3A_89 = arith.constant 48 : index
        %get3A_90 = tpu.vector_load %arg9[%get3A_88, %get3A_89] {strides = array<i32>} : memref<128x128xf32, #tpu.memory_space<vmem>>, vector<16xf32>,
        %mul3A_91 = arith.mulf %get3A_87, %get3A_90 : vector<16xf32>
        %swap3A_92 = arith.index_cast %scan3A_56 : i32 to index
        %swap3A_93 = arith.constant 48 : index
        %swap3A_94 = tpu.vector_load %arg10[%swap3A_92, %swap3A_93] {strides = array<i32>} : memref<128x128xf32, #tpu.memory_space<vmem>>, vector<16xf32>,
        tpu.vector_store %arg10[%swap3A_92, %swap3A_93], %mul3A_91 {strides = array<i32>} : memref<128x128xf32, #tpu.memory_space<vmem>>, vector<16xf32>,
        %get3A_95 = arith.index_cast %scan3A_56 : i32 to index
        %get3A_96 = arith.constant 64 : index
        %get3A_97 = tpu.vector_load %arg10[%get3A_95, %get3A_96] {strides = array<i32>} : memref<128x128xf32, #tpu.memory_space<vmem>>, vector<16xf32>,
        %get3A_98 = arith.index_cast %scan3A_56 : i32 to index
        %get3A_99 = arith.constant 64 : index
        %get3A_100 = tpu.vector_load %arg9[%get3A_98, %get3A_99] {strides = array<i32>} : memref<128x128xf32, #tpu.memory_space<vmem>>, vector<16xf32>,
        %mul3A_101 = arith.mulf %get3A_97, %get3A_100 : vector<16xf32>
        %swap3A_102 = arith.index_cast %scan3A_56 : i32 to index
        %swap3A_103 = arith.constant 64 : index
        %swap3A_104 = tpu.vector_load %arg10[%swap3A_102, %swap3A_103] {strides = array<i32>} : memref<128x128xf32, #tpu.memory_space<vmem>>, vector<16xf32>,
        tpu.vector_store %arg10[%swap3A_102, %swap3A_103], %mul3A_101 {strides = array<i32>} : memref<128x128xf32, #tpu.memory_space<vmem>>, vector<16xf32>,
        %get3A_105 = arith.index_cast %scan3A_56 : i32 to index
        %get3A_106 = arith.constant 80 : index
        %get3A_107 = tpu.vector_load %arg10[%get3A_105, %get3A_106] {strides = array<i32>} : memref<128x128xf32, #tpu.memory_space<vmem>>, vector<16xf32>,
        %get3A_108 = arith.index_cast %scan3A_56 : i32 to index
        %get3A_109 = arith.constant 80 : index
        %get3A_110 = tpu.vector_load %arg9[%get3A_108, %get3A_109] {strides = array<i32>} : memref<128x128xf32, #tpu.memory_space<vmem>>, vector<16xf32>,
        %mul3A_111 = arith.mulf %get3A_107, %get3A_110 : vector<16xf32>
        %swap3A_112 = arith.index_cast %scan3A_56 : i32 to index
        %swap3A_113 = arith.constant 80 : index
        %swap3A_114 = tpu.vector_load %arg10[%swap3A_112, %swap3A_113] {strides = array<i32>} : memref<128x128xf32, #tpu.memory_space<vmem>>, vector<16xf32>,
        tpu.vector_store %arg10[%swap3A_112, %swap3A_113], %mul3A_111 {strides = array<i32>} : memref<128x128xf32, #tpu.memory_space<vmem>>, vector<16xf32>,
        %get3A_115 = arith.index_cast %scan3A_56 : i32 to index
        %get3A_116 = arith.constant 96 : index
        %get3A_117 = tpu.vector_load %arg10[%get3A_115, %get3A_116] {strides = array<i32>} : memref<128x128xf32, #tpu.memory_space<vmem>>, vector<16xf32>,
        %get3A_118 = arith.index_cast %scan3A_56 : i32 to index
        %get3A_119 = arith.constant 96 : index
        %get3A_120 = tpu.vector_load %arg9[%get3A_118, %get3A_119] {strides = array<i32>} : memref<128x128xf32, #tpu.memory_space<vmem>>, vector<16xf32>,
        %mul3A_121 = arith.mulf %get3A_117, %get3A_120 : vector<16xf32>
        %swap3A_122 = arith.index_cast %scan3A_56 : i32 to index
        %swap3A_123 = arith.constant 96 : index
        %swap3A_124 = tpu.vector_load %arg10[%swap3A_122, %swap3A_123] {strides = array<i32>} : memref<128x128xf32, #tpu.memory_space<vmem>>, vector<16xf32>,
        tpu.vector_store %arg10[%swap3A_122, %swap3A_123], %mul3A_121 {strides = array<i32>} : memref<128x128xf32, #tpu.memory_space<vmem>>, vector<16xf32>,
        %get3A_125 = arith.index_cast %scan3A_56 : i32 to index
        %get3A_126 = arith.constant 112 : index
        %get3A_127 = tpu.vector_load %arg10[%get3A_125, %get3A_126] {strides = array<i32>} : memref<128x128xf32, #tpu.memory_space<vmem>>, vector<16xf32>,
        %get3A_128 = arith.index_cast %scan3A_56 : i32 to index
        %get3A_129 = arith.constant 112 : index
        %get3A_130 = tpu.vector_load %arg9[%get3A_128, %get3A_129] {strides = array<i32>} : memref<128x128xf32, #tpu.memory_space<vmem>>, vector<16xf32>,
        %mul3A_131 = arith.mulf %get3A_127, %get3A_130 : vector<16xf32>
        %swap3A_132 = arith.index_cast %scan3A_56 : i32 to index
        %swap3A_133 = arith.constant 112 : index
        %swap3A_134 = tpu.vector_load %arg10[%swap3A_132, %swap3A_133] {strides = array<i32>} : memref<128x128xf32, #tpu.memory_space<vmem>>, vector<16xf32>,
        tpu.vector_store %arg10[%swap3A_132, %swap3A_133], %mul3A_131 {strides = array<i32>} : memref<128x128xf32, #tpu.memory_space<vmem>>, vector<16xf32>,
      }
      %scan3A_55 = arith.constant 128 : i32
      "tpu.region"() ({
        %run_scoped3A = tpu.sem_alloc : memref<!tpu.dma_semaphore, #tpu.memory_space<semaphore_mem>>
        %dma_start3A_56 = arith.constant 0 : i32
        %dma_start3A_57 = arith.constant 0 : i32
        %dma_start3A_58 = tpu.memref_slice %arg11[%dma_start3A_56, %dma_start3A_57] : memref<10240x128xf32, #tpu.memory_space<vmem_shared>> -> memref<10240x128xf32, #tpu.memory_space<vmem_shared>>
        tpu.enqueue_indirect_dma source(%arg10 : memref<128x128xf32, #tpu.memory_space<vmem>>) target(%dma_start3A_58 : memref<10240x128xf32, #tpu.memory_space<vmem_shared>>) offsets(%arg8 : memref<128xi32, #tpu.memory_space<vmem>>) semaphore(%run_scoped3A : memref<!tpu.dma_semaphore, #tpu.memory_space<semaphore_mem>>) {add = true}
        %dma_wait3A_59 = arith.constant 0 : i32
        %dma_wait3A_60 = arith.constant 0 : i32
        %dma_wait3A_61 = tpu.memref_slice %arg11[%dma_wait3A_59, %dma_wait3A_60] : memref<10240x128xf32, #tpu.memory_space<vmem_shared>> -> memref<10240x128xf32, #tpu.memory_space<vmem_shared>>
        tpu.wait_indirect_dma semaphore(%run_scoped3A : memref<!tpu.dma_semaphore, #tpu.memory_space<semaphore_mem>>) src(%arg10 : memref<128x128xf32, #tpu.memory_space<vmem>>) dst(%dma_wait3A_61 : memref<10240x128xf32, #tpu.memory_space<vmem_shared>>)
        tpu.yield
      }) : () -> ()
    }
    %scan3A_33 = arith.constant 79 : i32
    %barrier3A_34 = arith.constant 0 : index
    tpu.barrier barrier_id(%barrier3A_34)
    %mul3A_35 = arith.constant 640 : i32
    %mul3A_36 = arith.muli %arg1, %mul3A_35 : i32
    %mul3A_37 = arith.constant 10240 : i32
    %mul3A_38 = arith.muli %arg0, %mul3A_37 : i32
    %mul3A_39 = arith.constant 640 : i32
    %mul3A_40 = arith.muli %arg1, %mul3A_39 : i32
    %add3A_41 = arith.addi %mul3A_38, %mul3A_40 : i32
    "tpu.region"() ({
      %run_scoped3A = tpu.sem_alloc : memref<!tpu.dma_semaphore, #tpu.memory_space<semaphore_mem>>
      %dma_start3A = arith.constant 0 : i32
      %dma_start3A_42 = tpu.memref_slice %arg6[%add3A_41, %dma_start3A] : memref<20480x128xf32, #tpu.memory_space<hbm>> -> memref<640x128xf32, #tpu.memory_space<hbm>>
      %dma_start3A_43 = arith.constant 0 : i32
      %dma_start3A_44 = tpu.memref_slice %arg11[%mul3A_36, %dma_start3A_43] : memref<10240x128xf32, #tpu.memory_space<vmem_shared>> -> memref<640x128xf32, #tpu.memory_space<vmem_shared>>
      tpu.enqueue_dma source(%dma_start3A_44 : memref<640x128xf32, #tpu.memory_space<vmem_shared>>) target(%dma_start3A_42 : memref<640x128xf32, #tpu.memory_space<hbm>>) target_semaphore(%run_scoped3A : memref<!tpu.dma_semaphore, #tpu.memory_space<semaphore_mem>>)
      %dma_wait3A = arith.constant 0 : i32
      %dma_wait3A_45 = tpu.memref_slice %arg6[%add3A_41, %dma_wait3A] : memref<20480x128xf32, #tpu.memory_space<hbm>> -> memref<640x128xf32, #tpu.memory_space<hbm>>
      %dma_wait3A_46 = arith.constant 0 : i32
      %dma_wait3A_47 = tpu.memref_slice %arg11[%mul3A_36, %dma_wait3A_46] : memref<10240x128xf32, #tpu.memory_space<vmem_shared>> -> memref<640x128xf32, #tpu.memory_space<vmem_shared>>
      tpu.wait_dma2 semaphore(%run_scoped3A : memref<!tpu.dma_semaphore, #tpu.memory_space<semaphore_mem>>) src(%dma_wait3A_47 : memref<640x128xf32, #tpu.memory_space<vmem_shared>>) dst(%dma_wait3A_45 : memref<640x128xf32, #tpu.memory_space<hbm>>)
      tpu.yield
    }) : () -> ()
    return
  }
}

#map = affine_map<(d0, d1) -> (0, 0)>
#map1 = affine_map<(d0, d1) -> (0)>
module attributes {stable_mosaic.version = 14 : i64} {
  func.func @edge_kernel(%arg0: i32, %arg1: i32, %arg2: memref<323584x128xf32, #tpu.memory_space<hbm>>, %arg3: memref<323584xi32, #tpu.memory_space<hbm>>, %arg4: memref<323584xi32, #tpu.memory_space<hbm>>, %arg5: memref<10000x128xf32, #tpu.memory_space<hbm>>, %arg6: memref<20480x128xf32, #tpu.memory_space<hbm>>, %arg7: memref<128xi32, #tpu.memory_space<vmem>>, %arg8: memref<128xi32, #tpu.memory_space<vmem>>, %arg9: memref<128x128xf32, #tpu.memory_space<vmem>>, %arg10: memref<128x128xf32, #tpu.memory_space<vmem>>, %arg11: memref<10240x128xf32, #tpu.memory_space<vmem_shared>>, %arg12: memref<!tpu.dma_semaphore, #tpu.memory_space<semaphore_mem>>) attributes {dimension_semantics = [#tpu.dimension_semantics<core_parallel>, #tpu.dimension_semantics<subcore_parallel>], iteration_bounds = array<i64: 2, 16>, scalar_prefetch = 0 : i64, scratch_operands = 6 : i64, tpu.core_type = #tpu.core_type<sc_vector_subcore>, window_params = [{transform_indices = #map}, {transform_indices = #map1}, {transform_indices = #map1}, {transform_indices = #map}, {transform_indices = #map}]} {
    %mul3A = arith.constant 16 : i32
    %mul3A_0 = arith.muli %arg0, %mul3A : i32
    %add3A = arith.addi %mul3A_0, %arg1 : i32
    %scan3A = arith.constant 0 : i32
    %scan3A_1 = arith.constant 0 : i32
    %scan3A_2 = arith.constant 128 : i32
    %scan3A_3 = arith.addi %scan3A_1, %scan3A_2 : i32
    %scan3A_4 = arith.constant 1 : i32
    scf.for %scan3A_42 = %scan3A_1 to %scan3A_3 step %scan3A_4  : i32 {
      %broadcast_in_dim3A = arith.constant 0.000000e+00 : f32
      %broadcast_in_dim3A_43 = vector.broadcast %broadcast_in_dim3A : f32 to vector<16xf32>
      %swap3A = arith.index_cast %scan3A_42 : i32 to index
      %swap3A_44 = arith.constant 0 : index
      %swap3A_45 = tpu.vector_load %arg10[%swap3A, %swap3A_44] {strides = array<i32>} : memref<128x128xf32, #tpu.memory_space<vmem>>, vector<16xf32>,
      tpu.vector_store %arg10[%swap3A, %swap3A_44], %broadcast_in_dim3A_43 {strides = array<i32>} : memref<128x128xf32, #tpu.memory_space<vmem>>, vector<16xf32>,
      %broadcast_in_dim3A_46 = arith.constant 0.000000e+00 : f32
      %broadcast_in_dim3A_47 = vector.broadcast %broadcast_in_dim3A_46 : f32 to vector<16xf32>
      %swap3A_48 = arith.index_cast %scan3A_42 : i32 to index
      %swap3A_49 = arith.constant 16 : index
      %swap3A_50 = tpu.vector_load %arg10[%swap3A_48, %swap3A_49] {strides = array<i32>} : memref<128x128xf32, #tpu.memory_space<vmem>>, vector<16xf32>,
      tpu.vector_store %arg10[%swap3A_48, %swap3A_49], %broadcast_in_dim3A_47 {strides = array<i32>} : memref<128x128xf32, #tpu.memory_space<vmem>>, vector<16xf32>,
      %broadcast_in_dim3A_51 = arith.constant 0.000000e+00 : f32
      %broadcast_in_dim3A_52 = vector.broadcast %broadcast_in_dim3A_51 : f32 to vector<16xf32>
      %swap3A_53 = arith.index_cast %scan3A_42 : i32 to index
      %swap3A_54 = arith.constant 32 : index
      %swap3A_55 = tpu.vector_load %arg10[%swap3A_53, %swap3A_54] {strides = array<i32>} : memref<128x128xf32, #tpu.memory_space<vmem>>, vector<16xf32>,
      tpu.vector_store %arg10[%swap3A_53, %swap3A_54], %broadcast_in_dim3A_52 {strides = array<i32>} : memref<128x128xf32, #tpu.memory_space<vmem>>, vector<16xf32>,
      %broadcast_in_dim3A_56 = arith.constant 0.000000e+00 : f32
      %broadcast_in_dim3A_57 = vector.broadcast %broadcast_in_dim3A_56 : f32 to vector<16xf32>
      %swap3A_58 = arith.index_cast %scan3A_42 : i32 to index
      %swap3A_59 = arith.constant 48 : index
      %swap3A_60 = tpu.vector_load %arg10[%swap3A_58, %swap3A_59] {strides = array<i32>} : memref<128x128xf32, #tpu.memory_space<vmem>>, vector<16xf32>,
      tpu.vector_store %arg10[%swap3A_58, %swap3A_59], %broadcast_in_dim3A_57 {strides = array<i32>} : memref<128x128xf32, #tpu.memory_space<vmem>>, vector<16xf32>,
      %broadcast_in_dim3A_61 = arith.constant 0.000000e+00 : f32
      %broadcast_in_dim3A_62 = vector.broadcast %broadcast_in_dim3A_61 : f32 to vector<16xf32>
      %swap3A_63 = arith.index_cast %scan3A_42 : i32 to index
      %swap3A_64 = arith.constant 64 : index
      %swap3A_65 = tpu.vector_load %arg10[%swap3A_63, %swap3A_64] {strides = array<i32>} : memref<128x128xf32, #tpu.memory_space<vmem>>, vector<16xf32>,
      tpu.vector_store %arg10[%swap3A_63, %swap3A_64], %broadcast_in_dim3A_62 {strides = array<i32>} : memref<128x128xf32, #tpu.memory_space<vmem>>, vector<16xf32>,
      %broadcast_in_dim3A_66 = arith.constant 0.000000e+00 : f32
      %broadcast_in_dim3A_67 = vector.broadcast %broadcast_in_dim3A_66 : f32 to vector<16xf32>
      %swap3A_68 = arith.index_cast %scan3A_42 : i32 to index
      %swap3A_69 = arith.constant 80 : index
      %swap3A_70 = tpu.vector_load %arg10[%swap3A_68, %swap3A_69] {strides = array<i32>} : memref<128x128xf32, #tpu.memory_space<vmem>>, vector<16xf32>,
      tpu.vector_store %arg10[%swap3A_68, %swap3A_69], %broadcast_in_dim3A_67 {strides = array<i32>} : memref<128x128xf32, #tpu.memory_space<vmem>>, vector<16xf32>,
      %broadcast_in_dim3A_71 = arith.constant 0.000000e+00 : f32
      %broadcast_in_dim3A_72 = vector.broadcast %broadcast_in_dim3A_71 : f32 to vector<16xf32>
      %swap3A_73 = arith.index_cast %scan3A_42 : i32 to index
      %swap3A_74 = arith.constant 96 : index
      %swap3A_75 = tpu.vector_load %arg10[%swap3A_73, %swap3A_74] {strides = array<i32>} : memref<128x128xf32, #tpu.memory_space<vmem>>, vector<16xf32>,
      tpu.vector_store %arg10[%swap3A_73, %swap3A_74], %broadcast_in_dim3A_72 {strides = array<i32>} : memref<128x128xf32, #tpu.memory_space<vmem>>, vector<16xf32>,
      %broadcast_in_dim3A_76 = arith.constant 0.000000e+00 : f32
      %broadcast_in_dim3A_77 = vector.broadcast %broadcast_in_dim3A_76 : f32 to vector<16xf32>
      %swap3A_78 = arith.index_cast %scan3A_42 : i32 to index
      %swap3A_79 = arith.constant 112 : index
      %swap3A_80 = tpu.vector_load %arg10[%swap3A_78, %swap3A_79] {strides = array<i32>} : memref<128x128xf32, #tpu.memory_space<vmem>>, vector<16xf32>,
      tpu.vector_store %arg10[%swap3A_78, %swap3A_79], %broadcast_in_dim3A_77 {strides = array<i32>} : memref<128x128xf32, #tpu.memory_space<vmem>>, vector<16xf32>,
    }
    %scan3A_5 = arith.constant 128 : i32
    %mul3A_6 = arith.constant 640 : i32
    %mul3A_7 = arith.muli %arg1, %mul3A_6 : i32
    %add3A_8 = arith.constant 0 : i32
    %add3A_9 = arith.addi %mul3A_7, %add3A_8 : i32
    "tpu.region"() ({
      %run_scoped3A = tpu.sem_alloc : memref<!tpu.dma_semaphore, #tpu.memory_space<semaphore_mem>>
      %dma_start3A = arith.constant 0 : i32
      %dma_start3A_42 = tpu.memref_slice %arg11[%add3A_9, %dma_start3A] : memref<10240x128xf32, #tpu.memory_space<vmem_shared>> -> memref<128x128xf32, #tpu.memory_space<vmem_shared>>
      %dma_start3A_43 = arith.constant 0 : i32
      %dma_start3A_44 = tpu.memref_slice %arg11[%add3A_9, %dma_start3A_43] : memref<10240x128xf32, #tpu.memory_space<vmem_shared>> -> memref<128x128xf32, #tpu.memory_space<vmem_shared>>
      tpu.enqueue_dma source(%arg10 : memref<128x128xf32, #tpu.memory_space<vmem>>) target(%dma_start3A_44 : memref<128x128xf32, #tpu.memory_space<vmem_shared>>) target_semaphore(%run_scoped3A : memref<!tpu.dma_semaphore, #tpu.memory_space<semaphore_mem>>)
      %dma_wait3A = arith.constant 0 : i32
      %dma_wait3A_45 = tpu.memref_slice %arg11[%add3A_9, %dma_wait3A] : memref<10240x128xf32, #tpu.memory_space<vmem_shared>> -> memref<128x128xf32, #tpu.memory_space<vmem_shared>>
      %dma_wait3A_46 = arith.constant 0 : i32
      %dma_wait3A_47 = tpu.memref_slice %arg11[%add3A_9, %dma_wait3A_46] : memref<10240x128xf32, #tpu.memory_space<vmem_shared>> -> memref<128x128xf32, #tpu.memory_space<vmem_shared>>
      tpu.wait_dma2 semaphore(%run_scoped3A : memref<!tpu.dma_semaphore, #tpu.memory_space<semaphore_mem>>) src(%arg10 : memref<128x128xf32, #tpu.memory_space<vmem>>) dst(%dma_wait3A_47 : memref<128x128xf32, #tpu.memory_space<vmem_shared>>)
      tpu.yield
    }) : () -> ()
    %mul3A_10 = arith.constant 640 : i32
    %mul3A_11 = arith.muli %arg1, %mul3A_10 : i32
    %add3A_12 = arith.constant 128 : i32
    %add3A_13 = arith.addi %mul3A_11, %add3A_12 : i32
    "tpu.region"() ({
      %run_scoped3A = tpu.sem_alloc : memref<!tpu.dma_semaphore, #tpu.memory_space<semaphore_mem>>
      %dma_start3A = arith.constant 0 : i32
      %dma_start3A_42 = tpu.memref_slice %arg11[%add3A_13, %dma_start3A] : memref<10240x128xf32, #tpu.memory_space<vmem_shared>> -> memref<128x128xf32, #tpu.memory_space<vmem_shared>>
      %dma_start3A_43 = arith.constant 0 : i32
      %dma_start3A_44 = tpu.memref_slice %arg11[%add3A_13, %dma_start3A_43] : memref<10240x128xf32, #tpu.memory_space<vmem_shared>> -> memref<128x128xf32, #tpu.memory_space<vmem_shared>>
      tpu.enqueue_dma source(%arg10 : memref<128x128xf32, #tpu.memory_space<vmem>>) target(%dma_start3A_44 : memref<128x128xf32, #tpu.memory_space<vmem_shared>>) target_semaphore(%run_scoped3A : memref<!tpu.dma_semaphore, #tpu.memory_space<semaphore_mem>>)
      %dma_wait3A = arith.constant 0 : i32
      %dma_wait3A_45 = tpu.memref_slice %arg11[%add3A_13, %dma_wait3A] : memref<10240x128xf32, #tpu.memory_space<vmem_shared>> -> memref<128x128xf32, #tpu.memory_space<vmem_shared>>
      %dma_wait3A_46 = arith.constant 0 : i32
      %dma_wait3A_47 = tpu.memref_slice %arg11[%add3A_13, %dma_wait3A_46] : memref<10240x128xf32, #tpu.memory_space<vmem_shared>> -> memref<128x128xf32, #tpu.memory_space<vmem_shared>>
      tpu.wait_dma2 semaphore(%run_scoped3A : memref<!tpu.dma_semaphore, #tpu.memory_space<semaphore_mem>>) src(%arg10 : memref<128x128xf32, #tpu.memory_space<vmem>>) dst(%dma_wait3A_47 : memref<128x128xf32, #tpu.memory_space<vmem_shared>>)
      tpu.yield
    }) : () -> ()
    %mul3A_14 = arith.constant 640 : i32
    %mul3A_15 = arith.muli %arg1, %mul3A_14 : i32
    %add3A_16 = arith.constant 256 : i32
    %add3A_17 = arith.addi %mul3A_15, %add3A_16 : i32
    "tpu.region"() ({
      %run_scoped3A = tpu.sem_alloc : memref<!tpu.dma_semaphore, #tpu.memory_space<semaphore_mem>>
      %dma_start3A = arith.constant 0 : i32
      %dma_start3A_42 = tpu.memref_slice %arg11[%add3A_17, %dma_start3A] : memref<10240x128xf32, #tpu.memory_space<vmem_shared>> -> memref<128x128xf32, #tpu.memory_space<vmem_shared>>
      %dma_start3A_43 = arith.constant 0 : i32
      %dma_start3A_44 = tpu.memref_slice %arg11[%add3A_17, %dma_start3A_43] : memref<10240x128xf32, #tpu.memory_space<vmem_shared>> -> memref<128x128xf32, #tpu.memory_space<vmem_shared>>
      tpu.enqueue_dma source(%arg10 : memref<128x128xf32, #tpu.memory_space<vmem>>) target(%dma_start3A_44 : memref<128x128xf32, #tpu.memory_space<vmem_shared>>) target_semaphore(%run_scoped3A : memref<!tpu.dma_semaphore, #tpu.memory_space<semaphore_mem>>)
      %dma_wait3A = arith.constant 0 : i32
      %dma_wait3A_45 = tpu.memref_slice %arg11[%add3A_17, %dma_wait3A] : memref<10240x128xf32, #tpu.memory_space<vmem_shared>> -> memref<128x128xf32, #tpu.memory_space<vmem_shared>>
      %dma_wait3A_46 = arith.constant 0 : i32
      %dma_wait3A_47 = tpu.memref_slice %arg11[%add3A_17, %dma_wait3A_46] : memref<10240x128xf32, #tpu.memory_space<vmem_shared>> -> memref<128x128xf32, #tpu.memory_space<vmem_shared>>
      tpu.wait_dma2 semaphore(%run_scoped3A : memref<!tpu.dma_semaphore, #tpu.memory_space<semaphore_mem>>) src(%arg10 : memref<128x128xf32, #tpu.memory_space<vmem>>) dst(%dma_wait3A_47 : memref<128x128xf32, #tpu.memory_space<vmem_shared>>)
      tpu.yield
    }) : () -> ()
    %mul3A_18 = arith.constant 640 : i32
    %mul3A_19 = arith.muli %arg1, %mul3A_18 : i32
    %add3A_20 = arith.constant 384 : i32
    %add3A_21 = arith.addi %mul3A_19, %add3A_20 : i32
    "tpu.region"() ({
      %run_scoped3A = tpu.sem_alloc : memref<!tpu.dma_semaphore, #tpu.memory_space<semaphore_mem>>
      %dma_start3A = arith.constant 0 : i32
      %dma_start3A_42 = tpu.memref_slice %arg11[%add3A_21, %dma_start3A] : memref<10240x128xf32, #tpu.memory_space<vmem_shared>> -> memref<128x128xf32, #tpu.memory_space<vmem_shared>>
      %dma_start3A_43 = arith.constant 0 : i32
      %dma_start3A_44 = tpu.memref_slice %arg11[%add3A_21, %dma_start3A_43] : memref<10240x128xf32, #tpu.memory_space<vmem_shared>> -> memref<128x128xf32, #tpu.memory_space<vmem_shared>>
      tpu.enqueue_dma source(%arg10 : memref<128x128xf32, #tpu.memory_space<vmem>>) target(%dma_start3A_44 : memref<128x128xf32, #tpu.memory_space<vmem_shared>>) target_semaphore(%run_scoped3A : memref<!tpu.dma_semaphore, #tpu.memory_space<semaphore_mem>>)
      %dma_wait3A = arith.constant 0 : i32
      %dma_wait3A_45 = tpu.memref_slice %arg11[%add3A_21, %dma_wait3A] : memref<10240x128xf32, #tpu.memory_space<vmem_shared>> -> memref<128x128xf32, #tpu.memory_space<vmem_shared>>
      %dma_wait3A_46 = arith.constant 0 : i32
      %dma_wait3A_47 = tpu.memref_slice %arg11[%add3A_21, %dma_wait3A_46] : memref<10240x128xf32, #tpu.memory_space<vmem_shared>> -> memref<128x128xf32, #tpu.memory_space<vmem_shared>>
      tpu.wait_dma2 semaphore(%run_scoped3A : memref<!tpu.dma_semaphore, #tpu.memory_space<semaphore_mem>>) src(%arg10 : memref<128x128xf32, #tpu.memory_space<vmem>>) dst(%dma_wait3A_47 : memref<128x128xf32, #tpu.memory_space<vmem_shared>>)
      tpu.yield
    }) : () -> ()
    %mul3A_22 = arith.constant 640 : i32
    %mul3A_23 = arith.muli %arg1, %mul3A_22 : i32
    %add3A_24 = arith.constant 512 : i32
    %add3A_25 = arith.addi %mul3A_23, %add3A_24 : i32
    "tpu.region"() ({
      %run_scoped3A = tpu.sem_alloc : memref<!tpu.dma_semaphore, #tpu.memory_space<semaphore_mem>>
      %dma_start3A = arith.constant 0 : i32
      %dma_start3A_42 = tpu.memref_slice %arg11[%add3A_25, %dma_start3A] : memref<10240x128xf32, #tpu.memory_space<vmem_shared>> -> memref<128x128xf32, #tpu.memory_space<vmem_shared>>
      %dma_start3A_43 = arith.constant 0 : i32
      %dma_start3A_44 = tpu.memref_slice %arg11[%add3A_25, %dma_start3A_43] : memref<10240x128xf32, #tpu.memory_space<vmem_shared>> -> memref<128x128xf32, #tpu.memory_space<vmem_shared>>
      tpu.enqueue_dma source(%arg10 : memref<128x128xf32, #tpu.memory_space<vmem>>) target(%dma_start3A_44 : memref<128x128xf32, #tpu.memory_space<vmem_shared>>) target_semaphore(%run_scoped3A : memref<!tpu.dma_semaphore, #tpu.memory_space<semaphore_mem>>)
      %dma_wait3A = arith.constant 0 : i32
      %dma_wait3A_45 = tpu.memref_slice %arg11[%add3A_25, %dma_wait3A] : memref<10240x128xf32, #tpu.memory_space<vmem_shared>> -> memref<128x128xf32, #tpu.memory_space<vmem_shared>>
      %dma_wait3A_46 = arith.constant 0 : i32
      %dma_wait3A_47 = tpu.memref_slice %arg11[%add3A_25, %dma_wait3A_46] : memref<10240x128xf32, #tpu.memory_space<vmem_shared>> -> memref<128x128xf32, #tpu.memory_space<vmem_shared>>
      tpu.wait_dma2 semaphore(%run_scoped3A : memref<!tpu.dma_semaphore, #tpu.memory_space<semaphore_mem>>) src(%arg10 : memref<128x128xf32, #tpu.memory_space<vmem>>) dst(%dma_wait3A_47 : memref<128x128xf32, #tpu.memory_space<vmem_shared>>)
      tpu.yield
    }) : () -> ()
    %barrier3A = arith.constant 0 : index
    tpu.barrier barrier_id(%barrier3A)
    %mul3A_26 = arith.constant 10112 : i32
    %mul3A_27 = arith.muli %add3A, %mul3A_26 : i32
    %scan3A_28 = arith.constant 0 : i32
    %scan3A_29 = arith.constant 0 : i32
    %scan3A_30 = arith.constant 79 : i32
    %scan3A_31 = arith.addi %scan3A_29, %scan3A_30 : i32
    %scan3A_32 = arith.constant 1 : i32
    scf.for %scan3A_42 = %scan3A_29 to %scan3A_31 step %scan3A_32  : i32 {
      %mul3A_43 = arith.constant 128 : i32
      %mul3A_44 = arith.muli %scan3A_42, %mul3A_43 : i32
      %add3A_45 = arith.addi %mul3A_27, %mul3A_44 : i32
      "tpu.region"() ({
        %run_scoped3A = tpu.sem_alloc : memref<!tpu.dma_semaphore, #tpu.memory_space<semaphore_mem>>
        %dma_start3A_56 = tpu.memref_slice %arg3[%add3A_45] : memref<323584xi32, #tpu.memory_space<hbm>> -> memref<128xi32, #tpu.memory_space<hbm>>
        %dma_start3A_57 = tpu.memref_slice %arg3[%add3A_45] : memref<323584xi32, #tpu.memory_space<hbm>> -> memref<128xi32, #tpu.memory_space<hbm>>
        tpu.enqueue_dma source(%dma_start3A_57 : memref<128xi32, #tpu.memory_space<hbm>>) target(%arg7 : memref<128xi32, #tpu.memory_space<vmem>>) target_semaphore(%run_scoped3A : memref<!tpu.dma_semaphore, #tpu.memory_space<semaphore_mem>>)
        %dma_wait3A_58 = tpu.memref_slice %arg3[%add3A_45] : memref<323584xi32, #tpu.memory_space<hbm>> -> memref<128xi32, #tpu.memory_space<hbm>>
        %dma_wait3A_59 = tpu.memref_slice %arg3[%add3A_45] : memref<323584xi32, #tpu.memory_space<hbm>> -> memref<128xi32, #tpu.memory_space<hbm>>
        tpu.wait_dma2 semaphore(%run_scoped3A : memref<!tpu.dma_semaphore, #tpu.memory_space<semaphore_mem>>) src(%dma_wait3A_59 : memref<128xi32, #tpu.memory_space<hbm>>) dst(%arg7 : memref<128xi32, #tpu.memory_space<vmem>>)
        tpu.yield
      }) : () -> ()
      "tpu.region"() ({
        %run_scoped3A = tpu.sem_alloc : memref<!tpu.dma_semaphore, #tpu.memory_space<semaphore_mem>>
        %dma_start3A_56 = tpu.memref_slice %arg4[%add3A_45] : memref<323584xi32, #tpu.memory_space<hbm>> -> memref<128xi32, #tpu.memory_space<hbm>>
        %dma_start3A_57 = tpu.memref_slice %arg4[%add3A_45] : memref<323584xi32, #tpu.memory_space<hbm>> -> memref<128xi32, #tpu.memory_space<hbm>>
        tpu.enqueue_dma source(%dma_start3A_57 : memref<128xi32, #tpu.memory_space<hbm>>) target(%arg8 : memref<128xi32, #tpu.memory_space<vmem>>) target_semaphore(%run_scoped3A : memref<!tpu.dma_semaphore, #tpu.memory_space<semaphore_mem>>)
        %dma_wait3A_58 = tpu.memref_slice %arg4[%add3A_45] : memref<323584xi32, #tpu.memory_space<hbm>> -> memref<128xi32, #tpu.memory_space<hbm>>
        %dma_wait3A_59 = tpu.memref_slice %arg4[%add3A_45] : memref<323584xi32, #tpu.memory_space<hbm>> -> memref<128xi32, #tpu.memory_space<hbm>>
        tpu.wait_dma2 semaphore(%run_scoped3A : memref<!tpu.dma_semaphore, #tpu.memory_space<semaphore_mem>>) src(%dma_wait3A_59 : memref<128xi32, #tpu.memory_space<hbm>>) dst(%arg8 : memref<128xi32, #tpu.memory_space<vmem>>)
        tpu.yield
      }) : () -> ()
      %dma_start3A = arith.constant 0 : i32
      %dma_start3A_46 = arith.constant 0 : i32
      %dma_start3A_47 = tpu.memref_slice %arg5[%dma_start3A, %dma_start3A_46] : memref<10000x128xf32, #tpu.memory_space<hbm>> -> memref<10000x128xf32, #tpu.memory_space<hbm>>
      tpu.enqueue_indirect_dma source(%dma_start3A_47 : memref<10000x128xf32, #tpu.memory_space<hbm>>) target(%arg9 : memref<128x128xf32, #tpu.memory_space<vmem>>) offsets(%arg7 : memref<128xi32, #tpu.memory_space<vmem>>) semaphore(%arg12 : memref<!tpu.dma_semaphore, #tpu.memory_space<semaphore_mem>>)
      %dma_wait3A = arith.constant 0 : i32
      %dma_wait3A_48 = arith.constant 0 : i32
      %dma_wait3A_49 = tpu.memref_slice %arg5[%dma_wait3A, %dma_wait3A_48] : memref<10000x128xf32, #tpu.memory_space<hbm>> -> memref<10000x128xf32, #tpu.memory_space<hbm>>
      tpu.wait_indirect_dma semaphore(%arg12 : memref<!tpu.dma_semaphore, #tpu.memory_space<semaphore_mem>>) src(%dma_wait3A_49 : memref<10000x128xf32, #tpu.memory_space<hbm>>) dst(%arg9 : memref<128x128xf32, #tpu.memory_space<vmem>>)
      "tpu.region"() ({
        %run_scoped3A = tpu.sem_alloc : memref<!tpu.dma_semaphore, #tpu.memory_space<semaphore_mem>>
        %dma_start3A_56 = arith.constant 0 : i32
        %dma_start3A_57 = tpu.memref_slice %arg2[%add3A_45, %dma_start3A_56] : memref<323584x128xf32, #tpu.memory_space<hbm>> -> memref<128x128xf32, #tpu.memory_space<hbm>>
        %dma_start3A_58 = arith.constant 0 : i32
        %dma_start3A_59 = tpu.memref_slice %arg2[%add3A_45, %dma_start3A_58] : memref<323584x128xf32, #tpu.memory_space<hbm>> -> memref<128x128xf32, #tpu.memory_space<hbm>>
        tpu.enqueue_dma source(%dma_start3A_59 : memref<128x128xf32, #tpu.memory_space<hbm>>) target(%arg10 : memref<128x128xf32, #tpu.memory_space<vmem>>) target_semaphore(%run_scoped3A : memref<!tpu.dma_semaphore, #tpu.memory_space<semaphore_mem>>)
        %dma_wait3A_60 = arith.constant 0 : i32
        %dma_wait3A_61 = tpu.memref_slice %arg2[%add3A_45, %dma_wait3A_60] : memref<323584x128xf32, #tpu.memory_space<hbm>> -> memref<128x128xf32, #tpu.memory_space<hbm>>
        %dma_wait3A_62 = arith.constant 0 : i32
        %dma_wait3A_63 = tpu.memref_slice %arg2[%add3A_45, %dma_wait3A_62] : memref<323584x128xf32, #tpu.memory_space<hbm>> -> memref<128x128xf32, #tpu.memory_space<hbm>>
        tpu.wait_dma2 semaphore(%run_scoped3A : memref<!tpu.dma_semaphore, #tpu.memory_space<semaphore_mem>>) src(%dma_wait3A_63 : memref<128x128xf32, #tpu.memory_space<hbm>>) dst(%arg10 : memref<128x128xf32, #tpu.memory_space<vmem>>)
        tpu.yield
      }) : () -> ()
      %scan3A_50 = arith.constant 0 : i32
      %scan3A_51 = arith.constant 0 : i32
      %scan3A_52 = arith.constant 128 : i32
      %scan3A_53 = arith.addi %scan3A_51, %scan3A_52 : i32
      %scan3A_54 = arith.constant 1 : i32
      scf.for %scan3A_56 = %scan3A_51 to %scan3A_53 step %scan3A_54  : i32 {
        %get3A = arith.index_cast %scan3A_56 : i32 to index
        %get3A_57 = arith.constant 0 : index
        %get3A_58 = tpu.vector_load %arg10[%get3A, %get3A_57] {strides = array<i32>} : memref<128x128xf32, #tpu.memory_space<vmem>>, vector<16xf32>,
        %get3A_59 = arith.index_cast %scan3A_56 : i32 to index
        %get3A_60 = arith.constant 0 : index
        %get3A_61 = tpu.vector_load %arg9[%get3A_59, %get3A_60] {strides = array<i32>} : memref<128x128xf32, #tpu.memory_space<vmem>>, vector<16xf32>,
        %mul3A_62 = arith.mulf %get3A_58, %get3A_61 : vector<16xf32>
        %swap3A = arith.index_cast %scan3A_56 : i32 to index
        %swap3A_63 = arith.constant 0 : index
        %swap3A_64 = tpu.vector_load %arg10[%swap3A, %swap3A_63] {strides = array<i32>} : memref<128x128xf32, #tpu.memory_space<vmem>>, vector<16xf32>,
        tpu.vector_store %arg10[%swap3A, %swap3A_63], %mul3A_62 {strides = array<i32>} : memref<128x128xf32, #tpu.memory_space<vmem>>, vector<16xf32>,
        %get3A_65 = arith.index_cast %scan3A_56 : i32 to index
        %get3A_66 = arith.constant 16 : index
        %get3A_67 = tpu.vector_load %arg10[%get3A_65, %get3A_66] {strides = array<i32>} : memref<128x128xf32, #tpu.memory_space<vmem>>, vector<16xf32>,
        %get3A_68 = arith.index_cast %scan3A_56 : i32 to index
        %get3A_69 = arith.constant 16 : index
        %get3A_70 = tpu.vector_load %arg9[%get3A_68, %get3A_69] {strides = array<i32>} : memref<128x128xf32, #tpu.memory_space<vmem>>, vector<16xf32>,
        %mul3A_71 = arith.mulf %get3A_67, %get3A_70 : vector<16xf32>
        %swap3A_72 = arith.index_cast %scan3A_56 : i32 to index
        %swap3A_73 = arith.constant 16 : index
        %swap3A_74 = tpu.vector_load %arg10[%swap3A_72, %swap3A_73] {strides = array<i32>} : memref<128x128xf32, #tpu.memory_space<vmem>>, vector<16xf32>,
        tpu.vector_store %arg10[%swap3A_72, %swap3A_73], %mul3A_71 {strides = array<i32>} : memref<128x128xf32, #tpu.memory_space<vmem>>, vector<16xf32>,
        %get3A_75 = arith.index_cast %scan3A_56 : i32 to index
        %get3A_76 = arith.constant 32 : index
        %get3A_77 = tpu.vector_load %arg10[%get3A_75, %get3A_76] {strides = array<i32>} : memref<128x128xf32, #tpu.memory_space<vmem>>, vector<16xf32>,
        %get3A_78 = arith.index_cast %scan3A_56 : i32 to index
        %get3A_79 = arith.constant 32 : index
        %get3A_80 = tpu.vector_load %arg9[%get3A_78, %get3A_79] {strides = array<i32>} : memref<128x128xf32, #tpu.memory_space<vmem>>, vector<16xf32>,
        %mul3A_81 = arith.mulf %get3A_77, %get3A_80 : vector<16xf32>
        %swap3A_82 = arith.index_cast %scan3A_56 : i32 to index
        %swap3A_83 = arith.constant 32 : index
        %swap3A_84 = tpu.vector_load %arg10[%swap3A_82, %swap3A_83] {strides = array<i32>} : memref<128x128xf32, #tpu.memory_space<vmem>>, vector<16xf32>,
        tpu.vector_store %arg10[%swap3A_82, %swap3A_83], %mul3A_81 {strides = array<i32>} : memref<128x128xf32, #tpu.memory_space<vmem>>, vector<16xf32>,
        %get3A_85 = arith.index_cast %scan3A_56 : i32 to index
        %get3A_86 = arith.constant 48 : index
        %get3A_87 = tpu.vector_load %arg10[%get3A_85, %get3A_86] {strides = array<i32>} : memref<128x128xf32, #tpu.memory_space<vmem>>, vector<16xf32>,
        %get3A_88 = arith.index_cast %scan3A_56 : i32 to index
        %get3A_89 = arith.constant 48 : index
        %get3A_90 = tpu.vector_load %arg9[%get3A_88, %get3A_89] {strides = array<i32>} : memref<128x128xf32, #tpu.memory_space<vmem>>, vector<16xf32>,
        %mul3A_91 = arith.mulf %get3A_87, %get3A_90 : vector<16xf32>
        %swap3A_92 = arith.index_cast %scan3A_56 : i32 to index
        %swap3A_93 = arith.constant 48 : index
        %swap3A_94 = tpu.vector_load %arg10[%swap3A_92, %swap3A_93] {strides = array<i32>} : memref<128x128xf32, #tpu.memory_space<vmem>>, vector<16xf32>,
        tpu.vector_store %arg10[%swap3A_92, %swap3A_93], %mul3A_91 {strides = array<i32>} : memref<128x128xf32, #tpu.memory_space<vmem>>, vector<16xf32>,
        %get3A_95 = arith.index_cast %scan3A_56 : i32 to index
        %get3A_96 = arith.constant 64 : index
        %get3A_97 = tpu.vector_load %arg10[%get3A_95, %get3A_96] {strides = array<i32>} : memref<128x128xf32, #tpu.memory_space<vmem>>, vector<16xf32>,
        %get3A_98 = arith.index_cast %scan3A_56 : i32 to index
        %get3A_99 = arith.constant 64 : index
        %get3A_100 = tpu.vector_load %arg9[%get3A_98, %get3A_99] {strides = array<i32>} : memref<128x128xf32, #tpu.memory_space<vmem>>, vector<16xf32>,
        %mul3A_101 = arith.mulf %get3A_97, %get3A_100 : vector<16xf32>
        %swap3A_102 = arith.index_cast %scan3A_56 : i32 to index
        %swap3A_103 = arith.constant 64 : index
        %swap3A_104 = tpu.vector_load %arg10[%swap3A_102, %swap3A_103] {strides = array<i32>} : memref<128x128xf32, #tpu.memory_space<vmem>>, vector<16xf32>,
        tpu.vector_store %arg10[%swap3A_102, %swap3A_103], %mul3A_101 {strides = array<i32>} : memref<128x128xf32, #tpu.memory_space<vmem>>, vector<16xf32>,
        %get3A_105 = arith.index_cast %scan3A_56 : i32 to index
        %get3A_106 = arith.constant 80 : index
        %get3A_107 = tpu.vector_load %arg10[%get3A_105, %get3A_106] {strides = array<i32>} : memref<128x128xf32, #tpu.memory_space<vmem>>, vector<16xf32>,
        %get3A_108 = arith.index_cast %scan3A_56 : i32 to index
        %get3A_109 = arith.constant 80 : index
        %get3A_110 = tpu.vector_load %arg9[%get3A_108, %get3A_109] {strides = array<i32>} : memref<128x128xf32, #tpu.memory_space<vmem>>, vector<16xf32>,
        %mul3A_111 = arith.mulf %get3A_107, %get3A_110 : vector<16xf32>
        %swap3A_112 = arith.index_cast %scan3A_56 : i32 to index
        %swap3A_113 = arith.constant 80 : index
        %swap3A_114 = tpu.vector_load %arg10[%swap3A_112, %swap3A_113] {strides = array<i32>} : memref<128x128xf32, #tpu.memory_space<vmem>>, vector<16xf32>,
        tpu.vector_store %arg10[%swap3A_112, %swap3A_113], %mul3A_111 {strides = array<i32>} : memref<128x128xf32, #tpu.memory_space<vmem>>, vector<16xf32>,
        %get3A_115 = arith.index_cast %scan3A_56 : i32 to index
        %get3A_116 = arith.constant 96 : index
        %get3A_117 = tpu.vector_load %arg10[%get3A_115, %get3A_116] {strides = array<i32>} : memref<128x128xf32, #tpu.memory_space<vmem>>, vector<16xf32>,
        %get3A_118 = arith.index_cast %scan3A_56 : i32 to index
        %get3A_119 = arith.constant 96 : index
        %get3A_120 = tpu.vector_load %arg9[%get3A_118, %get3A_119] {strides = array<i32>} : memref<128x128xf32, #tpu.memory_space<vmem>>, vector<16xf32>,
        %mul3A_121 = arith.mulf %get3A_117, %get3A_120 : vector<16xf32>
        %swap3A_122 = arith.index_cast %scan3A_56 : i32 to index
        %swap3A_123 = arith.constant 96 : index
        %swap3A_124 = tpu.vector_load %arg10[%swap3A_122, %swap3A_123] {strides = array<i32>} : memref<128x128xf32, #tpu.memory_space<vmem>>, vector<16xf32>,
        tpu.vector_store %arg10[%swap3A_122, %swap3A_123], %mul3A_121 {strides = array<i32>} : memref<128x128xf32, #tpu.memory_space<vmem>>, vector<16xf32>,
        %get3A_125 = arith.index_cast %scan3A_56 : i32 to index
        %get3A_126 = arith.constant 112 : index
        %get3A_127 = tpu.vector_load %arg10[%get3A_125, %get3A_126] {strides = array<i32>} : memref<128x128xf32, #tpu.memory_space<vmem>>, vector<16xf32>,
        %get3A_128 = arith.index_cast %scan3A_56 : i32 to index
        %get3A_129 = arith.constant 112 : index
        %get3A_130 = tpu.vector_load %arg9[%get3A_128, %get3A_129] {strides = array<i32>} : memref<128x128xf32, #tpu.memory_space<vmem>>, vector<16xf32>,
        %mul3A_131 = arith.mulf %get3A_127, %get3A_130 : vector<16xf32>
        %swap3A_132 = arith.index_cast %scan3A_56 : i32 to index
        %swap3A_133 = arith.constant 112 : index
        %swap3A_134 = tpu.vector_load %arg10[%swap3A_132, %swap3A_133] {strides = array<i32>} : memref<128x128xf32, #tpu.memory_space<vmem>>, vector<16xf32>,
        tpu.vector_store %arg10[%swap3A_132, %swap3A_133], %mul3A_131 {strides = array<i32>} : memref<128x128xf32, #tpu.memory_space<vmem>>, vector<16xf32>,
      }
      %scan3A_55 = arith.constant 128 : i32
      "tpu.region"() ({
        %run_scoped3A = tpu.sem_alloc : memref<!tpu.dma_semaphore, #tpu.memory_space<semaphore_mem>>
        %dma_start3A_56 = arith.constant 0 : i32
        %dma_start3A_57 = arith.constant 0 : i32
        %dma_start3A_58 = tpu.memref_slice %arg11[%dma_start3A_56, %dma_start3A_57] : memref<10240x128xf32, #tpu.memory_space<vmem_shared>> -> memref<10240x128xf32, #tpu.memory_space<vmem_shared>>
        tpu.enqueue_indirect_dma source(%arg10 : memref<128x128xf32, #tpu.memory_space<vmem>>) target(%dma_start3A_58 : memref<10240x128xf32, #tpu.memory_space<vmem_shared>>) offsets(%arg8 : memref<128xi32, #tpu.memory_space<vmem>>) semaphore(%run_scoped3A : memref<!tpu.dma_semaphore, #tpu.memory_space<semaphore_mem>>) {add = true}
        %dma_wait3A_59 = arith.constant 0 : i32
        %dma_wait3A_60 = arith.constant 0 : i32
        %dma_wait3A_61 = tpu.memref_slice %arg11[%dma_wait3A_59, %dma_wait3A_60] : memref<10240x128xf32, #tpu.memory_space<vmem_shared>> -> memref<10240x128xf32, #tpu.memory_space<vmem_shared>>
        tpu.wait_indirect_dma semaphore(%run_scoped3A : memref<!tpu.dma_semaphore, #tpu.memory_space<semaphore_mem>>) src(%arg10 : memref<128x128xf32, #tpu.memory_space<vmem>>) dst(%dma_wait3A_61 : memref<10240x128xf32, #tpu.memory_space<vmem_shared>>)
        tpu.yield
      }) : () -> ()
    }
    %scan3A_33 = arith.constant 79 : i32
    %barrier3A_34 = arith.constant 0 : index
    tpu.barrier barrier_id(%barrier3A_34)
    %mul3A_35 = arith.constant 640 : i32
    %mul3A_36 = arith.muli %arg1, %mul3A_35 : i32
    %mul3A_37 = arith.constant 10240 : i32
    %mul3A_38 = arith.muli %arg0, %mul3A_37 : i32
    %mul3A_39 = arith.constant 640 : i32
    %mul3A_40 = arith.muli %arg1, %mul3A_39 : i32
    %add3A_41 = arith.addi %mul3A_38, %mul3A_40 : i32
    "tpu.region"() ({
      %run_scoped3A = tpu.sem_alloc : memref<!tpu.dma_semaphore, #tpu.memory_space<semaphore_mem>>
      %dma_start3A = arith.constant 0 : i32
      %dma_start3A_42 = tpu.memref_slice %arg6[%add3A_41, %dma_start3A] : memref<20480x128xf32, #tpu.memory_space<hbm>> -> memref<640x128xf32, #tpu.memory_space<hbm>>
      %dma_start3A_43 = arith.constant 0 : i32
      %dma_start3A_44 = tpu.memref_slice %arg11[%mul3A_36, %dma_start3A_43] : memref<10240x128xf32, #tpu.memory_space<vmem_shared>> -> memref<640x128xf32, #tpu.memory_space<vmem_shared>>
      tpu.enqueue_dma source(%dma_start3A_44 : memref<640x128xf32, #tpu.memory_space<vmem_shared>>) target(%dma_start3A_42 : memref<640x128xf32, #tpu.memory_space<hbm>>) target_semaphore(%run_scoped3A : memref<!tpu.dma_semaphore, #tpu.memory_space<semaphore_mem>>)
      %dma_wait3A = arith.constant 0 : i32
      %dma_wait3A_45 = tpu.memref_slice %arg6[%add3A_41, %dma_wait3A] : memref<20480x128xf32, #tpu.memory_space<hbm>> -> memref<640x128xf32, #tpu.memory_space<hbm>>
      %dma_wait3A_46 = arith.constant 0 : i32
      %dma_wait3A_47 = tpu.memref_slice %arg11[%mul3A_36, %dma_wait3A_46] : memref<10240x128xf32, #tpu.memory_space<vmem_shared>> -> memref<640x128xf32, #tpu.memory_space<vmem_shared>>
      tpu.wait_dma2 semaphore(%run_scoped3A : memref<!tpu.dma_semaphore, #tpu.memory_space<semaphore_mem>>) src(%dma_wait3A_47 : memref<640x128xf32, #tpu.memory_space<vmem_shared>>) dst(%dma_wait3A_45 : memref<640x128xf32, #tpu.memory_space<hbm>>)
      tpu.yield
    }) : () -> ()
    return
  }
}

#map = affine_map<(d0, d1) -> (0, 0)>
#map1 = affine_map<(d0, d1) -> (0)>
module attributes {stable_mosaic.version = 14 : i64} {
  func.func @edge_kernel(%arg0: i32, %arg1: i32, %arg2: memref<323584x128xf32, #tpu.memory_space<hbm>>, %arg3: memref<323584xi32, #tpu.memory_space<hbm>>, %arg4: memref<323584xi32, #tpu.memory_space<hbm>>, %arg5: memref<10000x128xf32, #tpu.memory_space<hbm>>, %arg6: memref<20480x128xf32, #tpu.memory_space<hbm>>, %arg7: memref<128xi32, #tpu.memory_space<vmem>>, %arg8: memref<128xi32, #tpu.memory_space<vmem>>, %arg9: memref<128x128xf32, #tpu.memory_space<vmem>>, %arg10: memref<128x128xf32, #tpu.memory_space<vmem>>, %arg11: memref<10240x128xf32, #tpu.memory_space<vmem_shared>>, %arg12: memref<!tpu.dma_semaphore, #tpu.memory_space<semaphore_mem>>) attributes {dimension_semantics = [#tpu.dimension_semantics<core_parallel>, #tpu.dimension_semantics<subcore_parallel>], iteration_bounds = array<i64: 2, 16>, scalar_prefetch = 0 : i64, scratch_operands = 6 : i64, tpu.core_type = #tpu.core_type<sc_vector_subcore>, window_params = [{transform_indices = #map}, {transform_indices = #map1}, {transform_indices = #map1}, {transform_indices = #map}, {transform_indices = #map}]} {
    %mul3A = arith.constant 16 : i32
    %mul3A_0 = arith.muli %arg0, %mul3A : i32
    %add3A = arith.addi %mul3A_0, %arg1 : i32
    %scan3A = arith.constant 0 : i32
    %scan3A_1 = arith.constant 0 : i32
    %scan3A_2 = arith.constant 128 : i32
    %scan3A_3 = arith.addi %scan3A_1, %scan3A_2 : i32
    %scan3A_4 = arith.constant 1 : i32
    scf.for %scan3A_42 = %scan3A_1 to %scan3A_3 step %scan3A_4  : i32 {
      %broadcast_in_dim3A = arith.constant 0.000000e+00 : f32
      %broadcast_in_dim3A_43 = vector.broadcast %broadcast_in_dim3A : f32 to vector<16xf32>
      %swap3A = arith.index_cast %scan3A_42 : i32 to index
      %swap3A_44 = arith.constant 0 : index
      %swap3A_45 = tpu.vector_load %arg10[%swap3A, %swap3A_44] {strides = array<i32>} : memref<128x128xf32, #tpu.memory_space<vmem>>, vector<16xf32>,
      tpu.vector_store %arg10[%swap3A, %swap3A_44], %broadcast_in_dim3A_43 {strides = array<i32>} : memref<128x128xf32, #tpu.memory_space<vmem>>, vector<16xf32>,
      %broadcast_in_dim3A_46 = arith.constant 0.000000e+00 : f32
      %broadcast_in_dim3A_47 = vector.broadcast %broadcast_in_dim3A_46 : f32 to vector<16xf32>
      %swap3A_48 = arith.index_cast %scan3A_42 : i32 to index
      %swap3A_49 = arith.constant 16 : index
      %swap3A_50 = tpu.vector_load %arg10[%swap3A_48, %swap3A_49] {strides = array<i32>} : memref<128x128xf32, #tpu.memory_space<vmem>>, vector<16xf32>,
      tpu.vector_store %arg10[%swap3A_48, %swap3A_49], %broadcast_in_dim3A_47 {strides = array<i32>} : memref<128x128xf32, #tpu.memory_space<vmem>>, vector<16xf32>,
      %broadcast_in_dim3A_51 = arith.constant 0.000000e+00 : f32
      %broadcast_in_dim3A_52 = vector.broadcast %broadcast_in_dim3A_51 : f32 to vector<16xf32>
      %swap3A_53 = arith.index_cast %scan3A_42 : i32 to index
      %swap3A_54 = arith.constant 32 : index
      %swap3A_55 = tpu.vector_load %arg10[%swap3A_53, %swap3A_54] {strides = array<i32>} : memref<128x128xf32, #tpu.memory_space<vmem>>, vector<16xf32>,
      tpu.vector_store %arg10[%swap3A_53, %swap3A_54], %broadcast_in_dim3A_52 {strides = array<i32>} : memref<128x128xf32, #tpu.memory_space<vmem>>, vector<16xf32>,
      %broadcast_in_dim3A_56 = arith.constant 0.000000e+00 : f32
      %broadcast_in_dim3A_57 = vector.broadcast %broadcast_in_dim3A_56 : f32 to vector<16xf32>
      %swap3A_58 = arith.index_cast %scan3A_42 : i32 to index
      %swap3A_59 = arith.constant 48 : index
      %swap3A_60 = tpu.vector_load %arg10[%swap3A_58, %swap3A_59] {strides = array<i32>} : memref<128x128xf32, #tpu.memory_space<vmem>>, vector<16xf32>,
      tpu.vector_store %arg10[%swap3A_58, %swap3A_59], %broadcast_in_dim3A_57 {strides = array<i32>} : memref<128x128xf32, #tpu.memory_space<vmem>>, vector<16xf32>,
      %broadcast_in_dim3A_61 = arith.constant 0.000000e+00 : f32
      %broadcast_in_dim3A_62 = vector.broadcast %broadcast_in_dim3A_61 : f32 to vector<16xf32>
      %swap3A_63 = arith.index_cast %scan3A_42 : i32 to index
      %swap3A_64 = arith.constant 64 : index
      %swap3A_65 = tpu.vector_load %arg10[%swap3A_63, %swap3A_64] {strides = array<i32>} : memref<128x128xf32, #tpu.memory_space<vmem>>, vector<16xf32>,
      tpu.vector_store %arg10[%swap3A_63, %swap3A_64], %broadcast_in_dim3A_62 {strides = array<i32>} : memref<128x128xf32, #tpu.memory_space<vmem>>, vector<16xf32>,
      %broadcast_in_dim3A_66 = arith.constant 0.000000e+00 : f32
      %broadcast_in_dim3A_67 = vector.broadcast %broadcast_in_dim3A_66 : f32 to vector<16xf32>
      %swap3A_68 = arith.index_cast %scan3A_42 : i32 to index
      %swap3A_69 = arith.constant 80 : index
      %swap3A_70 = tpu.vector_load %arg10[%swap3A_68, %swap3A_69] {strides = array<i32>} : memref<128x128xf32, #tpu.memory_space<vmem>>, vector<16xf32>,
      tpu.vector_store %arg10[%swap3A_68, %swap3A_69], %broadcast_in_dim3A_67 {strides = array<i32>} : memref<128x128xf32, #tpu.memory_space<vmem>>, vector<16xf32>,
      %broadcast_in_dim3A_71 = arith.constant 0.000000e+00 : f32
      %broadcast_in_dim3A_72 = vector.broadcast %broadcast_in_dim3A_71 : f32 to vector<16xf32>
      %swap3A_73 = arith.index_cast %scan3A_42 : i32 to index
      %swap3A_74 = arith.constant 96 : index
      %swap3A_75 = tpu.vector_load %arg10[%swap3A_73, %swap3A_74] {strides = array<i32>} : memref<128x128xf32, #tpu.memory_space<vmem>>, vector<16xf32>,
      tpu.vector_store %arg10[%swap3A_73, %swap3A_74], %broadcast_in_dim3A_72 {strides = array<i32>} : memref<128x128xf32, #tpu.memory_space<vmem>>, vector<16xf32>,
      %broadcast_in_dim3A_76 = arith.constant 0.000000e+00 : f32
      %broadcast_in_dim3A_77 = vector.broadcast %broadcast_in_dim3A_76 : f32 to vector<16xf32>
      %swap3A_78 = arith.index_cast %scan3A_42 : i32 to index
      %swap3A_79 = arith.constant 112 : index
      %swap3A_80 = tpu.vector_load %arg10[%swap3A_78, %swap3A_79] {strides = array<i32>} : memref<128x128xf32, #tpu.memory_space<vmem>>, vector<16xf32>,
      tpu.vector_store %arg10[%swap3A_78, %swap3A_79], %broadcast_in_dim3A_77 {strides = array<i32>} : memref<128x128xf32, #tpu.memory_space<vmem>>, vector<16xf32>,
    }
    %scan3A_5 = arith.constant 128 : i32
    %mul3A_6 = arith.constant 640 : i32
    %mul3A_7 = arith.muli %arg1, %mul3A_6 : i32
    %add3A_8 = arith.constant 0 : i32
    %add3A_9 = arith.addi %mul3A_7, %add3A_8 : i32
    "tpu.region"() ({
      %run_scoped3A = tpu.sem_alloc : memref<!tpu.dma_semaphore, #tpu.memory_space<semaphore_mem>>
      %dma_start3A = arith.constant 0 : i32
      %dma_start3A_42 = tpu.memref_slice %arg11[%add3A_9, %dma_start3A] : memref<10240x128xf32, #tpu.memory_space<vmem_shared>> -> memref<128x128xf32, #tpu.memory_space<vmem_shared>>
      %dma_start3A_43 = arith.constant 0 : i32
      %dma_start3A_44 = tpu.memref_slice %arg11[%add3A_9, %dma_start3A_43] : memref<10240x128xf32, #tpu.memory_space<vmem_shared>> -> memref<128x128xf32, #tpu.memory_space<vmem_shared>>
      tpu.enqueue_dma source(%arg10 : memref<128x128xf32, #tpu.memory_space<vmem>>) target(%dma_start3A_44 : memref<128x128xf32, #tpu.memory_space<vmem_shared>>) target_semaphore(%run_scoped3A : memref<!tpu.dma_semaphore, #tpu.memory_space<semaphore_mem>>)
      %dma_wait3A = arith.constant 0 : i32
      %dma_wait3A_45 = tpu.memref_slice %arg11[%add3A_9, %dma_wait3A] : memref<10240x128xf32, #tpu.memory_space<vmem_shared>> -> memref<128x128xf32, #tpu.memory_space<vmem_shared>>
      %dma_wait3A_46 = arith.constant 0 : i32
      %dma_wait3A_47 = tpu.memref_slice %arg11[%add3A_9, %dma_wait3A_46] : memref<10240x128xf32, #tpu.memory_space<vmem_shared>> -> memref<128x128xf32, #tpu.memory_space<vmem_shared>>
      tpu.wait_dma2 semaphore(%run_scoped3A : memref<!tpu.dma_semaphore, #tpu.memory_space<semaphore_mem>>) src(%arg10 : memref<128x128xf32, #tpu.memory_space<vmem>>) dst(%dma_wait3A_47 : memref<128x128xf32, #tpu.memory_space<vmem_shared>>)
      tpu.yield
    }) : () -> ()
    %mul3A_10 = arith.constant 640 : i32
    %mul3A_11 = arith.muli %arg1, %mul3A_10 : i32
    %add3A_12 = arith.constant 128 : i32
    %add3A_13 = arith.addi %mul3A_11, %add3A_12 : i32
    "tpu.region"() ({
      %run_scoped3A = tpu.sem_alloc : memref<!tpu.dma_semaphore, #tpu.memory_space<semaphore_mem>>
      %dma_start3A = arith.constant 0 : i32
      %dma_start3A_42 = tpu.memref_slice %arg11[%add3A_13, %dma_start3A] : memref<10240x128xf32, #tpu.memory_space<vmem_shared>> -> memref<128x128xf32, #tpu.memory_space<vmem_shared>>
      %dma_start3A_43 = arith.constant 0 : i32
      %dma_start3A_44 = tpu.memref_slice %arg11[%add3A_13, %dma_start3A_43] : memref<10240x128xf32, #tpu.memory_space<vmem_shared>> -> memref<128x128xf32, #tpu.memory_space<vmem_shared>>
      tpu.enqueue_dma source(%arg10 : memref<128x128xf32, #tpu.memory_space<vmem>>) target(%dma_start3A_44 : memref<128x128xf32, #tpu.memory_space<vmem_shared>>) target_semaphore(%run_scoped3A : memref<!tpu.dma_semaphore, #tpu.memory_space<semaphore_mem>>)
      %dma_wait3A = arith.constant 0 : i32
      %dma_wait3A_45 = tpu.memref_slice %arg11[%add3A_13, %dma_wait3A] : memref<10240x128xf32, #tpu.memory_space<vmem_shared>> -> memref<128x128xf32, #tpu.memory_space<vmem_shared>>
      %dma_wait3A_46 = arith.constant 0 : i32
      %dma_wait3A_47 = tpu.memref_slice %arg11[%add3A_13, %dma_wait3A_46] : memref<10240x128xf32, #tpu.memory_space<vmem_shared>> -> memref<128x128xf32, #tpu.memory_space<vmem_shared>>
      tpu.wait_dma2 semaphore(%run_scoped3A : memref<!tpu.dma_semaphore, #tpu.memory_space<semaphore_mem>>) src(%arg10 : memref<128x128xf32, #tpu.memory_space<vmem>>) dst(%dma_wait3A_47 : memref<128x128xf32, #tpu.memory_space<vmem_shared>>)
      tpu.yield
    }) : () -> ()
    %mul3A_14 = arith.constant 640 : i32
    %mul3A_15 = arith.muli %arg1, %mul3A_14 : i32
    %add3A_16 = arith.constant 256 : i32
    %add3A_17 = arith.addi %mul3A_15, %add3A_16 : i32
    "tpu.region"() ({
      %run_scoped3A = tpu.sem_alloc : memref<!tpu.dma_semaphore, #tpu.memory_space<semaphore_mem>>
      %dma_start3A = arith.constant 0 : i32
      %dma_start3A_42 = tpu.memref_slice %arg11[%add3A_17, %dma_start3A] : memref<10240x128xf32, #tpu.memory_space<vmem_shared>> -> memref<128x128xf32, #tpu.memory_space<vmem_shared>>
      %dma_start3A_43 = arith.constant 0 : i32
      %dma_start3A_44 = tpu.memref_slice %arg11[%add3A_17, %dma_start3A_43] : memref<10240x128xf32, #tpu.memory_space<vmem_shared>> -> memref<128x128xf32, #tpu.memory_space<vmem_shared>>
      tpu.enqueue_dma source(%arg10 : memref<128x128xf32, #tpu.memory_space<vmem>>) target(%dma_start3A_44 : memref<128x128xf32, #tpu.memory_space<vmem_shared>>) target_semaphore(%run_scoped3A : memref<!tpu.dma_semaphore, #tpu.memory_space<semaphore_mem>>)
      %dma_wait3A = arith.constant 0 : i32
      %dma_wait3A_45 = tpu.memref_slice %arg11[%add3A_17, %dma_wait3A] : memref<10240x128xf32, #tpu.memory_space<vmem_shared>> -> memref<128x128xf32, #tpu.memory_space<vmem_shared>>
      %dma_wait3A_46 = arith.constant 0 : i32
      %dma_wait3A_47 = tpu.memref_slice %arg11[%add3A_17, %dma_wait3A_46] : memref<10240x128xf32, #tpu.memory_space<vmem_shared>> -> memref<128x128xf32, #tpu.memory_space<vmem_shared>>
      tpu.wait_dma2 semaphore(%run_scoped3A : memref<!tpu.dma_semaphore, #tpu.memory_space<semaphore_mem>>) src(%arg10 : memref<128x128xf32, #tpu.memory_space<vmem>>) dst(%dma_wait3A_47 : memref<128x128xf32, #tpu.memory_space<vmem_shared>>)
      tpu.yield
    }) : () -> ()
    %mul3A_18 = arith.constant 640 : i32
    %mul3A_19 = arith.muli %arg1, %mul3A_18 : i32
    %add3A_20 = arith.constant 384 : i32
    %add3A_21 = arith.addi %mul3A_19, %add3A_20 : i32
    "tpu.region"() ({
      %run_scoped3A = tpu.sem_alloc : memref<!tpu.dma_semaphore, #tpu.memory_space<semaphore_mem>>
      %dma_start3A = arith.constant 0 : i32
      %dma_start3A_42 = tpu.memref_slice %arg11[%add3A_21, %dma_start3A] : memref<10240x128xf32, #tpu.memory_space<vmem_shared>> -> memref<128x128xf32, #tpu.memory_space<vmem_shared>>
      %dma_start3A_43 = arith.constant 0 : i32
      %dma_start3A_44 = tpu.memref_slice %arg11[%add3A_21, %dma_start3A_43] : memref<10240x128xf32, #tpu.memory_space<vmem_shared>> -> memref<128x128xf32, #tpu.memory_space<vmem_shared>>
      tpu.enqueue_dma source(%arg10 : memref<128x128xf32, #tpu.memory_space<vmem>>) target(%dma_start3A_44 : memref<128x128xf32, #tpu.memory_space<vmem_shared>>) target_semaphore(%run_scoped3A : memref<!tpu.dma_semaphore, #tpu.memory_space<semaphore_mem>>)
      %dma_wait3A = arith.constant 0 : i32
      %dma_wait3A_45 = tpu.memref_slice %arg11[%add3A_21, %dma_wait3A] : memref<10240x128xf32, #tpu.memory_space<vmem_shared>> -> memref<128x128xf32, #tpu.memory_space<vmem_shared>>
      %dma_wait3A_46 = arith.constant 0 : i32
      %dma_wait3A_47 = tpu.memref_slice %arg11[%add3A_21, %dma_wait3A_46] : memref<10240x128xf32, #tpu.memory_space<vmem_shared>> -> memref<128x128xf32, #tpu.memory_space<vmem_shared>>
      tpu.wait_dma2 semaphore(%run_scoped3A : memref<!tpu.dma_semaphore, #tpu.memory_space<semaphore_mem>>) src(%arg10 : memref<128x128xf32, #tpu.memory_space<vmem>>) dst(%dma_wait3A_47 : memref<128x128xf32, #tpu.memory_space<vmem_shared>>)
      tpu.yield
    }) : () -> ()
    %mul3A_22 = arith.constant 640 : i32
    %mul3A_23 = arith.muli %arg1, %mul3A_22 : i32
    %add3A_24 = arith.constant 512 : i32
    %add3A_25 = arith.addi %mul3A_23, %add3A_24 : i32
    "tpu.region"() ({
      %run_scoped3A = tpu.sem_alloc : memref<!tpu.dma_semaphore, #tpu.memory_space<semaphore_mem>>
      %dma_start3A = arith.constant 0 : i32
      %dma_start3A_42 = tpu.memref_slice %arg11[%add3A_25, %dma_start3A] : memref<10240x128xf32, #tpu.memory_space<vmem_shared>> -> memref<128x128xf32, #tpu.memory_space<vmem_shared>>
      %dma_start3A_43 = arith.constant 0 : i32
      %dma_start3A_44 = tpu.memref_slice %arg11[%add3A_25, %dma_start3A_43] : memref<10240x128xf32, #tpu.memory_space<vmem_shared>> -> memref<128x128xf32, #tpu.memory_space<vmem_shared>>
      tpu.enqueue_dma source(%arg10 : memref<128x128xf32, #tpu.memory_space<vmem>>) target(%dma_start3A_44 : memref<128x128xf32, #tpu.memory_space<vmem_shared>>) target_semaphore(%run_scoped3A : memref<!tpu.dma_semaphore, #tpu.memory_space<semaphore_mem>>)
      %dma_wait3A = arith.constant 0 : i32
      %dma_wait3A_45 = tpu.memref_slice %arg11[%add3A_25, %dma_wait3A] : memref<10240x128xf32, #tpu.memory_space<vmem_shared>> -> memref<128x128xf32, #tpu.memory_space<vmem_shared>>
      %dma_wait3A_46 = arith.constant 0 : i32
      %dma_wait3A_47 = tpu.memref_slice %arg11[%add3A_25, %dma_wait3A_46] : memref<10240x128xf32, #tpu.memory_space<vmem_shared>> -> memref<128x128xf32, #tpu.memory_space<vmem_shared>>
      tpu.wait_dma2 semaphore(%run_scoped3A : memref<!tpu.dma_semaphore, #tpu.memory_space<semaphore_mem>>) src(%arg10 : memref<128x128xf32, #tpu.memory_space<vmem>>) dst(%dma_wait3A_47 : memref<128x128xf32, #tpu.memory_space<vmem_shared>>)
      tpu.yield
    }) : () -> ()
    %barrier3A = arith.constant 0 : index
    tpu.barrier barrier_id(%barrier3A)
    %mul3A_26 = arith.constant 10112 : i32
    %mul3A_27 = arith.muli %add3A, %mul3A_26 : i32
    %scan3A_28 = arith.constant 0 : i32
    %scan3A_29 = arith.constant 0 : i32
    %scan3A_30 = arith.constant 79 : i32
    %scan3A_31 = arith.addi %scan3A_29, %scan3A_30 : i32
    %scan3A_32 = arith.constant 1 : i32
    scf.for %scan3A_42 = %scan3A_29 to %scan3A_31 step %scan3A_32  : i32 {
      %mul3A_43 = arith.constant 128 : i32
      %mul3A_44 = arith.muli %scan3A_42, %mul3A_43 : i32
      %add3A_45 = arith.addi %mul3A_27, %mul3A_44 : i32
      "tpu.region"() ({
        %run_scoped3A = tpu.sem_alloc : memref<!tpu.dma_semaphore, #tpu.memory_space<semaphore_mem>>
        %dma_start3A_56 = tpu.memref_slice %arg3[%add3A_45] : memref<323584xi32, #tpu.memory_space<hbm>> -> memref<128xi32, #tpu.memory_space<hbm>>
        %dma_start3A_57 = tpu.memref_slice %arg3[%add3A_45] : memref<323584xi32, #tpu.memory_space<hbm>> -> memref<128xi32, #tpu.memory_space<hbm>>
        tpu.enqueue_dma source(%dma_start3A_57 : memref<128xi32, #tpu.memory_space<hbm>>) target(%arg7 : memref<128xi32, #tpu.memory_space<vmem>>) target_semaphore(%run_scoped3A : memref<!tpu.dma_semaphore, #tpu.memory_space<semaphore_mem>>)
        %dma_wait3A_58 = tpu.memref_slice %arg3[%add3A_45] : memref<323584xi32, #tpu.memory_space<hbm>> -> memref<128xi32, #tpu.memory_space<hbm>>
        %dma_wait3A_59 = tpu.memref_slice %arg3[%add3A_45] : memref<323584xi32, #tpu.memory_space<hbm>> -> memref<128xi32, #tpu.memory_space<hbm>>
        tpu.wait_dma2 semaphore(%run_scoped3A : memref<!tpu.dma_semaphore, #tpu.memory_space<semaphore_mem>>) src(%dma_wait3A_59 : memref<128xi32, #tpu.memory_space<hbm>>) dst(%arg7 : memref<128xi32, #tpu.memory_space<vmem>>)
        tpu.yield
      }) : () -> ()
      "tpu.region"() ({
        %run_scoped3A = tpu.sem_alloc : memref<!tpu.dma_semaphore, #tpu.memory_space<semaphore_mem>>
        %dma_start3A_56 = tpu.memref_slice %arg4[%add3A_45] : memref<323584xi32, #tpu.memory_space<hbm>> -> memref<128xi32, #tpu.memory_space<hbm>>
        %dma_start3A_57 = tpu.memref_slice %arg4[%add3A_45] : memref<323584xi32, #tpu.memory_space<hbm>> -> memref<128xi32, #tpu.memory_space<hbm>>
        tpu.enqueue_dma source(%dma_start3A_57 : memref<128xi32, #tpu.memory_space<hbm>>) target(%arg8 : memref<128xi32, #tpu.memory_space<vmem>>) target_semaphore(%run_scoped3A : memref<!tpu.dma_semaphore, #tpu.memory_space<semaphore_mem>>)
        %dma_wait3A_58 = tpu.memref_slice %arg4[%add3A_45] : memref<323584xi32, #tpu.memory_space<hbm>> -> memref<128xi32, #tpu.memory_space<hbm>>
        %dma_wait3A_59 = tpu.memref_slice %arg4[%add3A_45] : memref<323584xi32, #tpu.memory_space<hbm>> -> memref<128xi32, #tpu.memory_space<hbm>>
        tpu.wait_dma2 semaphore(%run_scoped3A : memref<!tpu.dma_semaphore, #tpu.memory_space<semaphore_mem>>) src(%dma_wait3A_59 : memref<128xi32, #tpu.memory_space<hbm>>) dst(%arg8 : memref<128xi32, #tpu.memory_space<vmem>>)
        tpu.yield
      }) : () -> ()
      %dma_start3A = arith.constant 0 : i32
      %dma_start3A_46 = arith.constant 0 : i32
      %dma_start3A_47 = tpu.memref_slice %arg5[%dma_start3A, %dma_start3A_46] : memref<10000x128xf32, #tpu.memory_space<hbm>> -> memref<10000x128xf32, #tpu.memory_space<hbm>>
      tpu.enqueue_indirect_dma source(%dma_start3A_47 : memref<10000x128xf32, #tpu.memory_space<hbm>>) target(%arg9 : memref<128x128xf32, #tpu.memory_space<vmem>>) offsets(%arg7 : memref<128xi32, #tpu.memory_space<vmem>>) semaphore(%arg12 : memref<!tpu.dma_semaphore, #tpu.memory_space<semaphore_mem>>)
      %dma_wait3A = arith.constant 0 : i32
      %dma_wait3A_48 = arith.constant 0 : i32
      %dma_wait3A_49 = tpu.memref_slice %arg5[%dma_wait3A, %dma_wait3A_48] : memref<10000x128xf32, #tpu.memory_space<hbm>> -> memref<10000x128xf32, #tpu.memory_space<hbm>>
      tpu.wait_indirect_dma semaphore(%arg12 : memref<!tpu.dma_semaphore, #tpu.memory_space<semaphore_mem>>) src(%dma_wait3A_49 : memref<10000x128xf32, #tpu.memory_space<hbm>>) dst(%arg9 : memref<128x128xf32, #tpu.memory_space<vmem>>)
      "tpu.region"() ({
        %run_scoped3A = tpu.sem_alloc : memref<!tpu.dma_semaphore, #tpu.memory_space<semaphore_mem>>
        %dma_start3A_56 = arith.constant 0 : i32
        %dma_start3A_57 = tpu.memref_slice %arg2[%add3A_45, %dma_start3A_56] : memref<323584x128xf32, #tpu.memory_space<hbm>> -> memref<128x128xf32, #tpu.memory_space<hbm>>
        %dma_start3A_58 = arith.constant 0 : i32
        %dma_start3A_59 = tpu.memref_slice %arg2[%add3A_45, %dma_start3A_58] : memref<323584x128xf32, #tpu.memory_space<hbm>> -> memref<128x128xf32, #tpu.memory_space<hbm>>
        tpu.enqueue_dma source(%dma_start3A_59 : memref<128x128xf32, #tpu.memory_space<hbm>>) target(%arg10 : memref<128x128xf32, #tpu.memory_space<vmem>>) target_semaphore(%run_scoped3A : memref<!tpu.dma_semaphore, #tpu.memory_space<semaphore_mem>>)
        %dma_wait3A_60 = arith.constant 0 : i32
        %dma_wait3A_61 = tpu.memref_slice %arg2[%add3A_45, %dma_wait3A_60] : memref<323584x128xf32, #tpu.memory_space<hbm>> -> memref<128x128xf32, #tpu.memory_space<hbm>>
        %dma_wait3A_62 = arith.constant 0 : i32
        %dma_wait3A_63 = tpu.memref_slice %arg2[%add3A_45, %dma_wait3A_62] : memref<323584x128xf32, #tpu.memory_space<hbm>> -> memref<128x128xf32, #tpu.memory_space<hbm>>
        tpu.wait_dma2 semaphore(%run_scoped3A : memref<!tpu.dma_semaphore, #tpu.memory_space<semaphore_mem>>) src(%dma_wait3A_63 : memref<128x128xf32, #tpu.memory_space<hbm>>) dst(%arg10 : memref<128x128xf32, #tpu.memory_space<vmem>>)
        tpu.yield
      }) : () -> ()
      %scan3A_50 = arith.constant 0 : i32
      %scan3A_51 = arith.constant 0 : i32
      %scan3A_52 = arith.constant 128 : i32
      %scan3A_53 = arith.addi %scan3A_51, %scan3A_52 : i32
      %scan3A_54 = arith.constant 1 : i32
      scf.for %scan3A_56 = %scan3A_51 to %scan3A_53 step %scan3A_54  : i32 {
        %get3A = arith.index_cast %scan3A_56 : i32 to index
        %get3A_57 = arith.constant 0 : index
        %get3A_58 = tpu.vector_load %arg10[%get3A, %get3A_57] {strides = array<i32>} : memref<128x128xf32, #tpu.memory_space<vmem>>, vector<16xf32>,
        %get3A_59 = arith.index_cast %scan3A_56 : i32 to index
        %get3A_60 = arith.constant 0 : index
        %get3A_61 = tpu.vector_load %arg9[%get3A_59, %get3A_60] {strides = array<i32>} : memref<128x128xf32, #tpu.memory_space<vmem>>, vector<16xf32>,
        %mul3A_62 = arith.mulf %get3A_58, %get3A_61 : vector<16xf32>
        %swap3A = arith.index_cast %scan3A_56 : i32 to index
        %swap3A_63 = arith.constant 0 : index
        %swap3A_64 = tpu.vector_load %arg10[%swap3A, %swap3A_63] {strides = array<i32>} : memref<128x128xf32, #tpu.memory_space<vmem>>, vector<16xf32>,
        tpu.vector_store %arg10[%swap3A, %swap3A_63], %mul3A_62 {strides = array<i32>} : memref<128x128xf32, #tpu.memory_space<vmem>>, vector<16xf32>,
        %get3A_65 = arith.index_cast %scan3A_56 : i32 to index
        %get3A_66 = arith.constant 16 : index
        %get3A_67 = tpu.vector_load %arg10[%get3A_65, %get3A_66] {strides = array<i32>} : memref<128x128xf32, #tpu.memory_space<vmem>>, vector<16xf32>,
        %get3A_68 = arith.index_cast %scan3A_56 : i32 to index
        %get3A_69 = arith.constant 16 : index
        %get3A_70 = tpu.vector_load %arg9[%get3A_68, %get3A_69] {strides = array<i32>} : memref<128x128xf32, #tpu.memory_space<vmem>>, vector<16xf32>,
        %mul3A_71 = arith.mulf %get3A_67, %get3A_70 : vector<16xf32>
        %swap3A_72 = arith.index_cast %scan3A_56 : i32 to index
        %swap3A_73 = arith.constant 16 : index
        %swap3A_74 = tpu.vector_load %arg10[%swap3A_72, %swap3A_73] {strides = array<i32>} : memref<128x128xf32, #tpu.memory_space<vmem>>, vector<16xf32>,
        tpu.vector_store %arg10[%swap3A_72, %swap3A_73], %mul3A_71 {strides = array<i32>} : memref<128x128xf32, #tpu.memory_space<vmem>>, vector<16xf32>,
        %get3A_75 = arith.index_cast %scan3A_56 : i32 to index
        %get3A_76 = arith.constant 32 : index
        %get3A_77 = tpu.vector_load %arg10[%get3A_75, %get3A_76] {strides = array<i32>} : memref<128x128xf32, #tpu.memory_space<vmem>>, vector<16xf32>,
        %get3A_78 = arith.index_cast %scan3A_56 : i32 to index
        %get3A_79 = arith.constant 32 : index
        %get3A_80 = tpu.vector_load %arg9[%get3A_78, %get3A_79] {strides = array<i32>} : memref<128x128xf32, #tpu.memory_space<vmem>>, vector<16xf32>,
        %mul3A_81 = arith.mulf %get3A_77, %get3A_80 : vector<16xf32>
        %swap3A_82 = arith.index_cast %scan3A_56 : i32 to index
        %swap3A_83 = arith.constant 32 : index
        %swap3A_84 = tpu.vector_load %arg10[%swap3A_82, %swap3A_83] {strides = array<i32>} : memref<128x128xf32, #tpu.memory_space<vmem>>, vector<16xf32>,
        tpu.vector_store %arg10[%swap3A_82, %swap3A_83], %mul3A_81 {strides = array<i32>} : memref<128x128xf32, #tpu.memory_space<vmem>>, vector<16xf32>,
        %get3A_85 = arith.index_cast %scan3A_56 : i32 to index
        %get3A_86 = arith.constant 48 : index
        %get3A_87 = tpu.vector_load %arg10[%get3A_85, %get3A_86] {strides = array<i32>} : memref<128x128xf32, #tpu.memory_space<vmem>>, vector<16xf32>,
        %get3A_88 = arith.index_cast %scan3A_56 : i32 to index
        %get3A_89 = arith.constant 48 : index
        %get3A_90 = tpu.vector_load %arg9[%get3A_88, %get3A_89] {strides = array<i32>} : memref<128x128xf32, #tpu.memory_space<vmem>>, vector<16xf32>,
        %mul3A_91 = arith.mulf %get3A_87, %get3A_90 : vector<16xf32>
        %swap3A_92 = arith.index_cast %scan3A_56 : i32 to index
        %swap3A_93 = arith.constant 48 : index
        %swap3A_94 = tpu.vector_load %arg10[%swap3A_92, %swap3A_93] {strides = array<i32>} : memref<128x128xf32, #tpu.memory_space<vmem>>, vector<16xf32>,
        tpu.vector_store %arg10[%swap3A_92, %swap3A_93], %mul3A_91 {strides = array<i32>} : memref<128x128xf32, #tpu.memory_space<vmem>>, vector<16xf32>,
        %get3A_95 = arith.index_cast %scan3A_56 : i32 to index
        %get3A_96 = arith.constant 64 : index
        %get3A_97 = tpu.vector_load %arg10[%get3A_95, %get3A_96] {strides = array<i32>} : memref<128x128xf32, #tpu.memory_space<vmem>>, vector<16xf32>,
        %get3A_98 = arith.index_cast %scan3A_56 : i32 to index
        %get3A_99 = arith.constant 64 : index
        %get3A_100 = tpu.vector_load %arg9[%get3A_98, %get3A_99] {strides = array<i32>} : memref<128x128xf32, #tpu.memory_space<vmem>>, vector<16xf32>,
        %mul3A_101 = arith.mulf %get3A_97, %get3A_100 : vector<16xf32>
        %swap3A_102 = arith.index_cast %scan3A_56 : i32 to index
        %swap3A_103 = arith.constant 64 : index
        %swap3A_104 = tpu.vector_load %arg10[%swap3A_102, %swap3A_103] {strides = array<i32>} : memref<128x128xf32, #tpu.memory_space<vmem>>, vector<16xf32>,
        tpu.vector_store %arg10[%swap3A_102, %swap3A_103], %mul3A_101 {strides = array<i32>} : memref<128x128xf32, #tpu.memory_space<vmem>>, vector<16xf32>,
        %get3A_105 = arith.index_cast %scan3A_56 : i32 to index
        %get3A_106 = arith.constant 80 : index
        %get3A_107 = tpu.vector_load %arg10[%get3A_105, %get3A_106] {strides = array<i32>} : memref<128x128xf32, #tpu.memory_space<vmem>>, vector<16xf32>,
        %get3A_108 = arith.index_cast %scan3A_56 : i32 to index
        %get3A_109 = arith.constant 80 : index
        %get3A_110 = tpu.vector_load %arg9[%get3A_108, %get3A_109] {strides = array<i32>} : memref<128x128xf32, #tpu.memory_space<vmem>>, vector<16xf32>,
        %mul3A_111 = arith.mulf %get3A_107, %get3A_110 : vector<16xf32>
        %swap3A_112 = arith.index_cast %scan3A_56 : i32 to index
        %swap3A_113 = arith.constant 80 : index
        %swap3A_114 = tpu.vector_load %arg10[%swap3A_112, %swap3A_113] {strides = array<i32>} : memref<128x128xf32, #tpu.memory_space<vmem>>, vector<16xf32>,
        tpu.vector_store %arg10[%swap3A_112, %swap3A_113], %mul3A_111 {strides = array<i32>} : memref<128x128xf32, #tpu.memory_space<vmem>>, vector<16xf32>,
        %get3A_115 = arith.index_cast %scan3A_56 : i32 to index
        %get3A_116 = arith.constant 96 : index
        %get3A_117 = tpu.vector_load %arg10[%get3A_115, %get3A_116] {strides = array<i32>} : memref<128x128xf32, #tpu.memory_space<vmem>>, vector<16xf32>,
        %get3A_118 = arith.index_cast %scan3A_56 : i32 to index
        %get3A_119 = arith.constant 96 : index
        %get3A_120 = tpu.vector_load %arg9[%get3A_118, %get3A_119] {strides = array<i32>} : memref<128x128xf32, #tpu.memory_space<vmem>>, vector<16xf32>,
        %mul3A_121 = arith.mulf %get3A_117, %get3A_120 : vector<16xf32>
        %swap3A_122 = arith.index_cast %scan3A_56 : i32 to index
        %swap3A_123 = arith.constant 96 : index
        %swap3A_124 = tpu.vector_load %arg10[%swap3A_122, %swap3A_123] {strides = array<i32>} : memref<128x128xf32, #tpu.memory_space<vmem>>, vector<16xf32>,
        tpu.vector_store %arg10[%swap3A_122, %swap3A_123], %mul3A_121 {strides = array<i32>} : memref<128x128xf32, #tpu.memory_space<vmem>>, vector<16xf32>,
        %get3A_125 = arith.index_cast %scan3A_56 : i32 to index
        %get3A_126 = arith.constant 112 : index
        %get3A_127 = tpu.vector_load %arg10[%get3A_125, %get3A_126] {strides = array<i32>} : memref<128x128xf32, #tpu.memory_space<vmem>>, vector<16xf32>,
        %get3A_128 = arith.index_cast %scan3A_56 : i32 to index
        %get3A_129 = arith.constant 112 : index
        %get3A_130 = tpu.vector_load %arg9[%get3A_128, %get3A_129] {strides = array<i32>} : memref<128x128xf32, #tpu.memory_space<vmem>>, vector<16xf32>,
        %mul3A_131 = arith.mulf %get3A_127, %get3A_130 : vector<16xf32>
        %swap3A_132 = arith.index_cast %scan3A_56 : i32 to index
        %swap3A_133 = arith.constant 112 : index
        %swap3A_134 = tpu.vector_load %arg10[%swap3A_132, %swap3A_133] {strides = array<i32>} : memref<128x128xf32, #tpu.memory_space<vmem>>, vector<16xf32>,
        tpu.vector_store %arg10[%swap3A_132, %swap3A_133], %mul3A_131 {strides = array<i32>} : memref<128x128xf32, #tpu.memory_space<vmem>>, vector<16xf32>,
      }
      %scan3A_55 = arith.constant 128 : i32
      "tpu.region"() ({
        %run_scoped3A = tpu.sem_alloc : memref<!tpu.dma_semaphore, #tpu.memory_space<semaphore_mem>>
        %dma_start3A_56 = arith.constant 0 : i32
        %dma_start3A_57 = arith.constant 0 : i32
        %dma_start3A_58 = tpu.memref_slice %arg11[%dma_start3A_56, %dma_start3A_57] : memref<10240x128xf32, #tpu.memory_space<vmem_shared>> -> memref<10240x128xf32, #tpu.memory_space<vmem_shared>>
        tpu.enqueue_indirect_dma source(%arg10 : memref<128x128xf32, #tpu.memory_space<vmem>>) target(%dma_start3A_58 : memref<10240x128xf32, #tpu.memory_space<vmem_shared>>) offsets(%arg8 : memref<128xi32, #tpu.memory_space<vmem>>) semaphore(%run_scoped3A : memref<!tpu.dma_semaphore, #tpu.memory_space<semaphore_mem>>) {add = true}
        %dma_wait3A_59 = arith.constant 0 : i32
        %dma_wait3A_60 = arith.constant 0 : i32
        %dma_wait3A_61 = tpu.memref_slice %arg11[%dma_wait3A_59, %dma_wait3A_60] : memref<10240x128xf32, #tpu.memory_space<vmem_shared>> -> memref<10240x128xf32, #tpu.memory_space<vmem_shared>>
        tpu.wait_indirect_dma semaphore(%run_scoped3A : memref<!tpu.dma_semaphore, #tpu.memory_space<semaphore_mem>>) src(%arg10 : memref<128x128xf32, #tpu.memory_space<vmem>>) dst(%dma_wait3A_61 : memref<10240x128xf32, #tpu.memory_space<vmem_shared>>)
        tpu.yield
      }) : () -> ()
    }
    %scan3A_33 = arith.constant 79 : i32
    %barrier3A_34 = arith.constant 0 : index
    tpu.barrier barrier_id(%barrier3A_34)
    %mul3A_35 = arith.constant 640 : i32
    %mul3A_36 = arith.muli %arg1, %mul3A_35 : i32
    %mul3A_37 = arith.constant 10240 : i32
    %mul3A_38 = arith.muli %arg0, %mul3A_37 : i32
    %mul3A_39 = arith.constant 640 : i32
    %mul3A_40 = arith.muli %arg1, %mul3A_39 : i32
    %add3A_41 = arith.addi %mul3A_38, %mul3A_40 : i32
    "tpu.region"() ({
      %run_scoped3A = tpu.sem_alloc : memref<!tpu.dma_semaphore, #tpu.memory_space<semaphore_mem>>
      %dma_start3A = arith.constant 0 : i32
      %dma_start3A_42 = tpu.memref_slice %arg6[%add3A_41, %dma_start3A] : memref<20480x128xf32, #tpu.memory_space<hbm>> -> memref<640x128xf32, #tpu.memory_space<hbm>>
      %dma_start3A_43 = arith.constant 0 : i32
      %dma_start3A_44 = tpu.memref_slice %arg11[%mul3A_36, %dma_start3A_43] : memref<10240x128xf32, #tpu.memory_space<vmem_shared>> -> memref<640x128xf32, #tpu.memory_space<vmem_shared>>
      tpu.enqueue_dma source(%dma_start3A_44 : memref<640x128xf32, #tpu.memory_space<vmem_shared>>) target(%dma_start3A_42 : memref<640x128xf32, #tpu.memory_space<hbm>>) target_semaphore(%run_scoped3A : memref<!tpu.dma_semaphore, #tpu.memory_space<semaphore_mem>>)
      %dma_wait3A = arith.constant 0 : i32
      %dma_wait3A_45 = tpu.memref_slice %arg6[%add3A_41, %dma_wait3A] : memref<20480x128xf32, #tpu.memory_space<hbm>> -> memref<640x128xf32, #tpu.memory_space<hbm>>
      %dma_wait3A_46 = arith.constant 0 : i32
      %dma_wait3A_47 = tpu.memref_slice %arg11[%mul3A_36, %dma_wait3A_46] : memref<10240x128xf32, #tpu.memory_space<vmem_shared>> -> memref<640x128xf32, #tpu.memory_space<vmem_shared>>
      tpu.wait_dma2 semaphore(%run_scoped3A : memref<!tpu.dma_semaphore, #tpu.memory_space<semaphore_mem>>) src(%dma_wait3A_47 : memref<640x128xf32, #tpu.memory_space<vmem_shared>>) dst(%dma_wait3A_45 : memref<640x128xf32, #tpu.memory_space<hbm>>)
      tpu.yield
    }) : () -> ()
    return
  }
}

module attributes {stable_mosaic.version = 14 : i64} {
  func.func @_embed_body(%arg0: i32, %arg1: memref<1000x128xf32, #tpu.memory_space<vmem>>, %arg2: memref<128x128xf32, #tpu.memory_space<vmem>>, %arg3: memref<128xf32, #tpu.memory_space<vmem>>, %arg4: memref<128x128xf32, #tpu.memory_space<vmem>>, %arg5: memref<128xf32, #tpu.memory_space<vmem>>, %arg6: memref<1000x128xf32, #tpu.memory_space<vmem>>, %arg7: memref<1000x128xf32, #tpu.memory_space<vmem>>) attributes {dimension_semantics = [#tpu.dimension_semantics<arbitrary>], iteration_bounds = array<i64: 10>, scalar_prefetch = 0 : i64, scratch_operands = 0 : i64, tpu.core_type = #tpu.core_type<tc>, window_params = [{transform_indices = @transform_0, window_bounds = array<i64: 1000, 128>}, {pipeline_mode = #tpu.pipeline_mode<synchronous>, transform_indices = @transform_1, window_bounds = array<i64: 128, 128>}, {pipeline_mode = #tpu.pipeline_mode<synchronous>, transform_indices = @transform_2, window_bounds = array<i64: 128>}, {pipeline_mode = #tpu.pipeline_mode<synchronous>, transform_indices = @transform_3, window_bounds = array<i64: 128, 128>}, {pipeline_mode = #tpu.pipeline_mode<synchronous>, transform_indices = @transform_4, window_bounds = array<i64: 128>}, {transform_indices = @transform_5, window_bounds = array<i64: 1000, 128>}, {transform_indices = @transform_6, window_bounds = array<i64: 1000, 128>}]} {
    %get3A = arith.constant 0 : index
    %get3A_0 = arith.constant 0 : index
    %get3A_1 = vector.load %arg1[%get3A, %get3A_0] : memref<1000x128xf32, #tpu.memory_space<vmem>>, vector<1000x128xf32>
    %get3A_2 = arith.constant 0 : index
    %get3A_3 = arith.constant 0 : index
    %get3A_4 = vector.load %arg2[%get3A_2, %get3A_3] : memref<128x128xf32, #tpu.memory_space<vmem>>, vector<128x128xf32>
    %dot_general3A = arith.constant dense<0.000000e+00> : vector<1000x128xf32>
    %dot_general3A_5 = tpu.matmul %get3A_1, %get3A_4, %dot_general3A {dimension_numbers = #tpu.dot_dimension_numbers<[1], [0], [0], [1], [0, 0, 1, 1], [], []>, transpose_lhs_hint = false} : vector<1000x128xf32>, vector<128x128xf32>, vector<1000x128xf32> -> vector<1000x128xf32>
    %get3A_6 = arith.constant 0 : index
    %get3A_7 = vector.load %arg3[%get3A_6] : memref<128xf32, #tpu.memory_space<vmem>>, vector<128xf32>
    %broadcast_in_dim3A = vector.shape_cast %get3A_7 : vector<128xf32> to vector<1x128xf32>
    %add3A = vector.broadcast %broadcast_in_dim3A : vector<1x128xf32> to vector<1000x128xf32>
    %add3A_8 = arith.addf %dot_general3A_5, %add3A : vector<1000x128xf32>
    %swap3A = arith.constant 0 : index
    %swap3A_9 = arith.constant 0 : index
    %swap3A_10 = vector.load %arg6[%swap3A, %swap3A_9] : memref<1000x128xf32, #tpu.memory_space<vmem>>, vector<1000x128xf32>
    tpu.vector_store %arg6[%swap3A, %swap3A_9], %add3A_8 {strides = array<i32>} : memref<1000x128xf32, #tpu.memory_space<vmem>>, vector<1000x128xf32>,
    %get3A_11 = arith.constant 0 : index
    %get3A_12 = arith.constant 0 : index
    %get3A_13 = vector.load %arg4[%get3A_11, %get3A_12] : memref<128x128xf32, #tpu.memory_space<vmem>>, vector<128x128xf32>
    %dot_general3A_14 = arith.constant dense<0.000000e+00> : vector<1000x128xf32>
    %dot_general3A_15 = tpu.matmul %add3A_8, %get3A_13, %dot_general3A_14 {dimension_numbers = #tpu.dot_dimension_numbers<[1], [0], [0], [1], [0, 0, 1, 1], [], []>, transpose_lhs_hint = false} : vector<1000x128xf32>, vector<128x128xf32>, vector<1000x128xf32> -> vector<1000x128xf32>
    %get3A_16 = arith.constant 0 : index
    %get3A_17 = vector.load %arg5[%get3A_16] : memref<128xf32, #tpu.memory_space<vmem>>, vector<128xf32>
    %broadcast_in_dim3A_18 = vector.shape_cast %get3A_17 : vector<128xf32> to vector<1x128xf32>
    %add3A_19 = vector.broadcast %broadcast_in_dim3A_18 : vector<1x128xf32> to vector<1000x128xf32>
    %add3A_20 = arith.addf %dot_general3A_15, %add3A_19 : vector<1000x128xf32>
    %swap3A_21 = arith.constant 0 : index
    %swap3A_22 = arith.constant 0 : index
    %swap3A_23 = vector.load %arg7[%swap3A_21, %swap3A_22] : memref<1000x128xf32, #tpu.memory_space<vmem>>, vector<1000x128xf32>
    tpu.vector_store %arg7[%swap3A_21, %swap3A_22], %add3A_20 {strides = array<i32>} : memref<1000x128xf32, #tpu.memory_space<vmem>>, vector<1000x128xf32>,
    return
  }
  func.func @transform_0(%arg0: i32) -> (i32, i32) {
    %c0_i32 = arith.constant 0 : i32
    %c0_i32_0 = arith.constant 0 : i32
    return %arg0, %c0_i32 : i32, i32
  }
  func.func @transform_1(%arg0: i32) -> (i32, i32) {
    %c0_i32 = arith.constant 0 : i32
    %c0_i32_0 = arith.constant 0 : i32
    %c0_i32_1 = arith.constant 0 : i32
    return %c0_i32, %c0_i32_0 : i32, i32
  }
  func.func @transform_2(%arg0: i32) -> i32 {
    %c0_i32 = arith.constant 0 : i32
    %c0_i32_0 = arith.constant 0 : i32
    return %c0_i32 : i32
  }
  func.func @transform_3(%arg0: i32) -> (i32, i32) {
    %c0_i32 = arith.constant 0 : i32
    %c0_i32_0 = arith.constant 0 : i32
    %c0_i32_1 = arith.constant 0 : i32
    return %c0_i32, %c0_i32_0 : i32, i32
  }
  func.func @transform_4(%arg0: i32) -> i32 {
    %c0_i32 = arith.constant 0 : i32
    %c0_i32_0 = arith.constant 0 : i32
    return %c0_i32 : i32
  }
  func.func @transform_5(%arg0: i32) -> (i32, i32) {
    %c0_i32 = arith.constant 0 : i32
    %c0_i32_0 = arith.constant 0 : i32
    return %arg0, %c0_i32 : i32, i32
  }
  func.func @transform_6(%arg0: i32) -> (i32, i32) {
    %c0_i32 = arith.constant 0 : i32
    %c0_i32_0 = arith.constant 0 : i32
    return %arg0, %c0_i32 : i32, i32
  }
}

module attributes {stable_mosaic.version = 14 : i64} {
  func.func @_msg_body(%arg0: i32, %arg1: memref<512x1xf32, #tpu.memory_space<vmem>>, %arg2: memref<1x128xf32, #tpu.memory_space<vmem>>, %arg3: memref<128xf32, #tpu.memory_space<vmem>>, %arg4: memref<128x128xf32, #tpu.memory_space<vmem>>, %arg5: memref<128x128xf32, #tpu.memory_space<vmem>>, %arg6: memref<128xf32, #tpu.memory_space<vmem>>, %arg7: memref<128xf32, #tpu.memory_space<vmem>>, %arg8: memref<128x128xf32, #tpu.memory_space<vmem>>, %arg9: memref<128xf32, #tpu.memory_space<vmem>>, %arg10: memref<512x128xf32, #tpu.memory_space<vmem>>, %arg11: memref<128x128xf32, #tpu.memory_space<vmem>>, %arg12: memref<1x128xf32, #tpu.memory_space<vmem>>) attributes {dimension_semantics = [#tpu.dimension_semantics<arbitrary>], iteration_bounds = array<i64: 632>, scalar_prefetch = 0 : i64, scratch_operands = 2 : i64, tpu.core_type = #tpu.core_type<tc>, window_params = [{transform_indices = @transform_0, window_bounds = array<i64: 512, 1>}, {pipeline_mode = #tpu.pipeline_mode<synchronous>, transform_indices = @transform_1, window_bounds = array<i64: 1, 128>}, {pipeline_mode = #tpu.pipeline_mode<synchronous>, transform_indices = @transform_2, window_bounds = array<i64: 128>}, {pipeline_mode = #tpu.pipeline_mode<synchronous>, transform_indices = @transform_3, window_bounds = array<i64: 128, 128>}, {pipeline_mode = #tpu.pipeline_mode<synchronous>, transform_indices = @transform_4, window_bounds = array<i64: 128, 128>}, {pipeline_mode = #tpu.pipeline_mode<synchronous>, transform_indices = @transform_5, window_bounds = array<i64: 128>}, {pipeline_mode = #tpu.pipeline_mode<synchronous>, transform_indices = @transform_6, window_bounds = array<i64: 128>}, {pipeline_mode = #tpu.pipeline_mode<synchronous>, transform_indices = @transform_7, window_bounds = array<i64: 128, 128>}, {pipeline_mode = #tpu.pipeline_mode<synchronous>, transform_indices = @transform_8, window_bounds = array<i64: 128>}, {transform_indices = @transform_9, window_bounds = array<i64: 512, 128>}]} {
    %eq3A = arith.constant 0 : i32
    %eq3A_0 = arith.cmpi eq, %arg0, %eq3A : i32
    %convert_element_type3A = arith.extui %eq3A_0 : i1 to i32
    %cond3A = arith.constant 0 : i32
    %cond3A_1 = arith.cmpi ne, %convert_element_type3A, %cond3A : i32
    scf.if %cond3A_1 {
      %get3A_60 = arith.constant 0 : index
      %get3A_61 = arith.constant 0 : index
      %get3A_62 = vector.load %arg4[%get3A_60, %get3A_61] : memref<128x128xf32, #tpu.memory_space<vmem>>, vector<128x128xf32>
      %get3A_63 = arith.constant 0 : index
      %get3A_64 = arith.constant 0 : index
      %get3A_65 = vector.load %arg5[%get3A_63, %get3A_64] : memref<128x128xf32, #tpu.memory_space<vmem>>, vector<128x128xf32>
      %dot_general3A_66 = arith.constant dense<0.000000e+00> : vector<128x128xf32>
      %dot_general3A_67 = tpu.matmul %get3A_62, %get3A_65, %dot_general3A_66 {dimension_numbers = #tpu.dot_dimension_numbers<[1], [0], [0], [1], [0, 0, 1, 1], [], []>, transpose_lhs_hint = false} : vector<128x128xf32>, vector<128x128xf32>, vector<128x128xf32> -> vector<128x128xf32>
      %swap3A_68 = arith.constant 0 : index
      %swap3A_69 = arith.constant 0 : index
      %swap3A_70 = vector.load %arg11[%swap3A_68, %swap3A_69] : memref<128x128xf32, #tpu.memory_space<vmem>>, vector<128x128xf32>
      tpu.vector_store %arg11[%swap3A_68, %swap3A_69], %dot_general3A_67 {strides = array<i32>} : memref<128x128xf32, #tpu.memory_space<vmem>>, vector<128x128xf32>,
      %get3A_71 = arith.constant 0 : index
      %get3A_72 = vector.load %arg7[%get3A_71] : memref<128xf32, #tpu.memory_space<vmem>>, vector<128xf32>
      %broadcast_in_dim3A_73 = vector.shape_cast %get3A_72 : vector<128xf32> to vector<1x128xf32>
      %get3A_74 = arith.constant 0 : index
      %get3A_75 = arith.constant 0 : index
      %get3A_76 = vector.load %arg5[%get3A_74, %get3A_75] : memref<128x128xf32, #tpu.memory_space<vmem>>, vector<128x128xf32>
      %dot_general3A_77 = arith.constant dense<0.000000e+00> : vector<1x128xf32>
      %dot_general3A_78 = tpu.matmul %broadcast_in_dim3A_73, %get3A_76, %dot_general3A_77 {dimension_numbers = #tpu.dot_dimension_numbers<[1], [0], [0], [1], [0, 0, 1, 1], [], []>, transpose_lhs_hint = false} : vector<1x128xf32>, vector<128x128xf32>, vector<1x128xf32> -> vector<1x128xf32>
      %get3A_79 = arith.constant 0 : index
      %get3A_80 = vector.load %arg6[%get3A_79] : memref<128xf32, #tpu.memory_space<vmem>>, vector<128xf32>
      %broadcast_in_dim3A_81 = vector.shape_cast %get3A_80 : vector<128xf32> to vector<1x128xf32>
      %add3A_82 = arith.addf %dot_general3A_78, %broadcast_in_dim3A_81 : vector<1x128xf32>
      %swap3A_83 = arith.constant 0 : index
      %swap3A_84 = arith.constant 0 : index
      %swap3A_85 = vector.load %arg12[%swap3A_83, %swap3A_84] : memref<1x128xf32, #tpu.memory_space<vmem>>, vector<1x128xf32>
      tpu.vector_store %arg12[%swap3A_83, %swap3A_84], %add3A_82 {strides = array<i32>} : memref<1x128xf32, #tpu.memory_space<vmem>>, vector<1x128xf32>,
    } else {
    }
    %get3A = arith.constant 0 : index
    %get3A_2 = arith.constant 0 : index
    %get3A_3 = vector.load %arg1[%get3A, %get3A_2] : memref<512x1xf32, #tpu.memory_space<vmem>>, vector<512x1xf32>
    %sqrt3A = math.sqrt %get3A_3 : vector<512x1xf32>
    %get3A_4 = arith.constant 0 : index
    %get3A_5 = arith.constant 0 : index
    %get3A_6 = vector.load %arg2[%get3A_4, %get3A_5] : memref<1x128xf32, #tpu.memory_space<vmem>>, vector<1x128xf32>
    %mul3A = vector.broadcast %sqrt3A : vector<512x1xf32> to vector<512x128xf32>
    %mul3A_7 = vector.broadcast %get3A_6 : vector<1x128xf32> to vector<512x128xf32>
    %mul3A_8 = arith.mulf %mul3A, %mul3A_7 : vector<512x128xf32>
    %get3A_9 = arith.constant 0 : index
    %get3A_10 = vector.load %arg3[%get3A_9] : memref<128xf32, #tpu.memory_space<vmem>>, vector<128xf32>
    %broadcast_in_dim3A = vector.shape_cast %get3A_10 : vector<128xf32> to vector<1x128xf32>
    %add3A = vector.broadcast %broadcast_in_dim3A : vector<1x128xf32> to vector<512x128xf32>
    %add3A_11 = arith.addf %mul3A_8, %add3A : vector<512x128xf32>
    %custom_jvp_call3A = arith.constant 0.000000e+00 : f32
    %max3A = vector.broadcast %custom_jvp_call3A : f32 to vector<512x128xf32>
    %max3A_12 = arith.maximumf %add3A_11, %max3A : vector<512x128xf32>
    %sub3A = vector.broadcast %custom_jvp_call3A : f32 to vector<512x128xf32>
    %sub3A_13 = arith.subf %add3A_11, %sub3A : vector<512x128xf32>
    %ne3A = arith.cmpf one, %sub3A_13, %sub3A_13 : vector<512x128xf32>
    %add3A_14 = vector.broadcast %custom_jvp_call3A : f32 to vector<512x128xf32>
    %add3A_15 = arith.addf %add3A_11, %add3A_14 : vector<512x128xf32>
    %abs3A = math.absf %sub3A_13 : vector<512x128xf32>
    %neg3A = arith.constant 0.000000e+00 : f32
    %neg3A_16 = vector.broadcast %neg3A : f32 to vector<512x128xf32>
    %neg3A_17 = arith.subf %neg3A_16, %abs3A : vector<512x128xf32>
    %exp3A = math.exp %neg3A_17 : vector<512x128xf32>
    %log1p3A = math.log1p %exp3A : vector<512x128xf32>
    %add3A_18 = arith.addf %max3A_12, %log1p3A : vector<512x128xf32>
    %select_n3A = arith.select %ne3A, %add3A_15, %add3A_18 : vector<512x128xi1>, vector<512x128xf32>
    %get3A_19 = arith.constant 0 : index
    %get3A_20 = arith.constant 0 : index
    %get3A_21 = vector.load %arg11[%get3A_19, %get3A_20] : memref<128x128xf32, #tpu.memory_space<vmem>>, vector<128x128xf32>
    %dot_general3A = arith.constant dense<0.000000e+00> : vector<512x128xf32>
    %dot_general3A_22 = tpu.matmul %select_n3A, %get3A_21, %dot_general3A {dimension_numbers = #tpu.dot_dimension_numbers<[1], [0], [0], [1], [0, 0, 1, 1], [], []>, transpose_lhs_hint = false} : vector<512x128xf32>, vector<128x128xf32>, vector<512x128xf32> -> vector<512x128xf32>
    %get3A_23 = arith.constant 0 : index
    %get3A_24 = arith.constant 0 : index
    %get3A_25 = vector.load %arg12[%get3A_23, %get3A_24] : memref<1x128xf32, #tpu.memory_space<vmem>>, vector<1x128xf32>
    %add3A_26 = vector.broadcast %get3A_25 : vector<1x128xf32> to vector<512x128xf32>
    %add3A_27 = arith.addf %dot_general3A_22, %add3A_26 : vector<512x128xf32>
    %custom_jvp_call3A_28 = arith.constant 0.000000e+00 : f32
    %max3A_29 = vector.broadcast %custom_jvp_call3A_28 : f32 to vector<512x128xf32>
    %max3A_30 = arith.maximumf %add3A_27, %max3A_29 : vector<512x128xf32>
    %sub3A_31 = vector.broadcast %custom_jvp_call3A_28 : f32 to vector<512x128xf32>
    %sub3A_32 = arith.subf %add3A_27, %sub3A_31 : vector<512x128xf32>
    %ne3A_33 = arith.cmpf one, %sub3A_32, %sub3A_32 : vector<512x128xf32>
    %add3A_34 = vector.broadcast %custom_jvp_call3A_28 : f32 to vector<512x128xf32>
    %add3A_35 = arith.addf %add3A_27, %add3A_34 : vector<512x128xf32>
    %abs3A_36 = math.absf %sub3A_32 : vector<512x128xf32>
    %neg3A_37 = arith.constant 0.000000e+00 : f32
    %neg3A_38 = vector.broadcast %neg3A_37 : f32 to vector<512x128xf32>
    %neg3A_39 = arith.subf %neg3A_38, %abs3A_36 : vector<512x128xf32>
    %exp3A_40 = math.exp %neg3A_39 : vector<512x128xf32>
    %log1p3A_41 = math.log1p %exp3A_40 : vector<512x128xf32>
    %add3A_42 = arith.addf %max3A_30, %log1p3A_41 : vector<512x128xf32>
    %select_n3A_43 = arith.select %ne3A_33, %add3A_35, %add3A_42 : vector<512x128xi1>, vector<512x128xf32>
    %get3A_44 = arith.constant 0 : index
    %get3A_45 = arith.constant 0 : index
    %get3A_46 = vector.load %arg8[%get3A_44, %get3A_45] : memref<128x128xf32, #tpu.memory_space<vmem>>, vector<128x128xf32>
    %dot_general3A_47 = arith.constant dense<0.000000e+00> : vector<512x128xf32>
    %dot_general3A_48 = tpu.matmul %select_n3A_43, %get3A_46, %dot_general3A_47 {dimension_numbers = #tpu.dot_dimension_numbers<[1], [0], [0], [1], [0, 0, 1, 1], [], []>, transpose_lhs_hint = false} : vector<512x128xf32>, vector<128x128xf32>, vector<512x128xf32> -> vector<512x128xf32>
    %get3A_49 = arith.constant 0 : index
    %get3A_50 = vector.load %arg9[%get3A_49] : memref<128xf32, #tpu.memory_space<vmem>>, vector<128xf32>
    %broadcast_in_dim3A_51 = vector.shape_cast %get3A_50 : vector<128xf32> to vector<1x128xf32>
    %add3A_52 = vector.broadcast %broadcast_in_dim3A_51 : vector<1x128xf32> to vector<512x128xf32>
    %add3A_53 = arith.addf %dot_general3A_48, %add3A_52 : vector<512x128xf32>
    %lt3A = arith.constant 625 : i32
    %lt3A_54 = arith.cmpi slt, %arg0, %lt3A : i32
    %broadcast_in_dim3A_55 = arith.constant 0.000000e+00 : f32
    %broadcast_in_dim3A_56 = vector.broadcast %broadcast_in_dim3A_55 : f32 to vector<512x128xf32>
    %select_n3A_57 = arith.select %lt3A_54, %add3A_53, %broadcast_in_dim3A_56 : vector<512x128xf32>
    %swap3A = arith.constant 0 : index
    %swap3A_58 = arith.constant 0 : index
    %swap3A_59 = vector.load %arg10[%swap3A, %swap3A_58] : memref<512x128xf32, #tpu.memory_space<vmem>>, vector<512x128xf32>
    tpu.vector_store %arg10[%swap3A, %swap3A_58], %select_n3A_57 {strides = array<i32>} : memref<512x128xf32, #tpu.memory_space<vmem>>, vector<512x128xf32>,
    return
  }
  func.func @transform_0(%arg0: i32) -> (i32, i32) {
    %c0_i32 = arith.constant 0 : i32
    %c0_i32_0 = arith.constant 0 : i32
    return %arg0, %c0_i32 : i32, i32
  }
  func.func @transform_1(%arg0: i32) -> (i32, i32) {
    %c0_i32 = arith.constant 0 : i32
    %c0_i32_0 = arith.constant 0 : i32
    %c0_i32_1 = arith.constant 0 : i32
    return %c0_i32, %c0_i32_0 : i32, i32
  }
  func.func @transform_2(%arg0: i32) -> i32 {
    %c0_i32 = arith.constant 0 : i32
    %c0_i32_0 = arith.constant 0 : i32
    return %c0_i32 : i32
  }
  func.func @transform_3(%arg0: i32) -> (i32, i32) {
    %c0_i32 = arith.constant 0 : i32
    %c0_i32_0 = arith.constant 0 : i32
    %c0_i32_1 = arith.constant 0 : i32
    return %c0_i32, %c0_i32_0 : i32, i32
  }
  func.func @transform_4(%arg0: i32) -> (i32, i32) {
    %c0_i32 = arith.constant 0 : i32
    %c0_i32_0 = arith.constant 0 : i32
    %c0_i32_1 = arith.constant 0 : i32
    return %c0_i32, %c0_i32_0 : i32, i32
  }
  func.func @transform_5(%arg0: i32) -> i32 {
    %c0_i32 = arith.constant 0 : i32
    %c0_i32_0 = arith.constant 0 : i32
    return %c0_i32 : i32
  }
  func.func @transform_6(%arg0: i32) -> i32 {
    %c0_i32 = arith.constant 0 : i32
    %c0_i32_0 = arith.constant 0 : i32
    return %c0_i32 : i32
  }
  func.func @transform_7(%arg0: i32) -> (i32, i32) {
    %c0_i32 = arith.constant 0 : i32
    %c0_i32_0 = arith.constant 0 : i32
    %c0_i32_1 = arith.constant 0 : i32
    return %c0_i32, %c0_i32_0 : i32, i32
  }
  func.func @transform_8(%arg0: i32) -> i32 {
    %c0_i32 = arith.constant 0 : i32
    %c0_i32_0 = arith.constant 0 : i32
    return %c0_i32 : i32
  }
  func.func @transform_9(%arg0: i32) -> (i32, i32) {
    %c0_i32 = arith.constant 0 : i32
    %c0_i32_0 = arith.constant 0 : i32
    return %arg0, %c0_i32 : i32, i32
  }
}

module attributes {stable_mosaic.version = 14 : i64} {
  func.func @_upd_body(%arg0: i32, %arg1: memref<80x128xf32, #tpu.memory_space<vmem>>, %arg2: memref<80x128xf32, #tpu.memory_space<vmem>>, %arg3: memref<80x128xf32, #tpu.memory_space<vmem>>, %arg4: memref<128x128xf32, #tpu.memory_space<vmem>>, %arg5: memref<128xf32, #tpu.memory_space<vmem>>, %arg6: memref<128x128xf32, #tpu.memory_space<vmem>>, %arg7: memref<128xf32, #tpu.memory_space<vmem>>, %arg8: memref<80x128xf32, #tpu.memory_space<vmem>>, %arg9: memref<80x128xf32, #tpu.memory_space<vmem>>) attributes {dimension_semantics = [#tpu.dimension_semantics<arbitrary>], iteration_bounds = array<i64: 125>, scalar_prefetch = 0 : i64, scratch_operands = 0 : i64, tpu.core_type = #tpu.core_type<tc>, window_params = [{transform_indices = @transform_0, window_bounds = array<i64: 80, 128>}, {transform_indices = @transform_1, window_bounds = array<i64: 80, 128>}, {transform_indices = @transform_2, window_bounds = array<i64: 80, 128>}, {pipeline_mode = #tpu.pipeline_mode<synchronous>, transform_indices = @transform_3, window_bounds = array<i64: 128, 128>}, {pipeline_mode = #tpu.pipeline_mode<synchronous>, transform_indices = @transform_4, window_bounds = array<i64: 128>}, {pipeline_mode = #tpu.pipeline_mode<synchronous>, transform_indices = @transform_5, window_bounds = array<i64: 128, 128>}, {pipeline_mode = #tpu.pipeline_mode<synchronous>, transform_indices = @transform_6, window_bounds = array<i64: 128>}, {transform_indices = @transform_7, window_bounds = array<i64: 80, 128>}, {transform_indices = @transform_8, window_bounds = array<i64: 80, 128>}]} {
    %get3A = arith.constant 0 : index
    %get3A_0 = arith.constant 0 : index
    %get3A_1 = vector.load %arg2[%get3A, %get3A_0] : memref<80x128xf32, #tpu.memory_space<vmem>>, vector<80x128xf32>
    %get3A_2 = arith.constant 0 : index
    %get3A_3 = arith.constant 0 : index
    %get3A_4 = vector.load %arg3[%get3A_2, %get3A_3] : memref<80x128xf32, #tpu.memory_space<vmem>>, vector<80x128xf32>
    %add3A = arith.addf %get3A_1, %get3A_4 : vector<80x128xf32>
    %get3A_5 = arith.constant 0 : index
    %get3A_6 = arith.constant 0 : index
    %get3A_7 = vector.load %arg1[%get3A_5, %get3A_6] : memref<80x128xf32, #tpu.memory_space<vmem>>, vector<80x128xf32>
    %get3A_8 = arith.constant 0 : index
    %get3A_9 = arith.constant 0 : index
    %get3A_10 = vector.load %arg4[%get3A_8, %get3A_9] : memref<128x128xf32, #tpu.memory_space<vmem>>, vector<128x128xf32>
    %dot_general3A = arith.constant dense<0.000000e+00> : vector<80x128xf32>
    %dot_general3A_11 = tpu.matmul %add3A, %get3A_10, %dot_general3A {dimension_numbers = #tpu.dot_dimension_numbers<[1], [0], [0], [1], [0, 0, 1, 1], [], []>, transpose_lhs_hint = false} : vector<80x128xf32>, vector<128x128xf32>, vector<80x128xf32> -> vector<80x128xf32>
    %add3A_12 = arith.addf %get3A_7, %dot_general3A_11 : vector<80x128xf32>
    %get3A_13 = arith.constant 0 : index
    %get3A_14 = vector.load %arg5[%get3A_13] : memref<128xf32, #tpu.memory_space<vmem>>, vector<128xf32>
    %broadcast_in_dim3A = vector.shape_cast %get3A_14 : vector<128xf32> to vector<1x128xf32>
    %add3A_15 = vector.broadcast %broadcast_in_dim3A : vector<1x128xf32> to vector<80x128xf32>
    %add3A_16 = arith.addf %add3A_12, %add3A_15 : vector<80x128xf32>
    %custom_jvp_call3A = arith.constant 0.000000e+00 : f32
    %max3A = vector.broadcast %custom_jvp_call3A : f32 to vector<80x128xf32>
    %max3A_17 = arith.maximumf %add3A_16, %max3A : vector<80x128xf32>
    %sub3A = vector.broadcast %custom_jvp_call3A : f32 to vector<80x128xf32>
    %sub3A_18 = arith.subf %add3A_16, %sub3A : vector<80x128xf32>
    %ne3A = arith.cmpf one, %sub3A_18, %sub3A_18 : vector<80x128xf32>
    %add3A_19 = vector.broadcast %custom_jvp_call3A : f32 to vector<80x128xf32>
    %add3A_20 = arith.addf %add3A_16, %add3A_19 : vector<80x128xf32>
    %abs3A = math.absf %sub3A_18 : vector<80x128xf32>
    %neg3A = arith.constant 0.000000e+00 : f32
    %neg3A_21 = vector.broadcast %neg3A : f32 to vector<80x128xf32>
    %neg3A_22 = arith.subf %neg3A_21, %abs3A : vector<80x128xf32>
    %exp3A = math.exp %neg3A_22 : vector<80x128xf32>
    %log1p3A = math.log1p %exp3A : vector<80x128xf32>
    %add3A_23 = arith.addf %max3A_17, %log1p3A : vector<80x128xf32>
    %select_n3A = arith.select %ne3A, %add3A_20, %add3A_23 : vector<80x128xi1>, vector<80x128xf32>
    %swap3A = arith.constant 0 : index
    %swap3A_24 = arith.constant 0 : index
    %swap3A_25 = vector.load %arg8[%swap3A, %swap3A_24] : memref<80x128xf32, #tpu.memory_space<vmem>>, vector<80x128xf32>
    tpu.vector_store %arg8[%swap3A, %swap3A_24], %select_n3A {strides = array<i32>} : memref<80x128xf32, #tpu.memory_space<vmem>>, vector<80x128xf32>,
    %get3A_26 = arith.constant 0 : index
    %get3A_27 = arith.constant 0 : index
    %get3A_28 = vector.load %arg6[%get3A_26, %get3A_27] : memref<128x128xf32, #tpu.memory_space<vmem>>, vector<128x128xf32>
    %dot_general3A_29 = arith.constant dense<0.000000e+00> : vector<80x128xf32>
    %dot_general3A_30 = tpu.matmul %select_n3A, %get3A_28, %dot_general3A_29 {dimension_numbers = #tpu.dot_dimension_numbers<[1], [0], [0], [1], [0, 0, 1, 1], [], []>, transpose_lhs_hint = false} : vector<80x128xf32>, vector<128x128xf32>, vector<80x128xf32> -> vector<80x128xf32>
    %get3A_31 = arith.constant 0 : index
    %get3A_32 = vector.load %arg7[%get3A_31] : memref<128xf32, #tpu.memory_space<vmem>>, vector<128xf32>
    %broadcast_in_dim3A_33 = vector.shape_cast %get3A_32 : vector<128xf32> to vector<1x128xf32>
    %add3A_34 = vector.broadcast %broadcast_in_dim3A_33 : vector<1x128xf32> to vector<80x128xf32>
    %add3A_35 = arith.addf %dot_general3A_30, %add3A_34 : vector<80x128xf32>
    %swap3A_36 = arith.constant 0 : index
    %swap3A_37 = arith.constant 0 : index
    %swap3A_38 = vector.load %arg9[%swap3A_36, %swap3A_37] : memref<80x128xf32, #tpu.memory_space<vmem>>, vector<80x128xf32>
    tpu.vector_store %arg9[%swap3A_36, %swap3A_37], %add3A_35 {strides = array<i32>} : memref<80x128xf32, #tpu.memory_space<vmem>>, vector<80x128xf32>,
    return
  }
  func.func @transform_0(%arg0: i32) -> (i32, i32) {
    %c0_i32 = arith.constant 0 : i32
    %c0_i32_0 = arith.constant 0 : i32
    return %arg0, %c0_i32 : i32, i32
  }
  func.func @transform_1(%arg0: i32) -> (i32, i32) {
    %c0_i32 = arith.constant 0 : i32
    %c0_i32_0 = arith.constant 0 : i32
    return %arg0, %c0_i32 : i32, i32
  }
  func.func @transform_2(%arg0: i32) -> (i32, i32) {
    %add3A = arith.constant 128 : i32
    %add3A_0 = arith.addi %arg0, %add3A : i32
    %c0_i32 = arith.constant 0 : i32
    %c0_i32_1 = arith.constant 0 : i32
    return %add3A_0, %c0_i32 : i32, i32
  }
  func.func @transform_3(%arg0: i32) -> (i32, i32) {
    %c0_i32 = arith.constant 0 : i32
    %c0_i32_0 = arith.constant 0 : i32
    %c0_i32_1 = arith.constant 0 : i32
    return %c0_i32, %c0_i32_0 : i32, i32
  }
  func.func @transform_4(%arg0: i32) -> i32 {
    %c0_i32 = arith.constant 0 : i32
    %c0_i32_0 = arith.constant 0 : i32
    return %c0_i32 : i32
  }
  func.func @transform_5(%arg0: i32) -> (i32, i32) {
    %c0_i32 = arith.constant 0 : i32
    %c0_i32_0 = arith.constant 0 : i32
    %c0_i32_1 = arith.constant 0 : i32
    return %c0_i32, %c0_i32_0 : i32, i32
  }
  func.func @transform_6(%arg0: i32) -> i32 {
    %c0_i32 = arith.constant 0 : i32
    %c0_i32_0 = arith.constant 0 : i32
    return %c0_i32 : i32
  }
  func.func @transform_7(%arg0: i32) -> (i32, i32) {
    %c0_i32 = arith.constant 0 : i32
    %c0_i32_0 = arith.constant 0 : i32
    return %arg0, %c0_i32 : i32, i32
  }
  func.func @transform_8(%arg0: i32) -> (i32, i32) {
    %c0_i32 = arith.constant 0 : i32
    %c0_i32_0 = arith.constant 0 : i32
    return %arg0, %c0_i32 : i32, i32
  }
}

module attributes {stable_mosaic.version = 14 : i64} {
  func.func @_upd_last_body(%arg0: i32, %arg1: memref<80x128xf32, #tpu.memory_space<vmem>>, %arg2: memref<80x128xf32, #tpu.memory_space<vmem>>, %arg3: memref<80x128xf32, #tpu.memory_space<vmem>>, %arg4: memref<128x128xf32, #tpu.memory_space<vmem>>, %arg5: memref<128xf32, #tpu.memory_space<vmem>>, %arg6: memref<80x128xf32, #tpu.memory_space<vmem>>) attributes {dimension_semantics = [#tpu.dimension_semantics<arbitrary>], iteration_bounds = array<i64: 125>, scalar_prefetch = 0 : i64, scratch_operands = 0 : i64, tpu.core_type = #tpu.core_type<tc>, window_params = [{transform_indices = @transform_0, window_bounds = array<i64: 80, 128>}, {transform_indices = @transform_1, window_bounds = array<i64: 80, 128>}, {transform_indices = @transform_2, window_bounds = array<i64: 80, 128>}, {pipeline_mode = #tpu.pipeline_mode<synchronous>, transform_indices = @transform_3, window_bounds = array<i64: 128, 128>}, {pipeline_mode = #tpu.pipeline_mode<synchronous>, transform_indices = @transform_4, window_bounds = array<i64: 128>}, {transform_indices = @transform_5, window_bounds = array<i64: 80, 128>}]} {
    %get3A = arith.constant 0 : index
    %get3A_0 = arith.constant 0 : index
    %get3A_1 = vector.load %arg2[%get3A, %get3A_0] : memref<80x128xf32, #tpu.memory_space<vmem>>, vector<80x128xf32>
    %get3A_2 = arith.constant 0 : index
    %get3A_3 = arith.constant 0 : index
    %get3A_4 = vector.load %arg3[%get3A_2, %get3A_3] : memref<80x128xf32, #tpu.memory_space<vmem>>, vector<80x128xf32>
    %add3A = arith.addf %get3A_1, %get3A_4 : vector<80x128xf32>
    %get3A_5 = arith.constant 0 : index
    %get3A_6 = arith.constant 0 : index
    %get3A_7 = vector.load %arg1[%get3A_5, %get3A_6] : memref<80x128xf32, #tpu.memory_space<vmem>>, vector<80x128xf32>
    %get3A_8 = arith.constant 0 : index
    %get3A_9 = arith.constant 0 : index
    %get3A_10 = vector.load %arg4[%get3A_8, %get3A_9] : memref<128x128xf32, #tpu.memory_space<vmem>>, vector<128x128xf32>
    %dot_general3A = arith.constant dense<0.000000e+00> : vector<80x128xf32>
    %dot_general3A_11 = tpu.matmul %add3A, %get3A_10, %dot_general3A {dimension_numbers = #tpu.dot_dimension_numbers<[1], [0], [0], [1], [0, 0, 1, 1], [], []>, transpose_lhs_hint = false} : vector<80x128xf32>, vector<128x128xf32>, vector<80x128xf32> -> vector<80x128xf32>
    %add3A_12 = arith.addf %get3A_7, %dot_general3A_11 : vector<80x128xf32>
    %get3A_13 = arith.constant 0 : index
    %get3A_14 = vector.load %arg5[%get3A_13] : memref<128xf32, #tpu.memory_space<vmem>>, vector<128xf32>
    %broadcast_in_dim3A = vector.shape_cast %get3A_14 : vector<128xf32> to vector<1x128xf32>
    %add3A_15 = vector.broadcast %broadcast_in_dim3A : vector<1x128xf32> to vector<80x128xf32>
    %add3A_16 = arith.addf %add3A_12, %add3A_15 : vector<80x128xf32>
    %custom_jvp_call3A = arith.constant 0.000000e+00 : f32
    %max3A = vector.broadcast %custom_jvp_call3A : f32 to vector<80x128xf32>
    %max3A_17 = arith.maximumf %add3A_16, %max3A : vector<80x128xf32>
    %sub3A = vector.broadcast %custom_jvp_call3A : f32 to vector<80x128xf32>
    %sub3A_18 = arith.subf %add3A_16, %sub3A : vector<80x128xf32>
    %ne3A = arith.cmpf one, %sub3A_18, %sub3A_18 : vector<80x128xf32>
    %add3A_19 = vector.broadcast %custom_jvp_call3A : f32 to vector<80x128xf32>
    %add3A_20 = arith.addf %add3A_16, %add3A_19 : vector<80x128xf32>
    %abs3A = math.absf %sub3A_18 : vector<80x128xf32>
    %neg3A = arith.constant 0.000000e+00 : f32
    %neg3A_21 = vector.broadcast %neg3A : f32 to vector<80x128xf32>
    %neg3A_22 = arith.subf %neg3A_21, %abs3A : vector<80x128xf32>
    %exp3A = math.exp %neg3A_22 : vector<80x128xf32>
    %log1p3A = math.log1p %exp3A : vector<80x128xf32>
    %add3A_23 = arith.addf %max3A_17, %log1p3A : vector<80x128xf32>
    %select_n3A = arith.select %ne3A, %add3A_20, %add3A_23 : vector<80x128xi1>, vector<80x128xf32>
    %swap3A = arith.constant 0 : index
    %swap3A_24 = arith.constant 0 : index
    %swap3A_25 = vector.load %arg6[%swap3A, %swap3A_24] : memref<80x128xf32, #tpu.memory_space<vmem>>, vector<80x128xf32>
    tpu.vector_store %arg6[%swap3A, %swap3A_24], %select_n3A {strides = array<i32>} : memref<80x128xf32, #tpu.memory_space<vmem>>, vector<80x128xf32>,
    return
  }
  func.func @transform_0(%arg0: i32) -> (i32, i32) {
    %c0_i32 = arith.constant 0 : i32
    %c0_i32_0 = arith.constant 0 : i32
    return %arg0, %c0_i32 : i32, i32
  }
  func.func @transform_1(%arg0: i32) -> (i32, i32) {
    %c0_i32 = arith.constant 0 : i32
    %c0_i32_0 = arith.constant 0 : i32
    return %arg0, %c0_i32 : i32, i32
  }
  func.func @transform_2(%arg0: i32) -> (i32, i32) {
    %add3A = arith.constant 128 : i32
    %add3A_0 = arith.addi %arg0, %add3A : i32
    %c0_i32 = arith.constant 0 : i32
    %c0_i32_1 = arith.constant 0 : i32
    return %add3A_0, %c0_i32 : i32, i32
  }
  func.func @transform_3(%arg0: i32) -> (i32, i32) {
    %c0_i32 = arith.constant 0 : i32
    %c0_i32_0 = arith.constant 0 : i32
    %c0_i32_1 = arith.constant 0 : i32
    return %c0_i32, %c0_i32_0 : i32, i32
  }
  func.func @transform_4(%arg0: i32) -> i32 {
    %c0_i32 = arith.constant 0 : i32
    %c0_i32_0 = arith.constant 0 : i32
    return %c0_i32 : i32
  }
  func.func @transform_5(%arg0: i32) -> (i32, i32) {
    %c0_i32 = arith.constant 0 : i32
    %c0_i32_0 = arith.constant 0 : i32
    return %arg0, %c0_i32 : i32, i32
  }
}

module attributes {stable_mosaic.version = 14 : i64} {
  func.func @_pool_body(%arg0: i32, %arg1: memref<1000x128xf32, #tpu.memory_space<vmem>>, %arg2: memref<1000x1xi32, #tpu.memory_space<vmem>>, %arg3: memref<128x64xf32, #tpu.memory_space<vmem>>, %arg4: memref<64xf32, #tpu.memory_space<vmem>>, %arg5: memref<64x1xf32, #tpu.memory_space<vmem>>, %arg6: memref<1xf32, #tpu.memory_space<vmem>>, %arg7: memref<256x1xf32, #tpu.memory_space<vmem>>, %arg8: memref<256x128xf32, #tpu.memory_space<vmem>>) attributes {dimension_semantics = [#tpu.dimension_semantics<arbitrary>], iteration_bounds = array<i64: 10>, scalar_prefetch = 0 : i64, scratch_operands = 1 : i64, tpu.core_type = #tpu.core_type<tc>, window_params = [{transform_indices = @transform_0, window_bounds = array<i64: 1000, 128>}, {transform_indices = @transform_1, window_bounds = array<i64: 1000, 1>}, {pipeline_mode = #tpu.pipeline_mode<synchronous>, transform_indices = @transform_2, window_bounds = array<i64: 128, 64>}, {pipeline_mode = #tpu.pipeline_mode<synchronous>, transform_indices = @transform_3, window_bounds = array<i64: 64>}, {pipeline_mode = #tpu.pipeline_mode<synchronous>, transform_indices = @transform_4, window_bounds = array<i64: 64, 1>}, {pipeline_mode = #tpu.pipeline_mode<synchronous>, transform_indices = @transform_5, window_bounds = array<i64: 1>}, {pipeline_mode = #tpu.pipeline_mode<synchronous>, transform_indices = @transform_6, window_bounds = array<i64: 256, 1>}]} {
    %get3A = arith.constant 0 : index
    %get3A_0 = arith.constant 0 : index
    %get3A_1 = vector.load %arg2[%get3A, %get3A_0] : memref<1000x1xi32, #tpu.memory_space<vmem>>, vector<1000x1xi32>
    %iota3A = tpu.iota {dimensions = array<i32: 1>} : vector<1x256xi32>
    %eq3A = vector.broadcast %get3A_1 : vector<1000x1xi32> to vector<1000x256xi32>
    %eq3A_2 = vector.broadcast %iota3A : vector<1x256xi32> to vector<1000x256xi32>
    %eq3A_3 = arith.cmpi eq, %eq3A, %eq3A_2 : vector<1000x256xi32>
    %convert_element_type3A = arith.extui %eq3A_3 : vector<1000x256xi1> to vector<1000x256xi32>
    %convert_element_type3A_4 = arith.sitofp %convert_element_type3A : vector<1000x256xi32> to vector<1000x256xf32>
    %get3A_5 = arith.constant 0 : index
    %get3A_6 = arith.constant 0 : index
    %get3A_7 = vector.load %arg1[%get3A_5, %get3A_6] : memref<1000x128xf32, #tpu.memory_space<vmem>>, vector<1000x128xf32>
    %dot_general3A = arith.constant dense<0.000000e+00> : vector<256x128xf32>
    %dot_general3A_8 = tpu.matmul %convert_element_type3A_4, %get3A_7, %dot_general3A {dimension_numbers = #tpu.dot_dimension_numbers<[0], [0], [1], [1], [0, 1, 1, 1], [], []>, transpose_lhs_hint = false} : vector<1000x256xf32>, vector<1000x128xf32>, vector<256x128xf32> -> vector<256x128xf32>
    %eq3A_9 = arith.constant 0 : i32
    %eq3A_10 = arith.cmpi eq, %arg0, %eq3A_9 : i32
    %broadcast_in_dim3A = arith.constant 0.000000e+00 : f32
    %broadcast_in_dim3A_11 = vector.broadcast %broadcast_in_dim3A : f32 to vector<256x128xf32>
    %get3A_12 = arith.constant 0 : index
    %get3A_13 = arith.constant 0 : index
    %get3A_14 = vector.load %arg8[%get3A_12, %get3A_13] : memref<256x128xf32, #tpu.memory_space<vmem>>, vector<256x128xf32>
    %select_n3A = arith.select %eq3A_10, %broadcast_in_dim3A_11, %get3A_14 : vector<256x128xf32>
    %add3A = arith.addf %select_n3A, %dot_general3A_8 : vector<256x128xf32>
    %swap3A = arith.constant 0 : index
    %swap3A_15 = arith.constant 0 : index
    %swap3A_16 = vector.load %arg8[%swap3A, %swap3A_15] : memref<256x128xf32, #tpu.memory_space<vmem>>, vector<256x128xf32>
    tpu.vector_store %arg8[%swap3A, %swap3A_15], %add3A {strides = array<i32>} : memref<256x128xf32, #tpu.memory_space<vmem>>, vector<256x128xf32>,
    %eq3A_17 = arith.constant 9 : i32
    %eq3A_18 = arith.cmpi eq, %arg0, %eq3A_17 : i32
    %convert_element_type3A_19 = arith.extui %eq3A_18 : i1 to i32
    %cond3A = arith.constant 0 : i32
    %cond3A_20 = arith.cmpi ne, %convert_element_type3A_19, %cond3A : i32
    scf.if %cond3A_20 {
      %get3A_21 = arith.constant 0 : index
      %get3A_22 = arith.constant 0 : index
      %get3A_23 = vector.load %arg8[%get3A_21, %get3A_22] : memref<256x128xf32, #tpu.memory_space<vmem>>, vector<256x128xf32>
      %get3A_24 = arith.constant 0 : index
      %get3A_25 = arith.constant 0 : index
      %get3A_26 = vector.load %arg3[%get3A_24, %get3A_25] : memref<128x64xf32, #tpu.memory_space<vmem>>, vector<128x64xf32>
      %dot_general3A_27 = arith.constant dense<0.000000e+00> : vector<256x64xf32>
      %dot_general3A_28 = tpu.matmul %get3A_23, %get3A_26, %dot_general3A_27 {dimension_numbers = #tpu.dot_dimension_numbers<[1], [0], [0], [1], [0, 0, 1, 1], [], []>, transpose_lhs_hint = false} : vector<256x128xf32>, vector<128x64xf32>, vector<256x64xf32> -> vector<256x64xf32>
      %get3A_29 = arith.constant 0 : index
      %get3A_30 = vector.load %arg4[%get3A_29] : memref<64xf32, #tpu.memory_space<vmem>>, vector<64xf32>
      %broadcast_in_dim3A_31 = vector.shape_cast %get3A_30 : vector<64xf32> to vector<1x64xf32>
      %add3A_32 = vector.broadcast %broadcast_in_dim3A_31 : vector<1x64xf32> to vector<256x64xf32>
      %add3A_33 = arith.addf %dot_general3A_28, %add3A_32 : vector<256x64xf32>
      %custom_jvp_call3A = arith.constant 0.000000e+00 : f32
      %max3A = vector.broadcast %custom_jvp_call3A : f32 to vector<256x64xf32>
      %max3A_34 = arith.maximumf %add3A_33, %max3A : vector<256x64xf32>
      %sub3A = vector.broadcast %custom_jvp_call3A : f32 to vector<256x64xf32>
      %sub3A_35 = arith.subf %add3A_33, %sub3A : vector<256x64xf32>
      %ne3A = arith.cmpf one, %sub3A_35, %sub3A_35 : vector<256x64xf32>
      %add3A_36 = vector.broadcast %custom_jvp_call3A : f32 to vector<256x64xf32>
      %add3A_37 = arith.addf %add3A_33, %add3A_36 : vector<256x64xf32>
      %abs3A = math.absf %sub3A_35 : vector<256x64xf32>
      %neg3A = arith.constant 0.000000e+00 : f32
      %neg3A_38 = vector.broadcast %neg3A : f32 to vector<256x64xf32>
      %neg3A_39 = arith.subf %neg3A_38, %abs3A : vector<256x64xf32>
      %exp3A = math.exp %neg3A_39 : vector<256x64xf32>
      %log1p3A = math.log1p %exp3A : vector<256x64xf32>
      %add3A_40 = arith.addf %max3A_34, %log1p3A : vector<256x64xf32>
      %select_n3A_41 = arith.select %ne3A, %add3A_37, %add3A_40 : vector<256x64xi1>, vector<256x64xf32>
      %get3A_42 = arith.constant 0 : index
      %get3A_43 = arith.constant 0 : index
      %get3A_44 = vector.load %arg5[%get3A_42, %get3A_43] : memref<64x1xf32, #tpu.memory_space<vmem>>, vector<64x1xf32>
      %dot_general3A_45 = arith.constant dense<0.000000e+00> : vector<256x1xf32>
      %dot_general3A_46 = tpu.matmul %select_n3A_41, %get3A_44, %dot_general3A_45 {dimension_numbers = #tpu.dot_dimension_numbers<[1], [0], [0], [1], [0, 0, 1, 1], [], []>, transpose_lhs_hint = false} : vector<256x64xf32>, vector<64x1xf32>, vector<256x1xf32> -> vector<256x1xf32>
      %get3A_47 = arith.constant 0 : index
      %get3A_48 = vector.load %arg6[%get3A_47] : memref<1xf32, #tpu.memory_space<vmem>>, vector<1xf32>
      %broadcast_in_dim3A_49 = vector.shape_cast %get3A_48 : vector<1xf32> to vector<1x1xf32>
      %add3A_50 = vector.broadcast %broadcast_in_dim3A_49 : vector<1x1xf32> to vector<256x1xf32>
      %add3A_51 = arith.addf %dot_general3A_46, %add3A_50 : vector<256x1xf32>
      %swap3A_52 = arith.constant 0 : index
      %swap3A_53 = arith.constant 0 : index
      %swap3A_54 = vector.load %arg7[%swap3A_52, %swap3A_53] : memref<256x1xf32, #tpu.memory_space<vmem>>, vector<256x1xf32>
      tpu.vector_store %arg7[%swap3A_52, %swap3A_53], %add3A_51 {strides = array<i32>} : memref<256x1xf32, #tpu.memory_space<vmem>>, vector<256x1xf32>,
    } else {
    }
    return
  }
  func.func @transform_0(%arg0: i32) -> (i32, i32) {
    %c0_i32 = arith.constant 0 : i32
    %c0_i32_0 = arith.constant 0 : i32
    return %arg0, %c0_i32 : i32, i32
  }
  func.func @transform_1(%arg0: i32) -> (i32, i32) {
    %c0_i32 = arith.constant 0 : i32
    %c0_i32_0 = arith.constant 0 : i32
    return %arg0, %c0_i32 : i32, i32
  }
  func.func @transform_2(%arg0: i32) -> (i32, i32) {
    %c0_i32 = arith.constant 0 : i32
    %c0_i32_0 = arith.constant 0 : i32
    %c0_i32_1 = arith.constant 0 : i32
    return %c0_i32, %c0_i32_0 : i32, i32
  }
  func.func @transform_3(%arg0: i32) -> i32 {
    %c0_i32 = arith.constant 0 : i32
    %c0_i32_0 = arith.constant 0 : i32
    return %c0_i32 : i32
  }
  func.func @transform_4(%arg0: i32) -> (i32, i32) {
    %c0_i32 = arith.constant 0 : i32
    %c0_i32_0 = arith.constant 0 : i32
    %c0_i32_1 = arith.constant 0 : i32
    return %c0_i32, %c0_i32_0 : i32, i32
  }
  func.func @transform_5(%arg0: i32) -> i32 {
    %c0_i32 = arith.constant 0 : i32
    %c0_i32_0 = arith.constant 0 : i32
    return %c0_i32 : i32
  }
  func.func @transform_6(%arg0: i32) -> (i32, i32) {
    %c0_i32 = arith.constant 0 : i32
    %c0_i32_0 = arith.constant 0 : i32
    %c0_i32_1 = arith.constant 0 : i32
    return %c0_i32, %c0_i32_0 : i32, i32
  }
}

</mosaic_0001>

<sc_bundles>
// kernel: kernel.17.cloned.1.call-start
scs
__scs_entry_jumppad:
0x0: {  	(pc) =	sbr.rel $0x88, $3  }
0x1: {  	(tag) =	ssettag $0x0;
	lr =	simm.s32 $0x1  }
0x2: {  	[smem:$0x3F8B] =	sst lr;
	_ =	strace $0xD0000000  }
0x3: {  	_ = 	snop  }
0x4: {  	_ = 	snop  }
0x5: {  	_ = 	snop  }
0x6: {  	_ = 	snop  }
0x7: {  	_ = 	snop  }
__scs_overlays_trampoline_lowered:
0x8: {  	[smem:$0x3F9A] =	sst s0  }
0x9: {  	[smem:$0x3F9B] =	sst s1  }
0xa: {  	[smem:$0x3F9C] =	sst s2  }
0xb: {  	[smem:$0x3F9D] =	sst s3  }
0xc: {  	[smem:$0x3F9E] =	sst s4  }
0xd: {  	[smem:$0x3F9F] =	sst s5  }
0xe: {  	[smem:$0x3FA0] =	sst s6  }
0xf: {  	[smem:$0x3FA1] =	sst s7  }
0x10: {  	[smem:$0x3FA2] =	sst s8  }
0x11: {  	[smem:$0x3FA3] =	sst s9;
	s0 =	simm.s32 @!p0 $0x0  }
0x12: {  	s1 =	sld [smem:$0x3F89];
	s0 =	simm.s32 @p0 $0x1  }
0x13: {  	[smem:$0x3FA4] =	sst s0;
	s0 =	simm.s32 @!p1 $0x0  }
0x14: {  	s2 =	sld [smem:$0x3F88];
	s0 =	simm.s32 @p1 $0x1  }
0x15: {  	[smem:$0x3FA5] =	sst s0;
	s0 =	simm.s32 @!p2 $0x0  }
0x16: {  	s3 =	sld [smem:$0x3FDB];
	s0 =	simm.s32 @p2 $0x1  }
0x17: {  	s4 =	simm.s32 $0x1BF5;
	[smem:$0x3FA7] =	sst s0  }
0x18: {  	s0 =	sld [smem:$0x3F8A];
	_ =	swait.ge [sflag:s4], $0x0  }
0x19: {  	s7 =	sld [smem:$0x3F8B]  }
0x1a: {  	s8 =	sadd.s32 $0xFFFFE003, lr  }
0x1b: {  	s9 =	sadd.s32 $0xFFFFFEF7, lr;
	s5 =	simm.s32 $0xFFFFFFFF;
	p2 =	slt.u32 s8, $0xFFFFF086  }
0x1c: {  	p1 =	slt.u32 s9, $0xF7A;
	s5 =	simm.s32 @!p2 $0x0  }
0x1d: {  	s5 =	simm.s32 @p1 $0x1;
	p0 =	seq.s32 s7, s2  }
0x1e: {  	s7 =	smul.u32 @!p0 $0xF7A, s2;
	p2 =	seq.s32 @!p0 s5, $0x0  }
0x1f: {  	s9 =	smul.u32 $0xF7A, s1;
	s8 =	simm.s32 @!p0 $0x1BF5;
	p2 =	por !p2, p0  }
0x20: {  	[sflag:s8] =	ssyncset.s32 @!p0 $0xFFFFF086;
	s6 =	sadd.s32 @!p0 s3, s7;
	s7 =	simm.s32 @!p0 $0x108  }
0x21: {  	s3 =	sadd.s32 s3, s9;
	s6 =	sadd.s32 @!p0 $0x88, s6;
	s7 =	simm.s32 @p2 $0x1082  }
0x22: {  	[simem:s7], [sflag:s8] =	dma.local @!p0 [hbm:s6], $0xF7A  }
0x23: {  	s9 =	sor.u32 $0xD0000000, s2;
	s6 =	simm.s32 $0x108;
	_ =	swait.ge @!p0 [sflag:s8], $0x0  }
0x24: {  	s3 =	sadd.s32 $0x88, s3;
	s6 =	simm.s32 @!p1 $0x1082;
	[sflag:s4] =	ssyncset.s32 $0xFFFFF086  }
0x25: {  	[simem:s6], [sflag:s4] =	dma.local [hbm:s3], $0xF7A  }
0x26: {  	[smem:$0x3F8B] =	sst s1;
	(tag) =	ssettag s2;
	_ =	strace s9  }
0x27: {  	s1 =	sld [smem:$0x3F9B]  }
0x28: {  	s2 =	sld [smem:$0x3F9C]  }
0x29: {  	s4 =	sld [smem:$0x3F9E]  }
0x2a: {  	p0 =	seq.s32 s5, $0x0;
	s5 =	sld [smem:$0x3F9F]  }
0x2b: {  	s6 =	sld [smem:$0x3FA0]  }
0x2c: {  	s7 =	sld [smem:$0x3FA1]  }
0x2d: {  	s3 =	simm.s32 $0x108;
	s8 =	sld [smem:$0x3FA2]  }
0x2e: {  	s3 =	simm.s32 @!p0 $0x1082;
	s9 =	sld [smem:$0x3FA3]  }
0x2f: {  	lr =	sadd.s32 s0, s3;
	s0 =	sld [smem:$0x3F9A]  }
0x30: {  	s3 =	sld [smem:$0x3F9D]  }
0x31: {  	[smem:$0x3FA6] =	sst s10  }
0x32: {  	s10 =	sld [smem:$0x3FA4];
	_ =	sdelay $0x3  }
0x33: {  	p0 =	seq.s32 s10, $0x1;
	s10 =	sld [smem:$0x3FA6];
	_ =	sdelay $0x3  }
0x34: {  	[smem:$0x3FA6] =	sst s10  }
0x35: {  	s10 =	sld [smem:$0x3FA5];
	_ =	sdelay $0x3  }
0x36: {  	p1 =	seq.s32 s10, $0x1;
	s10 =	sld [smem:$0x3FA6];
	_ =	sdelay $0x3  }
0x37: {  	[smem:$0x3FA6] =	sst s10  }
0x38: {  	s10 =	sld [smem:$0x3FA7]  }
0x39: {  	_ = 	snop;
	(pc) =	sbr.ind lr, $3  }
0x3a: {  	_ = 	snop  }
0x3b: {  	_ = 	snop  }
0x3c: {  	p2 =	seq.s32 s10, $0x1;
	s10 =	sld [smem:$0x3FA6]  }
0x3d: {  	_ =	shalt  }
0x3e: {  	_ =	shalt  }
0x3f: {  	_ =	shalt  }
0x40: {  	_ =	shalt  }
0x41: {  	_ =	shalt  }
0x42: {  	_ =	shalt  }
0x43: {  	_ =	shalt  }
0x44: {  	_ =	shalt  }
0x45: {  	_ =	shalt  }
0x46: {  	_ =	shalt  }
0x47: {  	_ =	shalt  }
0x48: {  	_ =	shalt  }
0x49: {  	_ =	shalt  }
0x4a: {  	_ =	shalt  }
0x4b: {  	_ =	shalt  }
0x4c: {  	_ =	shalt  }
0x4d: {  	_ =	shalt  }
0x4e: {  	_ =	shalt  }
0x4f: {  	_ =	shalt  }
0x50: {  	_ =	shalt  }
0x51: {  	_ =	shalt  }
0x52: {  	_ =	shalt  }
0x53: {  	_ =	shalt  }
0x54: {  	_ =	shalt  }
0x55: {  	_ =	shalt  }
0x56: {  	_ =	shalt  }
0x57: {  	_ =	shalt  }
0x58: {  	_ =	shalt  }
0x59: {  	_ =	shalt  }
0x5a: {  	_ =	shalt  }
0x5b: {  	_ =	shalt  }
0x5c: {  	_ =	shalt  }
0x5d: {  	_ =	shalt  }
0x5e: {  	_ =	shalt  }
0x5f: {  	_ =	shalt  }
0x60: {  	_ =	shalt  }
0x61: {  	_ =	shalt  }
0x62: {  	_ =	shalt  }
0x63: {  	_ =	shalt  }
0x64: {  	_ =	shalt  }
0x65: {  	_ =	shalt  }
0x66: {  	_ =	shalt  }
0x67: {  	_ =	shalt  }
0x68: {  	_ =	shalt  }
0x69: {  	_ =	shalt  }
0x6a: {  	_ =	shalt  }
0x6b: {  	_ =	shalt  }
0x6c: {  	_ =	shalt  }
0x6d: {  	_ =	shalt  }
0x6e: {  	_ =	shalt  }
0x6f: {  	_ =	shalt  }
0x70: {  	_ =	shalt  }
0x71: {  	_ =	shalt  }
0x72: {  	_ =	shalt  }
0x73: {  	_ =	shalt  }
0x74: {  	_ =	shalt  }
0x75: {  	_ =	shalt  }
0x76: {  	_ =	shalt  }
0x77: {  	_ =	shalt  }
0x78: {  	_ =	shalt  }
0x79: {  	_ =	shalt  }
0x7a: {  	_ =	shalt  }
0x7b: {  	_ =	shalt  }
0x7c: {  	_ =	shalt  }
0x7d: {  	_ =	shalt  }
0x7e: {  	_ =	shalt  }
0x7f: {  	_ =	shalt  }
0x80: {  	_ =	shalt  }
0x81: {  	_ =	shalt  }
0x82: {  	_ =	shalt  }
0x83: {  	_ =	shalt  }
0x84: {  	_ =	shalt  }
0x85: {  	_ =	shalt  }
0x86: {  	_ =	shalt  }
0x87: {  	_ =	shalt  }
.Lfunc_end0:
.L_simem_size_0:
called_computation_lowered:
.L_overlay_start_0:
0x88: {  	s2 =	sld [smem:$0x3FD9]  }
0x89: {  	s3 =	sld [smem:$0x3FFE];
	_ =	sdelay $0x1  }
0x8a: {  	s1 =	srdreg.scid  }
0x8b: {  	s0 =	sand.u32 $0x1, s1  }
0x8c: {  	s16 =	sshll.u32 s0, $0xA;
	s2 =	sadd.s32 s3, s2  }
0x8d: {  	s2 =	sadd.s32 s2, s16  }
0x8e: {  	[smem:$0x3FB2] =	sst s2  }
0x8f: {  	_ = 	snop  }
0x90: {  	(tm) =	ssettm $0x1  }
0x91: {  	s17 =	sld [smem:$0x3FFB];
	_ =	sdelay $0x3  }
0x92: {  	_ =	strace s17  }
0x93: {  	s2 =	sld [smem:$0x3FFC];
	_ =	sdelay $0x3  }
0x94: {  	_ =	strace s2  }
0x95: {  	s2 =	sld [smem:$0x3FFD];
	_ =	sdelay $0x3  }
0x96: {  	_ =	strace s2  }
0x97: {  	_ =	strace $0x8FFFFFFF  }
0x98: {  	s18 =	sld [smem:$0x3FDB];
	_ =	sdelay $0x1  }
0x99: {  	s19 =	simm.s32 $_scs_section_size  }
0x9a: {  	s4 =	simm.s32 $_size__tile_overlayer_lowered;
	s5 =	simm.s32 $_tile_overlayer_lowered  }
0x9b: {  	s22 =	simm.s32 $0x1BFF;
	s21 =	sshll.u32 s5, $0x1;
	s2 =	sadd.s32 s19, s18  }
0x9c: {  	s6 =	simm.s32 $0x0;
	s20 =	sshll.u32 s4, $0x1;
	s4 =	sadd.s32 s21, s2  }
0x9d: {  	[timem:s6], [sflag:s22] =	dma.local [hbm:s4], s20  }
0x9e: {  	_ =	swait.ge [sflag:s22], s20  }
0x9f: {  	s3 =	ssub.s32 $0x0, s20;
	[sflag:s22] =	ssyncset.done $0x0  }
0xa0: {  	[sflag:s22] =	ssyncadd.s32 s3;
	_ =	sdelay $0x1  }
0xa1: {  	s23 =	simm.s32 $0x1B8B  }
0xa2: {  	_ =	swait.ge [sflag:s23], $0x1  }
0xa3: {  	[sflag:s23] =	ssyncset.done $0x0  }
0xa4: {  	s25 =	simm.s32 $0x1B8E;
	s24 =	sld [smem:$0x3FFE];
	[sflag:s23] =	ssyncadd.s32 $0xFFFFFFFF  }
0xa5: {  	s26 =	simm.s32 $execute0_lowered;
	[smem:$0x3FD2] =	sst s25  }
0xa6: {  	s4 =	sshll.u32 s26, $0x1;
	_ =	strace $0x80000046;
	[dreg:$0x1] =	wrdreg $0xFFFFFFFF  }
0xa7: {  	s28 =	simm.s32 $_size_execute0_lowered;
	s2 =	sadd.s32 s2, s4;
	[dreg:$0x0] =	wrdreg $0x0  }
0xa8: {  	s4 =	sshll.u32 s28, $0x1;
	[dreg:$0x2] =	wrdreg s2  }
0xa9: {  	[dreg:$0x3] =	wrdreg s4  }
0xaa: {  	[dreg:$0x4] =	wrdreg $0xC0  }
0xab: {  	_ =	task [dreg:s6], $0x5FFFF  }
0xac: {  	[dreg:$0x1] =	wrdreg $0xFFFFFFFF  }
0xad: {  	[dreg:$0x0] =	wrdreg $0x60  }
0xae: {  	[dreg:$0x2] =	wrdreg s24  }
0xaf: {  	[dreg:$0x3] =	wrdreg $0x9  }
0xb0: {  	_ =	task.clear_ibuf [dreg:s6], $0x4FFFF;
	_ =	strace $0x90000046  }
0xb1: {  	s29 =	simm.s32 $0x9;
	_ =	strace $0x80000048  }
0xb2: {  	_ =	swait.ge [sflag:s29], $0x1  }
0xb3: {  	[sflag:s29] =	ssyncadd.s32 $0xFFFFFFFF  }
0xb4: {  	_ =	strace $0x90000048  }
0xb5: {  	_ =	sfence  }
0xb6: {  	s30 =	sld [smem:$0x0];
	_ =	sdelay $0x2  }
0xb7: {  	s31 =	sshll.u32 s1, $0xD;
	s1 =	sshrl.u32 s1, $0x2  }
0xb8: {  	s3 =	sand.u32 $0x4000, s31;
	s1 =	sadd.s32 s1, s30  }
0xb9: {  	s0 =	sor.u32 s3, s0;
	s1 =	sshll.u32 s1, $0x11  }
0xba: {  	s0 =	sor.u32 s1, s0  }
0xbb: {  	s0 =	sadd.s32 $0x8F2B, s0  }
0xbc: {  	[sflag:s0] =	ssyncadd.remote.s32 $0x1  }
0xbd: {  	_ =	sfence.sel $0xFFFF  }
0xbe: {  	[dreg:$0x0] =	wrdreg $0xFFFFFFFF;
	(pc) =	sbr.abs _section_cstart, $3  }
0xbf: {  	[dreg:$0x1] =	wrdreg $0xFFFFFFFF  }
0xc0: {  	_ =	task.clear_ibuf [dreg:s6], $0x2FFFF;
	_ =	strace $0x9FFFFFFF  }
0xc1: {  	(tm) =	ssettm $0x7FFFFFFF  }
tec
execute0_lowered:
.L_overlay_start_1:
0x0: {  	(tag) =	ssettag $0x1  }
0x1: {  	s5 =	rddreg [dreg:$0x0]  }
0x2: {  	s0 =	rddreg [dreg:$0x1]  }
0x3: {  	s1 =	simm.s32 $0x0;
	s2 =	srdreg.scid;
	s10 =	simm.s32 $0x1  }
0x4: {  	s11 =	simm.s32 $0x2780;
	s12 =	simm.s32 $0x4F00;
	s13 =	simm.s32 $0x7680  }
0x5: {  	s14 =	simm.s32 $0x7700;
	s15 =	simm.s32 $0x7780;
	s16 =	simm.s32 $0x0  }
0x6: {  	[smem:$0x7FF] =	sst s1;
	s3 =	sand.u32 $0x1, s2;
	s2 =	stileid.u32  }
0x7: {  	s4 =	smul.u32 $0x4F00, s3;
	_ =	strace $0x80000047;
	s6 =	ssub.s32 $0x2, s3  }
0x8: {  	s7 =	smul.u32 $0x4F0, s2;
	s3 =	sadd.s32 $0xA800, s5;
	s9 =	sshrl.u32 s6, $0x1  }
0x9: {  	s8 =	sadd.s32 s4, s5;
	s4 =	sadd.s32 $0xA200, s5;
	s6 =	ssub.s32 s6, s9  }
0xa: {  	s5 =	sadd.s32 $0x9C00, s5;
	s31 =	sadd.s32 s7, s8;
	s6 =	smax.u32 s6, $0x1  }
0xb: {  	s7 =	sadd.s32 $0x1EA00, s31;
	s8 =	sadd.s32 $0x14C00, s31;
	s9 =	sadd.s32 $0xAE00, s31  }
.LBB2_1:
0xc: {  	[tilespmem:s1], [sflag:$0x1] =	stream.linear.gather [hbm4b:s3+s1], $0x2780, $0x38;
	[tilespmem:$0x7800] =	vst v63  }
0xd: {  	_ =	swait.ge [sflag:s10], $0x2780  }
0xe: {  	[sflag:s10] =	ssyncset.done $0x0  }
0xf: {  	[sflag:s10] =	ssyncadd.s32 $0xFFFFD880  }
0x10: {  	[tilespmem:s11], [sflag:$0x1] =	stream.linear.gather [hbm4b:s4+s1], $0x2780, $0x38;
	[tilespmem:$0x7800] =	vst v63  }
0x11: {  	_ =	swait.ge [sflag:s10], $0x2780  }
0x12: {  	[sflag:s10] =	ssyncset.done $0x0  }
0x13: {  	[sflag:s10] =	ssyncadd.s32 $0xFFFFD880  }
0x14: {  	[tilespmem:s12], [sflag:$0x1] =	stream.linear.gather [hbm4b:s5+s1], $0x2780, $0x38;
	[tilespmem:$0x7800] =	vst v63  }
0x15: {  	_ =	swait.ge [sflag:s10], $0x2780  }
0x16: {  	[sflag:s10] =	ssyncset.done $0x0  }
0x17: {  	s17 =	sadd.s32 $0x0, s9;
	[sflag:s10] =	ssyncadd.s32 $0xFFFFD880  }
0x18: {  	[tilespmem:s13], [sflag:$0x1] =	stream.linear.gather [hbm4b:s17+s1], $0x80, $0x38;
	[tilespmem:$0x7800] =	vst v63  }
0x19: {  	_ =	swait.ge [sflag:s10], $0x80  }
0x1a: {  	[sflag:s10] =	ssyncset.done $0x0  }
0x1b: {  	s31 =	sadd.s32 $0x0, s8;
	[sflag:s10] =	ssyncadd.s32 $0xFFFFFF80  }
0x1c: {  	[tilespmem:s14], [sflag:$0x1] =	stream.linear.gather [hbm4b:s31+s1], $0x80, $0x38;
	[tilespmem:$0x7800] =	vst v63  }
0x1d: {  	_ =	swait.ge [sflag:s10], $0x80  }
0x1e: {  	[sflag:s10] =	ssyncset.done $0x0  }
0x1f: {  	[sflag:s10] =	ssyncadd.s32 $0xFFFFFF80  }
0x20: {  	v0 =	vld [tilespmem:$0x7680];
	_ =	sdelay $0x1  }
0x21: {  	v1 =	vld [tilespmem:$0x7700];
	_ =	sdelay $0x5  }
0x22: {  	v2 =	vld.idx.msk [tilespmem:v0+s11+$0x0], $0xffff  }
0x23: {  	v3 =	vld.idx.msk [tilespmem:v0+s1+$0x0], $0xffff  }
0x24: {  	v4 =	vld.idx.msk [tilespmem:v1+s1+$0x0], $0xffff  }
0x25: {  	v5 =	vld.idx.msk [tilespmem:v1+s11+$0x0], $0xffff  }
0x26: {  	v0 =	vld.idx.msk [tilespmem:v0+s12+$0x0], $0xffff  }
0x27: {  	v1 =	vld.idx.msk [tilespmem:v1+s12+$0x0], $0xffff;
	_ =	sdelay $0x2  }
0x28: {  	v3 =	vsub.f32 v3, v4;
	v2 =	vsub.f32 v2, v5  }
0x29: {  	v4 =	vld [tilespmem:$0x7690]  }
0x2a: {  	v0 =	vsub.f32 v0, v1;
	v1 =	vmul.f32 v3, v3;
	v2 =	vmul.f32 v2, v2  }
0x2b: {  	v3 =	vld [tilespmem:$0x7710]  }
0x2c: {  	v0 =	vmul.f32 v0, v0;
	v1 =	vadd.f32 v2, v1;
	_ =	sdelay $0x1  }
0x2d: {  	v0 =	vadd.f32 v0, v1;
	_ =	sdelay $0x1  }
0x2e: {  	[tilespmem:$0x7780] =	vst v0  }
0x2f: {  	v0 =	vld.idx.msk [tilespmem:v4+s1+$0x0], $0xffff  }
0x30: {  	v2 =	vld.idx.msk [tilespmem:v4+s11+$0x0], $0xffff  }
0x31: {  	v1 =	vld.idx.msk [tilespmem:v3+s1+$0x0], $0xffff  }
0x32: {  	v5 =	vld.idx.msk [tilespmem:v3+s11+$0x0], $0xffff  }
0x33: {  	v4 =	vld.idx.msk [tilespmem:v4+s12+$0x0], $0xffff  }
0x34: {  	v3 =	vld.idx.msk [tilespmem:v3+s12+$0x0], $0xffff;
	_ =	sdelay $0x2  }
0x35: {  	v0 =	vsub.f32 v0, v1;
	v1 =	vsub.f32 v2, v5  }
0x36: {  	v2 =	vld [tilespmem:$0x7720]  }
0x37: {  	v3 =	vsub.f32 v4, v3;
	v0 =	vmul.f32 v0, v0;
	v1 =	vmul.f32 v1, v1  }
0x38: {  	v4 =	vld [tilespmem:$0x76A0]  }
0x39: {  	v0 =	vadd.f32 v1, v0;
	v1 =	vmul.f32 v3, v3;
	_ =	sdelay $0x1  }
0x3a: {  	v0 =	vadd.f32 v1, v0;
	_ =	sdelay $0x1  }
0x3b: {  	[tilespmem:$0x7790] =	vst v0  }
0x3c: {  	v0 =	vld.idx.msk [tilespmem:v2+s11+$0x0], $0xffff  }
0x3d: {  	v1 =	vld.idx.msk [tilespmem:v2+s1+$0x0], $0xffff  }
0x3e: {  	v3 =	vld.idx.msk [tilespmem:v4+s1+$0x0], $0xffff  }
0x3f: {  	v5 =	vld.idx.msk [tilespmem:v4+s11+$0x0], $0xffff  }
0x40: {  	v4 =	vld.idx.msk [tilespmem:v4+s12+$0x0], $0xffff  }
0x41: {  	v2 =	vld.idx.msk [tilespmem:v2+s12+$0x0], $0xffff;
	_ =	sdelay $0x2  }
0x42: {  	v1 =	vsub.f32 v3, v1;
	v0 =	vsub.f32 v5, v0  }
0x43: {  	v3 =	vld [tilespmem:$0x76B0]  }
0x44: {  	v2 =	vsub.f32 v4, v2;
	v4 =	vld [tilespmem:$0x7730];
	v1 =	vmul.f32 v1, v1;
	v0 =	vmul.f32 v0, v0;
	_ =	sdelay $0x1  }
0x45: {  	v0 =	vadd.f32 v0, v1;
	v1 =	vmul.f32 v2, v2;
	_ =	sdelay $0x1  }
0x46: {  	v0 =	vadd.f32 v1, v0;
	_ =	sdelay $0x1  }
0x47: {  	[tilespmem:$0x77A0] =	vst v0  }
0x48: {  	v0 =	vld.idx.msk [tilespmem:v3+s1+$0x0], $0xffff  }
0x49: {  	v1 =	vld.idx.msk [tilespmem:v4+s1+$0x0], $0xffff  }
0x4a: {  	v2 =	vld.idx.msk [tilespmem:v4+s11+$0x0], $0xffff  }
0x4b: {  	v5 =	vld.idx.msk [tilespmem:v3+s11+$0x0], $0xffff  }
0x4c: {  	v3 =	vld.idx.msk [tilespmem:v3+s12+$0x0], $0xffff  }
0x4d: {  	v4 =	vld.idx.msk [tilespmem:v4+s12+$0x0], $0xffff;
	_ =	sdelay $0x2  }
0x4e: {  	v0 =	vsub.f32 v0, v1;
	v1 =	vsub.f32 v5, v2  }
0x4f: {  	v2 =	vld [tilespmem:$0x7740]  }
0x50: {  	v3 =	vsub.f32 v3, v4;
	v0 =	vmul.f32 v0, v0;
	v1 =	vmul.f32 v1, v1  }
0x51: {  	v4 =	vld [tilespmem:$0x76C0]  }
0x52: {  	v0 =	vadd.f32 v1, v0;
	v1 =	vmul.f32 v3, v3;
	_ =	sdelay $0x1  }
0x53: {  	v0 =	vadd.f32 v1, v0;
	_ =	sdelay $0x1  }
0x54: {  	[tilespmem:$0x77B0] =	vst v0  }
0x55: {  	v0 =	vld.idx.msk [tilespmem:v2+s1+$0x0], $0xffff  }
0x56: {  	v1 =	vld.idx.msk [tilespmem:v2+s11+$0x0], $0xffff  }
0x57: {  	v3 =	vld.idx.msk [tilespmem:v4+s1+$0x0], $0xffff  }
0x58: {  	v5 =	vld.idx.msk [tilespmem:v4+s11+$0x0], $0xffff  }
0x59: {  	v4 =	vld.idx.msk [tilespmem:v4+s12+$0x0], $0xffff  }
0x5a: {  	v2 =	vld.idx.msk [tilespmem:v2+s12+$0x0], $0xffff;
	_ =	sdelay $0x2  }
0x5b: {  	v0 =	vsub.f32 v3, v0;
	v1 =	vsub.f32 v5, v1  }
0x5c: {  	v3 =	vld [tilespmem:$0x7750]  }
0x5d: {  	v2 =	vsub.f32 v4, v2;
	v0 =	vmul.f32 v0, v0;
	v1 =	vmul.f32 v1, v1  }
0x5e: {  	v4 =	vld [tilespmem:$0x76D0]  }
0x5f: {  	v0 =	vadd.f32 v1, v0;
	v1 =	vmul.f32 v2, v2;
	_ =	sdelay $0x1  }
0x60: {  	v0 =	vadd.f32 v1, v0;
	_ =	sdelay $0x1  }
0x61: {  	[tilespmem:$0x77C0] =	vst v0  }
0x62: {  	v0 =	vld.idx.msk [tilespmem:v3+s1+$0x0], $0xffff  }
0x63: {  	v1 =	vld.idx.msk [tilespmem:v3+s11+$0x0], $0xffff  }
0x64: {  	v2 =	vld.idx.msk [tilespmem:v4+s11+$0x0], $0xffff  }
0x65: {  	v5 =	vld.idx.msk [tilespmem:v4+s1+$0x0], $0xffff  }
0x66: {  	v4 =	vld.idx.msk [tilespmem:v4+s12+$0x0], $0xffff  }
0x67: {  	v3 =	vld.idx.msk [tilespmem:v3+s12+$0x0], $0xffff;
	_ =	sdelay $0x2  }
0x68: {  	v1 =	vsub.f32 v2, v1;
	v0 =	vsub.f32 v5, v0  }
0x69: {  	v2 =	vld [tilespmem:$0x7760]  }
0x6a: {  	v3 =	vsub.f32 v4, v3;
	v4 =	vld [tilespmem:$0x76E0];
	v1 =	vmul.f32 v1, v1;
	v0 =	vmul.f32 v0, v0;
	_ =	sdelay $0x1  }
0x6b: {  	v0 =	vadd.f32 v1, v0;
	v1 =	vmul.f32 v3, v3;
	_ =	sdelay $0x1  }
0x6c: {  	v0 =	vadd.f32 v1, v0;
	_ =	sdelay $0x1  }
0x6d: {  	[tilespmem:$0x77D0] =	vst v0  }
0x6e: {  	v0 =	vld.idx.msk [tilespmem:v2+s1+$0x0], $0xffff  }
0x6f: {  	v1 =	vld.idx.msk [tilespmem:v4+s11+$0x0], $0xffff  }
0x70: {  	v3 =	vld.idx.msk [tilespmem:v4+s1+$0x0], $0xffff  }
0x71: {  	v5 =	vld.idx.msk [tilespmem:v2+s11+$0x0], $0xffff  }
0x72: {  	v4 =	vld.idx.msk [tilespmem:v4+s12+$0x0], $0xffff  }
0x73: {  	v2 =	vld.idx.msk [tilespmem:v2+s12+$0x0], $0xffff;
	_ =	sdelay $0x2  }
0x74: {  	v0 =	vsub.f32 v3, v0  }
0x75: {  	v1 =	vsub.f32 v1, v5  }
0x76: {  	v3 =	vsub.f32 v4, v2;
	v2 =	vmul.f32 v0, v0;
	v0 =	vld [tilespmem:$0x76F0]  }
0x77: {  	v4 =	vmul.f32 v1, v1;
	v1 =	vld [tilespmem:$0x7770];
	_ =	sdelay $0x1  }
0x78: {  	s18 =	simm.s32 $0x10;
	s17 =	simm.s32 $0x0;
	v3 =	vmul.f32 v3, v3;
	v2 =	vadd.f32 v4, v2  }
.LBB2_2:
0x79: {  	p0 =	sne.s32 s18, $0x4E0;
	s19 =	smov.u32 s18;
	s18 =	sadd.s32 $0x10, s18  }
0x7a: {  	v2 =	vadd.f32 v3, v2;
	_ =	sdelay $0x1  }
0x7b: {  	[tilespmem:$0x77E0] =	vst v2  }
0x7c: {  	v2 =	vld.idx.msk [tilespmem:v0+s12+$0x0], $0xffff  }
0x7d: {  	v3 =	vld.idx.msk [tilespmem:v1+s12+$0x0], $0xffff  }
0x7e: {  	v4 =	vld.idx.msk [tilespmem:v1+s11+$0x0], $0xffff  }
0x7f: {  	v5 =	vld.idx.msk [tilespmem:v0+s1+$0x0], $0xffff  }
0x80: {  	v1 =	vld.idx.msk [tilespmem:v1+s1+$0x0], $0xffff  }
0x81: {  	v0 =	vld.idx.msk [tilespmem:v0+s11+$0x0], $0xffff;
	_ =	sdelay $0x4  }
0x82: {  	v2 =	vsub.f32 v2, v3;
	v1 =	vsub.f32 v5, v1  }
0x83: {  	v0 =	vsub.f32 v0, v4  }
0x84: {  	v2 =	vmul.f32 v2, v2;
	v1 =	vmul.f32 v1, v1  }
0x85: {  	v0 =	vmul.f32 v0, v0;
	_ =	sdelay $0x1  }
0x86: {  	v0 =	vadd.f32 v0, v1;
	_ =	sdelay $0x1  }
0x87: {  	v0 =	vadd.f32 v2, v0  }
0x88: {  	s20 =	sadd.s32 s17, s7;
	s17 =	smov.u32 s19  }
0x89: {  	[tilespmem:$0x77F0] =	vst v0  }
0x8a: {  	[hbm4b:s20+s1] =	stream.linear.scatter [tilespmem:s15], [sflag:$0x1], $0x80, $0x38;
	[tilespmem:$0x7800] =	vst v63  }
0x8b: {  	_ =	swait.ge [sflag:s10], $0x80  }
0x8c: {  	s19 =	sadd.s32 s17, s9;
	[sflag:s10] =	ssyncset.done $0x0  }
0x8d: {  	[sflag:s10] =	ssyncadd.s32 $0xFFFFFF80  }
0x8e: {  	[tilespmem:s13], [sflag:$0x1] =	stream.linear.gather [hbm4b:s19+s1], $0x80, $0x38;
	[tilespmem:$0x7800] =	vst v63  }
0x8f: {  	_ =	swait.ge [sflag:s10], $0x80  }
0x90: {  	[sflag:s10] =	ssyncset.done $0x0  }
0x91: {  	s19 =	sadd.s32 s17, s8;
	[sflag:s10] =	ssyncadd.s32 $0xFFFFFF80  }
0x92: {  	[tilespmem:s14], [sflag:$0x1] =	stream.linear.gather [hbm4b:s19+s1], $0x80, $0x38;
	[tilespmem:$0x7800] =	vst v63  }
0x93: {  	_ =	swait.ge [sflag:s10], $0x80  }
0x94: {  	[sflag:s10] =	ssyncset.done $0x0  }
0x95: {  	[sflag:s10] =	ssyncadd.s32 $0xFFFFFF80  }
0x96: {  	v0 =	vld [tilespmem:$0x7680];
	_ =	sdelay $0x1  }
0x97: {  	v1 =	vld [tilespmem:$0x7700];
	_ =	sdelay $0x5  }
0x98: {  	v2 =	vld.idx.msk [tilespmem:v0+s11+$0x0], $0xffff  }
0x99: {  	v3 =	vld.idx.msk [tilespmem:v0+s1+$0x0], $0xffff  }
0x9a: {  	v4 =	vld.idx.msk [tilespmem:v1+s1+$0x0], $0xffff  }
0x9b: {  	v5 =	vld.idx.msk [tilespmem:v1+s11+$0x0], $0xffff  }
0x9c: {  	v0 =	vld.idx.msk [tilespmem:v0+s12+$0x0], $0xffff  }
0x9d: {  	v1 =	vld.idx.msk [tilespmem:v1+s12+$0x0], $0xffff;
	_ =	sdelay $0x2  }
0x9e: {  	v3 =	vsub.f32 v3, v4  }
0x9f: {  	v2 =	vsub.f32 v2, v5  }
0xa0: {  	v4 =	vld [tilespmem:$0x7690]  }
0xa1: {  	v0 =	vsub.f32 v0, v1;
	v1 =	vmul.f32 v3, v3;
	v2 =	vmul.f32 v2, v2;
	v3 =	vld [tilespmem:$0x7710];
	_ =	sdelay $0x1  }
0xa2: {  	v1 =	vadd.f32 v2, v1;
	v0 =	vmul.f32 v0, v0;
	_ =	sdelay $0x1  }
0xa3: {  	v0 =	vadd.f32 v0, v1;
	_ =	sdelay $0x1  }
0xa4: {  	[tilespmem:$0x7780] =	vst v0  }
0xa5: {  	v0 =	vld.idx.msk [tilespmem:v4+s1+$0x0], $0xffff  }
0xa6: {  	v1 =	vld.idx.msk [tilespmem:v3+s1+$0x0], $0xffff  }
0xa7: {  	v2 =	vld.idx.msk [tilespmem:v4+s11+$0x0], $0xffff  }
0xa8: {  	v5 =	vld.idx.msk [tilespmem:v3+s11+$0x0], $0xffff  }
0xa9: {  	v4 =	vld.idx.msk [tilespmem:v4+s12+$0x0], $0xffff  }
0xaa: {  	v3 =	vld.idx.msk [tilespmem:v3+s12+$0x0], $0xffff;
	_ =	sdelay $0x2  }
0xab: {  	v0 =	vsub.f32 v0, v1  }
0xac: {  	v1 =	vsub.f32 v2, v5  }
0xad: {  	v0 =	vmul.f32 v0, v0;
	v2 =	vld [tilespmem:$0x7720]  }
0xae: {  	v3 =	vsub.f32 v4, v3;
	v1 =	vmul.f32 v1, v1  }
0xaf: {  	v4 =	vld [tilespmem:$0x76A0]  }
0xb0: {  	v0 =	vadd.f32 v1, v0;
	v1 =	vmul.f32 v3, v3;
	_ =	sdelay $0x1  }
0xb1: {  	v0 =	vadd.f32 v1, v0;
	_ =	sdelay $0x1  }
0xb2: {  	[tilespmem:$0x7790] =	vst v0  }
0xb3: {  	v0 =	vld.idx.msk [tilespmem:v2+s11+$0x0], $0xffff  }
0xb4: {  	v1 =	vld.idx.msk [tilespmem:v2+s1+$0x0], $0xffff  }
0xb5: {  	v3 =	vld.idx.msk [tilespmem:v4+s1+$0x0], $0xffff  }
0xb6: {  	v5 =	vld.idx.msk [tilespmem:v4+s11+$0x0], $0xffff  }
0xb7: {  	v4 =	vld.idx.msk [tilespmem:v4+s12+$0x0], $0xffff  }
0xb8: {  	v2 =	vld.idx.msk [tilespmem:v2+s12+$0x0], $0xffff;
	_ =	sdelay $0x2  }
0xb9: {  	v1 =	vsub.f32 v3, v1  }
0xba: {  	v0 =	vsub.f32 v5, v0  }
0xbb: {  	v3 =	vld [tilespmem:$0x76B0]  }
0xbc: {  	v1 =	vmul.f32 v1, v1;
	v2 =	vsub.f32 v4, v2;
	v0 =	vmul.f32 v0, v0;
	v4 =	vld [tilespmem:$0x7730];
	_ =	sdelay $0x1  }
0xbd: {  	v0 =	vadd.f32 v0, v1;
	v1 =	vmul.f32 v2, v2;
	_ =	sdelay $0x1  }
0xbe: {  	v0 =	vadd.f32 v1, v0;
	_ =	sdelay $0x1  }
0xbf: {  	[tilespmem:$0x77A0] =	vst v0  }
0xc0: {  	v0 =	vld.idx.msk [tilespmem:v3+s1+$0x0], $0xffff  }
0xc1: {  	v1 =	vld.idx.msk [tilespmem:v4+s1+$0x0], $0xffff  }
0xc2: {  	v2 =	vld.idx.msk [tilespmem:v4+s11+$0x0], $0xffff  }
0xc3: {  	v5 =	vld.idx.msk [tilespmem:v3+s11+$0x0], $0xffff  }
0xc4: {  	v3 =	vld.idx.msk [tilespmem:v3+s12+$0x0], $0xffff  }
0xc5: {  	v4 =	vld.idx.msk [tilespmem:v4+s12+$0x0], $0xffff;
	_ =	sdelay $0x1  }
0xc6: {  	v0 =	vsub.f32 v0, v1;
	_ =	sdelay $0x1  }
0xc7: {  	v1 =	vsub.f32 v5, v2;
	v0 =	vmul.f32 v0, v0  }
0xc8: {  	v2 =	vld [tilespmem:$0x7740]  }
0xc9: {  	v3 =	vsub.f32 v3, v4;
	v1 =	vmul.f32 v1, v1  }
0xca: {  	v4 =	vld [tilespmem:$0x76C0]  }
0xcb: {  	v0 =	vadd.f32 v1, v0;
	v1 =	vmul.f32 v3, v3;
	_ =	sdelay $0x1  }
0xcc: {  	v0 =	vadd.f32 v1, v0;
	_ =	sdelay $0x1  }
0xcd: {  	[tilespmem:$0x77B0] =	vst v0  }
0xce: {  	v0 =	vld.idx.msk [tilespmem:v2+s1+$0x0], $0xffff  }
0xcf: {  	v1 =	vld.idx.msk [tilespmem:v2+s11+$0x0], $0xffff  }
0xd0: {  	v3 =	vld.idx.msk [tilespmem:v4+s1+$0x0], $0xffff  }
0xd1: {  	v5 =	vld.idx.msk [tilespmem:v4+s11+$0x0], $0xffff  }
0xd2: {  	v4 =	vld.idx.msk [tilespmem:v4+s12+$0x0], $0xffff  }
0xd3: {  	v2 =	vld.idx.msk [tilespmem:v2+s12+$0x0], $0xffff;
	_ =	sdelay $0x2  }
0xd4: {  	v0 =	vsub.f32 v3, v0  }
0xd5: {  	v1 =	vsub.f32 v5, v1  }
0xd6: {  	v3 =	vld [tilespmem:$0x7750]  }
0xd7: {  	v0 =	vmul.f32 v0, v0;
	v2 =	vsub.f32 v4, v2;
	v1 =	vmul.f32 v1, v1  }
0xd8: {  	v4 =	vld [tilespmem:$0x76D0]  }
0xd9: {  	v0 =	vadd.f32 v1, v0;
	v1 =	vmul.f32 v2, v2;
	_ =	sdelay $0x1  }
0xda: {  	v0 =	vadd.f32 v1, v0;
	_ =	sdelay $0x1  }
0xdb: {  	[tilespmem:$0x77C0] =	vst v0  }
0xdc: {  	v0 =	vld.idx.msk [tilespmem:v3+s1+$0x0], $0xffff  }
0xdd: {  	v1 =	vld.idx.msk [tilespmem:v3+s11+$0x0], $0xffff  }
0xde: {  	v2 =	vld.idx.msk [tilespmem:v4+s11+$0x0], $0xffff  }
0xdf: {  	v5 =	vld.idx.msk [tilespmem:v4+s1+$0x0], $0xffff  }
0xe0: {  	v4 =	vld.idx.msk [tilespmem:v4+s12+$0x0], $0xffff  }
0xe1: {  	v3 =	vld.idx.msk [tilespmem:v3+s12+$0x0], $0xffff;
	_ =	sdelay $0x2  }
0xe2: {  	v1 =	vsub.f32 v2, v1  }
0xe3: {  	v0 =	vsub.f32 v5, v0  }
0xe4: {  	v1 =	vmul.f32 v1, v1;
	v2 =	vld [tilespmem:$0x7760]  }
0xe5: {  	v3 =	vsub.f32 v4, v3;
	v0 =	vmul.f32 v0, v0;
	v4 =	vld [tilespmem:$0x76E0];
	_ =	sdelay $0x1  }
0xe6: {  	v0 =	vadd.f32 v1, v0;
	v1 =	vmul.f32 v3, v3;
	_ =	sdelay $0x1  }
0xe7: {  	v0 =	vadd.f32 v1, v0;
	_ =	sdelay $0x1  }
0xe8: {  	[tilespmem:$0x77D0] =	vst v0  }
0xe9: {  	v0 =	vld.idx.msk [tilespmem:v2+s1+$0x0], $0xffff  }
0xea: {  	v1 =	vld.idx.msk [tilespmem:v4+s11+$0x0], $0xffff  }
0xeb: {  	v3 =	vld.idx.msk [tilespmem:v4+s1+$0x0], $0xffff  }
0xec: {  	v5 =	vld.idx.msk [tilespmem:v2+s11+$0x0], $0xffff  }
0xed: {  	v4 =	vld.idx.msk [tilespmem:v4+s12+$0x0], $0xffff  }
0xee: {  	v2 =	vld.idx.msk [tilespmem:v2+s12+$0x0], $0xffff;
	_ =	sdelay $0x2  }
0xef: {  	v3 =	vsub.f32 v3, v0  }
.Ltmp0:
0xf0: {  	v1 =	vsub.f32 v1, v5;
	(pc) =	sbr.rel @p0 .LBB2_2-.Ltmp0, $3  }
0xf1: {  	v0 =	vld [tilespmem:$0x76F0]  }
0xf2: {  	v4 =	vsub.f32 v4, v2;
	v2 =	vmul.f32 v3, v3;
	v3 =	vmul.f32 v1, v1;
	v1 =	vld [tilespmem:$0x7770];
	_ =	sdelay $0x1  }
0xf3: {  	v2 =	vadd.f32 v3, v2;
	v3 =	vmul.f32 v4, v4  }
0xf4: {  	_ =	sdelay $0x2  }
0xf5: {  	v2 =	vadd.f32 v3, v2;
	_ =	sdelay $0x1  }
0xf6: {  	[tilespmem:$0x77E0] =	vst v2  }
0xf7: {  	v2 =	vld.idx.msk [tilespmem:v1+s11+$0x0], $0xffff  }
0xf8: {  	v60 =	vld.idx.msk [tilespmem:v0+s1+$0x0], $0xffff  }
0xf9: {  	v4 =	vld.idx.msk [tilespmem:v1+s1+$0x0], $0xffff  }
0xfa: {  	v5 =	vld.idx.msk [tilespmem:v0+s11+$0x0], $0xffff  }
0xfb: {  	v61 =	vld.idx.msk [tilespmem:v0+s12+$0x0], $0xffff  }
0xfc: {  	v62 =	vld.idx.msk [tilespmem:v1+s12+$0x0], $0xffff;
	_ =	sdelay $0x2  }
0xfd: {  	v3 =	vsub.f32 v60, v4;
	v2 =	vsub.f32 v5, v2;
	_ =	sdelay $0x1  }
0xfe: {  	v0 =	vsub.f32 v61, v62;
	v63 =	vmul.f32 v3, v3;
	v2 =	vmul.f32 v2, v2;
	_ =	sdelay $0x1  }
0xff: {  	v0 =	vmul.f32 v0, v0;
	v1 =	vadd.f32 v2, v63;
	_ =	sdelay $0x1  }
0x100: {  	s16 =	sadd.s32 $0x1, s16;
	v0 =	vadd.f32 v0, v1  }
0x101: {  	p0 =	sne.s32 s16, s6  }
.Ltmp1:
0x102: {  	s17 =	sadd.s32 s17, s7;
	[tilespmem:$0x77F0] =	vst v0;
	(pc) =	sbr.rel @p0 .LBB2_1-.Ltmp1, $4  }
0x103: {  	[hbm4b:s17+s1] =	stream.linear.scatter [tilespmem:s15], [sflag:$0x1], $0x80, $0x38;
	[tilespmem:$0x7800] =	vst v63  }
0x104: {  	_ =	swait.ge [sflag:s10], $0x80  }
0x105: {  	[sflag:s10] =	ssyncset.done $0x0  }
0x106: {  	[sflag:s10] =	ssyncadd.s32 $0xFFFFFF80  }
0x107: {  	_ =	sfence.sel $0x180000  }
0x108: {  	[bflag:$0x0] =	sbarrier.arrive $0xFFFF  }
0x109: {  	p0 =	sne.s32 s2, $0x0;
	_ =	strace $0x90000047  }
0x10a: {  	s0 =	sadd.s32 @!p0 $0x100000, s0;
	[bflag:$0x2] =	sbarrier.arrive $0xFFFF  }
0x10b: {  	[sflag:s0] =	ssyncadd.tile.s32 @!p0 $0x1;
	_ =	shalt  }
.Lfunc_end2:
_tile_overlayer_lowered:
.L_overlay_start_2:
0x10c: {  	(tag) =	ssettag $0x2  }
0x10d: {  	s0 =	rddreg [dreg:$0x0];
	s2 =	stileid.u32  }
0x10e: {  	s1 =	rddreg [dreg:$0x1];
	p0 =	sne.s32 s2, $0x0  }
0x10f: {  	s3 =	rddreg [dreg:$0x2];
	[bflag:$0x3] =	sbarrier.arrive $0xFFFF;
	s2 =	simm.s32 @!p0 $0x1C01  }
0x110: {  	[timem:s3], [sflag:s2] =	dma.local @!p0 [hbm:s0], s1  }
0x111: {  	s0 =	simm.s32 @!p0 $0x1  }
0x112: {  	_ =	swait.ge @!p0 [sflag:s0], s1  }
0x113: {  	s1 =	ssub.s32 @!p0 $0x0, s1;
	[sflag:s0] =	ssyncset.done @!p0 $0x0  }
0x114: {  	[sflag:s0] =	ssyncadd.s32 @!p0 s1  }
0x115: {  	[bflag:$0x3] =	sbarrier.arrive $0xFFFF  }
0x116: {  	_ =	shalt  }

// kernel: kernel.20.cloned.1.call-start
scs
__scs_entry_jumppad:
0x0: {  	(pc) =	sbr.rel $0x88, $3  }
0x1: {  	(tag) =	ssettag $0x0;
	lr =	simm.s32 $0x1  }
0x2: {  	[smem:$0x3F8B] =	sst lr;
	_ =	strace $0xD0000000  }
0x3: {  	_ = 	snop  }
0x4: {  	_ = 	snop  }
0x5: {  	_ = 	snop  }
0x6: {  	_ = 	snop  }
0x7: {  	_ = 	snop  }
__scs_overlays_trampoline_lowered:
0x8: {  	[smem:$0x3F9A] =	sst s0  }
0x9: {  	[smem:$0x3F9B] =	sst s1  }
0xa: {  	[smem:$0x3F9C] =	sst s2  }
0xb: {  	[smem:$0x3F9D] =	sst s3  }
0xc: {  	[smem:$0x3F9E] =	sst s4  }
0xd: {  	[smem:$0x3F9F] =	sst s5  }
0xe: {  	[smem:$0x3FA0] =	sst s6  }
0xf: {  	[smem:$0x3FA1] =	sst s7  }
0x10: {  	[smem:$0x3FA2] =	sst s8  }
0x11: {  	[smem:$0x3FA3] =	sst s9;
	s0 =	simm.s32 @!p0 $0x0  }
0x12: {  	s1 =	sld [smem:$0x3F89];
	s0 =	simm.s32 @p0 $0x1  }
0x13: {  	[smem:$0x3FA4] =	sst s0;
	s0 =	simm.s32 @!p1 $0x0  }
0x14: {  	s2 =	sld [smem:$0x3F88];
	s0 =	simm.s32 @p1 $0x1  }
0x15: {  	[smem:$0x3FA5] =	sst s0;
	s0 =	simm.s32 @!p2 $0x0  }
0x16: {  	s3 =	sld [smem:$0x3FDB];
	s0 =	simm.s32 @p2 $0x1  }
0x17: {  	s4 =	simm.s32 $0x1BF5;
	[smem:$0x3FA7] =	sst s0  }
0x18: {  	s0 =	sld [smem:$0x3F8A];
	_ =	swait.ge [sflag:s4], $0x0  }
0x19: {  	s7 =	sld [smem:$0x3F8B]  }
0x1a: {  	s8 =	sadd.s32 $0xFFFFE003, lr  }
0x1b: {  	s9 =	sadd.s32 $0xFFFFFEF7, lr;
	s5 =	simm.s32 $0xFFFFFFFF;
	p2 =	slt.u32 s8, $0xFFFFF086  }
0x1c: {  	p1 =	slt.u32 s9, $0xF7A;
	s5 =	simm.s32 @!p2 $0x0  }
0x1d: {  	s5 =	simm.s32 @p1 $0x1;
	p0 =	seq.s32 s7, s2  }
0x1e: {  	s7 =	smul.u32 @!p0 $0xF7A, s2;
	p2 =	seq.s32 @!p0 s5, $0x0  }
0x1f: {  	s9 =	smul.u32 $0xF7A, s1;
	s8 =	simm.s32 @!p0 $0x1BF5;
	p2 =	por !p2, p0  }
0x20: {  	[sflag:s8] =	ssyncset.s32 @!p0 $0xFFFFF086;
	s6 =	sadd.s32 @!p0 s3, s7;
	s7 =	simm.s32 @!p0 $0x108  }
0x21: {  	s3 =	sadd.s32 s3, s9;
	s6 =	sadd.s32 @!p0 $0x88, s6;
	s7 =	simm.s32 @p2 $0x1082  }
0x22: {  	[simem:s7], [sflag:s8] =	dma.local @!p0 [hbm:s6], $0xF7A  }
0x23: {  	s9 =	sor.u32 $0xD0000000, s2;
	s6 =	simm.s32 $0x108;
	_ =	swait.ge @!p0 [sflag:s8], $0x0  }
0x24: {  	s3 =	sadd.s32 $0x88, s3;
	s6 =	simm.s32 @!p1 $0x1082;
	[sflag:s4] =	ssyncset.s32 $0xFFFFF086  }
0x25: {  	[simem:s6], [sflag:s4] =	dma.local [hbm:s3], $0xF7A  }
0x26: {  	[smem:$0x3F8B] =	sst s1;
	(tag) =	ssettag s2;
	_ =	strace s9  }
0x27: {  	s1 =	sld [smem:$0x3F9B]  }
0x28: {  	s2 =	sld [smem:$0x3F9C]  }
0x29: {  	s4 =	sld [smem:$0x3F9E]  }
0x2a: {  	p0 =	seq.s32 s5, $0x0;
	s5 =	sld [smem:$0x3F9F]  }
0x2b: {  	s6 =	sld [smem:$0x3FA0]  }
0x2c: {  	s7 =	sld [smem:$0x3FA1]  }
0x2d: {  	s3 =	simm.s32 $0x108;
	s8 =	sld [smem:$0x3FA2]  }
0x2e: {  	s3 =	simm.s32 @!p0 $0x1082;
	s9 =	sld [smem:$0x3FA3]  }
0x2f: {  	lr =	sadd.s32 s0, s3;
	s0 =	sld [smem:$0x3F9A]  }
0x30: {  	s3 =	sld [smem:$0x3F9D]  }
0x31: {  	[smem:$0x3FA6] =	sst s10  }
0x32: {  	s10 =	sld [smem:$0x3FA4];
	_ =	sdelay $0x3  }
0x33: {  	p0 =	seq.s32 s10, $0x1;
	s10 =	sld [smem:$0x3FA6];
	_ =	sdelay $0x3  }
0x34: {  	[smem:$0x3FA6] =	sst s10  }
0x35: {  	s10 =	sld [smem:$0x3FA5];
	_ =	sdelay $0x3  }
0x36: {  	p1 =	seq.s32 s10, $0x1;
	s10 =	sld [smem:$0x3FA6];
	_ =	sdelay $0x3  }
0x37: {  	[smem:$0x3FA6] =	sst s10  }
0x38: {  	s10 =	sld [smem:$0x3FA7]  }
0x39: {  	_ = 	snop;
	(pc) =	sbr.ind lr, $3  }
0x3a: {  	_ = 	snop  }
0x3b: {  	_ = 	snop  }
0x3c: {  	p2 =	seq.s32 s10, $0x1;
	s10 =	sld [smem:$0x3FA6]  }
0x3d: {  	_ =	shalt  }
0x3e: {  	_ =	shalt  }
0x3f: {  	_ =	shalt  }
0x40: {  	_ =	shalt  }
0x41: {  	_ =	shalt  }
0x42: {  	_ =	shalt  }
0x43: {  	_ =	shalt  }
0x44: {  	_ =	shalt  }
0x45: {  	_ =	shalt  }
0x46: {  	_ =	shalt  }
0x47: {  	_ =	shalt  }
0x48: {  	_ =	shalt  }
0x49: {  	_ =	shalt  }
0x4a: {  	_ =	shalt  }
0x4b: {  	_ =	shalt  }
0x4c: {  	_ =	shalt  }
0x4d: {  	_ =	shalt  }
0x4e: {  	_ =	shalt  }
0x4f: {  	_ =	shalt  }
0x50: {  	_ =	shalt  }
0x51: {  	_ =	shalt  }
0x52: {  	_ =	shalt  }
0x53: {  	_ =	shalt  }
0x54: {  	_ =	shalt  }
0x55: {  	_ =	shalt  }
0x56: {  	_ =	shalt  }
0x57: {  	_ =	shalt  }
0x58: {  	_ =	shalt  }
0x59: {  	_ =	shalt  }
0x5a: {  	_ =	shalt  }
0x5b: {  	_ =	shalt  }
0x5c: {  	_ =	shalt  }
0x5d: {  	_ =	shalt  }
0x5e: {  	_ =	shalt  }
0x5f: {  	_ =	shalt  }
0x60: {  	_ =	shalt  }
0x61: {  	_ =	shalt  }
0x62: {  	_ =	shalt  }
0x63: {  	_ =	shalt  }
0x64: {  	_ =	shalt  }
0x65: {  	_ =	shalt  }
0x66: {  	_ =	shalt  }
0x67: {  	_ =	shalt  }
0x68: {  	_ =	shalt  }
0x69: {  	_ =	shalt  }
0x6a: {  	_ =	shalt  }
0x6b: {  	_ =	shalt  }
0x6c: {  	_ =	shalt  }
0x6d: {  	_ =	shalt  }
0x6e: {  	_ =	shalt  }
0x6f: {  	_ =	shalt  }
0x70: {  	_ =	shalt  }
0x71: {  	_ =	shalt  }
0x72: {  	_ =	shalt  }
0x73: {  	_ =	shalt  }
0x74: {  	_ =	shalt  }
0x75: {  	_ =	shalt  }
0x76: {  	_ =	shalt  }
0x77: {  	_ =	shalt  }
0x78: {  	_ =	shalt  }
0x79: {  	_ =	shalt  }
0x7a: {  	_ =	shalt  }
0x7b: {  	_ =	shalt  }
0x7c: {  	_ =	shalt  }
0x7d: {  	_ =	shalt  }
0x7e: {  	_ =	shalt  }
0x7f: {  	_ =	shalt  }
0x80: {  	_ =	shalt  }
0x81: {  	_ =	shalt  }
0x82: {  	_ =	shalt  }
0x83: {  	_ =	shalt  }
0x84: {  	_ =	shalt  }
0x85: {  	_ =	shalt  }
0x86: {  	_ =	shalt  }
0x87: {  	_ =	shalt  }
.Lfunc_end0:
.L_simem_size_0:
called_computation.1_lowered:
.L_overlay_start_0:
0x88: {  	s2 =	sld [smem:$0x3FD9]  }
0x89: {  	s3 =	sld [smem:$0x3FFE];
	_ =	sdelay $0x1  }
0x8a: {  	s1 =	srdreg.scid  }
0x8b: {  	s0 =	sand.u32 $0x1, s1  }
0x8c: {  	s16 =	sshll.u32 s0, $0xA;
	s2 =	sadd.s32 s3, s2  }
0x8d: {  	s2 =	sadd.s32 s2, s16  }
0x8e: {  	[smem:$0x3FB2] =	sst s2  }
0x8f: {  	_ = 	snop  }
0x90: {  	(tm) =	ssettm $0x1  }
0x91: {  	s17 =	sld [smem:$0x3FFB];
	_ =	sdelay $0x3  }
0x92: {  	_ =	strace s17  }
0x93: {  	s2 =	sld [smem:$0x3FFC];
	_ =	sdelay $0x3  }
0x94: {  	_ =	strace s2  }
0x95: {  	s2 =	sld [smem:$0x3FFD];
	_ =	sdelay $0x3  }
0x96: {  	_ =	strace s2  }
0x97: {  	_ =	strace $0x8FFFFFFF  }
0x98: {  	s18 =	sld [smem:$0x3FDB];
	_ =	sdelay $0x1  }
0x99: {  	s19 =	simm.s32 $_scs_section_size  }
0x9a: {  	s4 =	simm.s32 $_size__tile_overlayer_lowered;
	s5 =	simm.s32 $_tile_overlayer_lowered  }
0x9b: {  	s22 =	simm.s32 $0x1BFF;
	s21 =	sshll.u32 s5, $0x1;
	s2 =	sadd.s32 s19, s18  }
0x9c: {  	s6 =	simm.s32 $0x0;
	s20 =	sshll.u32 s4, $0x1;
	s4 =	sadd.s32 s21, s2  }
0x9d: {  	[timem:s6], [sflag:s22] =	dma.local [hbm:s4], s20  }
0x9e: {  	_ =	swait.ge [sflag:s22], s20  }
0x9f: {  	s3 =	ssub.s32 $0x0, s20;
	[sflag:s22] =	ssyncset.done $0x0  }
0xa0: {  	[sflag:s22] =	ssyncadd.s32 s3;
	_ =	sdelay $0x1  }
0xa1: {  	s23 =	simm.s32 $0x1B8B  }
0xa2: {  	_ =	swait.ge [sflag:s23], $0x1  }
0xa3: {  	[sflag:s23] =	ssyncset.done $0x0  }
0xa4: {  	s25 =	simm.s32 $0x1B8E;
	s24 =	sld [smem:$0x3FFE];
	[sflag:s23] =	ssyncadd.s32 $0xFFFFFFFF  }
0xa5: {  	s26 =	simm.s32 $execute0_lowered;
	[smem:$0x3FD2] =	sst s25  }
0xa6: {  	s4 =	sshll.u32 s26, $0x1;
	_ =	strace $0x80000049;
	[dreg:$0x1] =	wrdreg $0xFFFFFFFF  }
0xa7: {  	s28 =	simm.s32 $_size_execute0_lowered;
	s2 =	sadd.s32 s2, s4;
	[dreg:$0x0] =	wrdreg $0x0  }
0xa8: {  	s4 =	sshll.u32 s28, $0x1;
	[dreg:$0x2] =	wrdreg s2  }
0xa9: {  	[dreg:$0x3] =	wrdreg s4  }
0xaa: {  	[dreg:$0x4] =	wrdreg $0xC0  }
0xab: {  	_ =	task [dreg:s6], $0x5FFFF  }
0xac: {  	[dreg:$0x1] =	wrdreg $0xFFFFFFFF  }
0xad: {  	[dreg:$0x0] =	wrdreg $0x60  }
0xae: {  	[dreg:$0x2] =	wrdreg s24  }
0xaf: {  	[dreg:$0x3] =	wrdreg $0x81000  }
0xb0: {  	[dreg:$0x4] =	wrdreg $0x9  }
0xb1: {  	_ =	task.clear_ibuf [dreg:s6], $0x5FFFF;
	_ =	strace $0x90000049  }
0xb2: {  	s29 =	simm.s32 $0x9;
	_ =	strace $0x8000004B  }
0xb3: {  	_ =	swait.ge [sflag:s29], $0x1  }
0xb4: {  	[sflag:s29] =	ssyncadd.s32 $0xFFFFFFFF  }
0xb5: {  	_ =	strace $0x9000004B  }
0xb6: {  	_ =	sfence  }
0xb7: {  	s30 =	sld [smem:$0x0];
	_ =	sdelay $0x2  }
0xb8: {  	s31 =	sshll.u32 s1, $0xD;
	s1 =	sshrl.u32 s1, $0x2  }
0xb9: {  	s3 =	sand.u32 $0x4000, s31;
	s1 =	sadd.s32 s1, s30  }
0xba: {  	s0 =	sor.u32 s3, s0;
	s1 =	sshll.u32 s1, $0x11  }
0xbb: {  	s0 =	sor.u32 s1, s0  }
0xbc: {  	s0 =	sadd.s32 $0x8F2B, s0  }
0xbd: {  	[sflag:s0] =	ssyncadd.remote.s32 $0x1  }
0xbe: {  	_ =	sfence.sel $0xFFFF  }
0xbf: {  	[dreg:$0x0] =	wrdreg $0xFFFFFFFF;
	(pc) =	sbr.abs _section_cstart, $3  }
0xc0: {  	[dreg:$0x1] =	wrdreg $0xFFFFFFFF  }
0xc1: {  	_ =	task.clear_ibuf [dreg:s6], $0x2FFFF;
	_ =	strace $0x9FFFFFFF  }
0xc2: {  	(tm) =	ssettm $0x7FFFFFFF  }
0xc3: {  	_ =	shalt  }
tec
execute0_lowered:
.L_overlay_start_1:
0x0: {  	(tag) =	ssettag $0x1  }
0x1: {  	s8 =	rddreg [dreg:$0x0]  }
0x2: {  	s2 =	rddreg [dreg:$0x1]  }
0x3: {  	s0 =	rddreg [dreg:$0x2];
	s3 =	simm.s32 $0x0  }
0x4: {  	s4 =	srdreg.scid;
	s1 =	stileid.u32;
	s16 =	simm.s32 $0x4100  }
0x5: {  	s17 =	simm.s32 $0x2;
	s18 =	simm.s32 $0x80;
	s19 =	simm.s32 $0x100  }
0x6: {  	s20 =	simm.s32 $0x1;
	[smem:$0x7FF] =	sst s3;
	s9 =	sand.u32 $0x1, s4  }
0x7: {  	s7 =	smul.u32 $0x2800, s1;
	s4 =	sadd.s32 $0x56EC00, s8;
	s5 =	sadd.s32 $0xAE00, s8  }
0x8: {  	s6 =	sadd.s32 $0x14C00, s8;
	s11 =	smul.u32 $0x50000, s1;
	s21 =	sshll.u32 s1, $0x6  }
0x9: {  	_ =	strace $0x8000004A;
	s10 =	smul.u32 $0x28000, s9;
	s30 =	ssub.s32 $0x2, s9  }
0xa: {  	s9 =	sshll.u32 s9, $0x4;
	s21 =	sor.u32 $0x1C02, s21;
	s31 =	sshrl.u32 s30, $0x1  }
0xb: {  	s11 =	sshrl.u32 s11, $0x2;
	s13 =	sor.u32 s1, s9;
	s10 =	sadd.s32 s7, s10  }
0xc: {  	s7 =	sadd.s32 $0x2CC00, s8;
	s15 =	ssub.s32 s30, s31;
	s13 =	smul.u32 $0x2780, s13  }
0xd: {  	s14 =	sadd.s32 s10, s8;
	s8 =	sadd.s32 s11, s2;
	s15 =	smax.u32 s15, $0x1  }
0xe: {  	s9 =	sadd.s32 $0x4000, s8;
	s10 =	sadd.s32 $0x8000, s8;
	s11 =	sadd.s32 $0xC000, s8  }
0xf: {  	v0 =	vimm.f32 $0.0e+00;
	s12 =	sadd.s32 $0x10000, s8;
	s14 =	sadd.s32 $0xA5EC00, s14;
	s22 =	sshrl.u32 s8, $0x3  }
.LBB2_1:
0x10: {  	s23 =	simm.s32 $0x0;
	s24 =	simm.s32 $0x200  }
.LBB2_2:
0x11: {  	p0 =	sne.s32 s24, $0xFE00;
	[tilespmem:s23+$0x4170] =	vst v0  }
0x12: {  	[tilespmem:s23+$0x4100] =	vst v0  }
0x13: {  	[tilespmem:s23+$0x4110] =	vst v0  }
.Ltmp0:
0x14: {  	[tilespmem:s23+$0x4120] =	vst v0;
	(pc) =	sbr.rel @p0 .LBB2_2-.Ltmp0, $4  }
0x15: {  	[tilespmem:s23+$0x4130] =	vst v0  }
0x16: {  	[tilespmem:s23+$0x4140] =	vst v0  }
0x17: {  	[tilespmem:s23+$0x4150] =	vst v0  }
0x18: {  	[tilespmem:s23+$0x4160] =	vst v0;
	s23 =	sshra.s32 s24, $0x2;
	s24 =	sadd.s32 $0x200, s24  }
0x19: {  	[tilespmem:s23+$0x4170] =	vst v0  }
0x1a: {  	[tilespmem:s23+$0x4100] =	vst v0  }
0x1b: {  	[tilespmem:s23+$0x4110] =	vst v0  }
0x1c: {  	[tilespmem:s23+$0x4120] =	vst v0  }
0x1d: {  	[tilespmem:s23+$0x4130] =	vst v0  }
0x1e: {  	[tilespmem:s23+$0x4140] =	vst v0  }
0x1f: {  	[tilespmem:s23+$0x4150] =	vst v0  }
0x20: {  	[tilespmem:s23+$0x4160] =	vst v0  }
0x21: {  	[spmem:s8] =	stream.linear.scatter [tilespmem:s16], [sflag:$0x2], $0x4000, $0x38;
	[tilespmem:$0x1C100] =	vst v63  }
0x22: {  	_ =	swait.ge [sflag:s17], $0x4000  }
0x23: {  	[sflag:s17] =	ssyncset.done $0x0  }
0x24: {  	[sflag:s17] =	ssyncadd.s32 $0xFFFFC000  }
0x25: {  	[spmem:s9] =	stream.linear.scatter [tilespmem:s16], [sflag:$0x2], $0x4000, $0x38;
	[tilespmem:$0x1C100] =	vst v63  }
0x26: {  	_ =	swait.ge [sflag:s17], $0x4000  }
0x27: {  	[sflag:s17] =	ssyncset.done $0x0  }
0x28: {  	[sflag:s17] =	ssyncadd.s32 $0xFFFFC000  }
0x29: {  	[spmem:s10] =	stream.linear.scatter [tilespmem:s16], [sflag:$0x2], $0x4000, $0x38;
	[tilespmem:$0x1C100] =	vst v63  }
0x2a: {  	_ =	swait.ge [sflag:s17], $0x4000  }
0x2b: {  	[sflag:s17] =	ssyncset.done $0x0  }
0x2c: {  	[sflag:s17] =	ssyncadd.s32 $0xFFFFC000  }
0x2d: {  	[spmem:s11] =	stream.linear.scatter [tilespmem:s16], [sflag:$0x2], $0x4000, $0x38;
	[tilespmem:$0x1C100] =	vst v63  }
0x2e: {  	_ =	swait.ge [sflag:s17], $0x4000  }
0x2f: {  	[sflag:s17] =	ssyncset.done $0x0  }
0x30: {  	[sflag:s17] =	ssyncadd.s32 $0xFFFFC000  }
0x31: {  	[spmem:s12] =	stream.linear.scatter [tilespmem:s16], [sflag:$0x2], $0x4000, $0x38;
	[tilespmem:$0x1C100] =	vst v63  }
0x32: {  	_ =	swait.ge [sflag:s17], $0x4000  }
0x33: {  	[sflag:s17] =	ssyncset.done $0x0  }
0x34: {  	[sflag:s17] =	ssyncadd.s32 $0xFFFFC000  }
0x35: {  	s23 =	simm.s32 $0x0;
	s24 =	simm.s32 $0x0;
	[bflag:$0x0] =	sbarrier.arrive $0xFFFF  }
.LBB2_4:
0x36: {  	s25 =	sshll.u32 s24, $0x7  }
0x37: {  	s25 =	sadd.s32 s13, s25  }
0x38: {  	s26 =	sshrl.u32 s25, $0x3  }
0x39: {  	s28 =	sadd.s32 s5, s26  }
0x3a: {  	[tilespmem:s23], [sflag:$0x2] =	stream.linear.gather [hbm4b:s28+s23], $0x80, $0x38;
	[tilespmem:$0x1C100] =	vst v63  }
0x3b: {  	_ =	swait.ge [sflag:s17], $0x80  }
0x3c: {  	[sflag:s17] =	ssyncset.done $0x0  }
0x3d: {  	s26 =	sadd.s32 s6, s26;
	[sflag:s17] =	ssyncadd.s32 $0xFFFFFF80  }
0x3e: {  	[tilespmem:s18], [sflag:$0x2] =	stream.linear.gather [hbm4b:s26+s23], $0x80, $0x38;
	[tilespmem:$0x1C100] =	vst v63  }
0x3f: {  	_ =	swait.ge [sflag:s17], $0x80  }
0x40: {  	[sflag:s17] =	ssyncset.done $0x0  }
0x41: {  	[sflag:s17] =	ssyncadd.s32 $0xFFFFFF80  }
0x42: {  	[tilespmem:s19], [sflag:$0x1] =	stream.indirect.gather [hbm4b:s7+s18], $0x80, s23, s18, $0xb8;
	[tilespmem:$0x1C100] =	vst v63  }
0x43: {  	_ =	swait.ge [sflag:s20], $0x4000  }
0x44: {  	s25 =	sshll.u32 s25, $0x4;
	[sflag:s20] =	ssyncset.done $0x0  }
0x45: {  	s25 =	sadd.s32 s4, s25;
	[sflag:s20] =	ssyncadd.s32 $0xFFFFC000  }
0x46: {  	[tilespmem:s16], [sflag:$0x2] =	stream.linear.gather [hbm4b:s25+s23], $0x4000, $0x38;
	[tilespmem:$0x1C100] =	vst v63  }
0x47: {  	_ =	swait.ge [sflag:s17], $0x4000  }
0x48: {  	[sflag:s17] =	ssyncset.done $0x0  }
0x49: {  	s25 =	simm.s32 $0x0;
	[sflag:s17] =	ssyncadd.s32 $0xFFFFC000  }
0x4a: {  	v8 =	vld [tilespmem:s25+$0x100]  }
0x4b: {  	v12 =	vld [tilespmem:s25+$0x110]  }
0x4c: {  	v6 =	vld [tilespmem:s25+$0x120]  }
0x4d: {  	v5 =	vld [tilespmem:s25+$0x130]  }
0x4e: {  	v4 =	vld [tilespmem:s25+$0x140]  }
0x4f: {  	v3 =	vld [tilespmem:s25+$0x150]  }
0x50: {  	v2 =	vld [tilespmem:s25+$0x160]  }
0x51: {  	v1 =	vld [tilespmem:s25+$0x170]  }
0x52: {  	v13 =	vld [tilespmem:s25+$0x4100]  }
0x53: {  	v14 =	vld [tilespmem:s25+$0x4110]  }
0x54: {  	v11 =	vld [tilespmem:s25+$0x4120]  }
0x55: {  	v10 =	vld [tilespmem:s25+$0x4130]  }
0x56: {  	v9 =	vld [tilespmem:s25+$0x4140]  }
0x57: {  	v7 =	vld [tilespmem:s25+$0x4150];
	v13 =	vmul.f32 v8, v13  }
0x58: {  	s26 =	simm.s32 $0x200;
	v12 =	vmul.f32 v12, v14;
	v8 =	vld [tilespmem:s25+$0x4160]  }
.LBB2_5:
0x59: {  	s28 =	sshra.s32 s26, $0x2;
	p0 =	sne.s32 s26, $0xFE00;
	[tilespmem:s25+$0x4100] =	vst v13;
	v6 =	vmul.f32 v6, v11;
	v11 =	vld [tilespmem:s25+$0x4170]  }
0x5a: {  	v13 =	vld [tilespmem:s28+$0x100];
	[tilespmem:s25+$0x4110] =	vst v12;
	v5 =	vmul.f32 v5, v10  }
0x5b: {  	v12 =	vld [tilespmem:s28+$0x110];
	[tilespmem:s25+$0x4120] =	vst v6;
	v4 =	vmul.f32 v4, v9  }
0x5c: {  	v6 =	vld [tilespmem:s28+$0x120];
	[tilespmem:s25+$0x4130] =	vst v5;
	v3 =	vmul.f32 v3, v7  }
0x5d: {  	v5 =	vld [tilespmem:s28+$0x130];
	[tilespmem:s25+$0x4140] =	vst v4;
	v2 =	vmul.f32 v2, v8  }
0x5e: {  	v4 =	vld [tilespmem:s28+$0x140];
	[tilespmem:s25+$0x4150] =	vst v3;
	v1 =	vmul.f32 v1, v11  }
0x5f: {  	v3 =	vld [tilespmem:s28+$0x150];
	[tilespmem:s25+$0x4160] =	vst v2  }
0x60: {  	v2 =	vld [tilespmem:s28+$0x160];
	[tilespmem:s25+$0x4170] =	vst v1;
	s25 =	smov.u32 s28  }
0x61: {  	v1 =	vld [tilespmem:s25+$0x170]  }
0x62: {  	v7 =	vld [tilespmem:s25+$0x4100]  }
0x63: {  	v8 =	vld [tilespmem:s25+$0x4110]  }
.Ltmp1:
0x64: {  	v11 =	vld [tilespmem:s25+$0x4120];
	(pc) =	sbr.rel @p0 .LBB2_5-.Ltmp1, $4  }
0x65: {  	v10 =	vld [tilespmem:s25+$0x4130]  }
0x66: {  	v9 =	vld [tilespmem:s25+$0x4140]  }
0x67: {  	v13 =	vmul.f32 v13, v7;
	v7 =	vld [tilespmem:s25+$0x4150]  }
0x68: {  	s26 =	sadd.s32 $0x200, s26;
	v12 =	vmul.f32 v12, v8;
	v8 =	vld [tilespmem:s25+$0x4160]  }
0x69: {  	[tilespmem:s25+$0x4100] =	vst v13;
	v6 =	vmul.f32 v6, v11;
	v63 =	vld [tilespmem:s25+$0x4170]  }
0x6a: {  	[tilespmem:s25+$0x4110] =	vst v12;
	v5 =	vmul.f32 v5, v10  }
0x6b: {  	[tilespmem:s25+$0x4120] =	vst v6;
	v4 =	vmul.f32 v4, v9  }
0x6c: {  	[tilespmem:s25+$0x4130] =	vst v5;
	v3 =	vmul.f32 v3, v7  }
0x6d: {  	[tilespmem:s25+$0x4140] =	vst v4;
	v2 =	vmul.f32 v2, v8  }
0x6e: {  	s24 =	sadd.s32 $0x1, s24;
	[tilespmem:s25+$0x4150] =	vst v3;
	v1 =	vmul.f32 v1, v63  }
0x6f: {  	p0 =	sne.s32 s24, $0x4F;
	[tilespmem:s25+$0x4160] =	vst v2  }
.Ltmp2:
0x70: {  	[tilespmem:s25+$0x4170] =	vst v1;
	(pc) =	sbr.rel @p0 .LBB2_4-.Ltmp2, $4  }
0x71: {  	[spmem:s2] =	stream.indirect.scatter.add.f32 [tilespmem:s16], [sflag:$0x2], $0x80, s18, s18, $0xb8;
	[tilespmem:$0x1C100] =	vst v63  }
0x72: {  	_ =	swait.ge [sflag:s17], $0x4000  }
0x73: {  	[sflag:s17] =	ssyncset.done $0x0  }
0x74: {  	[sflag:s17] =	ssyncadd.s32 $0xFFFFC000  }
0x75: {  	s3 =	sadd.s32 $0x1, s3  }
0x76: {  	p0 =	sne.s32 s3, s15  }
.Ltmp3:
0x77: {  	[bflag:$0x0] =	sbarrier.arrive $0xFFFF;
	(pc) =	sbr.rel @p0 .LBB2_1-.Ltmp3, $4  }
0x78: {  	[hbm:s14], [sflag:s21] =	dma.local [spmem:s22], $0x2800  }
0x79: {  	_ =	swait.ge [sflag:s17], $0x2800  }
0x7a: {  	[sflag:s17] =	ssyncset.done $0x0  }
0x7b: {  	[sflag:s17] =	ssyncadd.s32 $0xFFFFD800  }
0x7c: {  	_ =	sfence.sel $0x180000  }
0x7d: {  	[bflag:$0x0] =	sbarrier.arrive $0xFFFF  }
0x7e: {  	p0 =	sne.s32 s1, $0x0;
	_ =	strace $0x9000004A  }
0x7f: {  	s0 =	sadd.s32 @!p0 $0x100000, s0;
	[bflag:$0x2] =	sbarrier.arrive $0xFFFF  }
0x80: {  	[sflag:s0] =	ssyncadd.tile.s32 @!p0 $0x1;
	_ =	shalt  }
.Lfunc_end2:
_tile_overlayer_lowered:
.L_overlay_start_2:
0x81: {  	(tag) =	ssettag $0x2  }
0x82: {  	s0 =	rddreg [dreg:$0x0];
	s2 =	stileid.u32  }
0x83: {  	s1 =	rddreg [dreg:$0x1];
	p0 =	sne.s32 s2, $0x0  }
0x84: {  	s3 =	rddreg [dreg:$0x2];
	[bflag:$0x3] =	sbarrier.arrive $0xFFFF;
	s2 =	simm.s32 @!p0 $0x1C02  }
0x85: {  	[timem:s3], [sflag:s2] =	dma.local @!p0 [hbm:s0], s1  }
0x86: {  	s0 =	simm.s32 @!p0 $0x2  }
0x87: {  	_ =	swait.ge @!p0 [sflag:s0], s1  }
0x88: {  	s1 =	ssub.s32 @!p0 $0x0, s1;
	[sflag:s0] =	ssyncset.done @!p0 $0x0  }
0x89: {  	[sflag:s0] =	ssyncadd.s32 @!p0 s1  }
0x8a: {  	[bflag:$0x3] =	sbarrier.arrive $0xFFFF  }
0x8b: {  	_ =	shalt  }

// kernel: kernel.23.cloned.1.call-start
scs
__scs_entry_jumppad:
0x0: {  	(pc) =	sbr.rel $0x88, $3  }
0x1: {  	(tag) =	ssettag $0x0;
	lr =	simm.s32 $0x1  }
0x2: {  	[smem:$0x3F8B] =	sst lr;
	_ =	strace $0xD0000000  }
0x3: {  	_ = 	snop  }
0x4: {  	_ = 	snop  }
0x5: {  	_ = 	snop  }
0x6: {  	_ = 	snop  }
0x7: {  	_ = 	snop  }
__scs_overlays_trampoline_lowered:
0x8: {  	[smem:$0x3F9A] =	sst s0  }
0x9: {  	[smem:$0x3F9B] =	sst s1  }
0xa: {  	[smem:$0x3F9C] =	sst s2  }
0xb: {  	[smem:$0x3F9D] =	sst s3  }
0xc: {  	[smem:$0x3F9E] =	sst s4  }
0xd: {  	[smem:$0x3F9F] =	sst s5  }
0xe: {  	[smem:$0x3FA0] =	sst s6  }
0xf: {  	[smem:$0x3FA1] =	sst s7  }
0x10: {  	[smem:$0x3FA2] =	sst s8  }
0x11: {  	[smem:$0x3FA3] =	sst s9;
	s0 =	simm.s32 @!p0 $0x0  }
0x12: {  	s1 =	sld [smem:$0x3F89];
	s0 =	simm.s32 @p0 $0x1  }
0x13: {  	[smem:$0x3FA4] =	sst s0;
	s0 =	simm.s32 @!p1 $0x0  }
0x14: {  	s2 =	sld [smem:$0x3F88];
	s0 =	simm.s32 @p1 $0x1  }
0x15: {  	[smem:$0x3FA5] =	sst s0;
	s0 =	simm.s32 @!p2 $0x0  }
0x16: {  	s3 =	sld [smem:$0x3FDB];
	s0 =	simm.s32 @p2 $0x1  }
0x17: {  	s4 =	simm.s32 $0x1BF5;
	[smem:$0x3FA7] =	sst s0  }
0x18: {  	s0 =	sld [smem:$0x3F8A];
	_ =	swait.ge [sflag:s4], $0x0  }
0x19: {  	s7 =	sld [smem:$0x3F8B]  }
0x1a: {  	s8 =	sadd.s32 $0xFFFFE003, lr  }
0x1b: {  	s9 =	sadd.s32 $0xFFFFFEF7, lr;
	s5 =	simm.s32 $0xFFFFFFFF;
	p2 =	slt.u32 s8, $0xFFFFF086  }
0x1c: {  	p1 =	slt.u32 s9, $0xF7A;
	s5 =	simm.s32 @!p2 $0x0  }
0x1d: {  	s5 =	simm.s32 @p1 $0x1;
	p0 =	seq.s32 s7, s2  }
0x1e: {  	s7 =	smul.u32 @!p0 $0xF7A, s2;
	p2 =	seq.s32 @!p0 s5, $0x0  }
0x1f: {  	s9 =	smul.u32 $0xF7A, s1;
	s8 =	simm.s32 @!p0 $0x1BF5;
	p2 =	por !p2, p0  }
0x20: {  	[sflag:s8] =	ssyncset.s32 @!p0 $0xFFFFF086;
	s6 =	sadd.s32 @!p0 s3, s7;
	s7 =	simm.s32 @!p0 $0x108  }
0x21: {  	s3 =	sadd.s32 s3, s9;
	s6 =	sadd.s32 @!p0 $0x88, s6;
	s7 =	simm.s32 @p2 $0x1082  }
0x22: {  	[simem:s7], [sflag:s8] =	dma.local @!p0 [hbm:s6], $0xF7A  }
0x23: {  	s9 =	sor.u32 $0xD0000000, s2;
	s6 =	simm.s32 $0x108;
	_ =	swait.ge @!p0 [sflag:s8], $0x0  }
0x24: {  	s3 =	sadd.s32 $0x88, s3;
	s6 =	simm.s32 @!p1 $0x1082;
	[sflag:s4] =	ssyncset.s32 $0xFFFFF086  }
0x25: {  	[simem:s6], [sflag:s4] =	dma.local [hbm:s3], $0xF7A  }
0x26: {  	[smem:$0x3F8B] =	sst s1;
	(tag) =	ssettag s2;
	_ =	strace s9  }
0x27: {  	s1 =	sld [smem:$0x3F9B]  }
0x28: {  	s2 =	sld [smem:$0x3F9C]  }
0x29: {  	s4 =	sld [smem:$0x3F9E]  }
0x2a: {  	p0 =	seq.s32 s5, $0x0;
	s5 =	sld [smem:$0x3F9F]  }
0x2b: {  	s6 =	sld [smem:$0x3FA0]  }
0x2c: {  	s7 =	sld [smem:$0x3FA1]  }
0x2d: {  	s3 =	simm.s32 $0x108;
	s8 =	sld [smem:$0x3FA2]  }
0x2e: {  	s3 =	simm.s32 @!p0 $0x1082;
	s9 =	sld [smem:$0x3FA3]  }
0x2f: {  	lr =	sadd.s32 s0, s3;
	s0 =	sld [smem:$0x3F9A]  }
0x30: {  	s3 =	sld [smem:$0x3F9D]  }
0x31: {  	[smem:$0x3FA6] =	sst s10  }
0x32: {  	s10 =	sld [smem:$0x3FA4];
	_ =	sdelay $0x3  }
0x33: {  	p0 =	seq.s32 s10, $0x1;
	s10 =	sld [smem:$0x3FA6];
	_ =	sdelay $0x3  }
0x34: {  	[smem:$0x3FA6] =	sst s10  }
0x35: {  	s10 =	sld [smem:$0x3FA5];
	_ =	sdelay $0x3  }
0x36: {  	p1 =	seq.s32 s10, $0x1;
	s10 =	sld [smem:$0x3FA6];
	_ =	sdelay $0x3  }
0x37: {  	[smem:$0x3FA6] =	sst s10  }
0x38: {  	s10 =	sld [smem:$0x3FA7]  }
0x39: {  	_ = 	snop;
	(pc) =	sbr.ind lr, $3  }
0x3a: {  	_ = 	snop  }
0x3b: {  	_ = 	snop  }
0x3c: {  	p2 =	seq.s32 s10, $0x1;
	s10 =	sld [smem:$0x3FA6]  }
0x3d: {  	_ =	shalt  }
0x3e: {  	_ =	shalt  }
0x3f: {  	_ =	shalt  }
0x40: {  	_ =	shalt  }
0x41: {  	_ =	shalt  }
0x42: {  	_ =	shalt  }
0x43: {  	_ =	shalt  }
0x44: {  	_ =	shalt  }
0x45: {  	_ =	shalt  }
0x46: {  	_ =	shalt  }
0x47: {  	_ =	shalt  }
0x48: {  	_ =	shalt  }
0x49: {  	_ =	shalt  }
0x4a: {  	_ =	shalt  }
0x4b: {  	_ =	shalt  }
0x4c: {  	_ =	shalt  }
0x4d: {  	_ =	shalt  }
0x4e: {  	_ =	shalt  }
0x4f: {  	_ =	shalt  }
0x50: {  	_ =	shalt  }
0x51: {  	_ =	shalt  }
0x52: {  	_ =	shalt  }
0x53: {  	_ =	shalt  }
0x54: {  	_ =	shalt  }
0x55: {  	_ =	shalt  }
0x56: {  	_ =	shalt  }
0x57: {  	_ =	shalt  }
0x58: {  	_ =	shalt  }
0x59: {  	_ =	shalt  }
0x5a: {  	_ =	shalt  }
0x5b: {  	_ =	shalt  }
0x5c: {  	_ =	shalt  }
0x5d: {  	_ =	shalt  }
0x5e: {  	_ =	shalt  }
0x5f: {  	_ =	shalt  }
0x60: {  	_ =	shalt  }
0x61: {  	_ =	shalt  }
0x62: {  	_ =	shalt  }
0x63: {  	_ =	shalt  }
0x64: {  	_ =	shalt  }
0x65: {  	_ =	shalt  }
0x66: {  	_ =	shalt  }
0x67: {  	_ =	shalt  }
0x68: {  	_ =	shalt  }
0x69: {  	_ =	shalt  }
0x6a: {  	_ =	shalt  }
0x6b: {  	_ =	shalt  }
0x6c: {  	_ =	shalt  }
0x6d: {  	_ =	shalt  }
0x6e: {  	_ =	shalt  }
0x6f: {  	_ =	shalt  }
0x70: {  	_ =	shalt  }
0x71: {  	_ =	shalt  }
0x72: {  	_ =	shalt  }
0x73: {  	_ =	shalt  }
0x74: {  	_ =	shalt  }
0x75: {  	_ =	shalt  }
0x76: {  	_ =	shalt  }
0x77: {  	_ =	shalt  }
0x78: {  	_ =	shalt  }
0x79: {  	_ =	shalt  }
0x7a: {  	_ =	shalt  }
0x7b: {  	_ =	shalt  }
0x7c: {  	_ =	shalt  }
0x7d: {  	_ =	shalt  }
0x7e: {  	_ =	shalt  }
0x7f: {  	_ =	shalt  }
0x80: {  	_ =	shalt  }
0x81: {  	_ =	shalt  }
0x82: {  	_ =	shalt  }
0x83: {  	_ =	shalt  }
0x84: {  	_ =	shalt  }
0x85: {  	_ =	shalt  }
0x86: {  	_ =	shalt  }
0x87: {  	_ =	shalt  }
.Lfunc_end0:
.L_simem_size_0:
called_computation.2_lowered:
.L_overlay_start_0:
0x88: {  	s2 =	sld [smem:$0x3FD9]  }
0x89: {  	s3 =	sld [smem:$0x3FFE];
	_ =	sdelay $0x1  }
0x8a: {  	s1 =	srdreg.scid  }
0x8b: {  	s0 =	sand.u32 $0x1, s1  }
0x8c: {  	s16 =	sshll.u32 s0, $0xA;
	s2 =	sadd.s32 s3, s2  }
0x8d: {  	s2 =	sadd.s32 s2, s16  }
0x8e: {  	[smem:$0x3FB2] =	sst s2  }
0x8f: {  	_ = 	snop  }
0x90: {  	(tm) =	ssettm $0x1  }
0x91: {  	s17 =	sld [smem:$0x3FFB];
	_ =	sdelay $0x3  }
0x92: {  	_ =	strace s17  }
0x93: {  	s2 =	sld [smem:$0x3FFC];
	_ =	sdelay $0x3  }
0x94: {  	_ =	strace s2  }
0x95: {  	s2 =	sld [smem:$0x3FFD];
	_ =	sdelay $0x3  }
0x96: {  	_ =	strace s2  }
0x97: {  	_ =	strace $0x8FFFFFFF  }
0x98: {  	s18 =	sld [smem:$0x3FDB];
	_ =	sdelay $0x1  }
0x99: {  	s19 =	simm.s32 $_scs_section_size  }
0x9a: {  	s4 =	simm.s32 $_size__tile_overlayer_lowered;
	s5 =	simm.s32 $_tile_overlayer_lowered  }
0x9b: {  	s22 =	simm.s32 $0x1BFF;
	s21 =	sshll.u32 s5, $0x1;
	s2 =	sadd.s32 s19, s18  }
0x9c: {  	s6 =	simm.s32 $0x0;
	s20 =	sshll.u32 s4, $0x1;
	s4 =	sadd.s32 s21, s2  }
0x9d: {  	[timem:s6], [sflag:s22] =	dma.local [hbm:s4], s20  }
0x9e: {  	_ =	swait.ge [sflag:s22], s20  }
0x9f: {  	s3 =	ssub.s32 $0x0, s20;
	[sflag:s22] =	ssyncset.done $0x0  }
0xa0: {  	[sflag:s22] =	ssyncadd.s32 s3;
	_ =	sdelay $0x1  }
0xa1: {  	s23 =	simm.s32 $0x1B8B  }
0xa2: {  	_ =	swait.ge [sflag:s23], $0x1  }
0xa3: {  	[sflag:s23] =	ssyncset.done $0x0  }
0xa4: {  	s25 =	simm.s32 $0x1B8E;
	s24 =	sld [smem:$0x3FFE];
	[sflag:s23] =	ssyncadd.s32 $0xFFFFFFFF  }
0xa5: {  	s26 =	simm.s32 $execute0_lowered;
	[smem:$0x3FD2] =	sst s25  }
0xa6: {  	s4 =	sshll.u32 s26, $0x1;
	_ =	strace $0x8000004C;
	[dreg:$0x1] =	wrdreg $0xFFFFFFFF  }
0xa7: {  	s28 =	simm.s32 $_size_execute0_lowered;
	s2 =	sadd.s32 s2, s4;
	[dreg:$0x0] =	wrdreg $0x0  }
0xa8: {  	s4 =	sshll.u32 s28, $0x1;
	[dreg:$0x2] =	wrdreg s2  }
0xa9: {  	[dreg:$0x3] =	wrdreg s4  }
0xaa: {  	[dreg:$0x4] =	wrdreg $0xC0  }
0xab: {  	_ =	task [dreg:s6], $0x5FFFF  }
0xac: {  	[dreg:$0x1] =	wrdreg $0xFFFFFFFF  }
0xad: {  	[dreg:$0x0] =	wrdreg $0x60  }
0xae: {  	[dreg:$0x2] =	wrdreg s24  }
0xaf: {  	[dreg:$0x3] =	wrdreg $0x81000  }
0xb0: {  	[dreg:$0x4] =	wrdreg $0x9  }
0xb1: {  	_ =	task.clear_ibuf [dreg:s6], $0x5FFFF;
	_ =	strace $0x9000004C  }
0xb2: {  	s29 =	simm.s32 $0x9;
	_ =	strace $0x8000004E  }
0xb3: {  	_ =	swait.ge [sflag:s29], $0x1  }
0xb4: {  	[sflag:s29] =	ssyncadd.s32 $0xFFFFFFFF  }
0xb5: {  	_ =	strace $0x9000004E  }
0xb6: {  	_ =	sfence  }
0xb7: {  	s30 =	sld [smem:$0x0];
	_ =	sdelay $0x2  }
0xb8: {  	s31 =	sshll.u32 s1, $0xD;
	s1 =	sshrl.u32 s1, $0x2  }
0xb9: {  	s3 =	sand.u32 $0x4000, s31;
	s1 =	sadd.s32 s1, s30  }
0xba: {  	s0 =	sor.u32 s3, s0;
	s1 =	sshll.u32 s1, $0x11  }
0xbb: {  	s0 =	sor.u32 s1, s0  }
0xbc: {  	s0 =	sadd.s32 $0x8F2B, s0  }
0xbd: {  	[sflag:s0] =	ssyncadd.remote.s32 $0x1  }
0xbe: {  	_ =	sfence.sel $0xFFFF  }
0xbf: {  	[dreg:$0x0] =	wrdreg $0xFFFFFFFF;
	(pc) =	sbr.abs _section_cstart, $3  }
0xc0: {  	[dreg:$0x1] =	wrdreg $0xFFFFFFFF  }
0xc1: {  	_ =	task.clear_ibuf [dreg:s6], $0x2FFFF;
	_ =	strace $0x9FFFFFFF  }
0xc2: {  	(tm) =	ssettm $0x7FFFFFFF  }
0xc3: {  	_ =	shalt  }
tec
execute0_lowered:
.L_overlay_start_1:
0x0: {  	(tag) =	ssettag $0x1  }
0x1: {  	s8 =	rddreg [dreg:$0x0]  }
0x2: {  	s2 =	rddreg [dreg:$0x1]  }
0x3: {  	s0 =	rddreg [dreg:$0x2];
	s3 =	simm.s32 $0x0  }
0x4: {  	s4 =	srdreg.scid;
	s1 =	stileid.u32;
	s16 =	simm.s32 $0x4100  }
0x5: {  	s17 =	simm.s32 $0x2;
	s18 =	simm.s32 $0x80;
	s19 =	simm.s32 $0x100  }
0x6: {  	s20 =	simm.s32 $0x1;
	[smem:$0x7FF] =	sst s3;
	s9 =	sand.u32 $0x1, s4  }
0x7: {  	s7 =	smul.u32 $0x2800, s1;
	s4 =	sadd.s32 $0xAAEC00, s8;
	s5 =	sadd.s32 $0xAE00, s8  }
0x8: {  	s6 =	sadd.s32 $0x14C00, s8;
	s11 =	smul.u32 $0x50000, s1;
	s21 =	sshll.u32 s1, $0x6  }
0x9: {  	_ =	strace $0x8000004D;
	s10 =	smul.u32 $0x28000, s9;
	s30 =	ssub.s32 $0x2, s9  }
0xa: {  	s9 =	sshll.u32 s9, $0x4;
	s21 =	sor.u32 $0x1C02, s21;
	s31 =	sshrl.u32 s30, $0x1  }
0xb: {  	s11 =	sshrl.u32 s11, $0x2;
	s13 =	sor.u32 s1, s9;
	s10 =	sadd.s32 s7, s10  }
0xc: {  	s7 =	sadd.s32 $0x2CC00, s8;
	s15 =	ssub.s32 s30, s31;
	s13 =	smul.u32 $0x2780, s13  }
0xd: {  	s14 =	sadd.s32 s10, s8;
	s8 =	sadd.s32 s11, s2;
	s15 =	smax.u32 s15, $0x1  }
0xe: {  	s9 =	sadd.s32 $0x4000, s8;
	s10 =	sadd.s32 $0x8000, s8;
	s11 =	sadd.s32 $0xC000, s8  }
0xf: {  	v0 =	vimm.f32 $0.0e+00;
	s12 =	sadd.s32 $0x10000, s8;
	s14 =	sadd.s32 $0x56EC00, s14;
	s22 =	sshrl.u32 s8, $0x3  }
.LBB2_1:
0x10: {  	s23 =	simm.s32 $0x0;
	s24 =	simm.s32 $0x200  }
.LBB2_2:
0x11: {  	p0 =	sne.s32 s24, $0xFE00;
	[tilespmem:s23+$0x4170] =	vst v0  }
0x12: {  	[tilespmem:s23+$0x4100] =	vst v0  }
0x13: {  	[tilespmem:s23+$0x4110] =	vst v0  }
.Ltmp0:
0x14: {  	[tilespmem:s23+$0x4120] =	vst v0;
	(pc) =	sbr.rel @p0 .LBB2_2-.Ltmp0, $4  }
0x15: {  	[tilespmem:s23+$0x4130] =	vst v0  }
0x16: {  	[tilespmem:s23+$0x4140] =	vst v0  }
0x17: {  	[tilespmem:s23+$0x4150] =	vst v0  }
0x18: {  	[tilespmem:s23+$0x4160] =	vst v0;
	s23 =	sshra.s32 s24, $0x2;
	s24 =	sadd.s32 $0x200, s24  }
0x19: {  	[tilespmem:s23+$0x4170] =	vst v0  }
0x1a: {  	[tilespmem:s23+$0x4100] =	vst v0  }
0x1b: {  	[tilespmem:s23+$0x4110] =	vst v0  }
0x1c: {  	[tilespmem:s23+$0x4120] =	vst v0  }
0x1d: {  	[tilespmem:s23+$0x4130] =	vst v0  }
0x1e: {  	[tilespmem:s23+$0x4140] =	vst v0  }
0x1f: {  	[tilespmem:s23+$0x4150] =	vst v0  }
0x20: {  	[tilespmem:s23+$0x4160] =	vst v0  }
0x21: {  	[spmem:s8] =	stream.linear.scatter [tilespmem:s16], [sflag:$0x2], $0x4000, $0x38;
	[tilespmem:$0x1C100] =	vst v63  }
0x22: {  	_ =	swait.ge [sflag:s17], $0x4000  }
0x23: {  	[sflag:s17] =	ssyncset.done $0x0  }
0x24: {  	[sflag:s17] =	ssyncadd.s32 $0xFFFFC000  }
0x25: {  	[spmem:s9] =	stream.linear.scatter [tilespmem:s16], [sflag:$0x2], $0x4000, $0x38;
	[tilespmem:$0x1C100] =	vst v63  }
0x26: {  	_ =	swait.ge [sflag:s17], $0x4000  }
0x27: {  	[sflag:s17] =	ssyncset.done $0x0  }
0x28: {  	[sflag:s17] =	ssyncadd.s32 $0xFFFFC000  }
0x29: {  	[spmem:s10] =	stream.linear.scatter [tilespmem:s16], [sflag:$0x2], $0x4000, $0x38;
	[tilespmem:$0x1C100] =	vst v63  }
0x2a: {  	_ =	swait.ge [sflag:s17], $0x4000  }
0x2b: {  	[sflag:s17] =	ssyncset.done $0x0  }
0x2c: {  	[sflag:s17] =	ssyncadd.s32 $0xFFFFC000  }
0x2d: {  	[spmem:s11] =	stream.linear.scatter [tilespmem:s16], [sflag:$0x2], $0x4000, $0x38;
	[tilespmem:$0x1C100] =	vst v63  }
0x2e: {  	_ =	swait.ge [sflag:s17], $0x4000  }
0x2f: {  	[sflag:s17] =	ssyncset.done $0x0  }
0x30: {  	[sflag:s17] =	ssyncadd.s32 $0xFFFFC000  }
0x31: {  	[spmem:s12] =	stream.linear.scatter [tilespmem:s16], [sflag:$0x2], $0x4000, $0x38;
	[tilespmem:$0x1C100] =	vst v63  }
0x32: {  	_ =	swait.ge [sflag:s17], $0x4000  }
0x33: {  	[sflag:s17] =	ssyncset.done $0x0  }
0x34: {  	[sflag:s17] =	ssyncadd.s32 $0xFFFFC000  }
0x35: {  	s23 =	simm.s32 $0x0;
	s24 =	simm.s32 $0x0;
	[bflag:$0x0] =	sbarrier.arrive $0xFFFF  }
.LBB2_4:
0x36: {  	s25 =	sshll.u32 s24, $0x7  }
0x37: {  	s25 =	sadd.s32 s13, s25  }
0x38: {  	s26 =	sshrl.u32 s25, $0x3  }
0x39: {  	s28 =	sadd.s32 s5, s26  }
0x3a: {  	[tilespmem:s23], [sflag:$0x2] =	stream.linear.gather [hbm4b:s28+s23], $0x80, $0x38;
	[tilespmem:$0x1C100] =	vst v63  }
0x3b: {  	_ =	swait.ge [sflag:s17], $0x80  }
0x3c: {  	[sflag:s17] =	ssyncset.done $0x0  }
0x3d: {  	s26 =	sadd.s32 s6, s26;
	[sflag:s17] =	ssyncadd.s32 $0xFFFFFF80  }
0x3e: {  	[tilespmem:s18], [sflag:$0x2] =	stream.linear.gather [hbm4b:s26+s23], $0x80, $0x38;
	[tilespmem:$0x1C100] =	vst v63  }
0x3f: {  	_ =	swait.ge [sflag:s17], $0x80  }
0x40: {  	[sflag:s17] =	ssyncset.done $0x0  }
0x41: {  	[sflag:s17] =	ssyncadd.s32 $0xFFFFFF80  }
0x42: {  	[tilespmem:s19], [sflag:$0x1] =	stream.indirect.gather [hbm4b:s7+s18], $0x80, s23, s18, $0xb8;
	[tilespmem:$0x1C100] =	vst v63  }
0x43: {  	_ =	swait.ge [sflag:s20], $0x4000  }
0x44: {  	s25 =	sshll.u32 s25, $0x4;
	[sflag:s20] =	ssyncset.done $0x0  }
0x45: {  	s25 =	sadd.s32 s4, s25;
	[sflag:s20] =	ssyncadd.s32 $0xFFFFC000  }
0x46: {  	[tilespmem:s16], [sflag:$0x2] =	stream.linear.gather [hbm4b:s25+s23], $0x4000, $0x38;
	[tilespmem:$0x1C100] =	vst v63  }
0x47: {  	_ =	swait.ge [sflag:s17], $0x4000  }
0x48: {  	[sflag:s17] =	ssyncset.done $0x0  }
0x49: {  	s25 =	simm.s32 $0x0;
	[sflag:s17] =	ssyncadd.s32 $0xFFFFC000  }
0x4a: {  	v8 =	vld [tilespmem:s25+$0x100]  }
0x4b: {  	v12 =	vld [tilespmem:s25+$0x110]  }
0x4c: {  	v6 =	vld [tilespmem:s25+$0x120]  }
0x4d: {  	v5 =	vld [tilespmem:s25+$0x130]  }
0x4e: {  	v4 =	vld [tilespmem:s25+$0x140]  }
0x4f: {  	v3 =	vld [tilespmem:s25+$0x150]  }
0x50: {  	v2 =	vld [tilespmem:s25+$0x160]  }
0x51: {  	v1 =	vld [tilespmem:s25+$0x170]  }
0x52: {  	v13 =	vld [tilespmem:s25+$0x4100]  }
0x53: {  	v14 =	vld [tilespmem:s25+$0x4110]  }
0x54: {  	v11 =	vld [tilespmem:s25+$0x4120]  }
0x55: {  	v10 =	vld [tilespmem:s25+$0x4130]  }
0x56: {  	v9 =	vld [tilespmem:s25+$0x4140]  }
0x57: {  	v7 =	vld [tilespmem:s25+$0x4150];
	v13 =	vmul.f32 v8, v13  }
0x58: {  	s26 =	simm.s32 $0x200;
	v12 =	vmul.f32 v12, v14;
	v8 =	vld [tilespmem:s25+$0x4160]  }
.LBB2_5:
0x59: {  	s28 =	sshra.s32 s26, $0x2;
	p0 =	sne.s32 s26, $0xFE00;
	[tilespmem:s25+$0x4100] =	vst v13;
	v6 =	vmul.f32 v6, v11;
	v11 =	vld [tilespmem:s25+$0x4170]  }
0x5a: {  	v13 =	vld [tilespmem:s28+$0x100];
	[tilespmem:s25+$0x4110] =	vst v12;
	v5 =	vmul.f32 v5, v10  }
0x5b: {  	v12 =	vld [tilespmem:s28+$0x110];
	[tilespmem:s25+$0x4120] =	vst v6;
	v4 =	vmul.f32 v4, v9  }
0x5c: {  	v6 =	vld [tilespmem:s28+$0x120];
	[tilespmem:s25+$0x4130] =	vst v5;
	v3 =	vmul.f32 v3, v7  }
0x5d: {  	v5 =	vld [tilespmem:s28+$0x130];
	[tilespmem:s25+$0x4140] =	vst v4;
	v2 =	vmul.f32 v2, v8  }
0x5e: {  	v4 =	vld [tilespmem:s28+$0x140];
	[tilespmem:s25+$0x4150] =	vst v3;
	v1 =	vmul.f32 v1, v11  }
0x5f: {  	v3 =	vld [tilespmem:s28+$0x150];
	[tilespmem:s25+$0x4160] =	vst v2  }
0x60: {  	v2 =	vld [tilespmem:s28+$0x160];
	[tilespmem:s25+$0x4170] =	vst v1;
	s25 =	smov.u32 s28  }
0x61: {  	v1 =	vld [tilespmem:s25+$0x170]  }
0x62: {  	v7 =	vld [tilespmem:s25+$0x4100]  }
0x63: {  	v8 =	vld [tilespmem:s25+$0x4110]  }
.Ltmp1:
0x64: {  	v11 =	vld [tilespmem:s25+$0x4120];
	(pc) =	sbr.rel @p0 .LBB2_5-.Ltmp1, $4  }
0x65: {  	v10 =	vld [tilespmem:s25+$0x4130]  }
0x66: {  	v9 =	vld [tilespmem:s25+$0x4140]  }
0x67: {  	v13 =	vmul.f32 v13, v7;
	v7 =	vld [tilespmem:s25+$0x4150]  }
0x68: {  	s26 =	sadd.s32 $0x200, s26;
	v12 =	vmul.f32 v12, v8;
	v8 =	vld [tilespmem:s25+$0x4160]  }
0x69: {  	[tilespmem:s25+$0x4100] =	vst v13;
	v6 =	vmul.f32 v6, v11;
	v63 =	vld [tilespmem:s25+$0x4170]  }
0x6a: {  	[tilespmem:s25+$0x4110] =	vst v12;
	v5 =	vmul.f32 v5, v10  }
0x6b: {  	[tilespmem:s25+$0x4120] =	vst v6;
	v4 =	vmul.f32 v4, v9  }
0x6c: {  	[tilespmem:s25+$0x4130] =	vst v5;
	v3 =	vmul.f32 v3, v7  }
0x6d: {  	[tilespmem:s25+$0x4140] =	vst v4;
	v2 =	vmul.f32 v2, v8  }
0x6e: {  	s24 =	sadd.s32 $0x1, s24;
	[tilespmem:s25+$0x4150] =	vst v3;
	v1 =	vmul.f32 v1, v63  }
0x6f: {  	p0 =	sne.s32 s24, $0x4F;
	[tilespmem:s25+$0x4160] =	vst v2  }
.Ltmp2:
0x70: {  	[tilespmem:s25+$0x4170] =	vst v1;
	(pc) =	sbr.rel @p0 .LBB2_4-.Ltmp2, $4  }
0x71: {  	[spmem:s2] =	stream.indirect.scatter.add.f32 [tilespmem:s16], [sflag:$0x2], $0x80, s18, s18, $0xb8;
	[tilespmem:$0x1C100] =	vst v63  }
0x72: {  	_ =	swait.ge [sflag:s17], $0x4000  }
0x73: {  	[sflag:s17] =	ssyncset.done $0x0  }
0x74: {  	[sflag:s17] =	ssyncadd.s32 $0xFFFFC000  }
0x75: {  	s3 =	sadd.s32 $0x1, s3  }
0x76: {  	p0 =	sne.s32 s3, s15  }
.Ltmp3:
0x77: {  	[bflag:$0x0] =	sbarrier.arrive $0xFFFF;
	(pc) =	sbr.rel @p0 .LBB2_1-.Ltmp3, $4  }
0x78: {  	[hbm:s14], [sflag:s21] =	dma.local [spmem:s22], $0x2800  }
0x79: {  	_ =	swait.ge [sflag:s17], $0x2800  }
0x7a: {  	[sflag:s17] =	ssyncset.done $0x0  }
0x7b: {  	[sflag:s17] =	ssyncadd.s32 $0xFFFFD800  }
0x7c: {  	_ =	sfence.sel $0x180000  }
0x7d: {  	[bflag:$0x0] =	sbarrier.arrive $0xFFFF  }
0x7e: {  	p0 =	sne.s32 s1, $0x0;
	_ =	strace $0x9000004D  }
0x7f: {  	s0 =	sadd.s32 @!p0 $0x100000, s0;
	[bflag:$0x2] =	sbarrier.arrive $0xFFFF  }
0x80: {  	[sflag:s0] =	ssyncadd.tile.s32 @!p0 $0x1;
	_ =	shalt  }
.Lfunc_end2:
_tile_overlayer_lowered:
.L_overlay_start_2:
0x81: {  	(tag) =	ssettag $0x2  }
0x82: {  	s0 =	rddreg [dreg:$0x0];
	s2 =	stileid.u32  }
0x83: {  	s1 =	rddreg [dreg:$0x1];
	p0 =	sne.s32 s2, $0x0  }
0x84: {  	s3 =	rddreg [dreg:$0x2];
	[bflag:$0x3] =	sbarrier.arrive $0xFFFF;
	s2 =	simm.s32 @!p0 $0x1C02  }
0x85: {  	[timem:s3], [sflag:s2] =	dma.local @!p0 [hbm:s0], s1  }
0x86: {  	s0 =	simm.s32 @!p0 $0x2  }
0x87: {  	_ =	swait.ge @!p0 [sflag:s0], s1  }
0x88: {  	s1 =	ssub.s32 @!p0 $0x0, s1;
	[sflag:s0] =	ssyncset.done @!p0 $0x0  }
0x89: {  	[sflag:s0] =	ssyncadd.s32 @!p0 s1  }
0x8a: {  	[bflag:$0x3] =	sbarrier.arrive $0xFFFF  }
0x8b: {  	_ =	shalt  }

// kernel: kernel.26.cloned.1.call-start
scs
__scs_entry_jumppad:
0x0: {  	(pc) =	sbr.rel $0x88, $3  }
0x1: {  	(tag) =	ssettag $0x0;
	lr =	simm.s32 $0x1  }
0x2: {  	[smem:$0x3F8B] =	sst lr;
	_ =	strace $0xD0000000  }
0x3: {  	_ = 	snop  }
0x4: {  	_ = 	snop  }
0x5: {  	_ = 	snop  }
0x6: {  	_ = 	snop  }
0x7: {  	_ = 	snop  }
__scs_overlays_trampoline_lowered:
0x8: {  	[smem:$0x3F9A] =	sst s0  }
0x9: {  	[smem:$0x3F9B] =	sst s1  }
0xa: {  	[smem:$0x3F9C] =	sst s2  }
0xb: {  	[smem:$0x3F9D] =	sst s3  }
0xc: {  	[smem:$0x3F9E] =	sst s4  }
0xd: {  	[smem:$0x3F9F] =	sst s5  }
0xe: {  	[smem:$0x3FA0] =	sst s6  }
0xf: {  	[smem:$0x3FA1] =	sst s7  }
0x10: {  	[smem:$0x3FA2] =	sst s8  }
0x11: {  	[smem:$0x3FA3] =	sst s9;
	s0 =	simm.s32 @!p0 $0x0  }
0x12: {  	s1 =	sld [smem:$0x3F89];
	s0 =	simm.s32 @p0 $0x1  }
0x13: {  	[smem:$0x3FA4] =	sst s0;
	s0 =	simm.s32 @!p1 $0x0  }
0x14: {  	s2 =	sld [smem:$0x3F88];
	s0 =	simm.s32 @p1 $0x1  }
0x15: {  	[smem:$0x3FA5] =	sst s0;
	s0 =	simm.s32 @!p2 $0x0  }
0x16: {  	s3 =	sld [smem:$0x3FDB];
	s0 =	simm.s32 @p2 $0x1  }
0x17: {  	s4 =	simm.s32 $0x1BF5;
	[smem:$0x3FA7] =	sst s0  }
0x18: {  	s0 =	sld [smem:$0x3F8A];
	_ =	swait.ge [sflag:s4], $0x0  }
0x19: {  	s7 =	sld [smem:$0x3F8B]  }
0x1a: {  	s8 =	sadd.s32 $0xFFFFE003, lr  }
0x1b: {  	s9 =	sadd.s32 $0xFFFFFEF7, lr;
	s5 =	simm.s32 $0xFFFFFFFF;
	p2 =	slt.u32 s8, $0xFFFFF086  }
0x1c: {  	p1 =	slt.u32 s9, $0xF7A;
	s5 =	simm.s32 @!p2 $0x0  }
0x1d: {  	s5 =	simm.s32 @p1 $0x1;
	p0 =	seq.s32 s7, s2  }
0x1e: {  	s7 =	smul.u32 @!p0 $0xF7A, s2;
	p2 =	seq.s32 @!p0 s5, $0x0  }
0x1f: {  	s9 =	smul.u32 $0xF7A, s1;
	s8 =	simm.s32 @!p0 $0x1BF5;
	p2 =	por !p2, p0  }
0x20: {  	[sflag:s8] =	ssyncset.s32 @!p0 $0xFFFFF086;
	s6 =	sadd.s32 @!p0 s3, s7;
	s7 =	simm.s32 @!p0 $0x108  }
0x21: {  	s3 =	sadd.s32 s3, s9;
	s6 =	sadd.s32 @!p0 $0x88, s6;
	s7 =	simm.s32 @p2 $0x1082  }
0x22: {  	[simem:s7], [sflag:s8] =	dma.local @!p0 [hbm:s6], $0xF7A  }
0x23: {  	s9 =	sor.u32 $0xD0000000, s2;
	s6 =	simm.s32 $0x108;
	_ =	swait.ge @!p0 [sflag:s8], $0x0  }
0x24: {  	s3 =	sadd.s32 $0x88, s3;
	s6 =	simm.s32 @!p1 $0x1082;
	[sflag:s4] =	ssyncset.s32 $0xFFFFF086  }
0x25: {  	[simem:s6], [sflag:s4] =	dma.local [hbm:s3], $0xF7A  }
0x26: {  	[smem:$0x3F8B] =	sst s1;
	(tag) =	ssettag s2;
	_ =	strace s9  }
0x27: {  	s1 =	sld [smem:$0x3F9B]  }
0x28: {  	s2 =	sld [smem:$0x3F9C]  }
0x29: {  	s4 =	sld [smem:$0x3F9E]  }
0x2a: {  	p0 =	seq.s32 s5, $0x0;
	s5 =	sld [smem:$0x3F9F]  }
0x2b: {  	s6 =	sld [smem:$0x3FA0]  }
0x2c: {  	s7 =	sld [smem:$0x3FA1]  }
0x2d: {  	s3 =	simm.s32 $0x108;
	s8 =	sld [smem:$0x3FA2]  }
0x2e: {  	s3 =	simm.s32 @!p0 $0x1082;
	s9 =	sld [smem:$0x3FA3]  }
0x2f: {  	lr =	sadd.s32 s0, s3;
	s0 =	sld [smem:$0x3F9A]  }
0x30: {  	s3 =	sld [smem:$0x3F9D]  }
0x31: {  	[smem:$0x3FA6] =	sst s10  }
0x32: {  	s10 =	sld [smem:$0x3FA4];
	_ =	sdelay $0x3  }
0x33: {  	p0 =	seq.s32 s10, $0x1;
	s10 =	sld [smem:$0x3FA6];
	_ =	sdelay $0x3  }
0x34: {  	[smem:$0x3FA6] =	sst s10  }
0x35: {  	s10 =	sld [smem:$0x3FA5];
	_ =	sdelay $0x3  }
0x36: {  	p1 =	seq.s32 s10, $0x1;
	s10 =	sld [smem:$0x3FA6];
	_ =	sdelay $0x3  }
0x37: {  	[smem:$0x3FA6] =	sst s10  }
0x38: {  	s10 =	sld [smem:$0x3FA7]  }
0x39: {  	_ = 	snop;
	(pc) =	sbr.ind lr, $3  }
0x3a: {  	_ = 	snop  }
0x3b: {  	_ = 	snop  }
0x3c: {  	p2 =	seq.s32 s10, $0x1;
	s10 =	sld [smem:$0x3FA6]  }
0x3d: {  	_ =	shalt  }
0x3e: {  	_ =	shalt  }
0x3f: {  	_ =	shalt  }
0x40: {  	_ =	shalt  }
0x41: {  	_ =	shalt  }
0x42: {  	_ =	shalt  }
0x43: {  	_ =	shalt  }
0x44: {  	_ =	shalt  }
0x45: {  	_ =	shalt  }
0x46: {  	_ =	shalt  }
0x47: {  	_ =	shalt  }
0x48: {  	_ =	shalt  }
0x49: {  	_ =	shalt  }
0x4a: {  	_ =	shalt  }
0x4b: {  	_ =	shalt  }
0x4c: {  	_ =	shalt  }
0x4d: {  	_ =	shalt  }
0x4e: {  	_ =	shalt  }
0x4f: {  	_ =	shalt  }
0x50: {  	_ =	shalt  }
0x51: {  	_ =	shalt  }
0x52: {  	_ =	shalt  }
0x53: {  	_ =	shalt  }
0x54: {  	_ =	shalt  }
0x55: {  	_ =	shalt  }
0x56: {  	_ =	shalt  }
0x57: {  	_ =	shalt  }
0x58: {  	_ =	shalt  }
0x59: {  	_ =	shalt  }
0x5a: {  	_ =	shalt  }
0x5b: {  	_ =	shalt  }
0x5c: {  	_ =	shalt  }
0x5d: {  	_ =	shalt  }
0x5e: {  	_ =	shalt  }
0x5f: {  	_ =	shalt  }
0x60: {  	_ =	shalt  }
0x61: {  	_ =	shalt  }
0x62: {  	_ =	shalt  }
0x63: {  	_ =	shalt  }
0x64: {  	_ =	shalt  }
0x65: {  	_ =	shalt  }
0x66: {  	_ =	shalt  }
0x67: {  	_ =	shalt  }
0x68: {  	_ =	shalt  }
0x69: {  	_ =	shalt  }
0x6a: {  	_ =	shalt  }
0x6b: {  	_ =	shalt  }
0x6c: {  	_ =	shalt  }
0x6d: {  	_ =	shalt  }
0x6e: {  	_ =	shalt  }
0x6f: {  	_ =	shalt  }
0x70: {  	_ =	shalt  }
0x71: {  	_ =	shalt  }
0x72: {  	_ =	shalt  }
0x73: {  	_ =	shalt  }
0x74: {  	_ =	shalt  }
0x75: {  	_ =	shalt  }
0x76: {  	_ =	shalt  }
0x77: {  	_ =	shalt  }
0x78: {  	_ =	shalt  }
0x79: {  	_ =	shalt  }
0x7a: {  	_ =	shalt  }
0x7b: {  	_ =	shalt  }
0x7c: {  	_ =	shalt  }
0x7d: {  	_ =	shalt  }
0x7e: {  	_ =	shalt  }
0x7f: {  	_ =	shalt  }
0x80: {  	_ =	shalt  }
0x81: {  	_ =	shalt  }
0x82: {  	_ =	shalt  }
0x83: {  	_ =	shalt  }
0x84: {  	_ =	shalt  }
0x85: {  	_ =	shalt  }
0x86: {  	_ =	shalt  }
0x87: {  	_ =	shalt  }
.Lfunc_end0:
.L_simem_size_0:
called_computation.3_lowered:
.L_overlay_start_0:
0x88: {  	s2 =	sld [smem:$0x3FD9]  }
0x89: {  	s3 =	sld [smem:$0x3FFE];
	_ =	sdelay $0x1  }
0x8a: {  	s1 =	srdreg.scid  }
0x8b: {  	s0 =	sand.u32 $0x1, s1  }
0x8c: {  	s16 =	sshll.u32 s0, $0xA;
	s2 =	sadd.s32 s3, s2  }
0x8d: {  	s2 =	sadd.s32 s2, s16  }
0x8e: {  	[smem:$0x3FB2] =	sst s2  }
0x8f: {  	_ = 	snop  }
0x90: {  	(tm) =	ssettm $0x1  }
0x91: {  	s17 =	sld [smem:$0x3FFB];
	_ =	sdelay $0x3  }
0x92: {  	_ =	strace s17  }
0x93: {  	s2 =	sld [smem:$0x3FFC];
	_ =	sdelay $0x3  }
0x94: {  	_ =	strace s2  }
0x95: {  	s2 =	sld [smem:$0x3FFD];
	_ =	sdelay $0x3  }
0x96: {  	_ =	strace s2  }
0x97: {  	_ =	strace $0x8FFFFFFF  }
0x98: {  	s18 =	sld [smem:$0x3FDB];
	_ =	sdelay $0x1  }
0x99: {  	s19 =	simm.s32 $_scs_section_size  }
0x9a: {  	s4 =	simm.s32 $_size__tile_overlayer_lowered;
	s5 =	simm.s32 $_tile_overlayer_lowered  }
0x9b: {  	s22 =	simm.s32 $0x1BFF;
	s21 =	sshll.u32 s5, $0x1;
	s2 =	sadd.s32 s19, s18  }
0x9c: {  	s6 =	simm.s32 $0x0;
	s20 =	sshll.u32 s4, $0x1;
	s4 =	sadd.s32 s21, s2  }
0x9d: {  	[timem:s6], [sflag:s22] =	dma.local [hbm:s4], s20  }
0x9e: {  	_ =	swait.ge [sflag:s22], s20  }
0x9f: {  	s3 =	ssub.s32 $0x0, s20;
	[sflag:s22] =	ssyncset.done $0x0  }
0xa0: {  	[sflag:s22] =	ssyncadd.s32 s3;
	_ =	sdelay $0x1  }
0xa1: {  	s23 =	simm.s32 $0x1B8B  }
0xa2: {  	_ =	swait.ge [sflag:s23], $0x1  }
0xa3: {  	[sflag:s23] =	ssyncset.done $0x0  }
0xa4: {  	s25 =	simm.s32 $0x1B8E;
	s24 =	sld [smem:$0x3FFE];
	[sflag:s23] =	ssyncadd.s32 $0xFFFFFFFF  }
0xa5: {  	s26 =	simm.s32 $execute0_lowered;
	[smem:$0x3FD2] =	sst s25  }
0xa6: {  	s4 =	sshll.u32 s26, $0x1;
	_ =	strace $0x8000004F;
	[dreg:$0x1] =	wrdreg $0xFFFFFFFF  }
0xa7: {  	s28 =	simm.s32 $_size_execute0_lowered;
	s2 =	sadd.s32 s2, s4;
	[dreg:$0x0] =	wrdreg $0x0  }
0xa8: {  	s4 =	sshll.u32 s28, $0x1;
	[dreg:$0x2] =	wrdreg s2  }
0xa9: {  	[dreg:$0x3] =	wrdreg s4  }
0xaa: {  	[dreg:$0x4] =	wrdreg $0xC0  }
0xab: {  	_ =	task [dreg:s6], $0x5FFFF  }
0xac: {  	[dreg:$0x1] =	wrdreg $0xFFFFFFFF  }
0xad: {  	[dreg:$0x0] =	wrdreg $0x60  }
0xae: {  	[dreg:$0x2] =	wrdreg s24  }
0xaf: {  	[dreg:$0x3] =	wrdreg $0x81000  }
0xb0: {  	[dreg:$0x4] =	wrdreg $0x9  }
0xb1: {  	_ =	task.clear_ibuf [dreg:s6], $0x5FFFF;
	_ =	strace $0x9000004F  }
0xb2: {  	s29 =	simm.s32 $0x9;
	_ =	strace $0x80000051  }
0xb3: {  	_ =	swait.ge [sflag:s29], $0x1  }
0xb4: {  	[sflag:s29] =	ssyncadd.s32 $0xFFFFFFFF  }
0xb5: {  	_ =	strace $0x90000051  }
0xb6: {  	_ =	sfence  }
0xb7: {  	s30 =	sld [smem:$0x0];
	_ =	sdelay $0x2  }
0xb8: {  	s31 =	sshll.u32 s1, $0xD;
	s1 =	sshrl.u32 s1, $0x2  }
0xb9: {  	s3 =	sand.u32 $0x4000, s31;
	s1 =	sadd.s32 s1, s30  }
0xba: {  	s0 =	sor.u32 s3, s0;
	s1 =	sshll.u32 s1, $0x11  }
0xbb: {  	s0 =	sor.u32 s1, s0  }
0xbc: {  	s0 =	sadd.s32 $0x8F2B, s0  }
0xbd: {  	[sflag:s0] =	ssyncadd.remote.s32 $0x1  }
0xbe: {  	_ =	sfence.sel $0xFFFF  }
0xbf: {  	[dreg:$0x0] =	wrdreg $0xFFFFFFFF;
	(pc) =	sbr.abs _section_cstart, $3  }
0xc0: {  	[dreg:$0x1] =	wrdreg $0xFFFFFFFF  }
0xc1: {  	_ =	task.clear_ibuf [dreg:s6], $0x2FFFF;
	_ =	strace $0x9FFFFFFF  }
0xc2: {  	(tm) =	ssettm $0x7FFFFFFF  }
0xc3: {  	_ =	shalt  }
tec
execute0_lowered:
.L_overlay_start_1:
0x0: {  	(tag) =	ssettag $0x1  }
0x1: {  	s8 =	rddreg [dreg:$0x0]  }
0x2: {  	s2 =	rddreg [dreg:$0x1]  }
0x3: {  	s0 =	rddreg [dreg:$0x2];
	s3 =	simm.s32 $0x0  }
0x4: {  	s4 =	srdreg.scid;
	s1 =	stileid.u32;
	s16 =	simm.s32 $0x4100  }
0x5: {  	s17 =	simm.s32 $0x2;
	s18 =	simm.s32 $0x80;
	s19 =	simm.s32 $0x100  }
0x6: {  	s20 =	simm.s32 $0x1;
	[smem:$0x7FF] =	sst s3;
	s9 =	sand.u32 $0x1, s4  }
0x7: {  	s7 =	smul.u32 $0x2800, s1;
	s4 =	sadd.s32 $0x5BEC00, s8;
	s5 =	sadd.s32 $0xAE00, s8  }
0x8: {  	s6 =	sadd.s32 $0x14C00, s8;
	s11 =	smul.u32 $0x50000, s1;
	s21 =	sshll.u32 s1, $0x6  }
0x9: {  	_ =	strace $0x80000050;
	s10 =	smul.u32 $0x28000, s9;
	s30 =	ssub.s32 $0x2, s9  }
0xa: {  	s9 =	sshll.u32 s9, $0x4;
	s21 =	sor.u32 $0x1C02, s21;
	s31 =	sshrl.u32 s30, $0x1  }
0xb: {  	s11 =	sshrl.u32 s11, $0x2;
	s13 =	sor.u32 s1, s9;
	s10 =	sadd.s32 s7, s10  }
0xc: {  	s7 =	sadd.s32 $0x2CC00, s8;
	s15 =	ssub.s32 s30, s31;
	s13 =	smul.u32 $0x2780, s13  }
0xd: {  	s14 =	sadd.s32 s10, s8;
	s8 =	sadd.s32 s11, s2;
	s15 =	smax.u32 s15, $0x1  }
0xe: {  	s9 =	sadd.s32 $0x4000, s8;
	s10 =	sadd.s32 $0x8000, s8;
	s11 =	sadd.s32 $0xC000, s8  }
0xf: {  	v0 =	vimm.f32 $0.0e+00;
	s12 =	sadd.s32 $0x10000, s8;
	s14 =	sadd.s32 $0x56EC00, s14;
	s22 =	sshrl.u32 s8, $0x3  }
.LBB2_1:
0x10: {  	s23 =	simm.s32 $0x0;
	s24 =	simm.s32 $0x200  }
.LBB2_2:
0x11: {  	p0 =	sne.s32 s24, $0xFE00;
	[tilespmem:s23+$0x4170] =	vst v0  }
0x12: {  	[tilespmem:s23+$0x4100] =	vst v0  }
0x13: {  	[tilespmem:s23+$0x4110] =	vst v0  }
.Ltmp0:
0x14: {  	[tilespmem:s23+$0x4120] =	vst v0;
	(pc) =	sbr.rel @p0 .LBB2_2-.Ltmp0, $4  }
0x15: {  	[tilespmem:s23+$0x4130] =	vst v0  }
0x16: {  	[tilespmem:s23+$0x4140] =	vst v0  }
0x17: {  	[tilespmem:s23+$0x4150] =	vst v0  }
0x18: {  	[tilespmem:s23+$0x4160] =	vst v0;
	s23 =	sshra.s32 s24, $0x2;
	s24 =	sadd.s32 $0x200, s24  }
0x19: {  	[tilespmem:s23+$0x4170] =	vst v0  }
0x1a: {  	[tilespmem:s23+$0x4100] =	vst v0  }
0x1b: {  	[tilespmem:s23+$0x4110] =	vst v0  }
0x1c: {  	[tilespmem:s23+$0x4120] =	vst v0  }
0x1d: {  	[tilespmem:s23+$0x4130] =	vst v0  }
0x1e: {  	[tilespmem:s23+$0x4140] =	vst v0  }
0x1f: {  	[tilespmem:s23+$0x4150] =	vst v0  }
0x20: {  	[tilespmem:s23+$0x4160] =	vst v0  }
0x21: {  	[spmem:s8] =	stream.linear.scatter [tilespmem:s16], [sflag:$0x2], $0x4000, $0x38;
	[tilespmem:$0x1C100] =	vst v63  }
0x22: {  	_ =	swait.ge [sflag:s17], $0x4000  }
0x23: {  	[sflag:s17] =	ssyncset.done $0x0  }
0x24: {  	[sflag:s17] =	ssyncadd.s32 $0xFFFFC000  }
0x25: {  	[spmem:s9] =	stream.linear.scatter [tilespmem:s16], [sflag:$0x2], $0x4000, $0x38;
	[tilespmem:$0x1C100] =	vst v63  }
0x26: {  	_ =	swait.ge [sflag:s17], $0x4000  }
0x27: {  	[sflag:s17] =	ssyncset.done $0x0  }
0x28: {  	[sflag:s17] =	ssyncadd.s32 $0xFFFFC000  }
0x29: {  	[spmem:s10] =	stream.linear.scatter [tilespmem:s16], [sflag:$0x2], $0x4000, $0x38;
	[tilespmem:$0x1C100] =	vst v63  }
0x2a: {  	_ =	swait.ge [sflag:s17], $0x4000  }
0x2b: {  	[sflag:s17] =	ssyncset.done $0x0  }
0x2c: {  	[sflag:s17] =	ssyncadd.s32 $0xFFFFC000  }
0x2d: {  	[spmem:s11] =	stream.linear.scatter [tilespmem:s16], [sflag:$0x2], $0x4000, $0x38;
	[tilespmem:$0x1C100] =	vst v63  }
0x2e: {  	_ =	swait.ge [sflag:s17], $0x4000  }
0x2f: {  	[sflag:s17] =	ssyncset.done $0x0  }
0x30: {  	[sflag:s17] =	ssyncadd.s32 $0xFFFFC000  }
0x31: {  	[spmem:s12] =	stream.linear.scatter [tilespmem:s16], [sflag:$0x2], $0x4000, $0x38;
	[tilespmem:$0x1C100] =	vst v63  }
0x32: {  	_ =	swait.ge [sflag:s17], $0x4000  }
0x33: {  	[sflag:s17] =	ssyncset.done $0x0  }
0x34: {  	[sflag:s17] =	ssyncadd.s32 $0xFFFFC000  }
0x35: {  	s23 =	simm.s32 $0x0;
	s24 =	simm.s32 $0x0;
	[bflag:$0x0] =	sbarrier.arrive $0xFFFF  }
.LBB2_4:
0x36: {  	s25 =	sshll.u32 s24, $0x7  }
0x37: {  	s25 =	sadd.s32 s13, s25  }
0x38: {  	s26 =	sshrl.u32 s25, $0x3  }
0x39: {  	s28 =	sadd.s32 s5, s26  }
0x3a: {  	[tilespmem:s23], [sflag:$0x2] =	stream.linear.gather [hbm4b:s28+s23], $0x80, $0x38;
	[tilespmem:$0x1C100] =	vst v63  }
0x3b: {  	_ =	swait.ge [sflag:s17], $0x80  }
0x3c: {  	[sflag:s17] =	ssyncset.done $0x0  }
0x3d: {  	s26 =	sadd.s32 s6, s26;
	[sflag:s17] =	ssyncadd.s32 $0xFFFFFF80  }
0x3e: {  	[tilespmem:s18], [sflag:$0x2] =	stream.linear.gather [hbm4b:s26+s23], $0x80, $0x38;
	[tilespmem:$0x1C100] =	vst v63  }
0x3f: {  	_ =	swait.ge [sflag:s17], $0x80  }
0x40: {  	[sflag:s17] =	ssyncset.done $0x0  }
0x41: {  	[sflag:s17] =	ssyncadd.s32 $0xFFFFFF80  }
0x42: {  	[tilespmem:s19], [sflag:$0x1] =	stream.indirect.gather [hbm4b:s7+s18], $0x80, s23, s18, $0xb8;
	[tilespmem:$0x1C100] =	vst v63  }
0x43: {  	_ =	swait.ge [sflag:s20], $0x4000  }
0x44: {  	s25 =	sshll.u32 s25, $0x4;
	[sflag:s20] =	ssyncset.done $0x0  }
0x45: {  	s25 =	sadd.s32 s4, s25;
	[sflag:s20] =	ssyncadd.s32 $0xFFFFC000  }
0x46: {  	[tilespmem:s16], [sflag:$0x2] =	stream.linear.gather [hbm4b:s25+s23], $0x4000, $0x38;
	[tilespmem:$0x1C100] =	vst v63  }
0x47: {  	_ =	swait.ge [sflag:s17], $0x4000  }
0x48: {  	[sflag:s17] =	ssyncset.done $0x0  }
0x49: {  	s25 =	simm.s32 $0x0;
	[sflag:s17] =	ssyncadd.s32 $0xFFFFC000  }
0x4a: {  	v8 =	vld [tilespmem:s25+$0x100]  }
0x4b: {  	v12 =	vld [tilespmem:s25+$0x110]  }
0x4c: {  	v6 =	vld [tilespmem:s25+$0x120]  }
0x4d: {  	v5 =	vld [tilespmem:s25+$0x130]  }
0x4e: {  	v4 =	vld [tilespmem:s25+$0x140]  }
0x4f: {  	v3 =	vld [tilespmem:s25+$0x150]  }
0x50: {  	v2 =	vld [tilespmem:s25+$0x160]  }
0x51: {  	v1 =	vld [tilespmem:s25+$0x170]  }
0x52: {  	v13 =	vld [tilespmem:s25+$0x4100]  }
0x53: {  	v14 =	vld [tilespmem:s25+$0x4110]  }
0x54: {  	v11 =	vld [tilespmem:s25+$0x4120]  }
0x55: {  	v10 =	vld [tilespmem:s25+$0x4130]  }
0x56: {  	v9 =	vld [tilespmem:s25+$0x4140]  }
0x57: {  	v7 =	vld [tilespmem:s25+$0x4150];
	v13 =	vmul.f32 v8, v13  }
0x58: {  	s26 =	simm.s32 $0x200;
	v12 =	vmul.f32 v12, v14;
	v8 =	vld [tilespmem:s25+$0x4160]  }
.LBB2_5:
0x59: {  	s28 =	sshra.s32 s26, $0x2;
	p0 =	sne.s32 s26, $0xFE00;
	[tilespmem:s25+$0x4100] =	vst v13;
	v6 =	vmul.f32 v6, v11;
	v11 =	vld [tilespmem:s25+$0x4170]  }
0x5a: {  	v13 =	vld [tilespmem:s28+$0x100];
	[tilespmem:s25+$0x4110] =	vst v12;
	v5 =	vmul.f32 v5, v10  }
0x5b: {  	v12 =	vld [tilespmem:s28+$0x110];
	[tilespmem:s25+$0x4120] =	vst v6;
	v4 =	vmul.f32 v4, v9  }
0x5c: {  	v6 =	vld [tilespmem:s28+$0x120];
	[tilespmem:s25+$0x4130] =	vst v5;
	v3 =	vmul.f32 v3, v7  }
0x5d: {  	v5 =	vld [tilespmem:s28+$0x130];
	[tilespmem:s25+$0x4140] =	vst v4;
	v2 =	vmul.f32 v2, v8  }
0x5e: {  	v4 =	vld [tilespmem:s28+$0x140];
	[tilespmem:s25+$0x4150] =	vst v3;
	v1 =	vmul.f32 v1, v11  }
0x5f: {  	v3 =	vld [tilespmem:s28+$0x150];
	[tilespmem:s25+$0x4160] =	vst v2  }
0x60: {  	v2 =	vld [tilespmem:s28+$0x160];
	[tilespmem:s25+$0x4170] =	vst v1;
	s25 =	smov.u32 s28  }
0x61: {  	v1 =	vld [tilespmem:s25+$0x170]  }
0x62: {  	v7 =	vld [tilespmem:s25+$0x4100]  }
0x63: {  	v8 =	vld [tilespmem:s25+$0x4110]  }
.Ltmp1:
0x64: {  	v11 =	vld [tilespmem:s25+$0x4120];
	(pc) =	sbr.rel @p0 .LBB2_5-.Ltmp1, $4  }
0x65: {  	v10 =	vld [tilespmem:s25+$0x4130]  }
0x66: {  	v9 =	vld [tilespmem:s25+$0x4140]  }
0x67: {  	v13 =	vmul.f32 v13, v7;
	v7 =	vld [tilespmem:s25+$0x4150]  }
0x68: {  	s26 =	sadd.s32 $0x200, s26;
	v12 =	vmul.f32 v12, v8;
	v8 =	vld [tilespmem:s25+$0x4160]  }
0x69: {  	[tilespmem:s25+$0x4100] =	vst v13;
	v6 =	vmul.f32 v6, v11;
	v63 =	vld [tilespmem:s25+$0x4170]  }
0x6a: {  	[tilespmem:s25+$0x4110] =	vst v12;
	v5 =	vmul.f32 v5, v10  }
0x6b: {  	[tilespmem:s25+$0x4120] =	vst v6;
	v4 =	vmul.f32 v4, v9  }
0x6c: {  	[tilespmem:s25+$0x4130] =	vst v5;
	v3 =	vmul.f32 v3, v7  }
0x6d: {  	[tilespmem:s25+$0x4140] =	vst v4;
	v2 =	vmul.f32 v2, v8  }
0x6e: {  	s24 =	sadd.s32 $0x1, s24;
	[tilespmem:s25+$0x4150] =	vst v3;
	v1 =	vmul.f32 v1, v63  }
0x6f: {  	p0 =	sne.s32 s24, $0x4F;
	[tilespmem:s25+$0x4160] =	vst v2  }
.Ltmp2:
0x70: {  	[tilespmem:s25+$0x4170] =	vst v1;
	(pc) =	sbr.rel @p0 .LBB2_4-.Ltmp2, $4  }
0x71: {  	[spmem:s2] =	stream.indirect.scatter.add.f32 [tilespmem:s16], [sflag:$0x2], $0x80, s18, s18, $0xb8;
	[tilespmem:$0x1C100] =	vst v63  }
0x72: {  	_ =	swait.ge [sflag:s17], $0x4000  }
0x73: {  	[sflag:s17] =	ssyncset.done $0x0  }
0x74: {  	[sflag:s17] =	ssyncadd.s32 $0xFFFFC000  }
0x75: {  	s3 =	sadd.s32 $0x1, s3  }
0x76: {  	p0 =	sne.s32 s3, s15  }
.Ltmp3:
0x77: {  	[bflag:$0x0] =	sbarrier.arrive $0xFFFF;
	(pc) =	sbr.rel @p0 .LBB2_1-.Ltmp3, $4  }
0x78: {  	[hbm:s14], [sflag:s21] =	dma.local [spmem:s22], $0x2800  }
0x79: {  	_ =	swait.ge [sflag:s17], $0x2800  }
0x7a: {  	[sflag:s17] =	ssyncset.done $0x0  }
0x7b: {  	[sflag:s17] =	ssyncadd.s32 $0xFFFFD800  }
0x7c: {  	_ =	sfence.sel $0x180000  }
0x7d: {  	[bflag:$0x0] =	sbarrier.arrive $0xFFFF  }
0x7e: {  	p0 =	sne.s32 s1, $0x0;
	_ =	strace $0x90000050  }
0x7f: {  	s0 =	sadd.s32 @!p0 $0x100000, s0;
	[bflag:$0x2] =	sbarrier.arrive $0xFFFF  }
0x80: {  	[sflag:s0] =	ssyncadd.tile.s32 @!p0 $0x1;
	_ =	shalt  }
.Lfunc_end2:
_tile_overlayer_lowered:
.L_overlay_start_2:
0x81: {  	(tag) =	ssettag $0x2  }
0x82: {  	s0 =	rddreg [dreg:$0x0];
	s2 =	stileid.u32  }
0x83: {  	s1 =	rddreg [dreg:$0x1];
	p0 =	sne.s32 s2, $0x0  }
0x84: {  	s3 =	rddreg [dreg:$0x2];
	[bflag:$0x3] =	sbarrier.arrive $0xFFFF;
	s2 =	simm.s32 @!p0 $0x1C02  }
0x85: {  	[timem:s3], [sflag:s2] =	dma.local @!p0 [hbm:s0], s1  }
0x86: {  	s0 =	simm.s32 @!p0 $0x2  }
0x87: {  	_ =	swait.ge @!p0 [sflag:s0], s1  }
0x88: {  	s1 =	ssub.s32 @!p0 $0x0, s1;
	[sflag:s0] =	ssyncset.done @!p0 $0x0  }
0x89: {  	[sflag:s0] =	ssyncadd.s32 @!p0 s1  }
0x8a: {  	[bflag:$0x3] =	sbarrier.arrive $0xFFFF  }
0x8b: {  	_ =	shalt  }

// kernel: kernel.29.cloned.1.call-start
scs
__scs_entry_jumppad:
0x0: {  	(pc) =	sbr.rel $0x88, $3  }
0x1: {  	(tag) =	ssettag $0x0;
	lr =	simm.s32 $0x1  }
0x2: {  	[smem:$0x3F8B] =	sst lr;
	_ =	strace $0xD0000000  }
0x3: {  	_ = 	snop  }
0x4: {  	_ = 	snop  }
0x5: {  	_ = 	snop  }
0x6: {  	_ = 	snop  }
0x7: {  	_ = 	snop  }
__scs_overlays_trampoline_lowered:
0x8: {  	[smem:$0x3F9A] =	sst s0  }
0x9: {  	[smem:$0x3F9B] =	sst s1  }
0xa: {  	[smem:$0x3F9C] =	sst s2  }
0xb: {  	[smem:$0x3F9D] =	sst s3  }
0xc: {  	[smem:$0x3F9E] =	sst s4  }
0xd: {  	[smem:$0x3F9F] =	sst s5  }
0xe: {  	[smem:$0x3FA0] =	sst s6  }
0xf: {  	[smem:$0x3FA1] =	sst s7  }
0x10: {  	[smem:$0x3FA2] =	sst s8  }
0x11: {  	[smem:$0x3FA3] =	sst s9;
	s0 =	simm.s32 @!p0 $0x0  }
0x12: {  	s1 =	sld [smem:$0x3F89];
	s0 =	simm.s32 @p0 $0x1  }
0x13: {  	[smem:$0x3FA4] =	sst s0;
	s0 =	simm.s32 @!p1 $0x0  }
0x14: {  	s2 =	sld [smem:$0x3F88];
	s0 =	simm.s32 @p1 $0x1  }
0x15: {  	[smem:$0x3FA5] =	sst s0;
	s0 =	simm.s32 @!p2 $0x0  }
0x16: {  	s3 =	sld [smem:$0x3FDB];
	s0 =	simm.s32 @p2 $0x1  }
0x17: {  	s4 =	simm.s32 $0x1BF5;
	[smem:$0x3FA7] =	sst s0  }
0x18: {  	s0 =	sld [smem:$0x3F8A];
	_ =	swait.ge [sflag:s4], $0x0  }
0x19: {  	s7 =	sld [smem:$0x3F8B]  }
0x1a: {  	s8 =	sadd.s32 $0xFFFFE003, lr  }
0x1b: {  	s9 =	sadd.s32 $0xFFFFFEF7, lr;
	s5 =	simm.s32 $0xFFFFFFFF;
	p2 =	slt.u32 s8, $0xFFFFF086  }
0x1c: {  	p1 =	slt.u32 s9, $0xF7A;
	s5 =	simm.s32 @!p2 $0x0  }
0x1d: {  	s5 =	simm.s32 @p1 $0x1;
	p0 =	seq.s32 s7, s2  }
0x1e: {  	s7 =	smul.u32 @!p0 $0xF7A, s2;
	p2 =	seq.s32 @!p0 s5, $0x0  }
0x1f: {  	s9 =	smul.u32 $0xF7A, s1;
	s8 =	simm.s32 @!p0 $0x1BF5;
	p2 =	por !p2, p0  }
0x20: {  	[sflag:s8] =	ssyncset.s32 @!p0 $0xFFFFF086;
	s6 =	sadd.s32 @!p0 s3, s7;
	s7 =	simm.s32 @!p0 $0x108  }
0x21: {  	s3 =	sadd.s32 s3, s9;
	s6 =	sadd.s32 @!p0 $0x88, s6;
	s7 =	simm.s32 @p2 $0x1082  }
0x22: {  	[simem:s7], [sflag:s8] =	dma.local @!p0 [hbm:s6], $0xF7A  }
0x23: {  	s9 =	sor.u32 $0xD0000000, s2;
	s6 =	simm.s32 $0x108;
	_ =	swait.ge @!p0 [sflag:s8], $0x0  }
0x24: {  	s3 =	sadd.s32 $0x88, s3;
	s6 =	simm.s32 @!p1 $0x1082;
	[sflag:s4] =	ssyncset.s32 $0xFFFFF086  }
0x25: {  	[simem:s6], [sflag:s4] =	dma.local [hbm:s3], $0xF7A  }
0x26: {  	[smem:$0x3F8B] =	sst s1;
	(tag) =	ssettag s2;
	_ =	strace s9  }
0x27: {  	s1 =	sld [smem:$0x3F9B]  }
0x28: {  	s2 =	sld [smem:$0x3F9C]  }
0x29: {  	s4 =	sld [smem:$0x3F9E]  }
0x2a: {  	p0 =	seq.s32 s5, $0x0;
	s5 =	sld [smem:$0x3F9F]  }
0x2b: {  	s6 =	sld [smem:$0x3FA0]  }
0x2c: {  	s7 =	sld [smem:$0x3FA1]  }
0x2d: {  	s3 =	simm.s32 $0x108;
	s8 =	sld [smem:$0x3FA2]  }
0x2e: {  	s3 =	simm.s32 @!p0 $0x1082;
	s9 =	sld [smem:$0x3FA3]  }
0x2f: {  	lr =	sadd.s32 s0, s3;
	s0 =	sld [smem:$0x3F9A]  }
0x30: {  	s3 =	sld [smem:$0x3F9D]  }
0x31: {  	[smem:$0x3FA6] =	sst s10  }
0x32: {  	s10 =	sld [smem:$0x3FA4];
	_ =	sdelay $0x3  }
0x33: {  	p0 =	seq.s32 s10, $0x1;
	s10 =	sld [smem:$0x3FA6];
	_ =	sdelay $0x3  }
0x34: {  	[smem:$0x3FA6] =	sst s10  }
0x35: {  	s10 =	sld [smem:$0x3FA5];
	_ =	sdelay $0x3  }
0x36: {  	p1 =	seq.s32 s10, $0x1;
	s10 =	sld [smem:$0x3FA6];
	_ =	sdelay $0x3  }
0x37: {  	[smem:$0x3FA6] =	sst s10  }
0x38: {  	s10 =	sld [smem:$0x3FA7]  }
0x39: {  	_ = 	snop;
	(pc) =	sbr.ind lr, $3  }
0x3a: {  	_ = 	snop  }
0x3b: {  	_ = 	snop  }
0x3c: {  	p2 =	seq.s32 s10, $0x1;
	s10 =	sld [smem:$0x3FA6]  }
0x3d: {  	_ =	shalt  }
0x3e: {  	_ =	shalt  }
0x3f: {  	_ =	shalt  }
0x40: {  	_ =	shalt  }
0x41: {  	_ =	shalt  }
0x42: {  	_ =	shalt  }
0x43: {  	_ =	shalt  }
0x44: {  	_ =	shalt  }
0x45: {  	_ =	shalt  }
0x46: {  	_ =	shalt  }
0x47: {  	_ =	shalt  }
0x48: {  	_ =	shalt  }
0x49: {  	_ =	shalt  }
0x4a: {  	_ =	shalt  }
0x4b: {  	_ =	shalt  }
0x4c: {  	_ =	shalt  }
0x4d: {  	_ =	shalt  }
0x4e: {  	_ =	shalt  }
0x4f: {  	_ =	shalt  }
0x50: {  	_ =	shalt  }
0x51: {  	_ =	shalt  }
0x52: {  	_ =	shalt  }
0x53: {  	_ =	shalt  }
0x54: {  	_ =	shalt  }
0x55: {  	_ =	shalt  }
0x56: {  	_ =	shalt  }
0x57: {  	_ =	shalt  }
0x58: {  	_ =	shalt  }
0x59: {  	_ =	shalt  }
0x5a: {  	_ =	shalt  }
0x5b: {  	_ =	shalt  }
0x5c: {  	_ =	shalt  }
0x5d: {  	_ =	shalt  }
0x5e: {  	_ =	shalt  }
0x5f: {  	_ =	shalt  }
0x60: {  	_ =	shalt  }
0x61: {  	_ =	shalt  }
0x62: {  	_ =	shalt  }
0x63: {  	_ =	shalt  }
0x64: {  	_ =	shalt  }
0x65: {  	_ =	shalt  }
0x66: {  	_ =	shalt  }
0x67: {  	_ =	shalt  }
0x68: {  	_ =	shalt  }
0x69: {  	_ =	shalt  }
0x6a: {  	_ =	shalt  }
0x6b: {  	_ =	shalt  }
0x6c: {  	_ =	shalt  }
0x6d: {  	_ =	shalt  }
0x6e: {  	_ =	shalt  }
0x6f: {  	_ =	shalt  }
0x70: {  	_ =	shalt  }
0x71: {  	_ =	shalt  }
0x72: {  	_ =	shalt  }
0x73: {  	_ =	shalt  }
0x74: {  	_ =	shalt  }
0x75: {  	_ =	shalt  }
0x76: {  	_ =	shalt  }
0x77: {  	_ =	shalt  }
0x78: {  	_ =	shalt  }
0x79: {  	_ =	shalt  }
0x7a: {  	_ =	shalt  }
0x7b: {  	_ =	shalt  }
0x7c: {  	_ =	shalt  }
0x7d: {  	_ =	shalt  }
0x7e: {  	_ =	shalt  }
0x7f: {  	_ =	shalt  }
0x80: {  	_ =	shalt  }
0x81: {  	_ =	shalt  }
0x82: {  	_ =	shalt  }
0x83: {  	_ =	shalt  }
0x84: {  	_ =	shalt  }
0x85: {  	_ =	shalt  }
0x86: {  	_ =	shalt  }
0x87: {  	_ =	shalt  }
.Lfunc_end0:
.L_simem_size_0:
called_computation.4_lowered:
.L_overlay_start_0:
0x88: {  	s2 =	sld [smem:$0x3FD9]  }
0x89: {  	s3 =	sld [smem:$0x3FFE];
	_ =	sdelay $0x1  }
0x8a: {  	s1 =	srdreg.scid  }
0x8b: {  	s0 =	sand.u32 $0x1, s1  }
0x8c: {  	s16 =	sshll.u32 s0, $0xA;
	s2 =	sadd.s32 s3, s2  }
0x8d: {  	s2 =	sadd.s32 s2, s16  }
0x8e: {  	[smem:$0x3FB2] =	sst s2  }
0x8f: {  	_ = 	snop  }
0x90: {  	(tm) =	ssettm $0x1  }
0x91: {  	s17 =	sld [smem:$0x3FFB];
	_ =	sdelay $0x3  }
0x92: {  	_ =	strace s17  }
0x93: {  	s2 =	sld [smem:$0x3FFC];
	_ =	sdelay $0x3  }
0x94: {  	_ =	strace s2  }
0x95: {  	s2 =	sld [smem:$0x3FFD];
	_ =	sdelay $0x3  }
0x96: {  	_ =	strace s2  }
0x97: {  	_ =	strace $0x8FFFFFFF  }
0x98: {  	s18 =	sld [smem:$0x3FDB];
	_ =	sdelay $0x1  }
0x99: {  	s19 =	simm.s32 $_scs_section_size  }
0x9a: {  	s4 =	simm.s32 $_size__tile_overlayer_lowered;
	s5 =	simm.s32 $_tile_overlayer_lowered  }
0x9b: {  	s22 =	simm.s32 $0x1BFF;
	s21 =	sshll.u32 s5, $0x1;
	s2 =	sadd.s32 s19, s18  }
0x9c: {  	s6 =	simm.s32 $0x0;
	s20 =	sshll.u32 s4, $0x1;
	s4 =	sadd.s32 s21, s2  }
0x9d: {  	[timem:s6], [sflag:s22] =	dma.local [hbm:s4], s20  }
0x9e: {  	_ =	swait.ge [sflag:s22], s20  }
0x9f: {  	s3 =	ssub.s32 $0x0, s20;
	[sflag:s22] =	ssyncset.done $0x0  }
0xa0: {  	[sflag:s22] =	ssyncadd.s32 s3;
	_ =	sdelay $0x1  }
0xa1: {  	s23 =	simm.s32 $0x1B8B  }
0xa2: {  	_ =	swait.ge [sflag:s23], $0x1  }
0xa3: {  	[sflag:s23] =	ssyncset.done $0x0  }
0xa4: {  	s25 =	simm.s32 $0x1B8E;
	s24 =	sld [smem:$0x3FFE];
	[sflag:s23] =	ssyncadd.s32 $0xFFFFFFFF  }
0xa5: {  	s26 =	simm.s32 $execute0_lowered;
	[smem:$0x3FD2] =	sst s25  }
0xa6: {  	s4 =	sshll.u32 s26, $0x1;
	_ =	strace $0x80000052;
	[dreg:$0x1] =	wrdreg $0xFFFFFFFF  }
0xa7: {  	s28 =	simm.s32 $_size_execute0_lowered;
	s2 =	sadd.s32 s2, s4;
	[dreg:$0x0] =	wrdreg $0x0  }
0xa8: {  	s4 =	sshll.u32 s28, $0x1;
	[dreg:$0x2] =	wrdreg s2  }
0xa9: {  	[dreg:$0x3] =	wrdreg s4  }
0xaa: {  	[dreg:$0x4] =	wrdreg $0xC0  }
0xab: {  	_ =	task [dreg:s6], $0x5FFFF  }
0xac: {  	[dreg:$0x1] =	wrdreg $0xFFFFFFFF  }
0xad: {  	[dreg:$0x0] =	wrdreg $0x60  }
0xae: {  	[dreg:$0x2] =	wrdreg s24  }
0xaf: {  	[dreg:$0x3] =	wrdreg $0x81000  }
0xb0: {  	[dreg:$0x4] =	wrdreg $0x9  }
0xb1: {  	_ =	task.clear_ibuf [dreg:s6], $0x5FFFF;
	_ =	strace $0x90000052  }
0xb2: {  	s29 =	simm.s32 $0x9;
	_ =	strace $0x80000054  }
0xb3: {  	_ =	swait.ge [sflag:s29], $0x1  }
0xb4: {  	[sflag:s29] =	ssyncadd.s32 $0xFFFFFFFF  }
0xb5: {  	_ =	strace $0x90000054  }
0xb6: {  	_ =	sfence  }
0xb7: {  	s30 =	sld [smem:$0x0];
	_ =	sdelay $0x2  }
0xb8: {  	s31 =	sshll.u32 s1, $0xD;
	s1 =	sshrl.u32 s1, $0x2  }
0xb9: {  	s3 =	sand.u32 $0x4000, s31;
	s1 =	sadd.s32 s1, s30  }
0xba: {  	s0 =	sor.u32 s3, s0;
	s1 =	sshll.u32 s1, $0x11  }
0xbb: {  	s0 =	sor.u32 s1, s0  }
0xbc: {  	s0 =	sadd.s32 $0x8F2B, s0  }
0xbd: {  	[sflag:s0] =	ssyncadd.remote.s32 $0x1  }
0xbe: {  	_ =	sfence.sel $0xFFFF  }
0xbf: {  	[dreg:$0x0] =	wrdreg $0xFFFFFFFF;
	(pc) =	sbr.abs _section_cstart, $3  }
0xc0: {  	[dreg:$0x1] =	wrdreg $0xFFFFFFFF  }
0xc1: {  	_ =	task.clear_ibuf [dreg:s6], $0x2FFFF;
	_ =	strace $0x9FFFFFFF  }
0xc2: {  	(tm) =	ssettm $0x7FFFFFFF  }
0xc3: {  	_ =	shalt  }
tec
execute0_lowered:
.L_overlay_start_1:
0x0: {  	(tag) =	ssettag $0x1  }
0x1: {  	s8 =	rddreg [dreg:$0x0]  }
0x2: {  	s2 =	rddreg [dreg:$0x1]  }
0x3: {  	s0 =	rddreg [dreg:$0x2];
	s3 =	simm.s32 $0x0  }
0x4: {  	s4 =	srdreg.scid;
	s1 =	stileid.u32;
	s16 =	simm.s32 $0x4100  }
0x5: {  	s17 =	simm.s32 $0x2;
	s18 =	simm.s32 $0x80;
	s19 =	simm.s32 $0x100  }
0x6: {  	s20 =	simm.s32 $0x1;
	[smem:$0x7FF] =	sst s3;
	s9 =	sand.u32 $0x1, s4  }
0x7: {  	s7 =	smul.u32 $0x2800, s1;
	s4 =	sadd.s32 $0xAAEC00, s8;
	s5 =	sadd.s32 $0xAE00, s8  }
0x8: {  	s6 =	sadd.s32 $0x14C00, s8;
	s11 =	smul.u32 $0x50000, s1;
	s21 =	sshll.u32 s1, $0x6  }
0x9: {  	_ =	strace $0x80000053;
	s10 =	smul.u32 $0x28000, s9;
	s30 =	ssub.s32 $0x2, s9  }
0xa: {  	s9 =	sshll.u32 s9, $0x4;
	s21 =	sor.u32 $0x1C02, s21;
	s31 =	sshrl.u32 s30, $0x1  }
0xb: {  	s11 =	sshrl.u32 s11, $0x2;
	s13 =	sor.u32 s1, s9;
	s10 =	sadd.s32 s7, s10  }
0xc: {  	s7 =	sadd.s32 $0x2CC00, s8;
	s15 =	ssub.s32 s30, s31;
	s13 =	smul.u32 $0x2780, s13  }
0xd: {  	s14 =	sadd.s32 s10, s8;
	s8 =	sadd.s32 s11, s2;
	s15 =	smax.u32 s15, $0x1  }
0xe: {  	s9 =	sadd.s32 $0x4000, s8;
	s10 =	sadd.s32 $0x8000, s8;
	s11 =	sadd.s32 $0xC000, s8  }
0xf: {  	v0 =	vimm.f32 $0.0e+00;
	s12 =	sadd.s32 $0x10000, s8;
	s14 =	sadd.s32 $0x7B000, s14;
	s22 =	sshrl.u32 s8, $0x3  }
.LBB2_1:
0x10: {  	s23 =	simm.s32 $0x0;
	s24 =	simm.s32 $0x200  }
.LBB2_2:
0x11: {  	p0 =	sne.s32 s24, $0xFE00;
	[tilespmem:s23+$0x4170] =	vst v0  }
0x12: {  	[tilespmem:s23+$0x4100] =	vst v0  }
0x13: {  	[tilespmem:s23+$0x4110] =	vst v0  }
.Ltmp0:
0x14: {  	[tilespmem:s23+$0x4120] =	vst v0;
	(pc) =	sbr.rel @p0 .LBB2_2-.Ltmp0, $4  }
0x15: {  	[tilespmem:s23+$0x4130] =	vst v0  }
0x16: {  	[tilespmem:s23+$0x4140] =	vst v0  }
0x17: {  	[tilespmem:s23+$0x4150] =	vst v0  }
0x18: {  	[tilespmem:s23+$0x4160] =	vst v0;
	s23 =	sshra.s32 s24, $0x2;
	s24 =	sadd.s32 $0x200, s24  }
0x19: {  	[tilespmem:s23+$0x4170] =	vst v0  }
0x1a: {  	[tilespmem:s23+$0x4100] =	vst v0  }
0x1b: {  	[tilespmem:s23+$0x4110] =	vst v0  }
0x1c: {  	[tilespmem:s23+$0x4120] =	vst v0  }
0x1d: {  	[tilespmem:s23+$0x4130] =	vst v0  }
0x1e: {  	[tilespmem:s23+$0x4140] =	vst v0  }
0x1f: {  	[tilespmem:s23+$0x4150] =	vst v0  }
0x20: {  	[tilespmem:s23+$0x4160] =	vst v0  }
0x21: {  	[spmem:s8] =	stream.linear.scatter [tilespmem:s16], [sflag:$0x2], $0x4000, $0x38;
	[tilespmem:$0x1C100] =	vst v63  }
0x22: {  	_ =	swait.ge [sflag:s17], $0x4000  }
0x23: {  	[sflag:s17] =	ssyncset.done $0x0  }
0x24: {  	[sflag:s17] =	ssyncadd.s32 $0xFFFFC000  }
0x25: {  	[spmem:s9] =	stream.linear.scatter [tilespmem:s16], [sflag:$0x2], $0x4000, $0x38;
	[tilespmem:$0x1C100] =	vst v63  }
0x26: {  	_ =	swait.ge [sflag:s17], $0x4000  }
0x27: {  	[sflag:s17] =	ssyncset.done $0x0  }
0x28: {  	[sflag:s17] =	ssyncadd.s32 $0xFFFFC000  }
0x29: {  	[spmem:s10] =	stream.linear.scatter [tilespmem:s16], [sflag:$0x2], $0x4000, $0x38;
	[tilespmem:$0x1C100] =	vst v63  }
0x2a: {  	_ =	swait.ge [sflag:s17], $0x4000  }
0x2b: {  	[sflag:s17] =	ssyncset.done $0x0  }
0x2c: {  	[sflag:s17] =	ssyncadd.s32 $0xFFFFC000  }
0x2d: {  	[spmem:s11] =	stream.linear.scatter [tilespmem:s16], [sflag:$0x2], $0x4000, $0x38;
	[tilespmem:$0x1C100] =	vst v63  }
0x2e: {  	_ =	swait.ge [sflag:s17], $0x4000  }
0x2f: {  	[sflag:s17] =	ssyncset.done $0x0  }
0x30: {  	[sflag:s17] =	ssyncadd.s32 $0xFFFFC000  }
0x31: {  	[spmem:s12] =	stream.linear.scatter [tilespmem:s16], [sflag:$0x2], $0x4000, $0x38;
	[tilespmem:$0x1C100] =	vst v63  }
0x32: {  	_ =	swait.ge [sflag:s17], $0x4000  }
0x33: {  	[sflag:s17] =	ssyncset.done $0x0  }
0x34: {  	[sflag:s17] =	ssyncadd.s32 $0xFFFFC000  }
0x35: {  	s23 =	simm.s32 $0x0;
	s24 =	simm.s32 $0x0;
	[bflag:$0x0] =	sbarrier.arrive $0xFFFF  }
.LBB2_4:
0x36: {  	s25 =	sshll.u32 s24, $0x7  }
0x37: {  	s25 =	sadd.s32 s13, s25  }
0x38: {  	s26 =	sshrl.u32 s25, $0x3  }
0x39: {  	s28 =	sadd.s32 s5, s26  }
0x3a: {  	[tilespmem:s23], [sflag:$0x2] =	stream.linear.gather [hbm4b:s28+s23], $0x80, $0x38;
	[tilespmem:$0x1C100] =	vst v63  }
0x3b: {  	_ =	swait.ge [sflag:s17], $0x80  }
0x3c: {  	[sflag:s17] =	ssyncset.done $0x0  }
0x3d: {  	s26 =	sadd.s32 s6, s26;
	[sflag:s17] =	ssyncadd.s32 $0xFFFFFF80  }
0x3e: {  	[tilespmem:s18], [sflag:$0x2] =	stream.linear.gather [hbm4b:s26+s23], $0x80, $0x38;
	[tilespmem:$0x1C100] =	vst v63  }
0x3f: {  	_ =	swait.ge [sflag:s17], $0x80  }
0x40: {  	[sflag:s17] =	ssyncset.done $0x0  }
0x41: {  	[sflag:s17] =	ssyncadd.s32 $0xFFFFFF80  }
0x42: {  	[tilespmem:s19], [sflag:$0x1] =	stream.indirect.gather [hbm4b:s7+s18], $0x80, s23, s18, $0xb8;
	[tilespmem:$0x1C100] =	vst v63  }
0x43: {  	_ =	swait.ge [sflag:s20], $0x4000  }
0x44: {  	s25 =	sshll.u32 s25, $0x4;
	[sflag:s20] =	ssyncset.done $0x0  }
0x45: {  	s25 =	sadd.s32 s4, s25;
	[sflag:s20] =	ssyncadd.s32 $0xFFFFC000  }
0x46: {  	[tilespmem:s16], [sflag:$0x2] =	stream.linear.gather [hbm4b:s25+s23], $0x4000, $0x38;
	[tilespmem:$0x1C100] =	vst v63  }
0x47: {  	_ =	swait.ge [sflag:s17], $0x4000  }
0x48: {  	[sflag:s17] =	ssyncset.done $0x0  }
0x49: {  	s25 =	simm.s32 $0x0;
	[sflag:s17] =	ssyncadd.s32 $0xFFFFC000  }
0x4a: {  	v8 =	vld [tilespmem:s25+$0x100]  }
0x4b: {  	v12 =	vld [tilespmem:s25+$0x110]  }
0x4c: {  	v6 =	vld [tilespmem:s25+$0x120]  }
0x4d: {  	v5 =	vld [tilespmem:s25+$0x130]  }
0x4e: {  	v4 =	vld [tilespmem:s25+$0x140]  }
0x4f: {  	v3 =	vld [tilespmem:s25+$0x150]  }
0x50: {  	v2 =	vld [tilespmem:s25+$0x160]  }
0x51: {  	v1 =	vld [tilespmem:s25+$0x170]  }
0x52: {  	v13 =	vld [tilespmem:s25+$0x4100]  }
0x53: {  	v14 =	vld [tilespmem:s25+$0x4110]  }
0x54: {  	v11 =	vld [tilespmem:s25+$0x4120]  }
0x55: {  	v10 =	vld [tilespmem:s25+$0x4130]  }
0x56: {  	v9 =	vld [tilespmem:s25+$0x4140]  }
0x57: {  	v7 =	vld [tilespmem:s25+$0x4150];
	v13 =	vmul.f32 v8, v13  }
0x58: {  	s26 =	simm.s32 $0x200;
	v12 =	vmul.f32 v12, v14;
	v8 =	vld [tilespmem:s25+$0x4160]  }
.LBB2_5:
0x59: {  	s28 =	sshra.s32 s26, $0x2;
	p0 =	sne.s32 s26, $0xFE00;
	[tilespmem:s25+$0x4100] =	vst v13;
	v6 =	vmul.f32 v6, v11;
	v11 =	vld [tilespmem:s25+$0x4170]  }
0x5a: {  	v13 =	vld [tilespmem:s28+$0x100];
	[tilespmem:s25+$0x4110] =	vst v12;
	v5 =	vmul.f32 v5, v10  }
0x5b: {  	v12 =	vld [tilespmem:s28+$0x110];
	[tilespmem:s25+$0x4120] =	vst v6;
	v4 =	vmul.f32 v4, v9  }
0x5c: {  	v6 =	vld [tilespmem:s28+$0x120];
	[tilespmem:s25+$0x4130] =	vst v5;
	v3 =	vmul.f32 v3, v7  }
0x5d: {  	v5 =	vld [tilespmem:s28+$0x130];
	[tilespmem:s25+$0x4140] =	vst v4;
	v2 =	vmul.f32 v2, v8  }
0x5e: {  	v4 =	vld [tilespmem:s28+$0x140];
	[tilespmem:s25+$0x4150] =	vst v3;
	v1 =	vmul.f32 v1, v11  }
0x5f: {  	v3 =	vld [tilespmem:s28+$0x150];
	[tilespmem:s25+$0x4160] =	vst v2  }
0x60: {  	v2 =	vld [tilespmem:s28+$0x160];
	[tilespmem:s25+$0x4170] =	vst v1;
	s25 =	smov.u32 s28  }
0x61: {  	v1 =	vld [tilespmem:s25+$0x170]  }
0x62: {  	v7 =	vld [tilespmem:s25+$0x4100]  }
0x63: {  	v8 =	vld [tilespmem:s25+$0x4110]  }
.Ltmp1:
0x64: {  	v11 =	vld [tilespmem:s25+$0x4120];
	(pc) =	sbr.rel @p0 .LBB2_5-.Ltmp1, $4  }
0x65: {  	v10 =	vld [tilespmem:s25+$0x4130]  }
0x66: {  	v9 =	vld [tilespmem:s25+$0x4140]  }
0x67: {  	v13 =	vmul.f32 v13, v7;
	v7 =	vld [tilespmem:s25+$0x4150]  }
0x68: {  	s26 =	sadd.s32 $0x200, s26;
	v12 =	vmul.f32 v12, v8;
	v8 =	vld [tilespmem:s25+$0x4160]  }
0x69: {  	[tilespmem:s25+$0x4100] =	vst v13;
	v6 =	vmul.f32 v6, v11;
	v63 =	vld [tilespmem:s25+$0x4170]  }
0x6a: {  	[tilespmem:s25+$0x4110] =	vst v12;
	v5 =	vmul.f32 v5, v10  }
0x6b: {  	[tilespmem:s25+$0x4120] =	vst v6;
	v4 =	vmul.f32 v4, v9  }
0x6c: {  	[tilespmem:s25+$0x4130] =	vst v5;
	v3 =	vmul.f32 v3, v7  }
0x6d: {  	[tilespmem:s25+$0x4140] =	vst v4;
	v2 =	vmul.f32 v2, v8  }
0x6e: {  	s24 =	sadd.s32 $0x1, s24;
	[tilespmem:s25+$0x4150] =	vst v3;
	v1 =	vmul.f32 v1, v63  }
0x6f: {  	p0 =	sne.s32 s24, $0x4F;
	[tilespmem:s25+$0x4160] =	vst v2  }
.Ltmp2:
0x70: {  	[tilespmem:s25+$0x4170] =	vst v1;
	(pc) =	sbr.rel @p0 .LBB2_4-.Ltmp2, $4  }
0x71: {  	[spmem:s2] =	stream.indirect.scatter.add.f32 [tilespmem:s16], [sflag:$0x2], $0x80, s18, s18, $0xb8;
	[tilespmem:$0x1C100] =	vst v63  }
0x72: {  	_ =	swait.ge [sflag:s17], $0x4000  }
0x73: {  	[sflag:s17] =	ssyncset.done $0x0  }
0x74: {  	[sflag:s17] =	ssyncadd.s32 $0xFFFFC000  }
0x75: {  	s3 =	sadd.s32 $0x1, s3  }
0x76: {  	p0 =	sne.s32 s3, s15  }
.Ltmp3:
0x77: {  	[bflag:$0x0] =	sbarrier.arrive $0xFFFF;
	(pc) =	sbr.rel @p0 .LBB2_1-.Ltmp3, $4  }
0x78: {  	[hbm:s14], [sflag:s21] =	dma.local [spmem:s22], $0x2800  }
0x79: {  	_ =	swait.ge [sflag:s17], $0x2800  }
0x7a: {  	[sflag:s17] =	ssyncset.done $0x0  }
0x7b: {  	[sflag:s17] =	ssyncadd.s32 $0xFFFFD800  }
0x7c: {  	_ =	sfence.sel $0x180000  }
0x7d: {  	[bflag:$0x0] =	sbarrier.arrive $0xFFFF  }
0x7e: {  	p0 =	sne.s32 s1, $0x0;
	_ =	strace $0x90000053  }
0x7f: {  	s0 =	sadd.s32 @!p0 $0x100000, s0;
	[bflag:$0x2] =	sbarrier.arrive $0xFFFF  }
0x80: {  	[sflag:s0] =	ssyncadd.tile.s32 @!p0 $0x1;
	_ =	shalt  }
.Lfunc_end2:
_tile_overlayer_lowered:
.L_overlay_start_2:
0x81: {  	(tag) =	ssettag $0x2  }
0x82: {  	s0 =	rddreg [dreg:$0x0];
	s2 =	stileid.u32  }
0x83: {  	s1 =	rddreg [dreg:$0x1];
	p0 =	sne.s32 s2, $0x0  }
0x84: {  	s3 =	rddreg [dreg:$0x2];
	[bflag:$0x3] =	sbarrier.arrive $0xFFFF;
	s2 =	simm.s32 @!p0 $0x1C02  }
0x85: {  	[timem:s3], [sflag:s2] =	dma.local @!p0 [hbm:s0], s1  }
0x86: {  	s0 =	simm.s32 @!p0 $0x2  }
0x87: {  	_ =	swait.ge @!p0 [sflag:s0], s1  }
0x88: {  	s1 =	ssub.s32 @!p0 $0x0, s1;
	[sflag:s0] =	ssyncset.done @!p0 $0x0  }
0x89: {  	[sflag:s0] =	ssyncadd.s32 @!p0 s1  }
0x8a: {  	[bflag:$0x3] =	sbarrier.arrive $0xFFFF  }
0x8b: {  	_ =	shalt  }

</sc_bundles>
